<compile_context>
chip_gen: v7x
topology: tpu7x:2x2x1
jax: 0.10.2.dev20260603
libtpu: 0.0.44.dev20260713+nightly
codegen_flags: <defaults>
</compile_context>

<pallas_src>
import functools

import jax
import jax.numpy as jnp
from jax import lax
from jax.experimental import pallas as pl
from jax.experimental.pallas import tpu as pltpu
from jax.experimental.pallas import tpu_sc as plsc

N = 10000
E = 320000
D_IN = 165
D_HID = 128
D_OUT = 2
NC, NS = 2, 16
NW = NC * NS
NPAD = 10240
K = 64
CHUNKS = 159
EPT = CHUNKS * K
EPW = E // NW
VECS = EPT // 16
RPT = NPAD // NS
A2F = NPAD * D_OUT


def _sc_mesh():
    return plsc.VectorSubcoreMesh(core_axis_name="c", subcore_axis_name="s")


def _sc_degree(ei):

    @functools.partial(
        pl.kernel,
        out_type=(
            jax.ShapeDtypeStruct((NC, NPAD), jnp.float32),
            jax.ShapeDtypeStruct((NW * EPT,), jnp.int32),
            jax.ShapeDtypeStruct((NW * EPT,), jnp.int32),
        ),
        mesh=_sc_mesh(),
        scratch_types=[
            pltpu.VMEM((EPT,), jnp.int32),
            pltpu.VMEM((EPT,), jnp.int32),
            pltpu.VMEM((NPAD,), jnp.float32),
            pltpu.VMEM((NS * RPT,), jnp.float32),
            pltpu.VMEM((RPT,), jnp.float32),
            pltpu.VMEM_SHARED((NS, NPAD), jnp.float32),
        ],
        compiler_params=pltpu.CompilerParams(
            needs_layout_passes=False, use_tc_tiling_on_sc=False),
    )
    def run(ei_h, deg_h, srcb_h, dstb_h,
            src_v, dst_v, acc_v, red_v, res_v, acc_sh):
        c = lax.axis_index("c")
        s = lax.axis_index("s")
        w = c * NS + s
        pltpu.sync_copy(ei_h.at[0, pl.ds(w * EPW, EPW)], src_v.at[pl.ds(0, EPW)])
        pltpu.sync_copy(ei_h.at[1, pl.ds(w * EPW, EPW)], dst_v.at[pl.ds(0, EPW)])
        pad16 = jnp.full((16,), NPAD - 1, jnp.int32)
        for i in range((EPT - EPW) // 16):
            src_v[pl.ds(EPW + 16 * i, 16)] = pad16
            dst_v[pl.ds(EPW + 16 * i, 16)] = pad16

        zeros16 = jnp.zeros((16,), jnp.float32)

        def zero(j, carry):
            acc_v[pl.ds(j * 16, 16)] = zeros16
            return carry

        lax.fori_loop(0, NPAD // 16, zero, 0)

        ones16 = jnp.ones((16,), jnp.float32)

        def body(j, carry):
            dv = dst_v[pl.ds(j * 16, 16)]
            plsc.addupdate_scatter(acc_v, [dv], ones16)
            return carry

        lax.fori_loop(0, VECS, body, 0)

        pltpu.sync_copy(acc_v, acc_sh.at[s])
        plsc.subcore_barrier()
        col0 = pl.multiple_of(s * RPT, 8)
        for r in range(NS):
            pltpu.sync_copy(acc_sh.at[r, pl.ds(col0, RPT)],
                            red_v.at[pl.ds(r * RPT, RPT)])

        def red(k, carry):
            v = red_v[pl.ds(k * 16, 16)]
            for r in range(1, NS):
                v = v + red_v[pl.ds(r * RPT + k * 16, 16)]
            res_v[pl.ds(k * 16, 16)] = v
            return carry

        lax.fori_loop(0, RPT // 16, red, 0)
        pltpu.sync_copy(res_v, deg_h.at[c, pl.ds(col0, RPT)])
        pltpu.sync_copy(src_v, srcb_h.at[pl.ds(w * EPT, EPT)])
        pltpu.sync_copy(dst_v, dstb_h.at[pl.ds(w * EPT, EPT)])

    return run(ei)


def _sc_aggregate(table, srcb, dstb, zeros_blk):

    @functools.partial(
        pl.kernel,
        out_type=(
            jax.ShapeDtypeStruct((NPAD, D_HID), jnp.float32),
            jax.ShapeDtypeStruct((NPAD, D_HID), jnp.float32),
        ),
        mesh=_sc_mesh(),
        scratch_types=[
            pltpu.VMEM((CHUNKS, K), jnp.int32),
            pltpu.VMEM((CHUNKS, K), jnp.int32),
            pltpu.VMEM((K, D_HID), jnp.float32),
            pltpu.VMEM((K, D_HID), jnp.float32),
            pltpu.VMEM((K, D_HID), jnp.float32),
            pltpu.VMEM_SHARED((NPAD, D_HID), jnp.float32),
            pltpu.SemaphoreType.DMA,
            pltpu.SemaphoreType.DMA,
            pltpu.SemaphoreType.DMA,
            pltpu.SemaphoreType.DMA,
            pltpu.SemaphoreType.DMA,
            pltpu.SemaphoreType.DMA,
        ],
        compiler_params=pltpu.CompilerParams(use_tc_tiling_on_sc=False),
    )
    def run(table_h, srcb_h, dstb_h, zeros_h, out0_h, out1_h,
            src_v, dst_v, bufa, bufb, bufc, acc,
            sga, sgb, sgc, ssa, ssb, ssc):
        c = lax.axis_index("c")
        s = lax.axis_index("s")
        w = c * NS + s
        pltpu.sync_copy(srcb_h.at[w], src_v)
        pltpu.sync_copy(dstb_h.at[w], dst_v)

        pltpu.sync_copy(zeros_h, bufa)
        row0 = pl.multiple_of(s * RPT, 8)
        for i in range((RPT + K - 1) // K):
            r = min(K, RPT - i * K)
            pltpu.sync_copy(bufa.at[pl.ds(0, r)], acc.at[pl.ds(row0 + i * K, r)])
        plsc.subcore_barrier()

        def gather(j, buf, sem):
            pltpu.async_copy(table_h.at[src_v.at[j]], buf, sem)

        def gather_wait(j, buf, sem):
            pltpu.make_async_copy(table_h.at[src_v.at[j]], buf, sem).wait()

        def scatter(j, buf, sem):
            pltpu.async_copy(buf, acc.at[dst_v.at[j]], sem, add=True)

        def scatter_wait(j, buf, sem):
            pltpu.make_async_copy(buf, acc.at[dst_v.at[j]], sem).wait()

        bufs = (bufa, bufb, bufc)
        gsems = (sga, sgb, sgc)
        ssems = (ssa, ssb, ssc)
        gather(0, bufa, sga)
        gather(1, bufb, sgb)

        def body(i, carry):
            for t in range(3):
                j = 3 * i + t
                u = (t + 2) % 3

                @pl.when(j < CHUNKS)
                def _(j=j, t=t, u=u):
                    gather_wait(j, bufs[t], gsems[t])
                    scatter(j, bufs[t], ssems[t])

                    @pl.when(j + 2 < CHUNKS)
                    def _():
                        @pl.when(j >= 1)
                        def _():
                            scatter_wait(j - 1, bufs[u], ssems[u])

                        gather(j + 2, bufs[u], gsems[u])

            return carry

        lax.fori_loop(0, (CHUNKS + 2) // 3, body, 0)
        for t in range(3):
            last = CHUNKS - 1 - (CHUNKS - 1 - t) % 3
            scatter_wait(last, bufs[t], ssems[t])
        plsc.subcore_barrier()

        @pl.when(c == 0)
        def _():
            pltpu.sync_copy(acc.at[pl.ds(row0, RPT)], out0_h.at[pl.ds(row0, RPT)])

        @pl.when(c != 0)
        def _():
            pltpu.sync_copy(acc.at[pl.ds(row0, RPT)], out1_h.at[pl.ds(row0, RPT)])

    return run(table, srcb, dstb, zeros_blk)


def _sc_aggregate2(g2f, srcf, dstf, zeros_flat):
    RPT2 = A2F // NS

    @functools.partial(
        pl.kernel,
        out_type=jax.ShapeDtypeStruct((NC, A2F), jnp.float32),
        mesh=_sc_mesh(),
        scratch_types=[
            pltpu.VMEM((EPT,), jnp.int32),
            pltpu.VMEM((EPT,), jnp.int32),
            pltpu.VMEM((A2F,), jnp.float32),
            pltpu.VMEM((A2F,), jnp.float32),
            pltpu.VMEM((NS * RPT2,), jnp.float32),
            pltpu.VMEM((RPT2,), jnp.float32),
            pltpu.VMEM_SHARED((NS, A2F), jnp.float32),
        ],
        compiler_params=pltpu.CompilerParams(needs_layout_passes=False),
    )
    def run(g2f_h, srcf_h, dstf_h, zeros_h, out_h,
            src_v, dst_v, tab_v, acc_v, red_v, res_v, acc_sh):
        c = lax.axis_index("c")
        s = lax.axis_index("s")
        w = c * NS + s
        pltpu.sync_copy(srcf_h.at[w], src_v)
        pltpu.sync_copy(dstf_h.at[w], dst_v)
        pltpu.sync_copy(g2f_h, tab_v)

        @pl.when(w == 0)
        def _():
            pltpu.sync_copy(g2f_h, acc_v)

        @pl.when(w != 0)
        def _():
            pltpu.sync_copy(zeros_h, acc_v)

        def body(j, carry):
            sv = src_v[pl.ds(j * 16, 16)]
            dv = dst_v[pl.ds(j * 16, 16)]
            f0s = sv * 2
            f0d = dv * 2
            v0 = plsc.load_gather(tab_v, [f0s])
            v1 = plsc.load_gather(tab_v, [f0s + 1])
            plsc.addupdate_scatter(acc_v, [f0d], v0)
            plsc.addupdate_scatter(acc_v, [f0d + 1], v1)
            return carry

        lax.fori_loop(0, VECS, body, 0)

        pltpu.sync_copy(acc_v, acc_sh.at[s])
        plsc.subcore_barrier()
        col0 = pl.multiple_of(s * RPT2, 8)
        for r in range(NS):
            pltpu.sync_copy(acc_sh.at[r, pl.ds(col0, RPT2)],
                            red_v.at[pl.ds(r * RPT2, RPT2)])

        def red(k, carry):
            v = red_v[pl.ds(k * 16, 16)]
            for r in range(1, NS):
                v = v + red_v[pl.ds(r * RPT2 + k * 16, 16)]
            res_v[pl.ds(k * 16, 16)] = v
            return carry

        lax.fori_loop(0, RPT2 // 16, red, 0)
        pltpu.sync_copy(res_v, out_h.at[c, pl.ds(col0, RPT2)])

    return run(g2f, srcf, dstf, zeros_flat)


_BM = 1024


def _tc_matmul1(xTp, W1):

    def body(xt_ref, w_ref, o_ref):
        o_ref[...] = lax.dot_general(
            xt_ref[...], w_ref[...],
            dimension_numbers=(((0,), (0,)), ((), ())),
            preferred_element_type=jnp.float32)

    return pl.pallas_call(
        body,
        grid=(NPAD // _BM,),
        in_specs=[
            pl.BlockSpec((D_IN, _BM), lambda i: (0, i)),
            pl.BlockSpec((D_IN, D_HID), lambda i: (0, 0)),
        ],
        out_specs=pl.BlockSpec((_BM, D_HID), lambda i: (i, 0)),
        out_shape=jax.ShapeDtypeStruct((NPAD, D_HID), jnp.float32),
        compiler_params=pltpu.CompilerParams(fuse_transposed_lhs_in_matmul=True),
    )(xTp, W1)


def _tc_scale(h1, degT):

    def body(h_ref, d_ref, g_ref, dv_ref):
        dinv = lax.rsqrt(jnp.sum(d_ref[...], axis=1, keepdims=True) + 1.0)
        g_ref[...] = h_ref[...] * dinv
        dv_ref[...] = dinv

    return pl.pallas_call(
        body,
        grid=(NPAD // _BM,),
        in_specs=[
            pl.BlockSpec((_BM, D_HID), lambda i: (i, 0)),
            pl.BlockSpec((_BM, NC), lambda i: (i, 0)),
        ],
        out_specs=[
            pl.BlockSpec((_BM, D_HID), lambda i: (i, 0)),
            pl.BlockSpec((_BM, 1), lambda i: (i, 0)),
        ],
        out_shape=[
            jax.ShapeDtypeStruct((NPAD, D_HID), jnp.float32),
            jax.ShapeDtypeStruct((NPAD, 1), jnp.float32),
        ],
    )(h1, degT)


def _tc_layer2(acc0, acc1, g1, dinv, b1r, W2):

    def body(a0_ref, a1_ref, g1_ref, dv_ref, b1_ref, w2_ref, o_ref):
        i = pl.program_id(0)
        dinv = dv_ref[...]
        h1 = jnp.maximum(
            dinv * (a0_ref[...] + a1_ref[...] + g1_ref[...]) + b1_ref[...], 0.0)
        g2 = jnp.dot(h1, w2_ref[...], preferred_element_type=jnp.float32) * dinv
        rows = i * _BM + lax.broadcasted_iota(jnp.int32, (_BM, 1), 0)
        o_ref[...] = jnp.where(rows < N, g2, 0.0)

    return pl.pallas_call(
        body,
        grid=(NPAD // _BM,),
        in_specs=[
            pl.BlockSpec((_BM, D_HID), lambda i: (i, 0)),
            pl.BlockSpec((_BM, D_HID), lambda i: (i, 0)),
            pl.BlockSpec((_BM, D_HID), lambda i: (i, 0)),
            pl.BlockSpec((_BM, 1), lambda i: (i, 0)),
            pl.BlockSpec((1, D_HID), lambda i: (0, 0)),
            pl.BlockSpec((D_HID, D_OUT), lambda i: (0, 0)),
        ],
        out_specs=pl.BlockSpec((_BM, D_OUT), lambda i: (i, 0)),
        out_shape=jax.ShapeDtypeStruct((NPAD, D_OUT), jnp.float32),
    )(acc0, acc1, g1, dinv, b1r, W2)


def _tc_head(a20, a21, dinv, b2r, Wc, bcr):

    def body(a0_ref, a1_ref, dv_ref, b2_ref, wc_ref, bc_ref, o_ref):
        emb = jnp.maximum(
            dv_ref[...] * (a0_ref[...] + a1_ref[...]) + b2_ref[...], 0.0)
        z = jnp.dot(emb, wc_ref[...], preferred_element_type=jnp.float32) + bc_ref[...]
        o_ref[...] = jax.nn.sigmoid(z)

    return pl.pallas_call(
        body,
        grid=(NPAD // _BM,),
        in_specs=[
            pl.BlockSpec((_BM, D_OUT), lambda i: (i, 0)),
            pl.BlockSpec((_BM, D_OUT), lambda i: (i, 0)),
            pl.BlockSpec((_BM, 1), lambda i: (i, 0)),
            pl.BlockSpec((1, D_OUT), lambda i: (0, 0)),
            pl.BlockSpec((D_OUT, 1), lambda i: (0, 0)),
            pl.BlockSpec((1, 1), lambda i: (0, 0)),
        ],
        out_specs=pl.BlockSpec((_BM, 1), lambda i: (i, 0)),
        out_shape=jax.ShapeDtypeStruct((NPAD, 1), jnp.float32),
    )(a20, a21, dinv, b2r, Wc, bcr)


def kernel(x, edge_index, W1, b1, W2, b2, Wc, bc):
    f32 = jnp.float32
    xTp = jnp.pad(x.T, ((0, 0), (0, NPAD - N)))

    degp, srcb_flat, dstb_flat = _sc_degree(edge_index.astype(jnp.int32))
    srcb = srcb_flat.reshape(NW, CHUNKS, K)
    dstb = dstb_flat.reshape(NW, CHUNKS, K)
    srcf = srcb_flat.reshape(NW, EPT)
    dstf = dstb_flat.reshape(NW, EPT)

    h1 = _tc_matmul1(xTp, W1)
    g1, dinv = _tc_scale(h1, degp.T)
    a10, a11 = _sc_aggregate(g1, srcb, dstb, jnp.zeros((K, D_HID), f32))
    g2 = _tc_layer2(a10, a11, g1, dinv, b1.reshape(1, D_HID), W2)
    acc2 = _sc_aggregate2(g2.reshape(A2F), srcf, dstf, jnp.zeros((A2F,), f32))
    out = _tc_head(acc2[0].reshape(NPAD, D_OUT), acc2[1].reshape(NPAD, D_OUT),
                   dinv, b2.reshape(1, D_OUT), Wc, bc.reshape(1, 1))
    return out[:N]

# --- scband reference (transcript-rebuilt; emitter-appended) ---
"""Pipeline reference for scband-auggcn-63539746177183 (READ-ONLY COPY).

The authoritative reference and input builder live on the scoring server;
editing this copy changes nothing except your own understanding.
"""

import jax, jax.numpy as jnp
import numpy as np

N_NODES = 10000
N_EDGES = 320000
D_IN, D_HID, D_OUT = 165, 128, 2


def setup_inputs(seed: int = 0) -> dict:
    key = jax.random.key(seed)
    ks = jax.random.split(key, 8)
    x = jax.random.normal(ks[0], (N_NODES, D_IN), dtype=jnp.float32)
    edge_index = jax.random.randint(ks[1], (2, N_EDGES), 0, N_NODES, dtype=jnp.int64)
    W1 = jax.random.normal(ks[2], (D_IN, D_HID), dtype=jnp.float32) * (1.0 / np.sqrt(D_IN))
    b1 = jnp.zeros((D_HID,), dtype=jnp.float32)
    W2 = jax.random.normal(ks[3], (D_HID, D_OUT), dtype=jnp.float32) * (1.0 / np.sqrt(D_HID))
    b2 = jnp.zeros((D_OUT,), dtype=jnp.float32)
    Wc = jax.random.normal(ks[4], (D_OUT, 1), dtype=jnp.float32) * (1.0 / np.sqrt(D_OUT))
    bc = jnp.zeros((1,), dtype=jnp.float32)
    return {"x": x, "edge_index": edge_index, "W1": W1, "b1": b1, "W2": W2, "b2": b2, "Wc": Wc, "bc": bc}


def gcn_conv(x, src, dst, W, b, num_nodes):
    # x' = D^{-1/2} (A + I) D^{-1/2} (x W) + b   (standard GCNConv with self-loops)
    h = x @ W
    loop = jnp.arange(num_nodes, dtype=src.dtype)
    s = jnp.concatenate([src, loop])
    d = jnp.concatenate([dst, loop])
    deg = jnp.zeros((num_nodes,), dtype=h.dtype).at[d].add(1.0)
    dinv = jnp.where(deg > 0, jax.lax.rsqrt(deg), 0.0)
    norm = dinv[s] * dinv[d]
    msg = h[s] * norm[:, None]
    out = jnp.zeros((num_nodes, h.shape[1]), dtype=h.dtype).at[d].add(msg)
    return out + b


def reference(x, edge_index, W1, b1, W2, b2, Wc, bc):
    src, dst = edge_index[0], edge_index[1]
    n = x.shape[0]
    h = gcn_conv(x, src, dst, W1, b1, n)
    h = jax.nn.relu(h)
    # dropout is identity in eval mode
    h = gcn_conv(h, src, dst, W2, b2, n)
    emb = jax.nn.relu(h)
    out = emb @ Wc + bc
    return jax.nn.sigmoid(out)

if __name__ == "__main__":
    import jax
    _d = setup_inputs()
    print(jax.jit(kernel)(*tuple(_d.values())))

</pallas_src>

<mosaic_0001>
#map = affine_map<(d0, d1) -> (0)>
#map1 = affine_map<(d0, d1) -> (0, 0)>
module attributes {stable_mosaic.version = 14 : i64} {
  func.func @run(%arg0: i32, %arg1: i32, %arg2: memref<20480xf32, #tpu.memory_space<hbm>>, %arg3: memref<32x10176xi32, #tpu.memory_space<hbm>>, %arg4: memref<32x10176xi32, #tpu.memory_space<hbm>>, %arg5: memref<20480xf32, #tpu.memory_space<hbm>>, %arg6: memref<2x20480xf32, #tpu.memory_space<hbm>>, %arg7: memref<10176xi32, #tpu.memory_space<vmem>>, %arg8: memref<10176xi32, #tpu.memory_space<vmem>>, %arg9: memref<20480xf32, #tpu.memory_space<vmem>>, %arg10: memref<20480xf32, #tpu.memory_space<vmem>>, %arg11: memref<20480xf32, #tpu.memory_space<vmem>>, %arg12: memref<1280xf32, #tpu.memory_space<vmem>>, %arg13: memref<16x20480xf32, #tpu.memory_space<vmem_shared>>) attributes {dimension_semantics = [#tpu.dimension_semantics<core_parallel>, #tpu.dimension_semantics<subcore_parallel>], iteration_bounds = array<i64: 2, 16>, scalar_prefetch = 0 : i64, scratch_operands = 7 : i64, tpu.core_type = #tpu.core_type<sc_vector_subcore>, window_params = [{transform_indices = #map}, {transform_indices = #map1}, {transform_indices = #map1}, {transform_indices = #map}, {transform_indices = #map1}]} {
    %mul3A = arith.constant 16 : i32
    %mul3A_0 = arith.muli %arg0, %mul3A : i32
    %add3A = arith.addi %mul3A_0, %arg1 : i32
    "tpu.region"() ({
      %run_scoped3A_35 = tpu.sem_alloc : memref<!tpu.dma_semaphore, #tpu.memory_space<semaphore_mem>>
      %dma_start3A = arith.constant 0 : i32
      %dma_start3A_36 = tpu.memref_slice %arg3[%add3A, %dma_start3A] : memref<32x10176xi32, #tpu.memory_space<hbm>> -> memref<1x10176xi32, #tpu.memory_space<hbm>>
      %dma_start3A_37 = tpu.memref_squeeze %dma_start3A_36 : memref<1x10176xi32, #tpu.memory_space<hbm>> -> memref<10176xi32, #tpu.memory_space<hbm>>
      %dma_start3A_38 = arith.constant 0 : i32
      %dma_start3A_39 = tpu.memref_slice %arg3[%add3A, %dma_start3A_38] : memref<32x10176xi32, #tpu.memory_space<hbm>> -> memref<1x10176xi32, #tpu.memory_space<hbm>>
      %dma_start3A_40 = tpu.memref_squeeze %dma_start3A_39 : memref<1x10176xi32, #tpu.memory_space<hbm>> -> memref<10176xi32, #tpu.memory_space<hbm>>
      tpu.enqueue_dma source(%dma_start3A_40 : memref<10176xi32, #tpu.memory_space<hbm>>) target(%arg7 : memref<10176xi32, #tpu.memory_space<vmem>>) target_semaphore(%run_scoped3A_35 : memref<!tpu.dma_semaphore, #tpu.memory_space<semaphore_mem>>)
      %dma_wait3A = arith.constant 0 : i32
      %dma_wait3A_41 = tpu.memref_slice %arg3[%add3A, %dma_wait3A] : memref<32x10176xi32, #tpu.memory_space<hbm>> -> memref<1x10176xi32, #tpu.memory_space<hbm>>
      %dma_wait3A_42 = tpu.memref_squeeze %dma_wait3A_41 : memref<1x10176xi32, #tpu.memory_space<hbm>> -> memref<10176xi32, #tpu.memory_space<hbm>>
      %dma_wait3A_43 = arith.constant 0 : i32
      %dma_wait3A_44 = tpu.memref_slice %arg3[%add3A, %dma_wait3A_43] : memref<32x10176xi32, #tpu.memory_space<hbm>> -> memref<1x10176xi32, #tpu.memory_space<hbm>>
      %dma_wait3A_45 = tpu.memref_squeeze %dma_wait3A_44 : memref<1x10176xi32, #tpu.memory_space<hbm>> -> memref<10176xi32, #tpu.memory_space<hbm>>
      tpu.wait_dma2 semaphore(%run_scoped3A_35 : memref<!tpu.dma_semaphore, #tpu.memory_space<semaphore_mem>>) src(%dma_wait3A_45 : memref<10176xi32, #tpu.memory_space<hbm>>) dst(%arg7 : memref<10176xi32, #tpu.memory_space<vmem>>)
      tpu.yield
    }) : () -> ()
    "tpu.region"() ({
      %run_scoped3A_35 = tpu.sem_alloc : memref<!tpu.dma_semaphore, #tpu.memory_space<semaphore_mem>>
      %dma_start3A = arith.constant 0 : i32
      %dma_start3A_36 = tpu.memref_slice %arg4[%add3A, %dma_start3A] : memref<32x10176xi32, #tpu.memory_space<hbm>> -> memref<1x10176xi32, #tpu.memory_space<hbm>>
      %dma_start3A_37 = tpu.memref_squeeze %dma_start3A_36 : memref<1x10176xi32, #tpu.memory_space<hbm>> -> memref<10176xi32, #tpu.memory_space<hbm>>
      %dma_start3A_38 = arith.constant 0 : i32
      %dma_start3A_39 = tpu.memref_slice %arg4[%add3A, %dma_start3A_38] : memref<32x10176xi32, #tpu.memory_space<hbm>> -> memref<1x10176xi32, #tpu.memory_space<hbm>>
      %dma_start3A_40 = tpu.memref_squeeze %dma_start3A_39 : memref<1x10176xi32, #tpu.memory_space<hbm>> -> memref<10176xi32, #tpu.memory_space<hbm>>
      tpu.enqueue_dma source(%dma_start3A_40 : memref<10176xi32, #tpu.memory_space<hbm>>) target(%arg8 : memref<10176xi32, #tpu.memory_space<vmem>>) target_semaphore(%run_scoped3A_35 : memref<!tpu.dma_semaphore, #tpu.memory_space<semaphore_mem>>)
      %dma_wait3A = arith.constant 0 : i32
      %dma_wait3A_41 = tpu.memref_slice %arg4[%add3A, %dma_wait3A] : memref<32x10176xi32, #tpu.memory_space<hbm>> -> memref<1x10176xi32, #tpu.memory_space<hbm>>
      %dma_wait3A_42 = tpu.memref_squeeze %dma_wait3A_41 : memref<1x10176xi32, #tpu.memory_space<hbm>> -> memref<10176xi32, #tpu.memory_space<hbm>>
      %dma_wait3A_43 = arith.constant 0 : i32
      %dma_wait3A_44 = tpu.memref_slice %arg4[%add3A, %dma_wait3A_43] : memref<32x10176xi32, #tpu.memory_space<hbm>> -> memref<1x10176xi32, #tpu.memory_space<hbm>>
      %dma_wait3A_45 = tpu.memref_squeeze %dma_wait3A_44 : memref<1x10176xi32, #tpu.memory_space<hbm>> -> memref<10176xi32, #tpu.memory_space<hbm>>
      tpu.wait_dma2 semaphore(%run_scoped3A_35 : memref<!tpu.dma_semaphore, #tpu.memory_space<semaphore_mem>>) src(%dma_wait3A_45 : memref<10176xi32, #tpu.memory_space<hbm>>) dst(%arg8 : memref<10176xi32, #tpu.memory_space<vmem>>)
      tpu.yield
    }) : () -> ()
    "tpu.region"() ({
      %run_scoped3A_35 = tpu.sem_alloc : memref<!tpu.dma_semaphore, #tpu.memory_space<semaphore_mem>>
      tpu.enqueue_dma source(%arg2 : memref<20480xf32, #tpu.memory_space<hbm>>) target(%arg9 : memref<20480xf32, #tpu.memory_space<vmem>>) target_semaphore(%run_scoped3A_35 : memref<!tpu.dma_semaphore, #tpu.memory_space<semaphore_mem>>)
      tpu.wait_dma2 semaphore(%run_scoped3A_35 : memref<!tpu.dma_semaphore, #tpu.memory_space<semaphore_mem>>) src(%arg2 : memref<20480xf32, #tpu.memory_space<hbm>>) dst(%arg9 : memref<20480xf32, #tpu.memory_space<vmem>>)
      tpu.yield
    }) : () -> ()
    %eq3A = arith.constant 0 : i32
    %eq3A_1 = arith.cmpi eq, %add3A, %eq3A : i32
    %convert_element_type3A = arith.extui %eq3A_1 : i1 to i32
    %cond3A = arith.constant 0 : i32
    %cond3A_2 = arith.cmpi ne, %convert_element_type3A, %cond3A : i32
    scf.if %cond3A_2 {
      "tpu.region"() ({
        %run_scoped3A_35 = tpu.sem_alloc : memref<!tpu.dma_semaphore, #tpu.memory_space<semaphore_mem>>
        tpu.enqueue_dma source(%arg2 : memref<20480xf32, #tpu.memory_space<hbm>>) target(%arg10 : memref<20480xf32, #tpu.memory_space<vmem>>) target_semaphore(%run_scoped3A_35 : memref<!tpu.dma_semaphore, #tpu.memory_space<semaphore_mem>>)
        tpu.wait_dma2 semaphore(%run_scoped3A_35 : memref<!tpu.dma_semaphore, #tpu.memory_space<semaphore_mem>>) src(%arg2 : memref<20480xf32, #tpu.memory_space<hbm>>) dst(%arg10 : memref<20480xf32, #tpu.memory_space<vmem>>)
        tpu.yield
      }) : () -> ()
    } else {
    }
    %ne3A = arith.constant 0 : i32
    %ne3A_3 = arith.cmpi ne, %add3A, %ne3A : i32
    %convert_element_type3A_4 = arith.extui %ne3A_3 : i1 to i32
    %cond3A_5 = arith.constant 0 : i32
    %cond3A_6 = arith.cmpi ne, %convert_element_type3A_4, %cond3A_5 : i32
    scf.if %cond3A_6 {
      "tpu.region"() ({
        %run_scoped3A_35 = tpu.sem_alloc : memref<!tpu.dma_semaphore, #tpu.memory_space<semaphore_mem>>
        tpu.enqueue_dma source(%arg5 : memref<20480xf32, #tpu.memory_space<hbm>>) target(%arg10 : memref<20480xf32, #tpu.memory_space<vmem>>) target_semaphore(%run_scoped3A_35 : memref<!tpu.dma_semaphore, #tpu.memory_space<semaphore_mem>>)
        tpu.wait_dma2 semaphore(%run_scoped3A_35 : memref<!tpu.dma_semaphore, #tpu.memory_space<semaphore_mem>>) src(%arg5 : memref<20480xf32, #tpu.memory_space<hbm>>) dst(%arg10 : memref<20480xf32, #tpu.memory_space<vmem>>)
        tpu.yield
      }) : () -> ()
    } else {
    }
    %scan3A = arith.constant 0 : i32
    %scan3A_7 = arith.constant 0 : i32
    %scan3A_8 = arith.constant 636 : i32
    %scan3A_9 = arith.addi %scan3A_7, %scan3A_8 : i32
    %scan3A_10 = arith.constant 1 : i32
    scf.for %scan3A_35 = %scan3A_7 to %scan3A_9 step %scan3A_10  : i32 {
      %mul3A_36 = arith.constant 16 : i32
      %mul3A_37 = arith.muli %scan3A_35, %mul3A_36 : i32
      %get3A = arith.index_cast %mul3A_37 : i32 to index
      %get3A_38 = tpu.vector_load %arg7[%get3A] {strides = array<i32>} : memref<10176xi32, #tpu.memory_space<vmem>>, vector<16xi32>,
      %mul3A_39 = arith.constant 16 : i32
      %mul3A_40 = arith.muli %scan3A_35, %mul3A_39 : i32
      %get3A_41 = arith.index_cast %mul3A_40 : i32 to index
      %get3A_42 = tpu.vector_load %arg8[%get3A_41] {strides = array<i32>} : memref<10176xi32, #tpu.memory_space<vmem>>, vector<16xi32>,
      %mul3A_43 = arith.constant 2 : i32
      %mul3A_44 = vector.broadcast %mul3A_43 : i32 to vector<16xi32>
      %mul3A_45 = arith.muli %get3A_38, %mul3A_44 : vector<16xi32>
      %mul3A_46 = arith.constant 2 : i32
      %mul3A_47 = vector.broadcast %mul3A_46 : i32 to vector<16xi32>
      %mul3A_48 = arith.muli %get3A_42, %mul3A_47 : vector<16xi32>
      %gather3A = tpu.vector_load_idx %arg9[%mul3A_45] : memref<20480xf32, #tpu.memory_space<vmem>>[vector<16xi32>], vector<16xf32>,
      %add3A_49 = arith.constant 1 : i32
      %add3A_50 = vector.broadcast %add3A_49 : i32 to vector<16xi32>
      %add3A_51 = arith.addi %mul3A_45, %add3A_50 : vector<16xi32>
      %gather3A_52 = tpu.vector_load_idx %arg9[%add3A_51] : memref<20480xf32, #tpu.memory_space<vmem>>[vector<16xi32>], vector<16xf32>,
      tpu.vector_store_idx %arg10[%mul3A_48], %gather3A {add = true} : memref<20480xf32, #tpu.memory_space<vmem>>[vector<16xi32>], vector<16xf32>,
      %add3A_53 = arith.constant 1 : i32
      %add3A_54 = vector.broadcast %add3A_53 : i32 to vector<16xi32>
      %add3A_55 = arith.addi %mul3A_48, %add3A_54 : vector<16xi32>
      tpu.vector_store_idx %arg10[%add3A_55], %gather3A_52 {add = true} : memref<20480xf32, #tpu.memory_space<vmem>>[vector<16xi32>], vector<16xf32>,
    }
    %scan3A_11 = arith.constant 636 : i32
    "tpu.region"() ({
      %run_scoped3A_35 = tpu.sem_alloc : memref<!tpu.dma_semaphore, #tpu.memory_space<semaphore_mem>>
      %dma_start3A = arith.constant 0 : i32
      %dma_start3A_36 = tpu.memref_slice %arg13[%arg1, %dma_start3A] : memref<16x20480xf32, #tpu.memory_space<vmem_shared>> -> memref<1x20480xf32, #tpu.memory_space<vmem_shared>>
      %dma_start3A_37 = tpu.memref_squeeze %dma_start3A_36 : memref<1x20480xf32, #tpu.memory_space<vmem_shared>> -> memref<20480xf32, #tpu.memory_space<vmem_shared>>
      %dma_start3A_38 = arith.constant 0 : i32
      %dma_start3A_39 = tpu.memref_slice %arg13[%arg1, %dma_start3A_38] : memref<16x20480xf32, #tpu.memory_space<vmem_shared>> -> memref<1x20480xf32, #tpu.memory_space<vmem_shared>>
      %dma_start3A_40 = tpu.memref_squeeze %dma_start3A_39 : memref<1x20480xf32, #tpu.memory_space<vmem_shared>> -> memref<20480xf32, #tpu.memory_space<vmem_shared>>
      tpu.enqueue_dma source(%arg10 : memref<20480xf32, #tpu.memory_space<vmem>>) target(%dma_start3A_40 : memref<20480xf32, #tpu.memory_space<vmem_shared>>) target_semaphore(%run_scoped3A_35 : memref<!tpu.dma_semaphore, #tpu.memory_space<semaphore_mem>>)
      %dma_wait3A = arith.constant 0 : i32
      %dma_wait3A_41 = tpu.memref_slice %arg13[%arg1, %dma_wait3A] : memref<16x20480xf32, #tpu.memory_space<vmem_shared>> -> memref<1x20480xf32, #tpu.memory_space<vmem_shared>>
      %dma_wait3A_42 = tpu.memref_squeeze %dma_wait3A_41 : memref<1x20480xf32, #tpu.memory_space<vmem_shared>> -> memref<20480xf32, #tpu.memory_space<vmem_shared>>
      %dma_wait3A_43 = arith.constant 0 : i32
      %dma_wait3A_44 = tpu.memref_slice %arg13[%arg1, %dma_wait3A_43] : memref<16x20480xf32, #tpu.memory_space<vmem_shared>> -> memref<1x20480xf32, #tpu.memory_space<vmem_shared>>
      %dma_wait3A_45 = tpu.memref_squeeze %dma_wait3A_44 : memref<1x20480xf32, #tpu.memory_space<vmem_shared>> -> memref<20480xf32, #tpu.memory_space<vmem_shared>>
      tpu.wait_dma2 semaphore(%run_scoped3A_35 : memref<!tpu.dma_semaphore, #tpu.memory_space<semaphore_mem>>) src(%arg10 : memref<20480xf32, #tpu.memory_space<vmem>>) dst(%dma_wait3A_45 : memref<20480xf32, #tpu.memory_space<vmem_shared>>)
      tpu.yield
    }) : () -> ()
    %barrier3A = arith.constant 0 : index
    tpu.barrier barrier_id(%barrier3A)
    %mul3A_12 = arith.constant 1280 : i32
    %mul3A_13 = arith.muli %arg1, %mul3A_12 : i32
    %multiple_of3A = tpu.assume_multiple %mul3A_13, 8 : i32
    %run_scoped3A = arith.constant 0 : i32
    "tpu.region"() ({
      %run_scoped3A_35 = tpu.sem_alloc : memref<!tpu.dma_semaphore, #tpu.memory_space<semaphore_mem>>
      %dma_start3A = arith.constant 0 : i32
      %dma_start3A_36 = tpu.memref_slice %arg11[%dma_start3A] : memref<20480xf32, #tpu.memory_space<vmem>> -> memref<1280xf32, #tpu.memory_space<vmem>>
      %dma_start3A_37 = tpu.memref_slice %arg13[%run_scoped3A, %multiple_of3A] : memref<16x20480xf32, #tpu.memory_space<vmem_shared>> -> memref<1x1280xf32, #tpu.memory_space<vmem_shared>>
      %dma_start3A_38 = tpu.memref_squeeze %dma_start3A_37 : memref<1x1280xf32, #tpu.memory_space<vmem_shared>> -> memref<1280xf32, #tpu.memory_space<vmem_shared>>
      %dma_start3A_39 = arith.constant 0 : i32
      %dma_start3A_40 = tpu.memref_slice %arg11[%dma_start3A_39] : memref<20480xf32, #tpu.memory_space<vmem>> -> memref<1280xf32, #tpu.memory_space<vmem>>
      %dma_start3A_41 = tpu.memref_slice %arg13[%run_scoped3A, %multiple_of3A] : memref<16x20480xf32, #tpu.memory_space<vmem_shared>> -> memref<1x1280xf32, #tpu.memory_space<vmem_shared>>
      %dma_start3A_42 = tpu.memref_squeeze %dma_start3A_41 : memref<1x1280xf32, #tpu.memory_space<vmem_shared>> -> memref<1280xf32, #tpu.memory_space<vmem_shared>>
      tpu.enqueue_dma source(%dma_start3A_42 : memref<1280xf32, #tpu.memory_space<vmem_shared>>) target(%dma_start3A_40 : memref<1280xf32, #tpu.memory_space<vmem>>) target_semaphore(%run_scoped3A_35 : memref<!tpu.dma_semaphore, #tpu.memory_space<semaphore_mem>>)
      %dma_wait3A = arith.constant 0 : i32
      %dma_wait3A_43 = tpu.memref_slice %arg11[%dma_wait3A] : memref<20480xf32, #tpu.memory_space<vmem>> -> memref<1280xf32, #tpu.memory_space<vmem>>
      %dma_wait3A_44 = tpu.memref_slice %arg13[%run_scoped3A, %multiple_of3A] : memref<16x20480xf32, #tpu.memory_space<vmem_shared>> -> memref<1x1280xf32, #tpu.memory_space<vmem_shared>>
      %dma_wait3A_45 = tpu.memref_squeeze %dma_wait3A_44 : memref<1x1280xf32, #tpu.memory_space<vmem_shared>> -> memref<1280xf32, #tpu.memory_space<vmem_shared>>
      %dma_wait3A_46 = arith.constant 0 : i32
      %dma_wait3A_47 = tpu.memref_slice %arg11[%dma_wait3A_46] : memref<20480xf32, #tpu.memory_space<vmem>> -> memref<1280xf32, #tpu.memory_space<vmem>>
      %dma_wait3A_48 = tpu.memref_slice %arg13[%run_scoped3A, %multiple_of3A] : memref<16x20480xf32, #tpu.memory_space<vmem_shared>> -> memref<1x1280xf32, #tpu.memory_space<vmem_shared>>
      %dma_wait3A_49 = tpu.memref_squeeze %dma_wait3A_48 : memref<1x1280xf32, #tpu.memory_space<vmem_shared>> -> memref<1280xf32, #tpu.memory_space<vmem_shared>>
      tpu.wait_dma2 semaphore(%run_scoped3A_35 : memref<!tpu.dma_semaphore, #tpu.memory_space<semaphore_mem>>) src(%dma_wait3A_49 : memref<1280xf32, #tpu.memory_space<vmem_shared>>) dst(%dma_wait3A_47 : memref<1280xf32, #tpu.memory_space<vmem>>)
      tpu.yield
    }) : () -> ()
    %run_scoped3A_14 = arith.constant 1 : i32
    "tpu.region"() ({
      %run_scoped3A_35 = tpu.sem_alloc : memref<!tpu.dma_semaphore, #tpu.memory_space<semaphore_mem>>
      %dma_start3A = arith.constant 1280 : i32
      %dma_start3A_36 = tpu.memref_slice %arg11[%dma_start3A] : memref<20480xf32, #tpu.memory_space<vmem>> -> memref<1280xf32, #tpu.memory_space<vmem>>
      %dma_start3A_37 = tpu.memref_slice %arg13[%run_scoped3A_14, %multiple_of3A] : memref<16x20480xf32, #tpu.memory_space<vmem_shared>> -> memref<1x1280xf32, #tpu.memory_space<vmem_shared>>
      %dma_start3A_38 = tpu.memref_squeeze %dma_start3A_37 : memref<1x1280xf32, #tpu.memory_space<vmem_shared>> -> memref<1280xf32, #tpu.memory_space<vmem_shared>>
      %dma_start3A_39 = arith.constant 1280 : i32
      %dma_start3A_40 = tpu.memref_slice %arg11[%dma_start3A_39] : memref<20480xf32, #tpu.memory_space<vmem>> -> memref<1280xf32, #tpu.memory_space<vmem>>
      %dma_start3A_41 = tpu.memref_slice %arg13[%run_scoped3A_14, %multiple_of3A] : memref<16x20480xf32, #tpu.memory_space<vmem_shared>> -> memref<1x1280xf32, #tpu.memory_space<vmem_shared>>
      %dma_start3A_42 = tpu.memref_squeeze %dma_start3A_41 : memref<1x1280xf32, #tpu.memory_space<vmem_shared>> -> memref<1280xf32, #tpu.memory_space<vmem_shared>>
      tpu.enqueue_dma source(%dma_start3A_42 : memref<1280xf32, #tpu.memory_space<vmem_shared>>) target(%dma_start3A_40 : memref<1280xf32, #tpu.memory_space<vmem>>) target_semaphore(%run_scoped3A_35 : memref<!tpu.dma_semaphore, #tpu.memory_space<semaphore_mem>>)
      %dma_wait3A = arith.constant 1280 : i32
      %dma_wait3A_43 = tpu.memref_slice %arg11[%dma_wait3A] : memref<20480xf32, #tpu.memory_space<vmem>> -> memref<1280xf32, #tpu.memory_space<vmem>>
      %dma_wait3A_44 = tpu.memref_slice %arg13[%run_scoped3A_14, %multiple_of3A] : memref<16x20480xf32, #tpu.memory_space<vmem_shared>> -> memref<1x1280xf32, #tpu.memory_space<vmem_shared>>
      %dma_wait3A_45 = tpu.memref_squeeze %dma_wait3A_44 : memref<1x1280xf32, #tpu.memory_space<vmem_shared>> -> memref<1280xf32, #tpu.memory_space<vmem_shared>>
      %dma_wait3A_46 = arith.constant 1280 : i32
      %dma_wait3A_47 = tpu.memref_slice %arg11[%dma_wait3A_46] : memref<20480xf32, #tpu.memory_space<vmem>> -> memref<1280xf32, #tpu.memory_space<vmem>>
      %dma_wait3A_48 = tpu.memref_slice %arg13[%run_scoped3A_14, %multiple_of3A] : memref<16x20480xf32, #tpu.memory_space<vmem_shared>> -> memref<1x1280xf32, #tpu.memory_space<vmem_shared>>
      %dma_wait3A_49 = tpu.memref_squeeze %dma_wait3A_48 : memref<1x1280xf32, #tpu.memory_space<vmem_shared>> -> memref<1280xf32, #tpu.memory_space<vmem_shared>>
      tpu.wait_dma2 semaphore(%run_scoped3A_35 : memref<!tpu.dma_semaphore, #tpu.memory_space<semaphore_mem>>) src(%dma_wait3A_49 : memref<1280xf32, #tpu.memory_space<vmem_shared>>) dst(%dma_wait3A_47 : memref<1280xf32, #tpu.memory_space<vmem>>)
      tpu.yield
    }) : () -> ()
    %run_scoped3A_15 = arith.constant 2 : i32
    "tpu.region"() ({
      %run_scoped3A_35 = tpu.sem_alloc : memref<!tpu.dma_semaphore, #tpu.memory_space<semaphore_mem>>
      %dma_start3A = arith.constant 2560 : i32
      %dma_start3A_36 = tpu.memref_slice %arg11[%dma_start3A] : memref<20480xf32, #tpu.memory_space<vmem>> -> memref<1280xf32, #tpu.memory_space<vmem>>
      %dma_start3A_37 = tpu.memref_slice %arg13[%run_scoped3A_15, %multiple_of3A] : memref<16x20480xf32, #tpu.memory_space<vmem_shared>> -> memref<1x1280xf32, #tpu.memory_space<vmem_shared>>
      %dma_start3A_38 = tpu.memref_squeeze %dma_start3A_37 : memref<1x1280xf32, #tpu.memory_space<vmem_shared>> -> memref<1280xf32, #tpu.memory_space<vmem_shared>>
      %dma_start3A_39 = arith.constant 2560 : i32
      %dma_start3A_40 = tpu.memref_slice %arg11[%dma_start3A_39] : memref<20480xf32, #tpu.memory_space<vmem>> -> memref<1280xf32, #tpu.memory_space<vmem>>
      %dma_start3A_41 = tpu.memref_slice %arg13[%run_scoped3A_15, %multiple_of3A] : memref<16x20480xf32, #tpu.memory_space<vmem_shared>> -> memref<1x1280xf32, #tpu.memory_space<vmem_shared>>
      %dma_start3A_42 = tpu.memref_squeeze %dma_start3A_41 : memref<1x1280xf32, #tpu.memory_space<vmem_shared>> -> memref<1280xf32, #tpu.memory_space<vmem_shared>>
      tpu.enqueue_dma source(%dma_start3A_42 : memref<1280xf32, #tpu.memory_space<vmem_shared>>) target(%dma_start3A_40 : memref<1280xf32, #tpu.memory_space<vmem>>) target_semaphore(%run_scoped3A_35 : memref<!tpu.dma_semaphore, #tpu.memory_space<semaphore_mem>>)
      %dma_wait3A = arith.constant 2560 : i32
      %dma_wait3A_43 = tpu.memref_slice %arg11[%dma_wait3A] : memref<20480xf32, #tpu.memory_space<vmem>> -> memref<1280xf32, #tpu.memory_space<vmem>>
      %dma_wait3A_44 = tpu.memref_slice %arg13[%run_scoped3A_15, %multiple_of3A] : memref<16x20480xf32, #tpu.memory_space<vmem_shared>> -> memref<1x1280xf32, #tpu.memory_space<vmem_shared>>
      %dma_wait3A_45 = tpu.memref_squeeze %dma_wait3A_44 : memref<1x1280xf32, #tpu.memory_space<vmem_shared>> -> memref<1280xf32, #tpu.memory_space<vmem_shared>>
      %dma_wait3A_46 = arith.constant 2560 : i32
      %dma_wait3A_47 = tpu.memref_slice %arg11[%dma_wait3A_46] : memref<20480xf32, #tpu.memory_space<vmem>> -> memref<1280xf32, #tpu.memory_space<vmem>>
      %dma_wait3A_48 = tpu.memref_slice %arg13[%run_scoped3A_15, %multiple_of3A] : memref<16x20480xf32, #tpu.memory_space<vmem_shared>> -> memref<1x1280xf32, #tpu.memory_space<vmem_shared>>
      %dma_wait3A_49 = tpu.memref_squeeze %dma_wait3A_48 : memref<1x1280xf32, #tpu.memory_space<vmem_shared>> -> memref<1280xf32, #tpu.memory_space<vmem_shared>>
      tpu.wait_dma2 semaphore(%run_scoped3A_35 : memref<!tpu.dma_semaphore, #tpu.memory_space<semaphore_mem>>) src(%dma_wait3A_49 : memref<1280xf32, #tpu.memory_space<vmem_shared>>) dst(%dma_wait3A_47 : memref<1280xf32, #tpu.memory_space<vmem>>)
      tpu.yield
    }) : () -> ()
    %run_scoped3A_16 = arith.constant 3 : i32
    "tpu.region"() ({
      %run_scoped3A_35 = tpu.sem_alloc : memref<!tpu.dma_semaphore, #tpu.memory_space<semaphore_mem>>
      %dma_start3A = arith.constant 3840 : i32
      %dma_start3A_36 = tpu.memref_slice %arg11[%dma_start3A] : memref<20480xf32, #tpu.memory_space<vmem>> -> memref<1280xf32, #tpu.memory_space<vmem>>
      %dma_start3A_37 = tpu.memref_slice %arg13[%run_scoped3A_16, %multiple_of3A] : memref<16x20480xf32, #tpu.memory_space<vmem_shared>> -> memref<1x1280xf32, #tpu.memory_space<vmem_shared>>
      %dma_start3A_38 = tpu.memref_squeeze %dma_start3A_37 : memref<1x1280xf32, #tpu.memory_space<vmem_shared>> -> memref<1280xf32, #tpu.memory_space<vmem_shared>>
      %dma_start3A_39 = arith.constant 3840 : i32
      %dma_start3A_40 = tpu.memref_slice %arg11[%dma_start3A_39] : memref<20480xf32, #tpu.memory_space<vmem>> -> memref<1280xf32, #tpu.memory_space<vmem>>
      %dma_start3A_41 = tpu.memref_slice %arg13[%run_scoped3A_16, %multiple_of3A] : memref<16x20480xf32, #tpu.memory_space<vmem_shared>> -> memref<1x1280xf32, #tpu.memory_space<vmem_shared>>
      %dma_start3A_42 = tpu.memref_squeeze %dma_start3A_41 : memref<1x1280xf32, #tpu.memory_space<vmem_shared>> -> memref<1280xf32, #tpu.memory_space<vmem_shared>>
      tpu.enqueue_dma source(%dma_start3A_42 : memref<1280xf32, #tpu.memory_space<vmem_shared>>) target(%dma_start3A_40 : memref<1280xf32, #tpu.memory_space<vmem>>) target_semaphore(%run_scoped3A_35 : memref<!tpu.dma_semaphore, #tpu.memory_space<semaphore_mem>>)
      %dma_wait3A = arith.constant 3840 : i32
      %dma_wait3A_43 = tpu.memref_slice %arg11[%dma_wait3A] : memref<20480xf32, #tpu.memory_space<vmem>> -> memref<1280xf32, #tpu.memory_space<vmem>>
      %dma_wait3A_44 = tpu.memref_slice %arg13[%run_scoped3A_16, %multiple_of3A] : memref<16x20480xf32, #tpu.memory_space<vmem_shared>> -> memref<1x1280xf32, #tpu.memory_space<vmem_shared>>
      %dma_wait3A_45 = tpu.memref_squeeze %dma_wait3A_44 : memref<1x1280xf32, #tpu.memory_space<vmem_shared>> -> memref<1280xf32, #tpu.memory_space<vmem_shared>>
      %dma_wait3A_46 = arith.constant 3840 : i32
      %dma_wait3A_47 = tpu.memref_slice %arg11[%dma_wait3A_46] : memref<20480xf32, #tpu.memory_space<vmem>> -> memref<1280xf32, #tpu.memory_space<vmem>>
      %dma_wait3A_48 = tpu.memref_slice %arg13[%run_scoped3A_16, %multiple_of3A] : memref<16x20480xf32, #tpu.memory_space<vmem_shared>> -> memref<1x1280xf32, #tpu.memory_space<vmem_shared>>
      %dma_wait3A_49 = tpu.memref_squeeze %dma_wait3A_48 : memref<1x1280xf32, #tpu.memory_space<vmem_shared>> -> memref<1280xf32, #tpu.memory_space<vmem_shared>>
      tpu.wait_dma2 semaphore(%run_scoped3A_35 : memref<!tpu.dma_semaphore, #tpu.memory_space<semaphore_mem>>) src(%dma_wait3A_49 : memref<1280xf32, #tpu.memory_space<vmem_shared>>) dst(%dma_wait3A_47 : memref<1280xf32, #tpu.memory_space<vmem>>)
      tpu.yield
    }) : () -> ()
    %run_scoped3A_17 = arith.constant 4 : i32
    "tpu.region"() ({
      %run_scoped3A_35 = tpu.sem_alloc : memref<!tpu.dma_semaphore, #tpu.memory_space<semaphore_mem>>
      %dma_start3A = arith.constant 5120 : i32
      %dma_start3A_36 = tpu.memref_slice %arg11[%dma_start3A] : memref<20480xf32, #tpu.memory_space<vmem>> -> memref<1280xf32, #tpu.memory_space<vmem>>
      %dma_start3A_37 = tpu.memref_slice %arg13[%run_scoped3A_17, %multiple_of3A] : memref<16x20480xf32, #tpu.memory_space<vmem_shared>> -> memref<1x1280xf32, #tpu.memory_space<vmem_shared>>
      %dma_start3A_38 = tpu.memref_squeeze %dma_start3A_37 : memref<1x1280xf32, #tpu.memory_space<vmem_shared>> -> memref<1280xf32, #tpu.memory_space<vmem_shared>>
      %dma_start3A_39 = arith.constant 5120 : i32
      %dma_start3A_40 = tpu.memref_slice %arg11[%dma_start3A_39] : memref<20480xf32, #tpu.memory_space<vmem>> -> memref<1280xf32, #tpu.memory_space<vmem>>
      %dma_start3A_41 = tpu.memref_slice %arg13[%run_scoped3A_17, %multiple_of3A] : memref<16x20480xf32, #tpu.memory_space<vmem_shared>> -> memref<1x1280xf32, #tpu.memory_space<vmem_shared>>
      %dma_start3A_42 = tpu.memref_squeeze %dma_start3A_41 : memref<1x1280xf32, #tpu.memory_space<vmem_shared>> -> memref<1280xf32, #tpu.memory_space<vmem_shared>>
      tpu.enqueue_dma source(%dma_start3A_42 : memref<1280xf32, #tpu.memory_space<vmem_shared>>) target(%dma_start3A_40 : memref<1280xf32, #tpu.memory_space<vmem>>) target_semaphore(%run_scoped3A_35 : memref<!tpu.dma_semaphore, #tpu.memory_space<semaphore_mem>>)
      %dma_wait3A = arith.constant 5120 : i32
      %dma_wait3A_43 = tpu.memref_slice %arg11[%dma_wait3A] : memref<20480xf32, #tpu.memory_space<vmem>> -> memref<1280xf32, #tpu.memory_space<vmem>>
      %dma_wait3A_44 = tpu.memref_slice %arg13[%run_scoped3A_17, %multiple_of3A] : memref<16x20480xf32, #tpu.memory_space<vmem_shared>> -> memref<1x1280xf32, #tpu.memory_space<vmem_shared>>
      %dma_wait3A_45 = tpu.memref_squeeze %dma_wait3A_44 : memref<1x1280xf32, #tpu.memory_space<vmem_shared>> -> memref<1280xf32, #tpu.memory_space<vmem_shared>>
      %dma_wait3A_46 = arith.constant 5120 : i32
      %dma_wait3A_47 = tpu.memref_slice %arg11[%dma_wait3A_46] : memref<20480xf32, #tpu.memory_space<vmem>> -> memref<1280xf32, #tpu.memory_space<vmem>>
      %dma_wait3A_48 = tpu.memref_slice %arg13[%run_scoped3A_17, %multiple_of3A] : memref<16x20480xf32, #tpu.memory_space<vmem_shared>> -> memref<1x1280xf32, #tpu.memory_space<vmem_shared>>
      %dma_wait3A_49 = tpu.memref_squeeze %dma_wait3A_48 : memref<1x1280xf32, #tpu.memory_space<vmem_shared>> -> memref<1280xf32, #tpu.memory_space<vmem_shared>>
      tpu.wait_dma2 semaphore(%run_scoped3A_35 : memref<!tpu.dma_semaphore, #tpu.memory_space<semaphore_mem>>) src(%dma_wait3A_49 : memref<1280xf32, #tpu.memory_space<vmem_shared>>) dst(%dma_wait3A_47 : memref<1280xf32, #tpu.memory_space<vmem>>)
      tpu.yield
    }) : () -> ()
    %run_scoped3A_18 = arith.constant 5 : i32
    "tpu.region"() ({
      %run_scoped3A_35 = tpu.sem_alloc : memref<!tpu.dma_semaphore, #tpu.memory_space<semaphore_mem>>
      %dma_start3A = arith.constant 6400 : i32
      %dma_start3A_36 = tpu.memref_slice %arg11[%dma_start3A] : memref<20480xf32, #tpu.memory_space<vmem>> -> memref<1280xf32, #tpu.memory_space<vmem>>
      %dma_start3A_37 = tpu.memref_slice %arg13[%run_scoped3A_18, %multiple_of3A] : memref<16x20480xf32, #tpu.memory_space<vmem_shared>> -> memref<1x1280xf32, #tpu.memory_space<vmem_shared>>
      %dma_start3A_38 = tpu.memref_squeeze %dma_start3A_37 : memref<1x1280xf32, #tpu.memory_space<vmem_shared>> -> memref<1280xf32, #tpu.memory_space<vmem_shared>>
      %dma_start3A_39 = arith.constant 6400 : i32
      %dma_start3A_40 = tpu.memref_slice %arg11[%dma_start3A_39] : memref<20480xf32, #tpu.memory_space<vmem>> -> memref<1280xf32, #tpu.memory_space<vmem>>
      %dma_start3A_41 = tpu.memref_slice %arg13[%run_scoped3A_18, %multiple_of3A] : memref<16x20480xf32, #tpu.memory_space<vmem_shared>> -> memref<1x1280xf32, #tpu.memory_space<vmem_shared>>
      %dma_start3A_42 = tpu.memref_squeeze %dma_start3A_41 : memref<1x1280xf32, #tpu.memory_space<vmem_shared>> -> memref<1280xf32, #tpu.memory_space<vmem_shared>>
      tpu.enqueue_dma source(%dma_start3A_42 : memref<1280xf32, #tpu.memory_space<vmem_shared>>) target(%dma_start3A_40 : memref<1280xf32, #tpu.memory_space<vmem>>) target_semaphore(%run_scoped3A_35 : memref<!tpu.dma_semaphore, #tpu.memory_space<semaphore_mem>>)
      %dma_wait3A = arith.constant 6400 : i32
      %dma_wait3A_43 = tpu.memref_slice %arg11[%dma_wait3A] : memref<20480xf32, #tpu.memory_space<vmem>> -> memref<1280xf32, #tpu.memory_space<vmem>>
      %dma_wait3A_44 = tpu.memref_slice %arg13[%run_scoped3A_18, %multiple_of3A] : memref<16x20480xf32, #tpu.memory_space<vmem_shared>> -> memref<1x1280xf32, #tpu.memory_space<vmem_shared>>
      %dma_wait3A_45 = tpu.memref_squeeze %dma_wait3A_44 : memref<1x1280xf32, #tpu.memory_space<vmem_shared>> -> memref<1280xf32, #tpu.memory_space<vmem_shared>>
      %dma_wait3A_46 = arith.constant 6400 : i32
      %dma_wait3A_47 = tpu.memref_slice %arg11[%dma_wait3A_46] : memref<20480xf32, #tpu.memory_space<vmem>> -> memref<1280xf32, #tpu.memory_space<vmem>>
      %dma_wait3A_48 = tpu.memref_slice %arg13[%run_scoped3A_18, %multiple_of3A] : memref<16x20480xf32, #tpu.memory_space<vmem_shared>> -> memref<1x1280xf32, #tpu.memory_space<vmem_shared>>
      %dma_wait3A_49 = tpu.memref_squeeze %dma_wait3A_48 : memref<1x1280xf32, #tpu.memory_space<vmem_shared>> -> memref<1280xf32, #tpu.memory_space<vmem_shared>>
      tpu.wait_dma2 semaphore(%run_scoped3A_35 : memref<!tpu.dma_semaphore, #tpu.memory_space<semaphore_mem>>) src(%dma_wait3A_49 : memref<1280xf32, #tpu.memory_space<vmem_shared>>) dst(%dma_wait3A_47 : memref<1280xf32, #tpu.memory_space<vmem>>)
      tpu.yield
    }) : () -> ()
    %run_scoped3A_19 = arith.constant 6 : i32
    "tpu.region"() ({
      %run_scoped3A_35 = tpu.sem_alloc : memref<!tpu.dma_semaphore, #tpu.memory_space<semaphore_mem>>
      %dma_start3A = arith.constant 7680 : i32
      %dma_start3A_36 = tpu.memref_slice %arg11[%dma_start3A] : memref<20480xf32, #tpu.memory_space<vmem>> -> memref<1280xf32, #tpu.memory_space<vmem>>
      %dma_start3A_37 = tpu.memref_slice %arg13[%run_scoped3A_19, %multiple_of3A] : memref<16x20480xf32, #tpu.memory_space<vmem_shared>> -> memref<1x1280xf32, #tpu.memory_space<vmem_shared>>
      %dma_start3A_38 = tpu.memref_squeeze %dma_start3A_37 : memref<1x1280xf32, #tpu.memory_space<vmem_shared>> -> memref<1280xf32, #tpu.memory_space<vmem_shared>>
      %dma_start3A_39 = arith.constant 7680 : i32
      %dma_start3A_40 = tpu.memref_slice %arg11[%dma_start3A_39] : memref<20480xf32, #tpu.memory_space<vmem>> -> memref<1280xf32, #tpu.memory_space<vmem>>
      %dma_start3A_41 = tpu.memref_slice %arg13[%run_scoped3A_19, %multiple_of3A] : memref<16x20480xf32, #tpu.memory_space<vmem_shared>> -> memref<1x1280xf32, #tpu.memory_space<vmem_shared>>
      %dma_start3A_42 = tpu.memref_squeeze %dma_start3A_41 : memref<1x1280xf32, #tpu.memory_space<vmem_shared>> -> memref<1280xf32, #tpu.memory_space<vmem_shared>>
      tpu.enqueue_dma source(%dma_start3A_42 : memref<1280xf32, #tpu.memory_space<vmem_shared>>) target(%dma_start3A_40 : memref<1280xf32, #tpu.memory_space<vmem>>) target_semaphore(%run_scoped3A_35 : memref<!tpu.dma_semaphore, #tpu.memory_space<semaphore_mem>>)
      %dma_wait3A = arith.constant 7680 : i32
      %dma_wait3A_43 = tpu.memref_slice %arg11[%dma_wait3A] : memref<20480xf32, #tpu.memory_space<vmem>> -> memref<1280xf32, #tpu.memory_space<vmem>>
      %dma_wait3A_44 = tpu.memref_slice %arg13[%run_scoped3A_19, %multiple_of3A] : memref<16x20480xf32, #tpu.memory_space<vmem_shared>> -> memref<1x1280xf32, #tpu.memory_space<vmem_shared>>
      %dma_wait3A_45 = tpu.memref_squeeze %dma_wait3A_44 : memref<1x1280xf32, #tpu.memory_space<vmem_shared>> -> memref<1280xf32, #tpu.memory_space<vmem_shared>>
      %dma_wait3A_46 = arith.constant 7680 : i32
      %dma_wait3A_47 = tpu.memref_slice %arg11[%dma_wait3A_46] : memref<20480xf32, #tpu.memory_space<vmem>> -> memref<1280xf32, #tpu.memory_space<vmem>>
      %dma_wait3A_48 = tpu.memref_slice %arg13[%run_scoped3A_19, %multiple_of3A] : memref<16x20480xf32, #tpu.memory_space<vmem_shared>> -> memref<1x1280xf32, #tpu.memory_space<vmem_shared>>
      %dma_wait3A_49 = tpu.memref_squeeze %dma_wait3A_48 : memref<1x1280xf32, #tpu.memory_space<vmem_shared>> -> memref<1280xf32, #tpu.memory_space<vmem_shared>>
      tpu.wait_dma2 semaphore(%run_scoped3A_35 : memref<!tpu.dma_semaphore, #tpu.memory_space<semaphore_mem>>) src(%dma_wait3A_49 : memref<1280xf32, #tpu.memory_space<vmem_shared>>) dst(%dma_wait3A_47 : memref<1280xf32, #tpu.memory_space<vmem>>)
      tpu.yield
    }) : () -> ()
    %run_scoped3A_20 = arith.constant 7 : i32
    "tpu.region"() ({
      %run_scoped3A_35 = tpu.sem_alloc : memref<!tpu.dma_semaphore, #tpu.memory_space<semaphore_mem>>
      %dma_start3A = arith.constant 8960 : i32
      %dma_start3A_36 = tpu.memref_slice %arg11[%dma_start3A] : memref<20480xf32, #tpu.memory_space<vmem>> -> memref<1280xf32, #tpu.memory_space<vmem>>
      %dma_start3A_37 = tpu.memref_slice %arg13[%run_scoped3A_20, %multiple_of3A] : memref<16x20480xf32, #tpu.memory_space<vmem_shared>> -> memref<1x1280xf32, #tpu.memory_space<vmem_shared>>
      %dma_start3A_38 = tpu.memref_squeeze %dma_start3A_37 : memref<1x1280xf32, #tpu.memory_space<vmem_shared>> -> memref<1280xf32, #tpu.memory_space<vmem_shared>>
      %dma_start3A_39 = arith.constant 8960 : i32
      %dma_start3A_40 = tpu.memref_slice %arg11[%dma_start3A_39] : memref<20480xf32, #tpu.memory_space<vmem>> -> memref<1280xf32, #tpu.memory_space<vmem>>
      %dma_start3A_41 = tpu.memref_slice %arg13[%run_scoped3A_20, %multiple_of3A] : memref<16x20480xf32, #tpu.memory_space<vmem_shared>> -> memref<1x1280xf32, #tpu.memory_space<vmem_shared>>
      %dma_start3A_42 = tpu.memref_squeeze %dma_start3A_41 : memref<1x1280xf32, #tpu.memory_space<vmem_shared>> -> memref<1280xf32, #tpu.memory_space<vmem_shared>>
      tpu.enqueue_dma source(%dma_start3A_42 : memref<1280xf32, #tpu.memory_space<vmem_shared>>) target(%dma_start3A_40 : memref<1280xf32, #tpu.memory_space<vmem>>) target_semaphore(%run_scoped3A_35 : memref<!tpu.dma_semaphore, #tpu.memory_space<semaphore_mem>>)
      %dma_wait3A = arith.constant 8960 : i32
      %dma_wait3A_43 = tpu.memref_slice %arg11[%dma_wait3A] : memref<20480xf32, #tpu.memory_space<vmem>> -> memref<1280xf32, #tpu.memory_space<vmem>>
      %dma_wait3A_44 = tpu.memref_slice %arg13[%run_scoped3A_20, %multiple_of3A] : memref<16x20480xf32, #tpu.memory_space<vmem_shared>> -> memref<1x1280xf32, #tpu.memory_space<vmem_shared>>
      %dma_wait3A_45 = tpu.memref_squeeze %dma_wait3A_44 : memref<1x1280xf32, #tpu.memory_space<vmem_shared>> -> memref<1280xf32, #tpu.memory_space<vmem_shared>>
      %dma_wait3A_46 = arith.constant 8960 : i32
      %dma_wait3A_47 = tpu.memref_slice %arg11[%dma_wait3A_46] : memref<20480xf32, #tpu.memory_space<vmem>> -> memref<1280xf32, #tpu.memory_space<vmem>>
      %dma_wait3A_48 = tpu.memref_slice %arg13[%run_scoped3A_20, %multiple_of3A] : memref<16x20480xf32, #tpu.memory_space<vmem_shared>> -> memref<1x1280xf32, #tpu.memory_space<vmem_shared>>
      %dma_wait3A_49 = tpu.memref_squeeze %dma_wait3A_48 : memref<1x1280xf32, #tpu.memory_space<vmem_shared>> -> memref<1280xf32, #tpu.memory_space<vmem_shared>>
      tpu.wait_dma2 semaphore(%run_scoped3A_35 : memref<!tpu.dma_semaphore, #tpu.memory_space<semaphore_mem>>) src(%dma_wait3A_49 : memref<1280xf32, #tpu.memory_space<vmem_shared>>) dst(%dma_wait3A_47 : memref<1280xf32, #tpu.memory_space<vmem>>)
      tpu.yield
    }) : () -> ()
    %run_scoped3A_21 = arith.constant 8 : i32
    "tpu.region"() ({
      %run_scoped3A_35 = tpu.sem_alloc : memref<!tpu.dma_semaphore, #tpu.memory_space<semaphore_mem>>
      %dma_start3A = arith.constant 10240 : i32
      %dma_start3A_36 = tpu.memref_slice %arg11[%dma_start3A] : memref<20480xf32, #tpu.memory_space<vmem>> -> memref<1280xf32, #tpu.memory_space<vmem>>
      %dma_start3A_37 = tpu.memref_slice %arg13[%run_scoped3A_21, %multiple_of3A] : memref<16x20480xf32, #tpu.memory_space<vmem_shared>> -> memref<1x1280xf32, #tpu.memory_space<vmem_shared>>
      %dma_start3A_38 = tpu.memref_squeeze %dma_start3A_37 : memref<1x1280xf32, #tpu.memory_space<vmem_shared>> -> memref<1280xf32, #tpu.memory_space<vmem_shared>>
      %dma_start3A_39 = arith.constant 10240 : i32
      %dma_start3A_40 = tpu.memref_slice %arg11[%dma_start3A_39] : memref<20480xf32, #tpu.memory_space<vmem>> -> memref<1280xf32, #tpu.memory_space<vmem>>
      %dma_start3A_41 = tpu.memref_slice %arg13[%run_scoped3A_21, %multiple_of3A] : memref<16x20480xf32, #tpu.memory_space<vmem_shared>> -> memref<1x1280xf32, #tpu.memory_space<vmem_shared>>
      %dma_start3A_42 = tpu.memref_squeeze %dma_start3A_41 : memref<1x1280xf32, #tpu.memory_space<vmem_shared>> -> memref<1280xf32, #tpu.memory_space<vmem_shared>>
      tpu.enqueue_dma source(%dma_start3A_42 : memref<1280xf32, #tpu.memory_space<vmem_shared>>) target(%dma_start3A_40 : memref<1280xf32, #tpu.memory_space<vmem>>) target_semaphore(%run_scoped3A_35 : memref<!tpu.dma_semaphore, #tpu.memory_space<semaphore_mem>>)
      %dma_wait3A = arith.constant 10240 : i32
      %dma_wait3A_43 = tpu.memref_slice %arg11[%dma_wait3A] : memref<20480xf32, #tpu.memory_space<vmem>> -> memref<1280xf32, #tpu.memory_space<vmem>>
      %dma_wait3A_44 = tpu.memref_slice %arg13[%run_scoped3A_21, %multiple_of3A] : memref<16x20480xf32, #tpu.memory_space<vmem_shared>> -> memref<1x1280xf32, #tpu.memory_space<vmem_shared>>
      %dma_wait3A_45 = tpu.memref_squeeze %dma_wait3A_44 : memref<1x1280xf32, #tpu.memory_space<vmem_shared>> -> memref<1280xf32, #tpu.memory_space<vmem_shared>>
      %dma_wait3A_46 = arith.constant 10240 : i32
      %dma_wait3A_47 = tpu.memref_slice %arg11[%dma_wait3A_46] : memref<20480xf32, #tpu.memory_space<vmem>> -> memref<1280xf32, #tpu.memory_space<vmem>>
      %dma_wait3A_48 = tpu.memref_slice %arg13[%run_scoped3A_21, %multiple_of3A] : memref<16x20480xf32, #tpu.memory_space<vmem_shared>> -> memref<1x1280xf32, #tpu.memory_space<vmem_shared>>
      %dma_wait3A_49 = tpu.memref_squeeze %dma_wait3A_48 : memref<1x1280xf32, #tpu.memory_space<vmem_shared>> -> memref<1280xf32, #tpu.memory_space<vmem_shared>>
      tpu.wait_dma2 semaphore(%run_scoped3A_35 : memref<!tpu.dma_semaphore, #tpu.memory_space<semaphore_mem>>) src(%dma_wait3A_49 : memref<1280xf32, #tpu.memory_space<vmem_shared>>) dst(%dma_wait3A_47 : memref<1280xf32, #tpu.memory_space<vmem>>)
      tpu.yield
    }) : () -> ()
    %run_scoped3A_22 = arith.constant 9 : i32
    "tpu.region"() ({
      %run_scoped3A_35 = tpu.sem_alloc : memref<!tpu.dma_semaphore, #tpu.memory_space<semaphore_mem>>
      %dma_start3A = arith.constant 11520 : i32
      %dma_start3A_36 = tpu.memref_slice %arg11[%dma_start3A] : memref<20480xf32, #tpu.memory_space<vmem>> -> memref<1280xf32, #tpu.memory_space<vmem>>
      %dma_start3A_37 = tpu.memref_slice %arg13[%run_scoped3A_22, %multiple_of3A] : memref<16x20480xf32, #tpu.memory_space<vmem_shared>> -> memref<1x1280xf32, #tpu.memory_space<vmem_shared>>
      %dma_start3A_38 = tpu.memref_squeeze %dma_start3A_37 : memref<1x1280xf32, #tpu.memory_space<vmem_shared>> -> memref<1280xf32, #tpu.memory_space<vmem_shared>>
      %dma_start3A_39 = arith.constant 11520 : i32
      %dma_start3A_40 = tpu.memref_slice %arg11[%dma_start3A_39] : memref<20480xf32, #tpu.memory_space<vmem>> -> memref<1280xf32, #tpu.memory_space<vmem>>
      %dma_start3A_41 = tpu.memref_slice %arg13[%run_scoped3A_22, %multiple_of3A] : memref<16x20480xf32, #tpu.memory_space<vmem_shared>> -> memref<1x1280xf32, #tpu.memory_space<vmem_shared>>
      %dma_start3A_42 = tpu.memref_squeeze %dma_start3A_41 : memref<1x1280xf32, #tpu.memory_space<vmem_shared>> -> memref<1280xf32, #tpu.memory_space<vmem_shared>>
      tpu.enqueue_dma source(%dma_start3A_42 : memref<1280xf32, #tpu.memory_space<vmem_shared>>) target(%dma_start3A_40 : memref<1280xf32, #tpu.memory_space<vmem>>) target_semaphore(%run_scoped3A_35 : memref<!tpu.dma_semaphore, #tpu.memory_space<semaphore_mem>>)
      %dma_wait3A = arith.constant 11520 : i32
      %dma_wait3A_43 = tpu.memref_slice %arg11[%dma_wait3A] : memref<20480xf32, #tpu.memory_space<vmem>> -> memref<1280xf32, #tpu.memory_space<vmem>>
      %dma_wait3A_44 = tpu.memref_slice %arg13[%run_scoped3A_22, %multiple_of3A] : memref<16x20480xf32, #tpu.memory_space<vmem_shared>> -> memref<1x1280xf32, #tpu.memory_space<vmem_shared>>
      %dma_wait3A_45 = tpu.memref_squeeze %dma_wait3A_44 : memref<1x1280xf32, #tpu.memory_space<vmem_shared>> -> memref<1280xf32, #tpu.memory_space<vmem_shared>>
      %dma_wait3A_46 = arith.constant 11520 : i32
      %dma_wait3A_47 = tpu.memref_slice %arg11[%dma_wait3A_46] : memref<20480xf32, #tpu.memory_space<vmem>> -> memref<1280xf32, #tpu.memory_space<vmem>>
      %dma_wait3A_48 = tpu.memref_slice %arg13[%run_scoped3A_22, %multiple_of3A] : memref<16x20480xf32, #tpu.memory_space<vmem_shared>> -> memref<1x1280xf32, #tpu.memory_space<vmem_shared>>
      %dma_wait3A_49 = tpu.memref_squeeze %dma_wait3A_48 : memref<1x1280xf32, #tpu.memory_space<vmem_shared>> -> memref<1280xf32, #tpu.memory_space<vmem_shared>>
      tpu.wait_dma2 semaphore(%run_scoped3A_35 : memref<!tpu.dma_semaphore, #tpu.memory_space<semaphore_mem>>) src(%dma_wait3A_49 : memref<1280xf32, #tpu.memory_space<vmem_shared>>) dst(%dma_wait3A_47 : memref<1280xf32, #tpu.memory_space<vmem>>)
      tpu.yield
    }) : () -> ()
    %run_scoped3A_23 = arith.constant 10 : i32
    "tpu.region"() ({
      %run_scoped3A_35 = tpu.sem_alloc : memref<!tpu.dma_semaphore, #tpu.memory_space<semaphore_mem>>
      %dma_start3A = arith.constant 12800 : i32
      %dma_start3A_36 = tpu.memref_slice %arg11[%dma_start3A] : memref<20480xf32, #tpu.memory_space<vmem>> -> memref<1280xf32, #tpu.memory_space<vmem>>
      %dma_start3A_37 = tpu.memref_slice %arg13[%run_scoped3A_23, %multiple_of3A] : memref<16x20480xf32, #tpu.memory_space<vmem_shared>> -> memref<1x1280xf32, #tpu.memory_space<vmem_shared>>
      %dma_start3A_38 = tpu.memref_squeeze %dma_start3A_37 : memref<1x1280xf32, #tpu.memory_space<vmem_shared>> -> memref<1280xf32, #tpu.memory_space<vmem_shared>>
      %dma_start3A_39 = arith.constant 12800 : i32
      %dma_start3A_40 = tpu.memref_slice %arg11[%dma_start3A_39] : memref<20480xf32, #tpu.memory_space<vmem>> -> memref<1280xf32, #tpu.memory_space<vmem>>
      %dma_start3A_41 = tpu.memref_slice %arg13[%run_scoped3A_23, %multiple_of3A] : memref<16x20480xf32, #tpu.memory_space<vmem_shared>> -> memref<1x1280xf32, #tpu.memory_space<vmem_shared>>
      %dma_start3A_42 = tpu.memref_squeeze %dma_start3A_41 : memref<1x1280xf32, #tpu.memory_space<vmem_shared>> -> memref<1280xf32, #tpu.memory_space<vmem_shared>>
      tpu.enqueue_dma source(%dma_start3A_42 : memref<1280xf32, #tpu.memory_space<vmem_shared>>) target(%dma_start3A_40 : memref<1280xf32, #tpu.memory_space<vmem>>) target_semaphore(%run_scoped3A_35 : memref<!tpu.dma_semaphore, #tpu.memory_space<semaphore_mem>>)
      %dma_wait3A = arith.constant 12800 : i32
      %dma_wait3A_43 = tpu.memref_slice %arg11[%dma_wait3A] : memref<20480xf32, #tpu.memory_space<vmem>> -> memref<1280xf32, #tpu.memory_space<vmem>>
      %dma_wait3A_44 = tpu.memref_slice %arg13[%run_scoped3A_23, %multiple_of3A] : memref<16x20480xf32, #tpu.memory_space<vmem_shared>> -> memref<1x1280xf32, #tpu.memory_space<vmem_shared>>
      %dma_wait3A_45 = tpu.memref_squeeze %dma_wait3A_44 : memref<1x1280xf32, #tpu.memory_space<vmem_shared>> -> memref<1280xf32, #tpu.memory_space<vmem_shared>>
      %dma_wait3A_46 = arith.constant 12800 : i32
      %dma_wait3A_47 = tpu.memref_slice %arg11[%dma_wait3A_46] : memref<20480xf32, #tpu.memory_space<vmem>> -> memref<1280xf32, #tpu.memory_space<vmem>>
      %dma_wait3A_48 = tpu.memref_slice %arg13[%run_scoped3A_23, %multiple_of3A] : memref<16x20480xf32, #tpu.memory_space<vmem_shared>> -> memref<1x1280xf32, #tpu.memory_space<vmem_shared>>
      %dma_wait3A_49 = tpu.memref_squeeze %dma_wait3A_48 : memref<1x1280xf32, #tpu.memory_space<vmem_shared>> -> memref<1280xf32, #tpu.memory_space<vmem_shared>>
      tpu.wait_dma2 semaphore(%run_scoped3A_35 : memref<!tpu.dma_semaphore, #tpu.memory_space<semaphore_mem>>) src(%dma_wait3A_49 : memref<1280xf32, #tpu.memory_space<vmem_shared>>) dst(%dma_wait3A_47 : memref<1280xf32, #tpu.memory_space<vmem>>)
      tpu.yield
    }) : () -> ()
    %run_scoped3A_24 = arith.constant 11 : i32
    "tpu.region"() ({
      %run_scoped3A_35 = tpu.sem_alloc : memref<!tpu.dma_semaphore, #tpu.memory_space<semaphore_mem>>
      %dma_start3A = arith.constant 14080 : i32
      %dma_start3A_36 = tpu.memref_slice %arg11[%dma_start3A] : memref<20480xf32, #tpu.memory_space<vmem>> -> memref<1280xf32, #tpu.memory_space<vmem>>
      %dma_start3A_37 = tpu.memref_slice %arg13[%run_scoped3A_24, %multiple_of3A] : memref<16x20480xf32, #tpu.memory_space<vmem_shared>> -> memref<1x1280xf32, #tpu.memory_space<vmem_shared>>
      %dma_start3A_38 = tpu.memref_squeeze %dma_start3A_37 : memref<1x1280xf32, #tpu.memory_space<vmem_shared>> -> memref<1280xf32, #tpu.memory_space<vmem_shared>>
      %dma_start3A_39 = arith.constant 14080 : i32
      %dma_start3A_40 = tpu.memref_slice %arg11[%dma_start3A_39] : memref<20480xf32, #tpu.memory_space<vmem>> -> memref<1280xf32, #tpu.memory_space<vmem>>
      %dma_start3A_41 = tpu.memref_slice %arg13[%run_scoped3A_24, %multiple_of3A] : memref<16x20480xf32, #tpu.memory_space<vmem_shared>> -> memref<1x1280xf32, #tpu.memory_space<vmem_shared>>
      %dma_start3A_42 = tpu.memref_squeeze %dma_start3A_41 : memref<1x1280xf32, #tpu.memory_space<vmem_shared>> -> memref<1280xf32, #tpu.memory_space<vmem_shared>>
      tpu.enqueue_dma source(%dma_start3A_42 : memref<1280xf32, #tpu.memory_space<vmem_shared>>) target(%dma_start3A_40 : memref<1280xf32, #tpu.memory_space<vmem>>) target_semaphore(%run_scoped3A_35 : memref<!tpu.dma_semaphore, #tpu.memory_space<semaphore_mem>>)
      %dma_wait3A = arith.constant 14080 : i32
      %dma_wait3A_43 = tpu.memref_slice %arg11[%dma_wait3A] : memref<20480xf32, #tpu.memory_space<vmem>> -> memref<1280xf32, #tpu.memory_space<vmem>>
      %dma_wait3A_44 = tpu.memref_slice %arg13[%run_scoped3A_24, %multiple_of3A] : memref<16x20480xf32, #tpu.memory_space<vmem_shared>> -> memref<1x1280xf32, #tpu.memory_space<vmem_shared>>
      %dma_wait3A_45 = tpu.memref_squeeze %dma_wait3A_44 : memref<1x1280xf32, #tpu.memory_space<vmem_shared>> -> memref<1280xf32, #tpu.memory_space<vmem_shared>>
      %dma_wait3A_46 = arith.constant 14080 : i32
      %dma_wait3A_47 = tpu.memref_slice %arg11[%dma_wait3A_46] : memref<20480xf32, #tpu.memory_space<vmem>> -> memref<1280xf32, #tpu.memory_space<vmem>>
      %dma_wait3A_48 = tpu.memref_slice %arg13[%run_scoped3A_24, %multiple_of3A] : memref<16x20480xf32, #tpu.memory_space<vmem_shared>> -> memref<1x1280xf32, #tpu.memory_space<vmem_shared>>
      %dma_wait3A_49 = tpu.memref_squeeze %dma_wait3A_48 : memref<1x1280xf32, #tpu.memory_space<vmem_shared>> -> memref<1280xf32, #tpu.memory_space<vmem_shared>>
      tpu.wait_dma2 semaphore(%run_scoped3A_35 : memref<!tpu.dma_semaphore, #tpu.memory_space<semaphore_mem>>) src(%dma_wait3A_49 : memref<1280xf32, #tpu.memory_space<vmem_shared>>) dst(%dma_wait3A_47 : memref<1280xf32, #tpu.memory_space<vmem>>)
      tpu.yield
    }) : () -> ()
    %run_scoped3A_25 = arith.constant 12 : i32
    "tpu.region"() ({
      %run_scoped3A_35 = tpu.sem_alloc : memref<!tpu.dma_semaphore, #tpu.memory_space<semaphore_mem>>
      %dma_start3A = arith.constant 15360 : i32
      %dma_start3A_36 = tpu.memref_slice %arg11[%dma_start3A] : memref<20480xf32, #tpu.memory_space<vmem>> -> memref<1280xf32, #tpu.memory_space<vmem>>
      %dma_start3A_37 = tpu.memref_slice %arg13[%run_scoped3A_25, %multiple_of3A] : memref<16x20480xf32, #tpu.memory_space<vmem_shared>> -> memref<1x1280xf32, #tpu.memory_space<vmem_shared>>
      %dma_start3A_38 = tpu.memref_squeeze %dma_start3A_37 : memref<1x1280xf32, #tpu.memory_space<vmem_shared>> -> memref<1280xf32, #tpu.memory_space<vmem_shared>>
      %dma_start3A_39 = arith.constant 15360 : i32
      %dma_start3A_40 = tpu.memref_slice %arg11[%dma_start3A_39] : memref<20480xf32, #tpu.memory_space<vmem>> -> memref<1280xf32, #tpu.memory_space<vmem>>
      %dma_start3A_41 = tpu.memref_slice %arg13[%run_scoped3A_25, %multiple_of3A] : memref<16x20480xf32, #tpu.memory_space<vmem_shared>> -> memref<1x1280xf32, #tpu.memory_space<vmem_shared>>
      %dma_start3A_42 = tpu.memref_squeeze %dma_start3A_41 : memref<1x1280xf32, #tpu.memory_space<vmem_shared>> -> memref<1280xf32, #tpu.memory_space<vmem_shared>>
      tpu.enqueue_dma source(%dma_start3A_42 : memref<1280xf32, #tpu.memory_space<vmem_shared>>) target(%dma_start3A_40 : memref<1280xf32, #tpu.memory_space<vmem>>) target_semaphore(%run_scoped3A_35 : memref<!tpu.dma_semaphore, #tpu.memory_space<semaphore_mem>>)
      %dma_wait3A = arith.constant 15360 : i32
      %dma_wait3A_43 = tpu.memref_slice %arg11[%dma_wait3A] : memref<20480xf32, #tpu.memory_space<vmem>> -> memref<1280xf32, #tpu.memory_space<vmem>>
      %dma_wait3A_44 = tpu.memref_slice %arg13[%run_scoped3A_25, %multiple_of3A] : memref<16x20480xf32, #tpu.memory_space<vmem_shared>> -> memref<1x1280xf32, #tpu.memory_space<vmem_shared>>
      %dma_wait3A_45 = tpu.memref_squeeze %dma_wait3A_44 : memref<1x1280xf32, #tpu.memory_space<vmem_shared>> -> memref<1280xf32, #tpu.memory_space<vmem_shared>>
      %dma_wait3A_46 = arith.constant 15360 : i32
      %dma_wait3A_47 = tpu.memref_slice %arg11[%dma_wait3A_46] : memref<20480xf32, #tpu.memory_space<vmem>> -> memref<1280xf32, #tpu.memory_space<vmem>>
      %dma_wait3A_48 = tpu.memref_slice %arg13[%run_scoped3A_25, %multiple_of3A] : memref<16x20480xf32, #tpu.memory_space<vmem_shared>> -> memref<1x1280xf32, #tpu.memory_space<vmem_shared>>
      %dma_wait3A_49 = tpu.memref_squeeze %dma_wait3A_48 : memref<1x1280xf32, #tpu.memory_space<vmem_shared>> -> memref<1280xf32, #tpu.memory_space<vmem_shared>>
      tpu.wait_dma2 semaphore(%run_scoped3A_35 : memref<!tpu.dma_semaphore, #tpu.memory_space<semaphore_mem>>) src(%dma_wait3A_49 : memref<1280xf32, #tpu.memory_space<vmem_shared>>) dst(%dma_wait3A_47 : memref<1280xf32, #tpu.memory_space<vmem>>)
      tpu.yield
    }) : () -> ()
    %run_scoped3A_26 = arith.constant 13 : i32
    "tpu.region"() ({
      %run_scoped3A_35 = tpu.sem_alloc : memref<!tpu.dma_semaphore, #tpu.memory_space<semaphore_mem>>
      %dma_start3A = arith.constant 16640 : i32
      %dma_start3A_36 = tpu.memref_slice %arg11[%dma_start3A] : memref<20480xf32, #tpu.memory_space<vmem>> -> memref<1280xf32, #tpu.memory_space<vmem>>
      %dma_start3A_37 = tpu.memref_slice %arg13[%run_scoped3A_26, %multiple_of3A] : memref<16x20480xf32, #tpu.memory_space<vmem_shared>> -> memref<1x1280xf32, #tpu.memory_space<vmem_shared>>
      %dma_start3A_38 = tpu.memref_squeeze %dma_start3A_37 : memref<1x1280xf32, #tpu.memory_space<vmem_shared>> -> memref<1280xf32, #tpu.memory_space<vmem_shared>>
      %dma_start3A_39 = arith.constant 16640 : i32
      %dma_start3A_40 = tpu.memref_slice %arg11[%dma_start3A_39] : memref<20480xf32, #tpu.memory_space<vmem>> -> memref<1280xf32, #tpu.memory_space<vmem>>
      %dma_start3A_41 = tpu.memref_slice %arg13[%run_scoped3A_26, %multiple_of3A] : memref<16x20480xf32, #tpu.memory_space<vmem_shared>> -> memref<1x1280xf32, #tpu.memory_space<vmem_shared>>
      %dma_start3A_42 = tpu.memref_squeeze %dma_start3A_41 : memref<1x1280xf32, #tpu.memory_space<vmem_shared>> -> memref<1280xf32, #tpu.memory_space<vmem_shared>>
      tpu.enqueue_dma source(%dma_start3A_42 : memref<1280xf32, #tpu.memory_space<vmem_shared>>) target(%dma_start3A_40 : memref<1280xf32, #tpu.memory_space<vmem>>) target_semaphore(%run_scoped3A_35 : memref<!tpu.dma_semaphore, #tpu.memory_space<semaphore_mem>>)
      %dma_wait3A = arith.constant 16640 : i32
      %dma_wait3A_43 = tpu.memref_slice %arg11[%dma_wait3A] : memref<20480xf32, #tpu.memory_space<vmem>> -> memref<1280xf32, #tpu.memory_space<vmem>>
      %dma_wait3A_44 = tpu.memref_slice %arg13[%run_scoped3A_26, %multiple_of3A] : memref<16x20480xf32, #tpu.memory_space<vmem_shared>> -> memref<1x1280xf32, #tpu.memory_space<vmem_shared>>
      %dma_wait3A_45 = tpu.memref_squeeze %dma_wait3A_44 : memref<1x1280xf32, #tpu.memory_space<vmem_shared>> -> memref<1280xf32, #tpu.memory_space<vmem_shared>>
      %dma_wait3A_46 = arith.constant 16640 : i32
      %dma_wait3A_47 = tpu.memref_slice %arg11[%dma_wait3A_46] : memref<20480xf32, #tpu.memory_space<vmem>> -> memref<1280xf32, #tpu.memory_space<vmem>>
      %dma_wait3A_48 = tpu.memref_slice %arg13[%run_scoped3A_26, %multiple_of3A] : memref<16x20480xf32, #tpu.memory_space<vmem_shared>> -> memref<1x1280xf32, #tpu.memory_space<vmem_shared>>
      %dma_wait3A_49 = tpu.memref_squeeze %dma_wait3A_48 : memref<1x1280xf32, #tpu.memory_space<vmem_shared>> -> memref<1280xf32, #tpu.memory_space<vmem_shared>>
      tpu.wait_dma2 semaphore(%run_scoped3A_35 : memref<!tpu.dma_semaphore, #tpu.memory_space<semaphore_mem>>) src(%dma_wait3A_49 : memref<1280xf32, #tpu.memory_space<vmem_shared>>) dst(%dma_wait3A_47 : memref<1280xf32, #tpu.memory_space<vmem>>)
      tpu.yield
    }) : () -> ()
    %run_scoped3A_27 = arith.constant 14 : i32
    "tpu.region"() ({
      %run_scoped3A_35 = tpu.sem_alloc : memref<!tpu.dma_semaphore, #tpu.memory_space<semaphore_mem>>
      %dma_start3A = arith.constant 17920 : i32
      %dma_start3A_36 = tpu.memref_slice %arg11[%dma_start3A] : memref<20480xf32, #tpu.memory_space<vmem>> -> memref<1280xf32, #tpu.memory_space<vmem>>
      %dma_start3A_37 = tpu.memref_slice %arg13[%run_scoped3A_27, %multiple_of3A] : memref<16x20480xf32, #tpu.memory_space<vmem_shared>> -> memref<1x1280xf32, #tpu.memory_space<vmem_shared>>
      %dma_start3A_38 = tpu.memref_squeeze %dma_start3A_37 : memref<1x1280xf32, #tpu.memory_space<vmem_shared>> -> memref<1280xf32, #tpu.memory_space<vmem_shared>>
      %dma_start3A_39 = arith.constant 17920 : i32
      %dma_start3A_40 = tpu.memref_slice %arg11[%dma_start3A_39] : memref<20480xf32, #tpu.memory_space<vmem>> -> memref<1280xf32, #tpu.memory_space<vmem>>
      %dma_start3A_41 = tpu.memref_slice %arg13[%run_scoped3A_27, %multiple_of3A] : memref<16x20480xf32, #tpu.memory_space<vmem_shared>> -> memref<1x1280xf32, #tpu.memory_space<vmem_shared>>
      %dma_start3A_42 = tpu.memref_squeeze %dma_start3A_41 : memref<1x1280xf32, #tpu.memory_space<vmem_shared>> -> memref<1280xf32, #tpu.memory_space<vmem_shared>>
      tpu.enqueue_dma source(%dma_start3A_42 : memref<1280xf32, #tpu.memory_space<vmem_shared>>) target(%dma_start3A_40 : memref<1280xf32, #tpu.memory_space<vmem>>) target_semaphore(%run_scoped3A_35 : memref<!tpu.dma_semaphore, #tpu.memory_space<semaphore_mem>>)
      %dma_wait3A = arith.constant 17920 : i32
      %dma_wait3A_43 = tpu.memref_slice %arg11[%dma_wait3A] : memref<20480xf32, #tpu.memory_space<vmem>> -> memref<1280xf32, #tpu.memory_space<vmem>>
      %dma_wait3A_44 = tpu.memref_slice %arg13[%run_scoped3A_27, %multiple_of3A] : memref<16x20480xf32, #tpu.memory_space<vmem_shared>> -> memref<1x1280xf32, #tpu.memory_space<vmem_shared>>
      %dma_wait3A_45 = tpu.memref_squeeze %dma_wait3A_44 : memref<1x1280xf32, #tpu.memory_space<vmem_shared>> -> memref<1280xf32, #tpu.memory_space<vmem_shared>>
      %dma_wait3A_46 = arith.constant 17920 : i32
      %dma_wait3A_47 = tpu.memref_slice %arg11[%dma_wait3A_46] : memref<20480xf32, #tpu.memory_space<vmem>> -> memref<1280xf32, #tpu.memory_space<vmem>>
      %dma_wait3A_48 = tpu.memref_slice %arg13[%run_scoped3A_27, %multiple_of3A] : memref<16x20480xf32, #tpu.memory_space<vmem_shared>> -> memref<1x1280xf32, #tpu.memory_space<vmem_shared>>
      %dma_wait3A_49 = tpu.memref_squeeze %dma_wait3A_48 : memref<1x1280xf32, #tpu.memory_space<vmem_shared>> -> memref<1280xf32, #tpu.memory_space<vmem_shared>>
      tpu.wait_dma2 semaphore(%run_scoped3A_35 : memref<!tpu.dma_semaphore, #tpu.memory_space<semaphore_mem>>) src(%dma_wait3A_49 : memref<1280xf32, #tpu.memory_space<vmem_shared>>) dst(%dma_wait3A_47 : memref<1280xf32, #tpu.memory_space<vmem>>)
      tpu.yield
    }) : () -> ()
    %run_scoped3A_28 = arith.constant 15 : i32
    "tpu.region"() ({
      %run_scoped3A_35 = tpu.sem_alloc : memref<!tpu.dma_semaphore, #tpu.memory_space<semaphore_mem>>
      %dma_start3A = arith.constant 19200 : i32
      %dma_start3A_36 = tpu.memref_slice %arg11[%dma_start3A] : memref<20480xf32, #tpu.memory_space<vmem>> -> memref<1280xf32, #tpu.memory_space<vmem>>
      %dma_start3A_37 = tpu.memref_slice %arg13[%run_scoped3A_28, %multiple_of3A] : memref<16x20480xf32, #tpu.memory_space<vmem_shared>> -> memref<1x1280xf32, #tpu.memory_space<vmem_shared>>
      %dma_start3A_38 = tpu.memref_squeeze %dma_start3A_37 : memref<1x1280xf32, #tpu.memory_space<vmem_shared>> -> memref<1280xf32, #tpu.memory_space<vmem_shared>>
      %dma_start3A_39 = arith.constant 19200 : i32
      %dma_start3A_40 = tpu.memref_slice %arg11[%dma_start3A_39] : memref<20480xf32, #tpu.memory_space<vmem>> -> memref<1280xf32, #tpu.memory_space<vmem>>
      %dma_start3A_41 = tpu.memref_slice %arg13[%run_scoped3A_28, %multiple_of3A] : memref<16x20480xf32, #tpu.memory_space<vmem_shared>> -> memref<1x1280xf32, #tpu.memory_space<vmem_shared>>
      %dma_start3A_42 = tpu.memref_squeeze %dma_start3A_41 : memref<1x1280xf32, #tpu.memory_space<vmem_shared>> -> memref<1280xf32, #tpu.memory_space<vmem_shared>>
      tpu.enqueue_dma source(%dma_start3A_42 : memref<1280xf32, #tpu.memory_space<vmem_shared>>) target(%dma_start3A_40 : memref<1280xf32, #tpu.memory_space<vmem>>) target_semaphore(%run_scoped3A_35 : memref<!tpu.dma_semaphore, #tpu.memory_space<semaphore_mem>>)
      %dma_wait3A = arith.constant 19200 : i32
      %dma_wait3A_43 = tpu.memref_slice %arg11[%dma_wait3A] : memref<20480xf32, #tpu.memory_space<vmem>> -> memref<1280xf32, #tpu.memory_space<vmem>>
      %dma_wait3A_44 = tpu.memref_slice %arg13[%run_scoped3A_28, %multiple_of3A] : memref<16x20480xf32, #tpu.memory_space<vmem_shared>> -> memref<1x1280xf32, #tpu.memory_space<vmem_shared>>
      %dma_wait3A_45 = tpu.memref_squeeze %dma_wait3A_44 : memref<1x1280xf32, #tpu.memory_space<vmem_shared>> -> memref<1280xf32, #tpu.memory_space<vmem_shared>>
      %dma_wait3A_46 = arith.constant 19200 : i32
      %dma_wait3A_47 = tpu.memref_slice %arg11[%dma_wait3A_46] : memref<20480xf32, #tpu.memory_space<vmem>> -> memref<1280xf32, #tpu.memory_space<vmem>>
      %dma_wait3A_48 = tpu.memref_slice %arg13[%run_scoped3A_28, %multiple_of3A] : memref<16x20480xf32, #tpu.memory_space<vmem_shared>> -> memref<1x1280xf32, #tpu.memory_space<vmem_shared>>
      %dma_wait3A_49 = tpu.memref_squeeze %dma_wait3A_48 : memref<1x1280xf32, #tpu.memory_space<vmem_shared>> -> memref<1280xf32, #tpu.memory_space<vmem_shared>>
      tpu.wait_dma2 semaphore(%run_scoped3A_35 : memref<!tpu.dma_semaphore, #tpu.memory_space<semaphore_mem>>) src(%dma_wait3A_49 : memref<1280xf32, #tpu.memory_space<vmem_shared>>) dst(%dma_wait3A_47 : memref<1280xf32, #tpu.memory_space<vmem>>)
      tpu.yield
    }) : () -> ()
    %scan3A_29 = arith.constant 0 : i32
    %scan3A_30 = arith.constant 0 : i32
    %scan3A_31 = arith.constant 80 : i32
    %scan3A_32 = arith.addi %scan3A_30, %scan3A_31 : i32
    %scan3A_33 = arith.constant 1 : i32
    scf.for %scan3A_35 = %scan3A_30 to %scan3A_32 step %scan3A_33  : i32 {
      %mul3A_36 = arith.constant 16 : i32
      %mul3A_37 = arith.muli %scan3A_35, %mul3A_36 : i32
      %get3A = arith.index_cast %mul3A_37 : i32 to index
      %get3A_38 = tpu.vector_load %arg11[%get3A] {strides = array<i32>} : memref<20480xf32, #tpu.memory_space<vmem>>, vector<16xf32>,
      %mul3A_39 = arith.constant 16 : i32
      %mul3A_40 = arith.muli %scan3A_35, %mul3A_39 : i32
      %add3A_41 = arith.constant 1280 : i32
      %add3A_42 = arith.addi %add3A_41, %mul3A_40 : i32
      %get3A_43 = arith.index_cast %add3A_42 : i32 to index
      %get3A_44 = tpu.vector_load %arg11[%get3A_43] {strides = array<i32>} : memref<20480xf32, #tpu.memory_space<vmem>>, vector<16xf32>,
      %add3A_45 = arith.addf %get3A_38, %get3A_44 : vector<16xf32>
      %mul3A_46 = arith.constant 16 : i32
      %mul3A_47 = arith.muli %scan3A_35, %mul3A_46 : i32
      %add3A_48 = arith.constant 2560 : i32
      %add3A_49 = arith.addi %add3A_48, %mul3A_47 : i32
      %get3A_50 = arith.index_cast %add3A_49 : i32 to index
      %get3A_51 = tpu.vector_load %arg11[%get3A_50] {strides = array<i32>} : memref<20480xf32, #tpu.memory_space<vmem>>, vector<16xf32>,
      %add3A_52 = arith.addf %add3A_45, %get3A_51 : vector<16xf32>
      %mul3A_53 = arith.constant 16 : i32
      %mul3A_54 = arith.muli %scan3A_35, %mul3A_53 : i32
      %add3A_55 = arith.constant 3840 : i32
      %add3A_56 = arith.addi %add3A_55, %mul3A_54 : i32
      %get3A_57 = arith.index_cast %add3A_56 : i32 to index
      %get3A_58 = tpu.vector_load %arg11[%get3A_57] {strides = array<i32>} : memref<20480xf32, #tpu.memory_space<vmem>>, vector<16xf32>,
      %add3A_59 = arith.addf %add3A_52, %get3A_58 : vector<16xf32>
      %mul3A_60 = arith.constant 16 : i32
      %mul3A_61 = arith.muli %scan3A_35, %mul3A_60 : i32
      %add3A_62 = arith.constant 5120 : i32
      %add3A_63 = arith.addi %add3A_62, %mul3A_61 : i32
      %get3A_64 = arith.index_cast %add3A_63 : i32 to index
      %get3A_65 = tpu.vector_load %arg11[%get3A_64] {strides = array<i32>} : memref<20480xf32, #tpu.memory_space<vmem>>, vector<16xf32>,
      %add3A_66 = arith.addf %add3A_59, %get3A_65 : vector<16xf32>
      %mul3A_67 = arith.constant 16 : i32
      %mul3A_68 = arith.muli %scan3A_35, %mul3A_67 : i32
      %add3A_69 = arith.constant 6400 : i32
      %add3A_70 = arith.addi %add3A_69, %mul3A_68 : i32
      %get3A_71 = arith.index_cast %add3A_70 : i32 to index
      %get3A_72 = tpu.vector_load %arg11[%get3A_71] {strides = array<i32>} : memref<20480xf32, #tpu.memory_space<vmem>>, vector<16xf32>,
      %add3A_73 = arith.addf %add3A_66, %get3A_72 : vector<16xf32>
      %mul3A_74 = arith.constant 16 : i32
      %mul3A_75 = arith.muli %scan3A_35, %mul3A_74 : i32
      %add3A_76 = arith.constant 7680 : i32
      %add3A_77 = arith.addi %add3A_76, %mul3A_75 : i32
      %get3A_78 = arith.index_cast %add3A_77 : i32 to index
      %get3A_79 = tpu.vector_load %arg11[%get3A_78] {strides = array<i32>} : memref<20480xf32, #tpu.memory_space<vmem>>, vector<16xf32>,
      %add3A_80 = arith.addf %add3A_73, %get3A_79 : vector<16xf32>
      %mul3A_81 = arith.constant 16 : i32
      %mul3A_82 = arith.muli %scan3A_35, %mul3A_81 : i32
      %add3A_83 = arith.constant 8960 : i32
      %add3A_84 = arith.addi %add3A_83, %mul3A_82 : i32
      %get3A_85 = arith.index_cast %add3A_84 : i32 to index
      %get3A_86 = tpu.vector_load %arg11[%get3A_85] {strides = array<i32>} : memref<20480xf32, #tpu.memory_space<vmem>>, vector<16xf32>,
      %add3A_87 = arith.addf %add3A_80, %get3A_86 : vector<16xf32>
      %mul3A_88 = arith.constant 16 : i32
      %mul3A_89 = arith.muli %scan3A_35, %mul3A_88 : i32
      %add3A_90 = arith.constant 10240 : i32
      %add3A_91 = arith.addi %add3A_90, %mul3A_89 : i32
      %get3A_92 = arith.index_cast %add3A_91 : i32 to index
      %get3A_93 = tpu.vector_load %arg11[%get3A_92] {strides = array<i32>} : memref<20480xf32, #tpu.memory_space<vmem>>, vector<16xf32>,
      %add3A_94 = arith.addf %add3A_87, %get3A_93 : vector<16xf32>
      %mul3A_95 = arith.constant 16 : i32
      %mul3A_96 = arith.muli %scan3A_35, %mul3A_95 : i32
      %add3A_97 = arith.constant 11520 : i32
      %add3A_98 = arith.addi %add3A_97, %mul3A_96 : i32
      %get3A_99 = arith.index_cast %add3A_98 : i32 to index
      %get3A_100 = tpu.vector_load %arg11[%get3A_99] {strides = array<i32>} : memref<20480xf32, #tpu.memory_space<vmem>>, vector<16xf32>,
      %add3A_101 = arith.addf %add3A_94, %get3A_100 : vector<16xf32>
      %mul3A_102 = arith.constant 16 : i32
      %mul3A_103 = arith.muli %scan3A_35, %mul3A_102 : i32
      %add3A_104 = arith.constant 12800 : i32
      %add3A_105 = arith.addi %add3A_104, %mul3A_103 : i32
      %get3A_106 = arith.index_cast %add3A_105 : i32 to index
      %get3A_107 = tpu.vector_load %arg11[%get3A_106] {strides = array<i32>} : memref<20480xf32, #tpu.memory_space<vmem>>, vector<16xf32>,
      %add3A_108 = arith.addf %add3A_101, %get3A_107 : vector<16xf32>
      %mul3A_109 = arith.constant 16 : i32
      %mul3A_110 = arith.muli %scan3A_35, %mul3A_109 : i32
      %add3A_111 = arith.constant 14080 : i32
      %add3A_112 = arith.addi %add3A_111, %mul3A_110 : i32
      %get3A_113 = arith.index_cast %add3A_112 : i32 to index
      %get3A_114 = tpu.vector_load %arg11[%get3A_113] {strides = array<i32>} : memref<20480xf32, #tpu.memory_space<vmem>>, vector<16xf32>,
      %add3A_115 = arith.addf %add3A_108, %get3A_114 : vector<16xf32>
      %mul3A_116 = arith.constant 16 : i32
      %mul3A_117 = arith.muli %scan3A_35, %mul3A_116 : i32
      %add3A_118 = arith.constant 15360 : i32
      %add3A_119 = arith.addi %add3A_118, %mul3A_117 : i32
      %get3A_120 = arith.index_cast %add3A_119 : i32 to index
      %get3A_121 = tpu.vector_load %arg11[%get3A_120] {strides = array<i32>} : memref<20480xf32, #tpu.memory_space<vmem>>, vector<16xf32>,
      %add3A_122 = arith.addf %add3A_115, %get3A_121 : vector<16xf32>
      %mul3A_123 = arith.constant 16 : i32
      %mul3A_124 = arith.muli %scan3A_35, %mul3A_123 : i32
      %add3A_125 = arith.constant 16640 : i32
      %add3A_126 = arith.addi %add3A_125, %mul3A_124 : i32
      %get3A_127 = arith.index_cast %add3A_126 : i32 to index
      %get3A_128 = tpu.vector_load %arg11[%get3A_127] {strides = array<i32>} : memref<20480xf32, #tpu.memory_space<vmem>>, vector<16xf32>,
      %add3A_129 = arith.addf %add3A_122, %get3A_128 : vector<16xf32>
      %mul3A_130 = arith.constant 16 : i32
      %mul3A_131 = arith.muli %scan3A_35, %mul3A_130 : i32
      %add3A_132 = arith.constant 17920 : i32
      %add3A_133 = arith.addi %add3A_132, %mul3A_131 : i32
      %get3A_134 = arith.index_cast %add3A_133 : i32 to index
      %get3A_135 = tpu.vector_load %arg11[%get3A_134] {strides = array<i32>} : memref<20480xf32, #tpu.memory_space<vmem>>, vector<16xf32>,
      %add3A_136 = arith.addf %add3A_129, %get3A_135 : vector<16xf32>
      %mul3A_137 = arith.constant 16 : i32
      %mul3A_138 = arith.muli %scan3A_35, %mul3A_137 : i32
      %add3A_139 = arith.constant 19200 : i32
      %add3A_140 = arith.addi %add3A_139, %mul3A_138 : i32
      %get3A_141 = arith.index_cast %add3A_140 : i32 to index
      %get3A_142 = tpu.vector_load %arg11[%get3A_141] {strides = array<i32>} : memref<20480xf32, #tpu.memory_space<vmem>>, vector<16xf32>,
      %add3A_143 = arith.addf %add3A_136, %get3A_142 : vector<16xf32>
      %mul3A_144 = arith.constant 16 : i32
      %mul3A_145 = arith.muli %scan3A_35, %mul3A_144 : i32
      %swap3A = arith.index_cast %mul3A_145 : i32 to index
      %swap3A_146 = tpu.vector_load %arg12[%swap3A] {strides = array<i32>} : memref<1280xf32, #tpu.memory_space<vmem>>, vector<16xf32>,
      tpu.vector_store %arg12[%swap3A], %add3A_143 {strides = array<i32>} : memref<1280xf32, #tpu.memory_space<vmem>>, vector<16xf32>,
    }
    %scan3A_34 = arith.constant 80 : i32
    "tpu.region"() ({
      %run_scoped3A_35 = tpu.sem_alloc : memref<!tpu.dma_semaphore, #tpu.memory_space<semaphore_mem>>
      %dma_start3A = tpu.memref_slice %arg6[%arg0, %multiple_of3A] : memref<2x20480xf32, #tpu.memory_space<hbm>> -> memref<1x1280xf32, #tpu.memory_space<hbm>>
      %dma_start3A_36 = tpu.memref_squeeze %dma_start3A : memref<1x1280xf32, #tpu.memory_space<hbm>> -> memref<1280xf32, #tpu.memory_space<hbm>>
      %dma_start3A_37 = tpu.memref_slice %arg6[%arg0, %multiple_of3A] : memref<2x20480xf32, #tpu.memory_space<hbm>> -> memref<1x1280xf32, #tpu.memory_space<hbm>>
      %dma_start3A_38 = tpu.memref_squeeze %dma_start3A_37 : memref<1x1280xf32, #tpu.memory_space<hbm>> -> memref<1280xf32, #tpu.memory_space<hbm>>
      tpu.enqueue_dma source(%arg12 : memref<1280xf32, #tpu.memory_space<vmem>>) target(%dma_start3A_38 : memref<1280xf32, #tpu.memory_space<hbm>>) target_semaphore(%run_scoped3A_35 : memref<!tpu.dma_semaphore, #tpu.memory_space<semaphore_mem>>)
      %dma_wait3A = tpu.memref_slice %arg6[%arg0, %multiple_of3A] : memref<2x20480xf32, #tpu.memory_space<hbm>> -> memref<1x1280xf32, #tpu.memory_space<hbm>>
      %dma_wait3A_39 = tpu.memref_squeeze %dma_wait3A : memref<1x1280xf32, #tpu.memory_space<hbm>> -> memref<1280xf32, #tpu.memory_space<hbm>>
      %dma_wait3A_40 = tpu.memref_slice %arg6[%arg0, %multiple_of3A] : memref<2x20480xf32, #tpu.memory_space<hbm>> -> memref<1x1280xf32, #tpu.memory_space<hbm>>
      %dma_wait3A_41 = tpu.memref_squeeze %dma_wait3A_40 : memref<1x1280xf32, #tpu.memory_space<hbm>> -> memref<1280xf32, #tpu.memory_space<hbm>>
      tpu.wait_dma2 semaphore(%run_scoped3A_35 : memref<!tpu.dma_semaphore, #tpu.memory_space<semaphore_mem>>) src(%arg12 : memref<1280xf32, #tpu.memory_space<vmem>>) dst(%dma_wait3A_41 : memref<1280xf32, #tpu.memory_space<hbm>>)
      tpu.yield
    }) : () -> ()
    return
  }
}

#map = affine_map<(d0, d1) -> (0, 0)>
#map1 = affine_map<(d0, d1) -> (0)>
module attributes {stable_mosaic.version = 14 : i64} {
  func.func @run(%arg0: i32, %arg1: i32, %arg2: memref<2x320000xi32, #tpu.memory_space<hbm>>, %arg3: memref<2x10240xf32, #tpu.memory_space<hbm>>, %arg4: memref<325632xi32, #tpu.memory_space<hbm>>, %arg5: memref<325632xi32, #tpu.memory_space<hbm>>, %arg6: memref<10176xi32, #tpu.memory_space<vmem>>, %arg7: memref<10176xi32, #tpu.memory_space<vmem>>, %arg8: memref<10240xf32, #tpu.memory_space<vmem>>, %arg9: memref<10240xf32, #tpu.memory_space<vmem>>, %arg10: memref<640xf32, #tpu.memory_space<vmem>>, %arg11: memref<16x10240xf32, #tpu.memory_space<vmem_shared>>) attributes {dimension_semantics = [#tpu.dimension_semantics<core_parallel>, #tpu.dimension_semantics<subcore_parallel>], iteration_bounds = array<i64: 2, 16>, scalar_prefetch = 0 : i64, scratch_operands = 6 : i64, tpu.core_type = #tpu.core_type<sc_vector_subcore>, window_params = [{transform_indices = #map}, {transform_indices = #map}, {transform_indices = #map1}, {transform_indices = #map1}]} {
    %mul3A = arith.constant 16 : i32
    %mul3A_0 = arith.muli %arg0, %mul3A : i32
    %add3A = arith.addi %mul3A_0, %arg1 : i32
    %mul3A_1 = arith.constant 10000 : i32
    %mul3A_2 = arith.muli %add3A, %mul3A_1 : i32
    %run_scoped3A = arith.constant 0 : i32
    "tpu.region"() ({
      %run_scoped3A_93 = tpu.sem_alloc : memref<!tpu.dma_semaphore, #tpu.memory_space<semaphore_mem>>
      %dma_start3A = arith.constant 0 : i32
      %dma_start3A_94 = tpu.memref_slice %arg6[%dma_start3A] : memref<10176xi32, #tpu.memory_space<vmem>> -> memref<10000xi32, #tpu.memory_space<vmem>>
      %dma_start3A_95 = tpu.memref_slice %arg2[%run_scoped3A, %mul3A_2] : memref<2x320000xi32, #tpu.memory_space<hbm>> -> memref<1x10000xi32, #tpu.memory_space<hbm>>
      %dma_start3A_96 = tpu.memref_squeeze %dma_start3A_95 : memref<1x10000xi32, #tpu.memory_space<hbm>> -> memref<10000xi32, #tpu.memory_space<hbm>>
      %dma_start3A_97 = arith.constant 0 : i32
      %dma_start3A_98 = tpu.memref_slice %arg6[%dma_start3A_97] : memref<10176xi32, #tpu.memory_space<vmem>> -> memref<10000xi32, #tpu.memory_space<vmem>>
      %dma_start3A_99 = tpu.memref_slice %arg2[%run_scoped3A, %mul3A_2] : memref<2x320000xi32, #tpu.memory_space<hbm>> -> memref<1x10000xi32, #tpu.memory_space<hbm>>
      %dma_start3A_100 = tpu.memref_squeeze %dma_start3A_99 : memref<1x10000xi32, #tpu.memory_space<hbm>> -> memref<10000xi32, #tpu.memory_space<hbm>>
      tpu.enqueue_dma source(%dma_start3A_100 : memref<10000xi32, #tpu.memory_space<hbm>>) target(%dma_start3A_98 : memref<10000xi32, #tpu.memory_space<vmem>>) target_semaphore(%run_scoped3A_93 : memref<!tpu.dma_semaphore, #tpu.memory_space<semaphore_mem>>)
      %dma_wait3A = arith.constant 0 : i32
      %dma_wait3A_101 = tpu.memref_slice %arg6[%dma_wait3A] : memref<10176xi32, #tpu.memory_space<vmem>> -> memref<10000xi32, #tpu.memory_space<vmem>>
      %dma_wait3A_102 = tpu.memref_slice %arg2[%run_scoped3A, %mul3A_2] : memref<2x320000xi32, #tpu.memory_space<hbm>> -> memref<1x10000xi32, #tpu.memory_space<hbm>>
      %dma_wait3A_103 = tpu.memref_squeeze %dma_wait3A_102 : memref<1x10000xi32, #tpu.memory_space<hbm>> -> memref<10000xi32, #tpu.memory_space<hbm>>
      %dma_wait3A_104 = arith.constant 0 : i32
      %dma_wait3A_105 = tpu.memref_slice %arg6[%dma_wait3A_104] : memref<10176xi32, #tpu.memory_space<vmem>> -> memref<10000xi32, #tpu.memory_space<vmem>>
      %dma_wait3A_106 = tpu.memref_slice %arg2[%run_scoped3A, %mul3A_2] : memref<2x320000xi32, #tpu.memory_space<hbm>> -> memref<1x10000xi32, #tpu.memory_space<hbm>>
      %dma_wait3A_107 = tpu.memref_squeeze %dma_wait3A_106 : memref<1x10000xi32, #tpu.memory_space<hbm>> -> memref<10000xi32, #tpu.memory_space<hbm>>
      tpu.wait_dma2 semaphore(%run_scoped3A_93 : memref<!tpu.dma_semaphore, #tpu.memory_space<semaphore_mem>>) src(%dma_wait3A_107 : memref<10000xi32, #tpu.memory_space<hbm>>) dst(%dma_wait3A_105 : memref<10000xi32, #tpu.memory_space<vmem>>)
      tpu.yield
    }) : () -> ()
    %mul3A_3 = arith.constant 10000 : i32
    %mul3A_4 = arith.muli %add3A, %mul3A_3 : i32
    %run_scoped3A_5 = arith.constant 1 : i32
    "tpu.region"() ({
      %run_scoped3A_93 = tpu.sem_alloc : memref<!tpu.dma_semaphore, #tpu.memory_space<semaphore_mem>>
      %dma_start3A = arith.constant 0 : i32
      %dma_start3A_94 = tpu.memref_slice %arg7[%dma_start3A] : memref<10176xi32, #tpu.memory_space<vmem>> -> memref<10000xi32, #tpu.memory_space<vmem>>
      %dma_start3A_95 = tpu.memref_slice %arg2[%run_scoped3A_5, %mul3A_4] : memref<2x320000xi32, #tpu.memory_space<hbm>> -> memref<1x10000xi32, #tpu.memory_space<hbm>>
      %dma_start3A_96 = tpu.memref_squeeze %dma_start3A_95 : memref<1x10000xi32, #tpu.memory_space<hbm>> -> memref<10000xi32, #tpu.memory_space<hbm>>
      %dma_start3A_97 = arith.constant 0 : i32
      %dma_start3A_98 = tpu.memref_slice %arg7[%dma_start3A_97] : memref<10176xi32, #tpu.memory_space<vmem>> -> memref<10000xi32, #tpu.memory_space<vmem>>
      %dma_start3A_99 = tpu.memref_slice %arg2[%run_scoped3A_5, %mul3A_4] : memref<2x320000xi32, #tpu.memory_space<hbm>> -> memref<1x10000xi32, #tpu.memory_space<hbm>>
      %dma_start3A_100 = tpu.memref_squeeze %dma_start3A_99 : memref<1x10000xi32, #tpu.memory_space<hbm>> -> memref<10000xi32, #tpu.memory_space<hbm>>
      tpu.enqueue_dma source(%dma_start3A_100 : memref<10000xi32, #tpu.memory_space<hbm>>) target(%dma_start3A_98 : memref<10000xi32, #tpu.memory_space<vmem>>) target_semaphore(%run_scoped3A_93 : memref<!tpu.dma_semaphore, #tpu.memory_space<semaphore_mem>>)
      %dma_wait3A = arith.constant 0 : i32
      %dma_wait3A_101 = tpu.memref_slice %arg7[%dma_wait3A] : memref<10176xi32, #tpu.memory_space<vmem>> -> memref<10000xi32, #tpu.memory_space<vmem>>
      %dma_wait3A_102 = tpu.memref_slice %arg2[%run_scoped3A_5, %mul3A_4] : memref<2x320000xi32, #tpu.memory_space<hbm>> -> memref<1x10000xi32, #tpu.memory_space<hbm>>
      %dma_wait3A_103 = tpu.memref_squeeze %dma_wait3A_102 : memref<1x10000xi32, #tpu.memory_space<hbm>> -> memref<10000xi32, #tpu.memory_space<hbm>>
      %dma_wait3A_104 = arith.constant 0 : i32
      %dma_wait3A_105 = tpu.memref_slice %arg7[%dma_wait3A_104] : memref<10176xi32, #tpu.memory_space<vmem>> -> memref<10000xi32, #tpu.memory_space<vmem>>
      %dma_wait3A_106 = tpu.memref_slice %arg2[%run_scoped3A_5, %mul3A_4] : memref<2x320000xi32, #tpu.memory_space<hbm>> -> memref<1x10000xi32, #tpu.memory_space<hbm>>
      %dma_wait3A_107 = tpu.memref_squeeze %dma_wait3A_106 : memref<1x10000xi32, #tpu.memory_space<hbm>> -> memref<10000xi32, #tpu.memory_space<hbm>>
      tpu.wait_dma2 semaphore(%run_scoped3A_93 : memref<!tpu.dma_semaphore, #tpu.memory_space<semaphore_mem>>) src(%dma_wait3A_107 : memref<10000xi32, #tpu.memory_space<hbm>>) dst(%dma_wait3A_105 : memref<10000xi32, #tpu.memory_space<vmem>>)
      tpu.yield
    }) : () -> ()
    %broadcast_in_dim3A = arith.constant 10239 : i32
    %broadcast_in_dim3A_6 = vector.broadcast %broadcast_in_dim3A : i32 to vector<16xi32>
    %swap3A = arith.constant 10000 : index
    %swap3A_7 = tpu.vector_load %arg6[%swap3A] {strides = array<i32>} : memref<10176xi32, #tpu.memory_space<vmem>>, vector<16xi32>,
    tpu.vector_store %arg6[%swap3A], %broadcast_in_dim3A_6 {strides = array<i32>} : memref<10176xi32, #tpu.memory_space<vmem>>, vector<16xi32>,
    %swap3A_8 = arith.constant 10000 : index
    %swap3A_9 = tpu.vector_load %arg7[%swap3A_8] {strides = array<i32>} : memref<10176xi32, #tpu.memory_space<vmem>>, vector<16xi32>,
    tpu.vector_store %arg7[%swap3A_8], %broadcast_in_dim3A_6 {strides = array<i32>} : memref<10176xi32, #tpu.memory_space<vmem>>, vector<16xi32>,
    %swap3A_10 = arith.constant 10016 : index
    %swap3A_11 = tpu.vector_load %arg6[%swap3A_10] {strides = array<i32>} : memref<10176xi32, #tpu.memory_space<vmem>>, vector<16xi32>,
    tpu.vector_store %arg6[%swap3A_10], %broadcast_in_dim3A_6 {strides = array<i32>} : memref<10176xi32, #tpu.memory_space<vmem>>, vector<16xi32>,
    %swap3A_12 = arith.constant 10016 : index
    %swap3A_13 = tpu.vector_load %arg7[%swap3A_12] {strides = array<i32>} : memref<10176xi32, #tpu.memory_space<vmem>>, vector<16xi32>,
    tpu.vector_store %arg7[%swap3A_12], %broadcast_in_dim3A_6 {strides = array<i32>} : memref<10176xi32, #tpu.memory_space<vmem>>, vector<16xi32>,
    %swap3A_14 = arith.constant 10032 : index
    %swap3A_15 = tpu.vector_load %arg6[%swap3A_14] {strides = array<i32>} : memref<10176xi32, #tpu.memory_space<vmem>>, vector<16xi32>,
    tpu.vector_store %arg6[%swap3A_14], %broadcast_in_dim3A_6 {strides = array<i32>} : memref<10176xi32, #tpu.memory_space<vmem>>, vector<16xi32>,
    %swap3A_16 = arith.constant 10032 : index
    %swap3A_17 = tpu.vector_load %arg7[%swap3A_16] {strides = array<i32>} : memref<10176xi32, #tpu.memory_space<vmem>>, vector<16xi32>,
    tpu.vector_store %arg7[%swap3A_16], %broadcast_in_dim3A_6 {strides = array<i32>} : memref<10176xi32, #tpu.memory_space<vmem>>, vector<16xi32>,
    %swap3A_18 = arith.constant 10048 : index
    %swap3A_19 = tpu.vector_load %arg6[%swap3A_18] {strides = array<i32>} : memref<10176xi32, #tpu.memory_space<vmem>>, vector<16xi32>,
    tpu.vector_store %arg6[%swap3A_18], %broadcast_in_dim3A_6 {strides = array<i32>} : memref<10176xi32, #tpu.memory_space<vmem>>, vector<16xi32>,
    %swap3A_20 = arith.constant 10048 : index
    %swap3A_21 = tpu.vector_load %arg7[%swap3A_20] {strides = array<i32>} : memref<10176xi32, #tpu.memory_space<vmem>>, vector<16xi32>,
    tpu.vector_store %arg7[%swap3A_20], %broadcast_in_dim3A_6 {strides = array<i32>} : memref<10176xi32, #tpu.memory_space<vmem>>, vector<16xi32>,
    %swap3A_22 = arith.constant 10064 : index
    %swap3A_23 = tpu.vector_load %arg6[%swap3A_22] {strides = array<i32>} : memref<10176xi32, #tpu.memory_space<vmem>>, vector<16xi32>,
    tpu.vector_store %arg6[%swap3A_22], %broadcast_in_dim3A_6 {strides = array<i32>} : memref<10176xi32, #tpu.memory_space<vmem>>, vector<16xi32>,
    %swap3A_24 = arith.constant 10064 : index
    %swap3A_25 = tpu.vector_load %arg7[%swap3A_24] {strides = array<i32>} : memref<10176xi32, #tpu.memory_space<vmem>>, vector<16xi32>,
    tpu.vector_store %arg7[%swap3A_24], %broadcast_in_dim3A_6 {strides = array<i32>} : memref<10176xi32, #tpu.memory_space<vmem>>, vector<16xi32>,
    %swap3A_26 = arith.constant 10080 : index
    %swap3A_27 = tpu.vector_load %arg6[%swap3A_26] {strides = array<i32>} : memref<10176xi32, #tpu.memory_space<vmem>>, vector<16xi32>,
    tpu.vector_store %arg6[%swap3A_26], %broadcast_in_dim3A_6 {strides = array<i32>} : memref<10176xi32, #tpu.memory_space<vmem>>, vector<16xi32>,
    %swap3A_28 = arith.constant 10080 : index
    %swap3A_29 = tpu.vector_load %arg7[%swap3A_28] {strides = array<i32>} : memref<10176xi32, #tpu.memory_space<vmem>>, vector<16xi32>,
    tpu.vector_store %arg7[%swap3A_28], %broadcast_in_dim3A_6 {strides = array<i32>} : memref<10176xi32, #tpu.memory_space<vmem>>, vector<16xi32>,
    %swap3A_30 = arith.constant 10096 : index
    %swap3A_31 = tpu.vector_load %arg6[%swap3A_30] {strides = array<i32>} : memref<10176xi32, #tpu.memory_space<vmem>>, vector<16xi32>,
    tpu.vector_store %arg6[%swap3A_30], %broadcast_in_dim3A_6 {strides = array<i32>} : memref<10176xi32, #tpu.memory_space<vmem>>, vector<16xi32>,
    %swap3A_32 = arith.constant 10096 : index
    %swap3A_33 = tpu.vector_load %arg7[%swap3A_32] {strides = array<i32>} : memref<10176xi32, #tpu.memory_space<vmem>>, vector<16xi32>,
    tpu.vector_store %arg7[%swap3A_32], %broadcast_in_dim3A_6 {strides = array<i32>} : memref<10176xi32, #tpu.memory_space<vmem>>, vector<16xi32>,
    %swap3A_34 = arith.constant 10112 : index
    %swap3A_35 = tpu.vector_load %arg6[%swap3A_34] {strides = array<i32>} : memref<10176xi32, #tpu.memory_space<vmem>>, vector<16xi32>,
    tpu.vector_store %arg6[%swap3A_34], %broadcast_in_dim3A_6 {strides = array<i32>} : memref<10176xi32, #tpu.memory_space<vmem>>, vector<16xi32>,
    %swap3A_36 = arith.constant 10112 : index
    %swap3A_37 = tpu.vector_load %arg7[%swap3A_36] {strides = array<i32>} : memref<10176xi32, #tpu.memory_space<vmem>>, vector<16xi32>,
    tpu.vector_store %arg7[%swap3A_36], %broadcast_in_dim3A_6 {strides = array<i32>} : memref<10176xi32, #tpu.memory_space<vmem>>, vector<16xi32>,
    %swap3A_38 = arith.constant 10128 : index
    %swap3A_39 = tpu.vector_load %arg6[%swap3A_38] {strides = array<i32>} : memref<10176xi32, #tpu.memory_space<vmem>>, vector<16xi32>,
    tpu.vector_store %arg6[%swap3A_38], %broadcast_in_dim3A_6 {strides = array<i32>} : memref<10176xi32, #tpu.memory_space<vmem>>, vector<16xi32>,
    %swap3A_40 = arith.constant 10128 : index
    %swap3A_41 = tpu.vector_load %arg7[%swap3A_40] {strides = array<i32>} : memref<10176xi32, #tpu.memory_space<vmem>>, vector<16xi32>,
    tpu.vector_store %arg7[%swap3A_40], %broadcast_in_dim3A_6 {strides = array<i32>} : memref<10176xi32, #tpu.memory_space<vmem>>, vector<16xi32>,
    %swap3A_42 = arith.constant 10144 : index
    %swap3A_43 = tpu.vector_load %arg6[%swap3A_42] {strides = array<i32>} : memref<10176xi32, #tpu.memory_space<vmem>>, vector<16xi32>,
    tpu.vector_store %arg6[%swap3A_42], %broadcast_in_dim3A_6 {strides = array<i32>} : memref<10176xi32, #tpu.memory_space<vmem>>, vector<16xi32>,
    %swap3A_44 = arith.constant 10144 : index
    %swap3A_45 = tpu.vector_load %arg7[%swap3A_44] {strides = array<i32>} : memref<10176xi32, #tpu.memory_space<vmem>>, vector<16xi32>,
    tpu.vector_store %arg7[%swap3A_44], %broadcast_in_dim3A_6 {strides = array<i32>} : memref<10176xi32, #tpu.memory_space<vmem>>, vector<16xi32>,
    %swap3A_46 = arith.constant 10160 : index
    %swap3A_47 = tpu.vector_load %arg6[%swap3A_46] {strides = array<i32>} : memref<10176xi32, #tpu.memory_space<vmem>>, vector<16xi32>,
    tpu.vector_store %arg6[%swap3A_46], %broadcast_in_dim3A_6 {strides = array<i32>} : memref<10176xi32, #tpu.memory_space<vmem>>, vector<16xi32>,
    %swap3A_48 = arith.constant 10160 : index
    %swap3A_49 = tpu.vector_load %arg7[%swap3A_48] {strides = array<i32>} : memref<10176xi32, #tpu.memory_space<vmem>>, vector<16xi32>,
    tpu.vector_store %arg7[%swap3A_48], %broadcast_in_dim3A_6 {strides = array<i32>} : memref<10176xi32, #tpu.memory_space<vmem>>, vector<16xi32>,
    %broadcast_in_dim3A_50 = arith.constant 0.000000e+00 : f32
    %broadcast_in_dim3A_51 = vector.broadcast %broadcast_in_dim3A_50 : f32 to vector<16xf32>
    %scan3A = arith.constant 0 : i32
    %scan3A_52 = arith.constant 0 : i32
    %scan3A_53 = arith.constant 640 : i32
    %scan3A_54 = arith.addi %scan3A_52, %scan3A_53 : i32
    %scan3A_55 = arith.constant 1 : i32
    scf.for %scan3A_93 = %scan3A_52 to %scan3A_54 step %scan3A_55  : i32 {
      %mul3A_94 = arith.constant 16 : i32
      %mul3A_95 = arith.muli %scan3A_93, %mul3A_94 : i32
      %swap3A_96 = arith.index_cast %mul3A_95 : i32 to index
      %swap3A_97 = tpu.vector_load %arg8[%swap3A_96] {strides = array<i32>} : memref<10240xf32, #tpu.memory_space<vmem>>, vector<16xf32>,
      tpu.vector_store %arg8[%swap3A_96], %broadcast_in_dim3A_51 {strides = array<i32>} : memref<10240xf32, #tpu.memory_space<vmem>>, vector<16xf32>,
    }
    %scan3A_56 = arith.constant 640 : i32
    %broadcast_in_dim3A_57 = arith.constant 1.000000e+00 : f32
    %broadcast_in_dim3A_58 = vector.broadcast %broadcast_in_dim3A_57 : f32 to vector<16xf32>
    %scan3A_59 = arith.constant 0 : i32
    %scan3A_60 = arith.constant 0 : i32
    %scan3A_61 = arith.constant 636 : i32
    %scan3A_62 = arith.addi %scan3A_60, %scan3A_61 : i32
    %scan3A_63 = arith.constant 1 : i32
    scf.for %scan3A_93 = %scan3A_60 to %scan3A_62 step %scan3A_63  : i32 {
      %mul3A_94 = arith.constant 16 : i32
      %mul3A_95 = arith.muli %scan3A_93, %mul3A_94 : i32
      %get3A = arith.index_cast %mul3A_95 : i32 to index
      %get3A_96 = tpu.vector_load %arg7[%get3A] {strides = array<i32>} : memref<10176xi32, #tpu.memory_space<vmem>>, vector<16xi32>,
      tpu.vector_store_idx %arg8[%get3A_96], %broadcast_in_dim3A_58 {add = true} : memref<10240xf32, #tpu.memory_space<vmem>>[vector<16xi32>], vector<16xf32>,
    }
    %scan3A_64 = arith.constant 636 : i32
    "tpu.region"() ({
      %run_scoped3A_93 = tpu.sem_alloc : memref<!tpu.dma_semaphore, #tpu.memory_space<semaphore_mem>>
      %dma_start3A = arith.constant 0 : i32
      %dma_start3A_94 = tpu.memref_slice %arg11[%arg1, %dma_start3A] : memref<16x10240xf32, #tpu.memory_space<vmem_shared>> -> memref<1x10240xf32, #tpu.memory_space<vmem_shared>>
      %dma_start3A_95 = tpu.memref_squeeze %dma_start3A_94 : memref<1x10240xf32, #tpu.memory_space<vmem_shared>> -> memref<10240xf32, #tpu.memory_space<vmem_shared>>
      %dma_start3A_96 = arith.constant 0 : i32
      %dma_start3A_97 = tpu.memref_slice %arg11[%arg1, %dma_start3A_96] : memref<16x10240xf32, #tpu.memory_space<vmem_shared>> -> memref<1x10240xf32, #tpu.memory_space<vmem_shared>>
      %dma_start3A_98 = tpu.memref_squeeze %dma_start3A_97 : memref<1x10240xf32, #tpu.memory_space<vmem_shared>> -> memref<10240xf32, #tpu.memory_space<vmem_shared>>
      tpu.enqueue_dma source(%arg8 : memref<10240xf32, #tpu.memory_space<vmem>>) target(%dma_start3A_98 : memref<10240xf32, #tpu.memory_space<vmem_shared>>) target_semaphore(%run_scoped3A_93 : memref<!tpu.dma_semaphore, #tpu.memory_space<semaphore_mem>>)
      %dma_wait3A = arith.constant 0 : i32
      %dma_wait3A_99 = tpu.memref_slice %arg11[%arg1, %dma_wait3A] : memref<16x10240xf32, #tpu.memory_space<vmem_shared>> -> memref<1x10240xf32, #tpu.memory_space<vmem_shared>>
      %dma_wait3A_100 = tpu.memref_squeeze %dma_wait3A_99 : memref<1x10240xf32, #tpu.memory_space<vmem_shared>> -> memref<10240xf32, #tpu.memory_space<vmem_shared>>
      %dma_wait3A_101 = arith.constant 0 : i32
      %dma_wait3A_102 = tpu.memref_slice %arg11[%arg1, %dma_wait3A_101] : memref<16x10240xf32, #tpu.memory_space<vmem_shared>> -> memref<1x10240xf32, #tpu.memory_space<vmem_shared>>
      %dma_wait3A_103 = tpu.memref_squeeze %dma_wait3A_102 : memref<1x10240xf32, #tpu.memory_space<vmem_shared>> -> memref<10240xf32, #tpu.memory_space<vmem_shared>>
      tpu.wait_dma2 semaphore(%run_scoped3A_93 : memref<!tpu.dma_semaphore, #tpu.memory_space<semaphore_mem>>) src(%arg8 : memref<10240xf32, #tpu.memory_space<vmem>>) dst(%dma_wait3A_103 : memref<10240xf32, #tpu.memory_space<vmem_shared>>)
      tpu.yield
    }) : () -> ()
    %barrier3A = arith.constant 0 : index
    tpu.barrier barrier_id(%barrier3A)
    %mul3A_65 = arith.constant 640 : i32
    %mul3A_66 = arith.muli %arg1, %mul3A_65 : i32
    %multiple_of3A = tpu.assume_multiple %mul3A_66, 8 : i32
    %run_scoped3A_67 = arith.constant 0 : i32
    "tpu.region"() ({
      %run_scoped3A_93 = tpu.sem_alloc : memref<!tpu.dma_semaphore, #tpu.memory_space<semaphore_mem>>
      %dma_start3A = arith.constant 0 : i32
      %dma_start3A_94 = tpu.memref_slice %arg9[%dma_start3A] : memref<10240xf32, #tpu.memory_space<vmem>> -> memref<640xf32, #tpu.memory_space<vmem>>
      %dma_start3A_95 = tpu.memref_slice %arg11[%run_scoped3A_67, %multiple_of3A] : memref<16x10240xf32, #tpu.memory_space<vmem_shared>> -> memref<1x640xf32, #tpu.memory_space<vmem_shared>>
      %dma_start3A_96 = tpu.memref_squeeze %dma_start3A_95 : memref<1x640xf32, #tpu.memory_space<vmem_shared>> -> memref<640xf32, #tpu.memory_space<vmem_shared>>
      %dma_start3A_97 = arith.constant 0 : i32
      %dma_start3A_98 = tpu.memref_slice %arg9[%dma_start3A_97] : memref<10240xf32, #tpu.memory_space<vmem>> -> memref<640xf32, #tpu.memory_space<vmem>>
      %dma_start3A_99 = tpu.memref_slice %arg11[%run_scoped3A_67, %multiple_of3A] : memref<16x10240xf32, #tpu.memory_space<vmem_shared>> -> memref<1x640xf32, #tpu.memory_space<vmem_shared>>
      %dma_start3A_100 = tpu.memref_squeeze %dma_start3A_99 : memref<1x640xf32, #tpu.memory_space<vmem_shared>> -> memref<640xf32, #tpu.memory_space<vmem_shared>>
      tpu.enqueue_dma source(%dma_start3A_100 : memref<640xf32, #tpu.memory_space<vmem_shared>>) target(%dma_start3A_98 : memref<640xf32, #tpu.memory_space<vmem>>) target_semaphore(%run_scoped3A_93 : memref<!tpu.dma_semaphore, #tpu.memory_space<semaphore_mem>>)
      %dma_wait3A = arith.constant 0 : i32
      %dma_wait3A_101 = tpu.memref_slice %arg9[%dma_wait3A] : memref<10240xf32, #tpu.memory_space<vmem>> -> memref<640xf32, #tpu.memory_space<vmem>>
      %dma_wait3A_102 = tpu.memref_slice %arg11[%run_scoped3A_67, %multiple_of3A] : memref<16x10240xf32, #tpu.memory_space<vmem_shared>> -> memref<1x640xf32, #tpu.memory_space<vmem_shared>>
      %dma_wait3A_103 = tpu.memref_squeeze %dma_wait3A_102 : memref<1x640xf32, #tpu.memory_space<vmem_shared>> -> memref<640xf32, #tpu.memory_space<vmem_shared>>
      %dma_wait3A_104 = arith.constant 0 : i32
      %dma_wait3A_105 = tpu.memref_slice %arg9[%dma_wait3A_104] : memref<10240xf32, #tpu.memory_space<vmem>> -> memref<640xf32, #tpu.memory_space<vmem>>
      %dma_wait3A_106 = tpu.memref_slice %arg11[%run_scoped3A_67, %multiple_of3A] : memref<16x10240xf32, #tpu.memory_space<vmem_shared>> -> memref<1x640xf32, #tpu.memory_space<vmem_shared>>
      %dma_wait3A_107 = tpu.memref_squeeze %dma_wait3A_106 : memref<1x640xf32, #tpu.memory_space<vmem_shared>> -> memref<640xf32, #tpu.memory_space<vmem_shared>>
      tpu.wait_dma2 semaphore(%run_scoped3A_93 : memref<!tpu.dma_semaphore, #tpu.memory_space<semaphore_mem>>) src(%dma_wait3A_107 : memref<640xf32, #tpu.memory_space<vmem_shared>>) dst(%dma_wait3A_105 : memref<640xf32, #tpu.memory_space<vmem>>)
      tpu.yield
    }) : () -> ()
    %run_scoped3A_68 = arith.constant 1 : i32
    "tpu.region"() ({
      %run_scoped3A_93 = tpu.sem_alloc : memref<!tpu.dma_semaphore, #tpu.memory_space<semaphore_mem>>
      %dma_start3A = arith.constant 640 : i32
      %dma_start3A_94 = tpu.memref_slice %arg9[%dma_start3A] : memref<10240xf32, #tpu.memory_space<vmem>> -> memref<640xf32, #tpu.memory_space<vmem>>
      %dma_start3A_95 = tpu.memref_slice %arg11[%run_scoped3A_68, %multiple_of3A] : memref<16x10240xf32, #tpu.memory_space<vmem_shared>> -> memref<1x640xf32, #tpu.memory_space<vmem_shared>>
      %dma_start3A_96 = tpu.memref_squeeze %dma_start3A_95 : memref<1x640xf32, #tpu.memory_space<vmem_shared>> -> memref<640xf32, #tpu.memory_space<vmem_shared>>
      %dma_start3A_97 = arith.constant 640 : i32
      %dma_start3A_98 = tpu.memref_slice %arg9[%dma_start3A_97] : memref<10240xf32, #tpu.memory_space<vmem>> -> memref<640xf32, #tpu.memory_space<vmem>>
      %dma_start3A_99 = tpu.memref_slice %arg11[%run_scoped3A_68, %multiple_of3A] : memref<16x10240xf32, #tpu.memory_space<vmem_shared>> -> memref<1x640xf32, #tpu.memory_space<vmem_shared>>
      %dma_start3A_100 = tpu.memref_squeeze %dma_start3A_99 : memref<1x640xf32, #tpu.memory_space<vmem_shared>> -> memref<640xf32, #tpu.memory_space<vmem_shared>>
      tpu.enqueue_dma source(%dma_start3A_100 : memref<640xf32, #tpu.memory_space<vmem_shared>>) target(%dma_start3A_98 : memref<640xf32, #tpu.memory_space<vmem>>) target_semaphore(%run_scoped3A_93 : memref<!tpu.dma_semaphore, #tpu.memory_space<semaphore_mem>>)
      %dma_wait3A = arith.constant 640 : i32
      %dma_wait3A_101 = tpu.memref_slice %arg9[%dma_wait3A] : memref<10240xf32, #tpu.memory_space<vmem>> -> memref<640xf32, #tpu.memory_space<vmem>>
      %dma_wait3A_102 = tpu.memref_slice %arg11[%run_scoped3A_68, %multiple_of3A] : memref<16x10240xf32, #tpu.memory_space<vmem_shared>> -> memref<1x640xf32, #tpu.memory_space<vmem_shared>>
      %dma_wait3A_103 = tpu.memref_squeeze %dma_wait3A_102 : memref<1x640xf32, #tpu.memory_space<vmem_shared>> -> memref<640xf32, #tpu.memory_space<vmem_shared>>
      %dma_wait3A_104 = arith.constant 640 : i32
      %dma_wait3A_105 = tpu.memref_slice %arg9[%dma_wait3A_104] : memref<10240xf32, #tpu.memory_space<vmem>> -> memref<640xf32, #tpu.memory_space<vmem>>
      %dma_wait3A_106 = tpu.memref_slice %arg11[%run_scoped3A_68, %multiple_of3A] : memref<16x10240xf32, #tpu.memory_space<vmem_shared>> -> memref<1x640xf32, #tpu.memory_space<vmem_shared>>
      %dma_wait3A_107 = tpu.memref_squeeze %dma_wait3A_106 : memref<1x640xf32, #tpu.memory_space<vmem_shared>> -> memref<640xf32, #tpu.memory_space<vmem_shared>>
      tpu.wait_dma2 semaphore(%run_scoped3A_93 : memref<!tpu.dma_semaphore, #tpu.memory_space<semaphore_mem>>) src(%dma_wait3A_107 : memref<640xf32, #tpu.memory_space<vmem_shared>>) dst(%dma_wait3A_105 : memref<640xf32, #tpu.memory_space<vmem>>)
      tpu.yield
    }) : () -> ()
    %run_scoped3A_69 = arith.constant 2 : i32
    "tpu.region"() ({
      %run_scoped3A_93 = tpu.sem_alloc : memref<!tpu.dma_semaphore, #tpu.memory_space<semaphore_mem>>
      %dma_start3A = arith.constant 1280 : i32
      %dma_start3A_94 = tpu.memref_slice %arg9[%dma_start3A] : memref<10240xf32, #tpu.memory_space<vmem>> -> memref<640xf32, #tpu.memory_space<vmem>>
      %dma_start3A_95 = tpu.memref_slice %arg11[%run_scoped3A_69, %multiple_of3A] : memref<16x10240xf32, #tpu.memory_space<vmem_shared>> -> memref<1x640xf32, #tpu.memory_space<vmem_shared>>
      %dma_start3A_96 = tpu.memref_squeeze %dma_start3A_95 : memref<1x640xf32, #tpu.memory_space<vmem_shared>> -> memref<640xf32, #tpu.memory_space<vmem_shared>>
      %dma_start3A_97 = arith.constant 1280 : i32
      %dma_start3A_98 = tpu.memref_slice %arg9[%dma_start3A_97] : memref<10240xf32, #tpu.memory_space<vmem>> -> memref<640xf32, #tpu.memory_space<vmem>>
      %dma_start3A_99 = tpu.memref_slice %arg11[%run_scoped3A_69, %multiple_of3A] : memref<16x10240xf32, #tpu.memory_space<vmem_shared>> -> memref<1x640xf32, #tpu.memory_space<vmem_shared>>
      %dma_start3A_100 = tpu.memref_squeeze %dma_start3A_99 : memref<1x640xf32, #tpu.memory_space<vmem_shared>> -> memref<640xf32, #tpu.memory_space<vmem_shared>>
      tpu.enqueue_dma source(%dma_start3A_100 : memref<640xf32, #tpu.memory_space<vmem_shared>>) target(%dma_start3A_98 : memref<640xf32, #tpu.memory_space<vmem>>) target_semaphore(%run_scoped3A_93 : memref<!tpu.dma_semaphore, #tpu.memory_space<semaphore_mem>>)
      %dma_wait3A = arith.constant 1280 : i32
      %dma_wait3A_101 = tpu.memref_slice %arg9[%dma_wait3A] : memref<10240xf32, #tpu.memory_space<vmem>> -> memref<640xf32, #tpu.memory_space<vmem>>
      %dma_wait3A_102 = tpu.memref_slice %arg11[%run_scoped3A_69, %multiple_of3A] : memref<16x10240xf32, #tpu.memory_space<vmem_shared>> -> memref<1x640xf32, #tpu.memory_space<vmem_shared>>
      %dma_wait3A_103 = tpu.memref_squeeze %dma_wait3A_102 : memref<1x640xf32, #tpu.memory_space<vmem_shared>> -> memref<640xf32, #tpu.memory_space<vmem_shared>>
      %dma_wait3A_104 = arith.constant 1280 : i32
      %dma_wait3A_105 = tpu.memref_slice %arg9[%dma_wait3A_104] : memref<10240xf32, #tpu.memory_space<vmem>> -> memref<640xf32, #tpu.memory_space<vmem>>
      %dma_wait3A_106 = tpu.memref_slice %arg11[%run_scoped3A_69, %multiple_of3A] : memref<16x10240xf32, #tpu.memory_space<vmem_shared>> -> memref<1x640xf32, #tpu.memory_space<vmem_shared>>
      %dma_wait3A_107 = tpu.memref_squeeze %dma_wait3A_106 : memref<1x640xf32, #tpu.memory_space<vmem_shared>> -> memref<640xf32, #tpu.memory_space<vmem_shared>>
      tpu.wait_dma2 semaphore(%run_scoped3A_93 : memref<!tpu.dma_semaphore, #tpu.memory_space<semaphore_mem>>) src(%dma_wait3A_107 : memref<640xf32, #tpu.memory_space<vmem_shared>>) dst(%dma_wait3A_105 : memref<640xf32, #tpu.memory_space<vmem>>)
      tpu.yield
    }) : () -> ()
    %run_scoped3A_70 = arith.constant 3 : i32
    "tpu.region"() ({
      %run_scoped3A_93 = tpu.sem_alloc : memref<!tpu.dma_semaphore, #tpu.memory_space<semaphore_mem>>
      %dma_start3A = arith.constant 1920 : i32
      %dma_start3A_94 = tpu.memref_slice %arg9[%dma_start3A] : memref<10240xf32, #tpu.memory_space<vmem>> -> memref<640xf32, #tpu.memory_space<vmem>>
      %dma_start3A_95 = tpu.memref_slice %arg11[%run_scoped3A_70, %multiple_of3A] : memref<16x10240xf32, #tpu.memory_space<vmem_shared>> -> memref<1x640xf32, #tpu.memory_space<vmem_shared>>
      %dma_start3A_96 = tpu.memref_squeeze %dma_start3A_95 : memref<1x640xf32, #tpu.memory_space<vmem_shared>> -> memref<640xf32, #tpu.memory_space<vmem_shared>>
      %dma_start3A_97 = arith.constant 1920 : i32
      %dma_start3A_98 = tpu.memref_slice %arg9[%dma_start3A_97] : memref<10240xf32, #tpu.memory_space<vmem>> -> memref<640xf32, #tpu.memory_space<vmem>>
      %dma_start3A_99 = tpu.memref_slice %arg11[%run_scoped3A_70, %multiple_of3A] : memref<16x10240xf32, #tpu.memory_space<vmem_shared>> -> memref<1x640xf32, #tpu.memory_space<vmem_shared>>
      %dma_start3A_100 = tpu.memref_squeeze %dma_start3A_99 : memref<1x640xf32, #tpu.memory_space<vmem_shared>> -> memref<640xf32, #tpu.memory_space<vmem_shared>>
      tpu.enqueue_dma source(%dma_start3A_100 : memref<640xf32, #tpu.memory_space<vmem_shared>>) target(%dma_start3A_98 : memref<640xf32, #tpu.memory_space<vmem>>) target_semaphore(%run_scoped3A_93 : memref<!tpu.dma_semaphore, #tpu.memory_space<semaphore_mem>>)
      %dma_wait3A = arith.constant 1920 : i32
      %dma_wait3A_101 = tpu.memref_slice %arg9[%dma_wait3A] : memref<10240xf32, #tpu.memory_space<vmem>> -> memref<640xf32, #tpu.memory_space<vmem>>
      %dma_wait3A_102 = tpu.memref_slice %arg11[%run_scoped3A_70, %multiple_of3A] : memref<16x10240xf32, #tpu.memory_space<vmem_shared>> -> memref<1x640xf32, #tpu.memory_space<vmem_shared>>
      %dma_wait3A_103 = tpu.memref_squeeze %dma_wait3A_102 : memref<1x640xf32, #tpu.memory_space<vmem_shared>> -> memref<640xf32, #tpu.memory_space<vmem_shared>>
      %dma_wait3A_104 = arith.constant 1920 : i32
      %dma_wait3A_105 = tpu.memref_slice %arg9[%dma_wait3A_104] : memref<10240xf32, #tpu.memory_space<vmem>> -> memref<640xf32, #tpu.memory_space<vmem>>
      %dma_wait3A_106 = tpu.memref_slice %arg11[%run_scoped3A_70, %multiple_of3A] : memref<16x10240xf32, #tpu.memory_space<vmem_shared>> -> memref<1x640xf32, #tpu.memory_space<vmem_shared>>
      %dma_wait3A_107 = tpu.memref_squeeze %dma_wait3A_106 : memref<1x640xf32, #tpu.memory_space<vmem_shared>> -> memref<640xf32, #tpu.memory_space<vmem_shared>>
      tpu.wait_dma2 semaphore(%run_scoped3A_93 : memref<!tpu.dma_semaphore, #tpu.memory_space<semaphore_mem>>) src(%dma_wait3A_107 : memref<640xf32, #tpu.memory_space<vmem_shared>>) dst(%dma_wait3A_105 : memref<640xf32, #tpu.memory_space<vmem>>)
      tpu.yield
    }) : () -> ()
    %run_scoped3A_71 = arith.constant 4 : i32
    "tpu.region"() ({
      %run_scoped3A_93 = tpu.sem_alloc : memref<!tpu.dma_semaphore, #tpu.memory_space<semaphore_mem>>
      %dma_start3A = arith.constant 2560 : i32
      %dma_start3A_94 = tpu.memref_slice %arg9[%dma_start3A] : memref<10240xf32, #tpu.memory_space<vmem>> -> memref<640xf32, #tpu.memory_space<vmem>>
      %dma_start3A_95 = tpu.memref_slice %arg11[%run_scoped3A_71, %multiple_of3A] : memref<16x10240xf32, #tpu.memory_space<vmem_shared>> -> memref<1x640xf32, #tpu.memory_space<vmem_shared>>
      %dma_start3A_96 = tpu.memref_squeeze %dma_start3A_95 : memref<1x640xf32, #tpu.memory_space<vmem_shared>> -> memref<640xf32, #tpu.memory_space<vmem_shared>>
      %dma_start3A_97 = arith.constant 2560 : i32
      %dma_start3A_98 = tpu.memref_slice %arg9[%dma_start3A_97] : memref<10240xf32, #tpu.memory_space<vmem>> -> memref<640xf32, #tpu.memory_space<vmem>>
      %dma_start3A_99 = tpu.memref_slice %arg11[%run_scoped3A_71, %multiple_of3A] : memref<16x10240xf32, #tpu.memory_space<vmem_shared>> -> memref<1x640xf32, #tpu.memory_space<vmem_shared>>
      %dma_start3A_100 = tpu.memref_squeeze %dma_start3A_99 : memref<1x640xf32, #tpu.memory_space<vmem_shared>> -> memref<640xf32, #tpu.memory_space<vmem_shared>>
      tpu.enqueue_dma source(%dma_start3A_100 : memref<640xf32, #tpu.memory_space<vmem_shared>>) target(%dma_start3A_98 : memref<640xf32, #tpu.memory_space<vmem>>) target_semaphore(%run_scoped3A_93 : memref<!tpu.dma_semaphore, #tpu.memory_space<semaphore_mem>>)
      %dma_wait3A = arith.constant 2560 : i32
      %dma_wait3A_101 = tpu.memref_slice %arg9[%dma_wait3A] : memref<10240xf32, #tpu.memory_space<vmem>> -> memref<640xf32, #tpu.memory_space<vmem>>
      %dma_wait3A_102 = tpu.memref_slice %arg11[%run_scoped3A_71, %multiple_of3A] : memref<16x10240xf32, #tpu.memory_space<vmem_shared>> -> memref<1x640xf32, #tpu.memory_space<vmem_shared>>
      %dma_wait3A_103 = tpu.memref_squeeze %dma_wait3A_102 : memref<1x640xf32, #tpu.memory_space<vmem_shared>> -> memref<640xf32, #tpu.memory_space<vmem_shared>>
      %dma_wait3A_104 = arith.constant 2560 : i32
      %dma_wait3A_105 = tpu.memref_slice %arg9[%dma_wait3A_104] : memref<10240xf32, #tpu.memory_space<vmem>> -> memref<640xf32, #tpu.memory_space<vmem>>
      %dma_wait3A_106 = tpu.memref_slice %arg11[%run_scoped3A_71, %multiple_of3A] : memref<16x10240xf32, #tpu.memory_space<vmem_shared>> -> memref<1x640xf32, #tpu.memory_space<vmem_shared>>
      %dma_wait3A_107 = tpu.memref_squeeze %dma_wait3A_106 : memref<1x640xf32, #tpu.memory_space<vmem_shared>> -> memref<640xf32, #tpu.memory_space<vmem_shared>>
      tpu.wait_dma2 semaphore(%run_scoped3A_93 : memref<!tpu.dma_semaphore, #tpu.memory_space<semaphore_mem>>) src(%dma_wait3A_107 : memref<640xf32, #tpu.memory_space<vmem_shared>>) dst(%dma_wait3A_105 : memref<640xf32, #tpu.memory_space<vmem>>)
      tpu.yield
    }) : () -> ()
    %run_scoped3A_72 = arith.constant 5 : i32
    "tpu.region"() ({
      %run_scoped3A_93 = tpu.sem_alloc : memref<!tpu.dma_semaphore, #tpu.memory_space<semaphore_mem>>
      %dma_start3A = arith.constant 3200 : i32
      %dma_start3A_94 = tpu.memref_slice %arg9[%dma_start3A] : memref<10240xf32, #tpu.memory_space<vmem>> -> memref<640xf32, #tpu.memory_space<vmem>>
      %dma_start3A_95 = tpu.memref_slice %arg11[%run_scoped3A_72, %multiple_of3A] : memref<16x10240xf32, #tpu.memory_space<vmem_shared>> -> memref<1x640xf32, #tpu.memory_space<vmem_shared>>
      %dma_start3A_96 = tpu.memref_squeeze %dma_start3A_95 : memref<1x640xf32, #tpu.memory_space<vmem_shared>> -> memref<640xf32, #tpu.memory_space<vmem_shared>>
      %dma_start3A_97 = arith.constant 3200 : i32
      %dma_start3A_98 = tpu.memref_slice %arg9[%dma_start3A_97] : memref<10240xf32, #tpu.memory_space<vmem>> -> memref<640xf32, #tpu.memory_space<vmem>>
      %dma_start3A_99 = tpu.memref_slice %arg11[%run_scoped3A_72, %multiple_of3A] : memref<16x10240xf32, #tpu.memory_space<vmem_shared>> -> memref<1x640xf32, #tpu.memory_space<vmem_shared>>
      %dma_start3A_100 = tpu.memref_squeeze %dma_start3A_99 : memref<1x640xf32, #tpu.memory_space<vmem_shared>> -> memref<640xf32, #tpu.memory_space<vmem_shared>>
      tpu.enqueue_dma source(%dma_start3A_100 : memref<640xf32, #tpu.memory_space<vmem_shared>>) target(%dma_start3A_98 : memref<640xf32, #tpu.memory_space<vmem>>) target_semaphore(%run_scoped3A_93 : memref<!tpu.dma_semaphore, #tpu.memory_space<semaphore_mem>>)
      %dma_wait3A = arith.constant 3200 : i32
      %dma_wait3A_101 = tpu.memref_slice %arg9[%dma_wait3A] : memref<10240xf32, #tpu.memory_space<vmem>> -> memref<640xf32, #tpu.memory_space<vmem>>
      %dma_wait3A_102 = tpu.memref_slice %arg11[%run_scoped3A_72, %multiple_of3A] : memref<16x10240xf32, #tpu.memory_space<vmem_shared>> -> memref<1x640xf32, #tpu.memory_space<vmem_shared>>
      %dma_wait3A_103 = tpu.memref_squeeze %dma_wait3A_102 : memref<1x640xf32, #tpu.memory_space<vmem_shared>> -> memref<640xf32, #tpu.memory_space<vmem_shared>>
      %dma_wait3A_104 = arith.constant 3200 : i32
      %dma_wait3A_105 = tpu.memref_slice %arg9[%dma_wait3A_104] : memref<10240xf32, #tpu.memory_space<vmem>> -> memref<640xf32, #tpu.memory_space<vmem>>
      %dma_wait3A_106 = tpu.memref_slice %arg11[%run_scoped3A_72, %multiple_of3A] : memref<16x10240xf32, #tpu.memory_space<vmem_shared>> -> memref<1x640xf32, #tpu.memory_space<vmem_shared>>
      %dma_wait3A_107 = tpu.memref_squeeze %dma_wait3A_106 : memref<1x640xf32, #tpu.memory_space<vmem_shared>> -> memref<640xf32, #tpu.memory_space<vmem_shared>>
      tpu.wait_dma2 semaphore(%run_scoped3A_93 : memref<!tpu.dma_semaphore, #tpu.memory_space<semaphore_mem>>) src(%dma_wait3A_107 : memref<640xf32, #tpu.memory_space<vmem_shared>>) dst(%dma_wait3A_105 : memref<640xf32, #tpu.memory_space<vmem>>)
      tpu.yield
    }) : () -> ()
    %run_scoped3A_73 = arith.constant 6 : i32
    "tpu.region"() ({
      %run_scoped3A_93 = tpu.sem_alloc : memref<!tpu.dma_semaphore, #tpu.memory_space<semaphore_mem>>
      %dma_start3A = arith.constant 3840 : i32
      %dma_start3A_94 = tpu.memref_slice %arg9[%dma_start3A] : memref<10240xf32, #tpu.memory_space<vmem>> -> memref<640xf32, #tpu.memory_space<vmem>>
      %dma_start3A_95 = tpu.memref_slice %arg11[%run_scoped3A_73, %multiple_of3A] : memref<16x10240xf32, #tpu.memory_space<vmem_shared>> -> memref<1x640xf32, #tpu.memory_space<vmem_shared>>
      %dma_start3A_96 = tpu.memref_squeeze %dma_start3A_95 : memref<1x640xf32, #tpu.memory_space<vmem_shared>> -> memref<640xf32, #tpu.memory_space<vmem_shared>>
      %dma_start3A_97 = arith.constant 3840 : i32
      %dma_start3A_98 = tpu.memref_slice %arg9[%dma_start3A_97] : memref<10240xf32, #tpu.memory_space<vmem>> -> memref<640xf32, #tpu.memory_space<vmem>>
      %dma_start3A_99 = tpu.memref_slice %arg11[%run_scoped3A_73, %multiple_of3A] : memref<16x10240xf32, #tpu.memory_space<vmem_shared>> -> memref<1x640xf32, #tpu.memory_space<vmem_shared>>
      %dma_start3A_100 = tpu.memref_squeeze %dma_start3A_99 : memref<1x640xf32, #tpu.memory_space<vmem_shared>> -> memref<640xf32, #tpu.memory_space<vmem_shared>>
      tpu.enqueue_dma source(%dma_start3A_100 : memref<640xf32, #tpu.memory_space<vmem_shared>>) target(%dma_start3A_98 : memref<640xf32, #tpu.memory_space<vmem>>) target_semaphore(%run_scoped3A_93 : memref<!tpu.dma_semaphore, #tpu.memory_space<semaphore_mem>>)
      %dma_wait3A = arith.constant 3840 : i32
      %dma_wait3A_101 = tpu.memref_slice %arg9[%dma_wait3A] : memref<10240xf32, #tpu.memory_space<vmem>> -> memref<640xf32, #tpu.memory_space<vmem>>
      %dma_wait3A_102 = tpu.memref_slice %arg11[%run_scoped3A_73, %multiple_of3A] : memref<16x10240xf32, #tpu.memory_space<vmem_shared>> -> memref<1x640xf32, #tpu.memory_space<vmem_shared>>
      %dma_wait3A_103 = tpu.memref_squeeze %dma_wait3A_102 : memref<1x640xf32, #tpu.memory_space<vmem_shared>> -> memref<640xf32, #tpu.memory_space<vmem_shared>>
      %dma_wait3A_104 = arith.constant 3840 : i32
      %dma_wait3A_105 = tpu.memref_slice %arg9[%dma_wait3A_104] : memref<10240xf32, #tpu.memory_space<vmem>> -> memref<640xf32, #tpu.memory_space<vmem>>
      %dma_wait3A_106 = tpu.memref_slice %arg11[%run_scoped3A_73, %multiple_of3A] : memref<16x10240xf32, #tpu.memory_space<vmem_shared>> -> memref<1x640xf32, #tpu.memory_space<vmem_shared>>
      %dma_wait3A_107 = tpu.memref_squeeze %dma_wait3A_106 : memref<1x640xf32, #tpu.memory_space<vmem_shared>> -> memref<640xf32, #tpu.memory_space<vmem_shared>>
      tpu.wait_dma2 semaphore(%run_scoped3A_93 : memref<!tpu.dma_semaphore, #tpu.memory_space<semaphore_mem>>) src(%dma_wait3A_107 : memref<640xf32, #tpu.memory_space<vmem_shared>>) dst(%dma_wait3A_105 : memref<640xf32, #tpu.memory_space<vmem>>)
      tpu.yield
    }) : () -> ()
    %run_scoped3A_74 = arith.constant 7 : i32
    "tpu.region"() ({
      %run_scoped3A_93 = tpu.sem_alloc : memref<!tpu.dma_semaphore, #tpu.memory_space<semaphore_mem>>
      %dma_start3A = arith.constant 4480 : i32
      %dma_start3A_94 = tpu.memref_slice %arg9[%dma_start3A] : memref<10240xf32, #tpu.memory_space<vmem>> -> memref<640xf32, #tpu.memory_space<vmem>>
      %dma_start3A_95 = tpu.memref_slice %arg11[%run_scoped3A_74, %multiple_of3A] : memref<16x10240xf32, #tpu.memory_space<vmem_shared>> -> memref<1x640xf32, #tpu.memory_space<vmem_shared>>
      %dma_start3A_96 = tpu.memref_squeeze %dma_start3A_95 : memref<1x640xf32, #tpu.memory_space<vmem_shared>> -> memref<640xf32, #tpu.memory_space<vmem_shared>>
      %dma_start3A_97 = arith.constant 4480 : i32
      %dma_start3A_98 = tpu.memref_slice %arg9[%dma_start3A_97] : memref<10240xf32, #tpu.memory_space<vmem>> -> memref<640xf32, #tpu.memory_space<vmem>>
      %dma_start3A_99 = tpu.memref_slice %arg11[%run_scoped3A_74, %multiple_of3A] : memref<16x10240xf32, #tpu.memory_space<vmem_shared>> -> memref<1x640xf32, #tpu.memory_space<vmem_shared>>
      %dma_start3A_100 = tpu.memref_squeeze %dma_start3A_99 : memref<1x640xf32, #tpu.memory_space<vmem_shared>> -> memref<640xf32, #tpu.memory_space<vmem_shared>>
      tpu.enqueue_dma source(%dma_start3A_100 : memref<640xf32, #tpu.memory_space<vmem_shared>>) target(%dma_start3A_98 : memref<640xf32, #tpu.memory_space<vmem>>) target_semaphore(%run_scoped3A_93 : memref<!tpu.dma_semaphore, #tpu.memory_space<semaphore_mem>>)
      %dma_wait3A = arith.constant 4480 : i32
      %dma_wait3A_101 = tpu.memref_slice %arg9[%dma_wait3A] : memref<10240xf32, #tpu.memory_space<vmem>> -> memref<640xf32, #tpu.memory_space<vmem>>
      %dma_wait3A_102 = tpu.memref_slice %arg11[%run_scoped3A_74, %multiple_of3A] : memref<16x10240xf32, #tpu.memory_space<vmem_shared>> -> memref<1x640xf32, #tpu.memory_space<vmem_shared>>
      %dma_wait3A_103 = tpu.memref_squeeze %dma_wait3A_102 : memref<1x640xf32, #tpu.memory_space<vmem_shared>> -> memref<640xf32, #tpu.memory_space<vmem_shared>>
      %dma_wait3A_104 = arith.constant 4480 : i32
      %dma_wait3A_105 = tpu.memref_slice %arg9[%dma_wait3A_104] : memref<10240xf32, #tpu.memory_space<vmem>> -> memref<640xf32, #tpu.memory_space<vmem>>
      %dma_wait3A_106 = tpu.memref_slice %arg11[%run_scoped3A_74, %multiple_of3A] : memref<16x10240xf32, #tpu.memory_space<vmem_shared>> -> memref<1x640xf32, #tpu.memory_space<vmem_shared>>
      %dma_wait3A_107 = tpu.memref_squeeze %dma_wait3A_106 : memref<1x640xf32, #tpu.memory_space<vmem_shared>> -> memref<640xf32, #tpu.memory_space<vmem_shared>>
      tpu.wait_dma2 semaphore(%run_scoped3A_93 : memref<!tpu.dma_semaphore, #tpu.memory_space<semaphore_mem>>) src(%dma_wait3A_107 : memref<640xf32, #tpu.memory_space<vmem_shared>>) dst(%dma_wait3A_105 : memref<640xf32, #tpu.memory_space<vmem>>)
      tpu.yield
    }) : () -> ()
    %run_scoped3A_75 = arith.constant 8 : i32
    "tpu.region"() ({
      %run_scoped3A_93 = tpu.sem_alloc : memref<!tpu.dma_semaphore, #tpu.memory_space<semaphore_mem>>
      %dma_start3A = arith.constant 5120 : i32
      %dma_start3A_94 = tpu.memref_slice %arg9[%dma_start3A] : memref<10240xf32, #tpu.memory_space<vmem>> -> memref<640xf32, #tpu.memory_space<vmem>>
      %dma_start3A_95 = tpu.memref_slice %arg11[%run_scoped3A_75, %multiple_of3A] : memref<16x10240xf32, #tpu.memory_space<vmem_shared>> -> memref<1x640xf32, #tpu.memory_space<vmem_shared>>
      %dma_start3A_96 = tpu.memref_squeeze %dma_start3A_95 : memref<1x640xf32, #tpu.memory_space<vmem_shared>> -> memref<640xf32, #tpu.memory_space<vmem_shared>>
      %dma_start3A_97 = arith.constant 5120 : i32
      %dma_start3A_98 = tpu.memref_slice %arg9[%dma_start3A_97] : memref<10240xf32, #tpu.memory_space<vmem>> -> memref<640xf32, #tpu.memory_space<vmem>>
      %dma_start3A_99 = tpu.memref_slice %arg11[%run_scoped3A_75, %multiple_of3A] : memref<16x10240xf32, #tpu.memory_space<vmem_shared>> -> memref<1x640xf32, #tpu.memory_space<vmem_shared>>
      %dma_start3A_100 = tpu.memref_squeeze %dma_start3A_99 : memref<1x640xf32, #tpu.memory_space<vmem_shared>> -> memref<640xf32, #tpu.memory_space<vmem_shared>>
      tpu.enqueue_dma source(%dma_start3A_100 : memref<640xf32, #tpu.memory_space<vmem_shared>>) target(%dma_start3A_98 : memref<640xf32, #tpu.memory_space<vmem>>) target_semaphore(%run_scoped3A_93 : memref<!tpu.dma_semaphore, #tpu.memory_space<semaphore_mem>>)
      %dma_wait3A = arith.constant 5120 : i32
      %dma_wait3A_101 = tpu.memref_slice %arg9[%dma_wait3A] : memref<10240xf32, #tpu.memory_space<vmem>> -> memref<640xf32, #tpu.memory_space<vmem>>
      %dma_wait3A_102 = tpu.memref_slice %arg11[%run_scoped3A_75, %multiple_of3A] : memref<16x10240xf32, #tpu.memory_space<vmem_shared>> -> memref<1x640xf32, #tpu.memory_space<vmem_shared>>
      %dma_wait3A_103 = tpu.memref_squeeze %dma_wait3A_102 : memref<1x640xf32, #tpu.memory_space<vmem_shared>> -> memref<640xf32, #tpu.memory_space<vmem_shared>>
      %dma_wait3A_104 = arith.constant 5120 : i32
      %dma_wait3A_105 = tpu.memref_slice %arg9[%dma_wait3A_104] : memref<10240xf32, #tpu.memory_space<vmem>> -> memref<640xf32, #tpu.memory_space<vmem>>
      %dma_wait3A_106 = tpu.memref_slice %arg11[%run_scoped3A_75, %multiple_of3A] : memref<16x10240xf32, #tpu.memory_space<vmem_shared>> -> memref<1x640xf32, #tpu.memory_space<vmem_shared>>
      %dma_wait3A_107 = tpu.memref_squeeze %dma_wait3A_106 : memref<1x640xf32, #tpu.memory_space<vmem_shared>> -> memref<640xf32, #tpu.memory_space<vmem_shared>>
      tpu.wait_dma2 semaphore(%run_scoped3A_93 : memref<!tpu.dma_semaphore, #tpu.memory_space<semaphore_mem>>) src(%dma_wait3A_107 : memref<640xf32, #tpu.memory_space<vmem_shared>>) dst(%dma_wait3A_105 : memref<640xf32, #tpu.memory_space<vmem>>)
      tpu.yield
    }) : () -> ()
    %run_scoped3A_76 = arith.constant 9 : i32
    "tpu.region"() ({
      %run_scoped3A_93 = tpu.sem_alloc : memref<!tpu.dma_semaphore, #tpu.memory_space<semaphore_mem>>
      %dma_start3A = arith.constant 5760 : i32
      %dma_start3A_94 = tpu.memref_slice %arg9[%dma_start3A] : memref<10240xf32, #tpu.memory_space<vmem>> -> memref<640xf32, #tpu.memory_space<vmem>>
      %dma_start3A_95 = tpu.memref_slice %arg11[%run_scoped3A_76, %multiple_of3A] : memref<16x10240xf32, #tpu.memory_space<vmem_shared>> -> memref<1x640xf32, #tpu.memory_space<vmem_shared>>
      %dma_start3A_96 = tpu.memref_squeeze %dma_start3A_95 : memref<1x640xf32, #tpu.memory_space<vmem_shared>> -> memref<640xf32, #tpu.memory_space<vmem_shared>>
      %dma_start3A_97 = arith.constant 5760 : i32
      %dma_start3A_98 = tpu.memref_slice %arg9[%dma_start3A_97] : memref<10240xf32, #tpu.memory_space<vmem>> -> memref<640xf32, #tpu.memory_space<vmem>>
      %dma_start3A_99 = tpu.memref_slice %arg11[%run_scoped3A_76, %multiple_of3A] : memref<16x10240xf32, #tpu.memory_space<vmem_shared>> -> memref<1x640xf32, #tpu.memory_space<vmem_shared>>
      %dma_start3A_100 = tpu.memref_squeeze %dma_start3A_99 : memref<1x640xf32, #tpu.memory_space<vmem_shared>> -> memref<640xf32, #tpu.memory_space<vmem_shared>>
      tpu.enqueue_dma source(%dma_start3A_100 : memref<640xf32, #tpu.memory_space<vmem_shared>>) target(%dma_start3A_98 : memref<640xf32, #tpu.memory_space<vmem>>) target_semaphore(%run_scoped3A_93 : memref<!tpu.dma_semaphore, #tpu.memory_space<semaphore_mem>>)
      %dma_wait3A = arith.constant 5760 : i32
      %dma_wait3A_101 = tpu.memref_slice %arg9[%dma_wait3A] : memref<10240xf32, #tpu.memory_space<vmem>> -> memref<640xf32, #tpu.memory_space<vmem>>
      %dma_wait3A_102 = tpu.memref_slice %arg11[%run_scoped3A_76, %multiple_of3A] : memref<16x10240xf32, #tpu.memory_space<vmem_shared>> -> memref<1x640xf32, #tpu.memory_space<vmem_shared>>
      %dma_wait3A_103 = tpu.memref_squeeze %dma_wait3A_102 : memref<1x640xf32, #tpu.memory_space<vmem_shared>> -> memref<640xf32, #tpu.memory_space<vmem_shared>>
      %dma_wait3A_104 = arith.constant 5760 : i32
      %dma_wait3A_105 = tpu.memref_slice %arg9[%dma_wait3A_104] : memref<10240xf32, #tpu.memory_space<vmem>> -> memref<640xf32, #tpu.memory_space<vmem>>
      %dma_wait3A_106 = tpu.memref_slice %arg11[%run_scoped3A_76, %multiple_of3A] : memref<16x10240xf32, #tpu.memory_space<vmem_shared>> -> memref<1x640xf32, #tpu.memory_space<vmem_shared>>
      %dma_wait3A_107 = tpu.memref_squeeze %dma_wait3A_106 : memref<1x640xf32, #tpu.memory_space<vmem_shared>> -> memref<640xf32, #tpu.memory_space<vmem_shared>>
      tpu.wait_dma2 semaphore(%run_scoped3A_93 : memref<!tpu.dma_semaphore, #tpu.memory_space<semaphore_mem>>) src(%dma_wait3A_107 : memref<640xf32, #tpu.memory_space<vmem_shared>>) dst(%dma_wait3A_105 : memref<640xf32, #tpu.memory_space<vmem>>)
      tpu.yield
    }) : () -> ()
    %run_scoped3A_77 = arith.constant 10 : i32
    "tpu.region"() ({
      %run_scoped3A_93 = tpu.sem_alloc : memref<!tpu.dma_semaphore, #tpu.memory_space<semaphore_mem>>
      %dma_start3A = arith.constant 6400 : i32
      %dma_start3A_94 = tpu.memref_slice %arg9[%dma_start3A] : memref<10240xf32, #tpu.memory_space<vmem>> -> memref<640xf32, #tpu.memory_space<vmem>>
      %dma_start3A_95 = tpu.memref_slice %arg11[%run_scoped3A_77, %multiple_of3A] : memref<16x10240xf32, #tpu.memory_space<vmem_shared>> -> memref<1x640xf32, #tpu.memory_space<vmem_shared>>
      %dma_start3A_96 = tpu.memref_squeeze %dma_start3A_95 : memref<1x640xf32, #tpu.memory_space<vmem_shared>> -> memref<640xf32, #tpu.memory_space<vmem_shared>>
      %dma_start3A_97 = arith.constant 6400 : i32
      %dma_start3A_98 = tpu.memref_slice %arg9[%dma_start3A_97] : memref<10240xf32, #tpu.memory_space<vmem>> -> memref<640xf32, #tpu.memory_space<vmem>>
      %dma_start3A_99 = tpu.memref_slice %arg11[%run_scoped3A_77, %multiple_of3A] : memref<16x10240xf32, #tpu.memory_space<vmem_shared>> -> memref<1x640xf32, #tpu.memory_space<vmem_shared>>
      %dma_start3A_100 = tpu.memref_squeeze %dma_start3A_99 : memref<1x640xf32, #tpu.memory_space<vmem_shared>> -> memref<640xf32, #tpu.memory_space<vmem_shared>>
      tpu.enqueue_dma source(%dma_start3A_100 : memref<640xf32, #tpu.memory_space<vmem_shared>>) target(%dma_start3A_98 : memref<640xf32, #tpu.memory_space<vmem>>) target_semaphore(%run_scoped3A_93 : memref<!tpu.dma_semaphore, #tpu.memory_space<semaphore_mem>>)
      %dma_wait3A = arith.constant 6400 : i32
      %dma_wait3A_101 = tpu.memref_slice %arg9[%dma_wait3A] : memref<10240xf32, #tpu.memory_space<vmem>> -> memref<640xf32, #tpu.memory_space<vmem>>
      %dma_wait3A_102 = tpu.memref_slice %arg11[%run_scoped3A_77, %multiple_of3A] : memref<16x10240xf32, #tpu.memory_space<vmem_shared>> -> memref<1x640xf32, #tpu.memory_space<vmem_shared>>
      %dma_wait3A_103 = tpu.memref_squeeze %dma_wait3A_102 : memref<1x640xf32, #tpu.memory_space<vmem_shared>> -> memref<640xf32, #tpu.memory_space<vmem_shared>>
      %dma_wait3A_104 = arith.constant 6400 : i32
      %dma_wait3A_105 = tpu.memref_slice %arg9[%dma_wait3A_104] : memref<10240xf32, #tpu.memory_space<vmem>> -> memref<640xf32, #tpu.memory_space<vmem>>
      %dma_wait3A_106 = tpu.memref_slice %arg11[%run_scoped3A_77, %multiple_of3A] : memref<16x10240xf32, #tpu.memory_space<vmem_shared>> -> memref<1x640xf32, #tpu.memory_space<vmem_shared>>
      %dma_wait3A_107 = tpu.memref_squeeze %dma_wait3A_106 : memref<1x640xf32, #tpu.memory_space<vmem_shared>> -> memref<640xf32, #tpu.memory_space<vmem_shared>>
      tpu.wait_dma2 semaphore(%run_scoped3A_93 : memref<!tpu.dma_semaphore, #tpu.memory_space<semaphore_mem>>) src(%dma_wait3A_107 : memref<640xf32, #tpu.memory_space<vmem_shared>>) dst(%dma_wait3A_105 : memref<640xf32, #tpu.memory_space<vmem>>)
      tpu.yield
    }) : () -> ()
    %run_scoped3A_78 = arith.constant 11 : i32
    "tpu.region"() ({
      %run_scoped3A_93 = tpu.sem_alloc : memref<!tpu.dma_semaphore, #tpu.memory_space<semaphore_mem>>
      %dma_start3A = arith.constant 7040 : i32
      %dma_start3A_94 = tpu.memref_slice %arg9[%dma_start3A] : memref<10240xf32, #tpu.memory_space<vmem>> -> memref<640xf32, #tpu.memory_space<vmem>>
      %dma_start3A_95 = tpu.memref_slice %arg11[%run_scoped3A_78, %multiple_of3A] : memref<16x10240xf32, #tpu.memory_space<vmem_shared>> -> memref<1x640xf32, #tpu.memory_space<vmem_shared>>
      %dma_start3A_96 = tpu.memref_squeeze %dma_start3A_95 : memref<1x640xf32, #tpu.memory_space<vmem_shared>> -> memref<640xf32, #tpu.memory_space<vmem_shared>>
      %dma_start3A_97 = arith.constant 7040 : i32
      %dma_start3A_98 = tpu.memref_slice %arg9[%dma_start3A_97] : memref<10240xf32, #tpu.memory_space<vmem>> -> memref<640xf32, #tpu.memory_space<vmem>>
      %dma_start3A_99 = tpu.memref_slice %arg11[%run_scoped3A_78, %multiple_of3A] : memref<16x10240xf32, #tpu.memory_space<vmem_shared>> -> memref<1x640xf32, #tpu.memory_space<vmem_shared>>
      %dma_start3A_100 = tpu.memref_squeeze %dma_start3A_99 : memref<1x640xf32, #tpu.memory_space<vmem_shared>> -> memref<640xf32, #tpu.memory_space<vmem_shared>>
      tpu.enqueue_dma source(%dma_start3A_100 : memref<640xf32, #tpu.memory_space<vmem_shared>>) target(%dma_start3A_98 : memref<640xf32, #tpu.memory_space<vmem>>) target_semaphore(%run_scoped3A_93 : memref<!tpu.dma_semaphore, #tpu.memory_space<semaphore_mem>>)
      %dma_wait3A = arith.constant 7040 : i32
      %dma_wait3A_101 = tpu.memref_slice %arg9[%dma_wait3A] : memref<10240xf32, #tpu.memory_space<vmem>> -> memref<640xf32, #tpu.memory_space<vmem>>
      %dma_wait3A_102 = tpu.memref_slice %arg11[%run_scoped3A_78, %multiple_of3A] : memref<16x10240xf32, #tpu.memory_space<vmem_shared>> -> memref<1x640xf32, #tpu.memory_space<vmem_shared>>
      %dma_wait3A_103 = tpu.memref_squeeze %dma_wait3A_102 : memref<1x640xf32, #tpu.memory_space<vmem_shared>> -> memref<640xf32, #tpu.memory_space<vmem_shared>>
      %dma_wait3A_104 = arith.constant 7040 : i32
      %dma_wait3A_105 = tpu.memref_slice %arg9[%dma_wait3A_104] : memref<10240xf32, #tpu.memory_space<vmem>> -> memref<640xf32, #tpu.memory_space<vmem>>
      %dma_wait3A_106 = tpu.memref_slice %arg11[%run_scoped3A_78, %multiple_of3A] : memref<16x10240xf32, #tpu.memory_space<vmem_shared>> -> memref<1x640xf32, #tpu.memory_space<vmem_shared>>
      %dma_wait3A_107 = tpu.memref_squeeze %dma_wait3A_106 : memref<1x640xf32, #tpu.memory_space<vmem_shared>> -> memref<640xf32, #tpu.memory_space<vmem_shared>>
      tpu.wait_dma2 semaphore(%run_scoped3A_93 : memref<!tpu.dma_semaphore, #tpu.memory_space<semaphore_mem>>) src(%dma_wait3A_107 : memref<640xf32, #tpu.memory_space<vmem_shared>>) dst(%dma_wait3A_105 : memref<640xf32, #tpu.memory_space<vmem>>)
      tpu.yield
    }) : () -> ()
    %run_scoped3A_79 = arith.constant 12 : i32
    "tpu.region"() ({
      %run_scoped3A_93 = tpu.sem_alloc : memref<!tpu.dma_semaphore, #tpu.memory_space<semaphore_mem>>
      %dma_start3A = arith.constant 7680 : i32
      %dma_start3A_94 = tpu.memref_slice %arg9[%dma_start3A] : memref<10240xf32, #tpu.memory_space<vmem>> -> memref<640xf32, #tpu.memory_space<vmem>>
      %dma_start3A_95 = tpu.memref_slice %arg11[%run_scoped3A_79, %multiple_of3A] : memref<16x10240xf32, #tpu.memory_space<vmem_shared>> -> memref<1x640xf32, #tpu.memory_space<vmem_shared>>
      %dma_start3A_96 = tpu.memref_squeeze %dma_start3A_95 : memref<1x640xf32, #tpu.memory_space<vmem_shared>> -> memref<640xf32, #tpu.memory_space<vmem_shared>>
      %dma_start3A_97 = arith.constant 7680 : i32
      %dma_start3A_98 = tpu.memref_slice %arg9[%dma_start3A_97] : memref<10240xf32, #tpu.memory_space<vmem>> -> memref<640xf32, #tpu.memory_space<vmem>>
      %dma_start3A_99 = tpu.memref_slice %arg11[%run_scoped3A_79, %multiple_of3A] : memref<16x10240xf32, #tpu.memory_space<vmem_shared>> -> memref<1x640xf32, #tpu.memory_space<vmem_shared>>
      %dma_start3A_100 = tpu.memref_squeeze %dma_start3A_99 : memref<1x640xf32, #tpu.memory_space<vmem_shared>> -> memref<640xf32, #tpu.memory_space<vmem_shared>>
      tpu.enqueue_dma source(%dma_start3A_100 : memref<640xf32, #tpu.memory_space<vmem_shared>>) target(%dma_start3A_98 : memref<640xf32, #tpu.memory_space<vmem>>) target_semaphore(%run_scoped3A_93 : memref<!tpu.dma_semaphore, #tpu.memory_space<semaphore_mem>>)
      %dma_wait3A = arith.constant 7680 : i32
      %dma_wait3A_101 = tpu.memref_slice %arg9[%dma_wait3A] : memref<10240xf32, #tpu.memory_space<vmem>> -> memref<640xf32, #tpu.memory_space<vmem>>
      %dma_wait3A_102 = tpu.memref_slice %arg11[%run_scoped3A_79, %multiple_of3A] : memref<16x10240xf32, #tpu.memory_space<vmem_shared>> -> memref<1x640xf32, #tpu.memory_space<vmem_shared>>
      %dma_wait3A_103 = tpu.memref_squeeze %dma_wait3A_102 : memref<1x640xf32, #tpu.memory_space<vmem_shared>> -> memref<640xf32, #tpu.memory_space<vmem_shared>>
      %dma_wait3A_104 = arith.constant 7680 : i32
      %dma_wait3A_105 = tpu.memref_slice %arg9[%dma_wait3A_104] : memref<10240xf32, #tpu.memory_space<vmem>> -> memref<640xf32, #tpu.memory_space<vmem>>
      %dma_wait3A_106 = tpu.memref_slice %arg11[%run_scoped3A_79, %multiple_of3A] : memref<16x10240xf32, #tpu.memory_space<vmem_shared>> -> memref<1x640xf32, #tpu.memory_space<vmem_shared>>
      %dma_wait3A_107 = tpu.memref_squeeze %dma_wait3A_106 : memref<1x640xf32, #tpu.memory_space<vmem_shared>> -> memref<640xf32, #tpu.memory_space<vmem_shared>>
      tpu.wait_dma2 semaphore(%run_scoped3A_93 : memref<!tpu.dma_semaphore, #tpu.memory_space<semaphore_mem>>) src(%dma_wait3A_107 : memref<640xf32, #tpu.memory_space<vmem_shared>>) dst(%dma_wait3A_105 : memref<640xf32, #tpu.memory_space<vmem>>)
      tpu.yield
    }) : () -> ()
    %run_scoped3A_80 = arith.constant 13 : i32
    "tpu.region"() ({
      %run_scoped3A_93 = tpu.sem_alloc : memref<!tpu.dma_semaphore, #tpu.memory_space<semaphore_mem>>
      %dma_start3A = arith.constant 8320 : i32
      %dma_start3A_94 = tpu.memref_slice %arg9[%dma_start3A] : memref<10240xf32, #tpu.memory_space<vmem>> -> memref<640xf32, #tpu.memory_space<vmem>>
      %dma_start3A_95 = tpu.memref_slice %arg11[%run_scoped3A_80, %multiple_of3A] : memref<16x10240xf32, #tpu.memory_space<vmem_shared>> -> memref<1x640xf32, #tpu.memory_space<vmem_shared>>
      %dma_start3A_96 = tpu.memref_squeeze %dma_start3A_95 : memref<1x640xf32, #tpu.memory_space<vmem_shared>> -> memref<640xf32, #tpu.memory_space<vmem_shared>>
      %dma_start3A_97 = arith.constant 8320 : i32
      %dma_start3A_98 = tpu.memref_slice %arg9[%dma_start3A_97] : memref<10240xf32, #tpu.memory_space<vmem>> -> memref<640xf32, #tpu.memory_space<vmem>>
      %dma_start3A_99 = tpu.memref_slice %arg11[%run_scoped3A_80, %multiple_of3A] : memref<16x10240xf32, #tpu.memory_space<vmem_shared>> -> memref<1x640xf32, #tpu.memory_space<vmem_shared>>
      %dma_start3A_100 = tpu.memref_squeeze %dma_start3A_99 : memref<1x640xf32, #tpu.memory_space<vmem_shared>> -> memref<640xf32, #tpu.memory_space<vmem_shared>>
      tpu.enqueue_dma source(%dma_start3A_100 : memref<640xf32, #tpu.memory_space<vmem_shared>>) target(%dma_start3A_98 : memref<640xf32, #tpu.memory_space<vmem>>) target_semaphore(%run_scoped3A_93 : memref<!tpu.dma_semaphore, #tpu.memory_space<semaphore_mem>>)
      %dma_wait3A = arith.constant 8320 : i32
      %dma_wait3A_101 = tpu.memref_slice %arg9[%dma_wait3A] : memref<10240xf32, #tpu.memory_space<vmem>> -> memref<640xf32, #tpu.memory_space<vmem>>
      %dma_wait3A_102 = tpu.memref_slice %arg11[%run_scoped3A_80, %multiple_of3A] : memref<16x10240xf32, #tpu.memory_space<vmem_shared>> -> memref<1x640xf32, #tpu.memory_space<vmem_shared>>
      %dma_wait3A_103 = tpu.memref_squeeze %dma_wait3A_102 : memref<1x640xf32, #tpu.memory_space<vmem_shared>> -> memref<640xf32, #tpu.memory_space<vmem_shared>>
      %dma_wait3A_104 = arith.constant 8320 : i32
      %dma_wait3A_105 = tpu.memref_slice %arg9[%dma_wait3A_104] : memref<10240xf32, #tpu.memory_space<vmem>> -> memref<640xf32, #tpu.memory_space<vmem>>
      %dma_wait3A_106 = tpu.memref_slice %arg11[%run_scoped3A_80, %multiple_of3A] : memref<16x10240xf32, #tpu.memory_space<vmem_shared>> -> memref<1x640xf32, #tpu.memory_space<vmem_shared>>
      %dma_wait3A_107 = tpu.memref_squeeze %dma_wait3A_106 : memref<1x640xf32, #tpu.memory_space<vmem_shared>> -> memref<640xf32, #tpu.memory_space<vmem_shared>>
      tpu.wait_dma2 semaphore(%run_scoped3A_93 : memref<!tpu.dma_semaphore, #tpu.memory_space<semaphore_mem>>) src(%dma_wait3A_107 : memref<640xf32, #tpu.memory_space<vmem_shared>>) dst(%dma_wait3A_105 : memref<640xf32, #tpu.memory_space<vmem>>)
      tpu.yield
    }) : () -> ()
    %run_scoped3A_81 = arith.constant 14 : i32
    "tpu.region"() ({
      %run_scoped3A_93 = tpu.sem_alloc : memref<!tpu.dma_semaphore, #tpu.memory_space<semaphore_mem>>
      %dma_start3A = arith.constant 8960 : i32
      %dma_start3A_94 = tpu.memref_slice %arg9[%dma_start3A] : memref<10240xf32, #tpu.memory_space<vmem>> -> memref<640xf32, #tpu.memory_space<vmem>>
      %dma_start3A_95 = tpu.memref_slice %arg11[%run_scoped3A_81, %multiple_of3A] : memref<16x10240xf32, #tpu.memory_space<vmem_shared>> -> memref<1x640xf32, #tpu.memory_space<vmem_shared>>
      %dma_start3A_96 = tpu.memref_squeeze %dma_start3A_95 : memref<1x640xf32, #tpu.memory_space<vmem_shared>> -> memref<640xf32, #tpu.memory_space<vmem_shared>>
      %dma_start3A_97 = arith.constant 8960 : i32
      %dma_start3A_98 = tpu.memref_slice %arg9[%dma_start3A_97] : memref<10240xf32, #tpu.memory_space<vmem>> -> memref<640xf32, #tpu.memory_space<vmem>>
      %dma_start3A_99 = tpu.memref_slice %arg11[%run_scoped3A_81, %multiple_of3A] : memref<16x10240xf32, #tpu.memory_space<vmem_shared>> -> memref<1x640xf32, #tpu.memory_space<vmem_shared>>
      %dma_start3A_100 = tpu.memref_squeeze %dma_start3A_99 : memref<1x640xf32, #tpu.memory_space<vmem_shared>> -> memref<640xf32, #tpu.memory_space<vmem_shared>>
      tpu.enqueue_dma source(%dma_start3A_100 : memref<640xf32, #tpu.memory_space<vmem_shared>>) target(%dma_start3A_98 : memref<640xf32, #tpu.memory_space<vmem>>) target_semaphore(%run_scoped3A_93 : memref<!tpu.dma_semaphore, #tpu.memory_space<semaphore_mem>>)
      %dma_wait3A = arith.constant 8960 : i32
      %dma_wait3A_101 = tpu.memref_slice %arg9[%dma_wait3A] : memref<10240xf32, #tpu.memory_space<vmem>> -> memref<640xf32, #tpu.memory_space<vmem>>
      %dma_wait3A_102 = tpu.memref_slice %arg11[%run_scoped3A_81, %multiple_of3A] : memref<16x10240xf32, #tpu.memory_space<vmem_shared>> -> memref<1x640xf32, #tpu.memory_space<vmem_shared>>
      %dma_wait3A_103 = tpu.memref_squeeze %dma_wait3A_102 : memref<1x640xf32, #tpu.memory_space<vmem_shared>> -> memref<640xf32, #tpu.memory_space<vmem_shared>>
      %dma_wait3A_104 = arith.constant 8960 : i32
      %dma_wait3A_105 = tpu.memref_slice %arg9[%dma_wait3A_104] : memref<10240xf32, #tpu.memory_space<vmem>> -> memref<640xf32, #tpu.memory_space<vmem>>
      %dma_wait3A_106 = tpu.memref_slice %arg11[%run_scoped3A_81, %multiple_of3A] : memref<16x10240xf32, #tpu.memory_space<vmem_shared>> -> memref<1x640xf32, #tpu.memory_space<vmem_shared>>
      %dma_wait3A_107 = tpu.memref_squeeze %dma_wait3A_106 : memref<1x640xf32, #tpu.memory_space<vmem_shared>> -> memref<640xf32, #tpu.memory_space<vmem_shared>>
      tpu.wait_dma2 semaphore(%run_scoped3A_93 : memref<!tpu.dma_semaphore, #tpu.memory_space<semaphore_mem>>) src(%dma_wait3A_107 : memref<640xf32, #tpu.memory_space<vmem_shared>>) dst(%dma_wait3A_105 : memref<640xf32, #tpu.memory_space<vmem>>)
      tpu.yield
    }) : () -> ()
    %run_scoped3A_82 = arith.constant 15 : i32
    "tpu.region"() ({
      %run_scoped3A_93 = tpu.sem_alloc : memref<!tpu.dma_semaphore, #tpu.memory_space<semaphore_mem>>
      %dma_start3A = arith.constant 9600 : i32
      %dma_start3A_94 = tpu.memref_slice %arg9[%dma_start3A] : memref<10240xf32, #tpu.memory_space<vmem>> -> memref<640xf32, #tpu.memory_space<vmem>>
      %dma_start3A_95 = tpu.memref_slice %arg11[%run_scoped3A_82, %multiple_of3A] : memref<16x10240xf32, #tpu.memory_space<vmem_shared>> -> memref<1x640xf32, #tpu.memory_space<vmem_shared>>
      %dma_start3A_96 = tpu.memref_squeeze %dma_start3A_95 : memref<1x640xf32, #tpu.memory_space<vmem_shared>> -> memref<640xf32, #tpu.memory_space<vmem_shared>>
      %dma_start3A_97 = arith.constant 9600 : i32
      %dma_start3A_98 = tpu.memref_slice %arg9[%dma_start3A_97] : memref<10240xf32, #tpu.memory_space<vmem>> -> memref<640xf32, #tpu.memory_space<vmem>>
      %dma_start3A_99 = tpu.memref_slice %arg11[%run_scoped3A_82, %multiple_of3A] : memref<16x10240xf32, #tpu.memory_space<vmem_shared>> -> memref<1x640xf32, #tpu.memory_space<vmem_shared>>
      %dma_start3A_100 = tpu.memref_squeeze %dma_start3A_99 : memref<1x640xf32, #tpu.memory_space<vmem_shared>> -> memref<640xf32, #tpu.memory_space<vmem_shared>>
      tpu.enqueue_dma source(%dma_start3A_100 : memref<640xf32, #tpu.memory_space<vmem_shared>>) target(%dma_start3A_98 : memref<640xf32, #tpu.memory_space<vmem>>) target_semaphore(%run_scoped3A_93 : memref<!tpu.dma_semaphore, #tpu.memory_space<semaphore_mem>>)
      %dma_wait3A = arith.constant 9600 : i32
      %dma_wait3A_101 = tpu.memref_slice %arg9[%dma_wait3A] : memref<10240xf32, #tpu.memory_space<vmem>> -> memref<640xf32, #tpu.memory_space<vmem>>
      %dma_wait3A_102 = tpu.memref_slice %arg11[%run_scoped3A_82, %multiple_of3A] : memref<16x10240xf32, #tpu.memory_space<vmem_shared>> -> memref<1x640xf32, #tpu.memory_space<vmem_shared>>
      %dma_wait3A_103 = tpu.memref_squeeze %dma_wait3A_102 : memref<1x640xf32, #tpu.memory_space<vmem_shared>> -> memref<640xf32, #tpu.memory_space<vmem_shared>>
      %dma_wait3A_104 = arith.constant 9600 : i32
      %dma_wait3A_105 = tpu.memref_slice %arg9[%dma_wait3A_104] : memref<10240xf32, #tpu.memory_space<vmem>> -> memref<640xf32, #tpu.memory_space<vmem>>
      %dma_wait3A_106 = tpu.memref_slice %arg11[%run_scoped3A_82, %multiple_of3A] : memref<16x10240xf32, #tpu.memory_space<vmem_shared>> -> memref<1x640xf32, #tpu.memory_space<vmem_shared>>
      %dma_wait3A_107 = tpu.memref_squeeze %dma_wait3A_106 : memref<1x640xf32, #tpu.memory_space<vmem_shared>> -> memref<640xf32, #tpu.memory_space<vmem_shared>>
      tpu.wait_dma2 semaphore(%run_scoped3A_93 : memref<!tpu.dma_semaphore, #tpu.memory_space<semaphore_mem>>) src(%dma_wait3A_107 : memref<640xf32, #tpu.memory_space<vmem_shared>>) dst(%dma_wait3A_105 : memref<640xf32, #tpu.memory_space<vmem>>)
      tpu.yield
    }) : () -> ()
    %scan3A_83 = arith.constant 0 : i32
    %scan3A_84 = arith.constant 0 : i32
    %scan3A_85 = arith.constant 40 : i32
    %scan3A_86 = arith.addi %scan3A_84, %scan3A_85 : i32
    %scan3A_87 = arith.constant 1 : i32
    scf.for %scan3A_93 = %scan3A_84 to %scan3A_86 step %scan3A_87  : i32 {
      %mul3A_94 = arith.constant 16 : i32
      %mul3A_95 = arith.muli %scan3A_93, %mul3A_94 : i32
      %get3A = arith.index_cast %mul3A_95 : i32 to index
      %get3A_96 = tpu.vector_load %arg9[%get3A] {strides = array<i32>} : memref<10240xf32, #tpu.memory_space<vmem>>, vector<16xf32>,
      %mul3A_97 = arith.constant 16 : i32
      %mul3A_98 = arith.muli %scan3A_93, %mul3A_97 : i32
      %add3A_99 = arith.constant 640 : i32
      %add3A_100 = arith.addi %add3A_99, %mul3A_98 : i32
      %get3A_101 = arith.index_cast %add3A_100 : i32 to index
      %get3A_102 = tpu.vector_load %arg9[%get3A_101] {strides = array<i32>} : memref<10240xf32, #tpu.memory_space<vmem>>, vector<16xf32>,
      %add3A_103 = arith.addf %get3A_96, %get3A_102 : vector<16xf32>
      %mul3A_104 = arith.constant 16 : i32
      %mul3A_105 = arith.muli %scan3A_93, %mul3A_104 : i32
      %add3A_106 = arith.constant 1280 : i32
      %add3A_107 = arith.addi %add3A_106, %mul3A_105 : i32
      %get3A_108 = arith.index_cast %add3A_107 : i32 to index
      %get3A_109 = tpu.vector_load %arg9[%get3A_108] {strides = array<i32>} : memref<10240xf32, #tpu.memory_space<vmem>>, vector<16xf32>,
      %add3A_110 = arith.addf %add3A_103, %get3A_109 : vector<16xf32>
      %mul3A_111 = arith.constant 16 : i32
      %mul3A_112 = arith.muli %scan3A_93, %mul3A_111 : i32
      %add3A_113 = arith.constant 1920 : i32
      %add3A_114 = arith.addi %add3A_113, %mul3A_112 : i32
      %get3A_115 = arith.index_cast %add3A_114 : i32 to index
      %get3A_116 = tpu.vector_load %arg9[%get3A_115] {strides = array<i32>} : memref<10240xf32, #tpu.memory_space<vmem>>, vector<16xf32>,
      %add3A_117 = arith.addf %add3A_110, %get3A_116 : vector<16xf32>
      %mul3A_118 = arith.constant 16 : i32
      %mul3A_119 = arith.muli %scan3A_93, %mul3A_118 : i32
      %add3A_120 = arith.constant 2560 : i32
      %add3A_121 = arith.addi %add3A_120, %mul3A_119 : i32
      %get3A_122 = arith.index_cast %add3A_121 : i32 to index
      %get3A_123 = tpu.vector_load %arg9[%get3A_122] {strides = array<i32>} : memref<10240xf32, #tpu.memory_space<vmem>>, vector<16xf32>,
      %add3A_124 = arith.addf %add3A_117, %get3A_123 : vector<16xf32>
      %mul3A_125 = arith.constant 16 : i32
      %mul3A_126 = arith.muli %scan3A_93, %mul3A_125 : i32
      %add3A_127 = arith.constant 3200 : i32
      %add3A_128 = arith.addi %add3A_127, %mul3A_126 : i32
      %get3A_129 = arith.index_cast %add3A_128 : i32 to index
      %get3A_130 = tpu.vector_load %arg9[%get3A_129] {strides = array<i32>} : memref<10240xf32, #tpu.memory_space<vmem>>, vector<16xf32>,
      %add3A_131 = arith.addf %add3A_124, %get3A_130 : vector<16xf32>
      %mul3A_132 = arith.constant 16 : i32
      %mul3A_133 = arith.muli %scan3A_93, %mul3A_132 : i32
      %add3A_134 = arith.constant 3840 : i32
      %add3A_135 = arith.addi %add3A_134, %mul3A_133 : i32
      %get3A_136 = arith.index_cast %add3A_135 : i32 to index
      %get3A_137 = tpu.vector_load %arg9[%get3A_136] {strides = array<i32>} : memref<10240xf32, #tpu.memory_space<vmem>>, vector<16xf32>,
      %add3A_138 = arith.addf %add3A_131, %get3A_137 : vector<16xf32>
      %mul3A_139 = arith.constant 16 : i32
      %mul3A_140 = arith.muli %scan3A_93, %mul3A_139 : i32
      %add3A_141 = arith.constant 4480 : i32
      %add3A_142 = arith.addi %add3A_141, %mul3A_140 : i32
      %get3A_143 = arith.index_cast %add3A_142 : i32 to index
      %get3A_144 = tpu.vector_load %arg9[%get3A_143] {strides = array<i32>} : memref<10240xf32, #tpu.memory_space<vmem>>, vector<16xf32>,
      %add3A_145 = arith.addf %add3A_138, %get3A_144 : vector<16xf32>
      %mul3A_146 = arith.constant 16 : i32
      %mul3A_147 = arith.muli %scan3A_93, %mul3A_146 : i32
      %add3A_148 = arith.constant 5120 : i32
      %add3A_149 = arith.addi %add3A_148, %mul3A_147 : i32
      %get3A_150 = arith.index_cast %add3A_149 : i32 to index
      %get3A_151 = tpu.vector_load %arg9[%get3A_150] {strides = array<i32>} : memref<10240xf32, #tpu.memory_space<vmem>>, vector<16xf32>,
      %add3A_152 = arith.addf %add3A_145, %get3A_151 : vector<16xf32>
      %mul3A_153 = arith.constant 16 : i32
      %mul3A_154 = arith.muli %scan3A_93, %mul3A_153 : i32
      %add3A_155 = arith.constant 5760 : i32
      %add3A_156 = arith.addi %add3A_155, %mul3A_154 : i32
      %get3A_157 = arith.index_cast %add3A_156 : i32 to index
      %get3A_158 = tpu.vector_load %arg9[%get3A_157] {strides = array<i32>} : memref<10240xf32, #tpu.memory_space<vmem>>, vector<16xf32>,
      %add3A_159 = arith.addf %add3A_152, %get3A_158 : vector<16xf32>
      %mul3A_160 = arith.constant 16 : i32
      %mul3A_161 = arith.muli %scan3A_93, %mul3A_160 : i32
      %add3A_162 = arith.constant 6400 : i32
      %add3A_163 = arith.addi %add3A_162, %mul3A_161 : i32
      %get3A_164 = arith.index_cast %add3A_163 : i32 to index
      %get3A_165 = tpu.vector_load %arg9[%get3A_164] {strides = array<i32>} : memref<10240xf32, #tpu.memory_space<vmem>>, vector<16xf32>,
      %add3A_166 = arith.addf %add3A_159, %get3A_165 : vector<16xf32>
      %mul3A_167 = arith.constant 16 : i32
      %mul3A_168 = arith.muli %scan3A_93, %mul3A_167 : i32
      %add3A_169 = arith.constant 7040 : i32
      %add3A_170 = arith.addi %add3A_169, %mul3A_168 : i32
      %get3A_171 = arith.index_cast %add3A_170 : i32 to index
      %get3A_172 = tpu.vector_load %arg9[%get3A_171] {strides = array<i32>} : memref<10240xf32, #tpu.memory_space<vmem>>, vector<16xf32>,
      %add3A_173 = arith.addf %add3A_166, %get3A_172 : vector<16xf32>
      %mul3A_174 = arith.constant 16 : i32
      %mul3A_175 = arith.muli %scan3A_93, %mul3A_174 : i32
      %add3A_176 = arith.constant 7680 : i32
      %add3A_177 = arith.addi %add3A_176, %mul3A_175 : i32
      %get3A_178 = arith.index_cast %add3A_177 : i32 to index
      %get3A_179 = tpu.vector_load %arg9[%get3A_178] {strides = array<i32>} : memref<10240xf32, #tpu.memory_space<vmem>>, vector<16xf32>,
      %add3A_180 = arith.addf %add3A_173, %get3A_179 : vector<16xf32>
      %mul3A_181 = arith.constant 16 : i32
      %mul3A_182 = arith.muli %scan3A_93, %mul3A_181 : i32
      %add3A_183 = arith.constant 8320 : i32
      %add3A_184 = arith.addi %add3A_183, %mul3A_182 : i32
      %get3A_185 = arith.index_cast %add3A_184 : i32 to index
      %get3A_186 = tpu.vector_load %arg9[%get3A_185] {strides = array<i32>} : memref<10240xf32, #tpu.memory_space<vmem>>, vector<16xf32>,
      %add3A_187 = arith.addf %add3A_180, %get3A_186 : vector<16xf32>
      %mul3A_188 = arith.constant 16 : i32
      %mul3A_189 = arith.muli %scan3A_93, %mul3A_188 : i32
      %add3A_190 = arith.constant 8960 : i32
      %add3A_191 = arith.addi %add3A_190, %mul3A_189 : i32
      %get3A_192 = arith.index_cast %add3A_191 : i32 to index
      %get3A_193 = tpu.vector_load %arg9[%get3A_192] {strides = array<i32>} : memref<10240xf32, #tpu.memory_space<vmem>>, vector<16xf32>,
      %add3A_194 = arith.addf %add3A_187, %get3A_193 : vector<16xf32>
      %mul3A_195 = arith.constant 16 : i32
      %mul3A_196 = arith.muli %scan3A_93, %mul3A_195 : i32
      %add3A_197 = arith.constant 9600 : i32
      %add3A_198 = arith.addi %add3A_197, %mul3A_196 : i32
      %get3A_199 = arith.index_cast %add3A_198 : i32 to index
      %get3A_200 = tpu.vector_load %arg9[%get3A_199] {strides = array<i32>} : memref<10240xf32, #tpu.memory_space<vmem>>, vector<16xf32>,
      %add3A_201 = arith.addf %add3A_194, %get3A_200 : vector<16xf32>
      %mul3A_202 = arith.constant 16 : i32
      %mul3A_203 = arith.muli %scan3A_93, %mul3A_202 : i32
      %swap3A_204 = arith.index_cast %mul3A_203 : i32 to index
      %swap3A_205 = tpu.vector_load %arg10[%swap3A_204] {strides = array<i32>} : memref<640xf32, #tpu.memory_space<vmem>>, vector<16xf32>,
      tpu.vector_store %arg10[%swap3A_204], %add3A_201 {strides = array<i32>} : memref<640xf32, #tpu.memory_space<vmem>>, vector<16xf32>,
    }
    %scan3A_88 = arith.constant 40 : i32
    "tpu.region"() ({
      %run_scoped3A_93 = tpu.sem_alloc : memref<!tpu.dma_semaphore, #tpu.memory_space<semaphore_mem>>
      %dma_start3A = tpu.memref_slice %arg3[%arg0, %multiple_of3A] : memref<2x10240xf32, #tpu.memory_space<hbm>> -> memref<1x640xf32, #tpu.memory_space<hbm>>
      %dma_start3A_94 = tpu.memref_squeeze %dma_start3A : memref<1x640xf32, #tpu.memory_space<hbm>> -> memref<640xf32, #tpu.memory_space<hbm>>
      %dma_start3A_95 = tpu.memref_slice %arg3[%arg0, %multiple_of3A] : memref<2x10240xf32, #tpu.memory_space<hbm>> -> memref<1x640xf32, #tpu.memory_space<hbm>>
      %dma_start3A_96 = tpu.memref_squeeze %dma_start3A_95 : memref<1x640xf32, #tpu.memory_space<hbm>> -> memref<640xf32, #tpu.memory_space<hbm>>
      tpu.enqueue_dma source(%arg10 : memref<640xf32, #tpu.memory_space<vmem>>) target(%dma_start3A_96 : memref<640xf32, #tpu.memory_space<hbm>>) target_semaphore(%run_scoped3A_93 : memref<!tpu.dma_semaphore, #tpu.memory_space<semaphore_mem>>)
      %dma_wait3A = tpu.memref_slice %arg3[%arg0, %multiple_of3A] : memref<2x10240xf32, #tpu.memory_space<hbm>> -> memref<1x640xf32, #tpu.memory_space<hbm>>
      %dma_wait3A_97 = tpu.memref_squeeze %dma_wait3A : memref<1x640xf32, #tpu.memory_space<hbm>> -> memref<640xf32, #tpu.memory_space<hbm>>
      %dma_wait3A_98 = tpu.memref_slice %arg3[%arg0, %multiple_of3A] : memref<2x10240xf32, #tpu.memory_space<hbm>> -> memref<1x640xf32, #tpu.memory_space<hbm>>
      %dma_wait3A_99 = tpu.memref_squeeze %dma_wait3A_98 : memref<1x640xf32, #tpu.memory_space<hbm>> -> memref<640xf32, #tpu.memory_space<hbm>>
      tpu.wait_dma2 semaphore(%run_scoped3A_93 : memref<!tpu.dma_semaphore, #tpu.memory_space<semaphore_mem>>) src(%arg10 : memref<640xf32, #tpu.memory_space<vmem>>) dst(%dma_wait3A_99 : memref<640xf32, #tpu.memory_space<hbm>>)
      tpu.yield
    }) : () -> ()
    %mul3A_89 = arith.constant 10176 : i32
    %mul3A_90 = arith.muli %add3A, %mul3A_89 : i32
    "tpu.region"() ({
      %run_scoped3A_93 = tpu.sem_alloc : memref<!tpu.dma_semaphore, #tpu.memory_space<semaphore_mem>>
      %dma_start3A = tpu.memref_slice %arg4[%mul3A_90] : memref<325632xi32, #tpu.memory_space<hbm>> -> memref<10176xi32, #tpu.memory_space<hbm>>
      %dma_start3A_94 = tpu.memref_slice %arg4[%mul3A_90] : memref<325632xi32, #tpu.memory_space<hbm>> -> memref<10176xi32, #tpu.memory_space<hbm>>
      tpu.enqueue_dma source(%arg6 : memref<10176xi32, #tpu.memory_space<vmem>>) target(%dma_start3A_94 : memref<10176xi32, #tpu.memory_space<hbm>>) target_semaphore(%run_scoped3A_93 : memref<!tpu.dma_semaphore, #tpu.memory_space<semaphore_mem>>)
      %dma_wait3A = tpu.memref_slice %arg4[%mul3A_90] : memref<325632xi32, #tpu.memory_space<hbm>> -> memref<10176xi32, #tpu.memory_space<hbm>>
      %dma_wait3A_95 = tpu.memref_slice %arg4[%mul3A_90] : memref<325632xi32, #tpu.memory_space<hbm>> -> memref<10176xi32, #tpu.memory_space<hbm>>
      tpu.wait_dma2 semaphore(%run_scoped3A_93 : memref<!tpu.dma_semaphore, #tpu.memory_space<semaphore_mem>>) src(%arg6 : memref<10176xi32, #tpu.memory_space<vmem>>) dst(%dma_wait3A_95 : memref<10176xi32, #tpu.memory_space<hbm>>)
      tpu.yield
    }) : () -> ()
    %mul3A_91 = arith.constant 10176 : i32
    %mul3A_92 = arith.muli %add3A, %mul3A_91 : i32
    "tpu.region"() ({
      %run_scoped3A_93 = tpu.sem_alloc : memref<!tpu.dma_semaphore, #tpu.memory_space<semaphore_mem>>
      %dma_start3A = tpu.memref_slice %arg5[%mul3A_92] : memref<325632xi32, #tpu.memory_space<hbm>> -> memref<10176xi32, #tpu.memory_space<hbm>>
      %dma_start3A_94 = tpu.memref_slice %arg5[%mul3A_92] : memref<325632xi32, #tpu.memory_space<hbm>> -> memref<10176xi32, #tpu.memory_space<hbm>>
      tpu.enqueue_dma source(%arg7 : memref<10176xi32, #tpu.memory_space<vmem>>) target(%dma_start3A_94 : memref<10176xi32, #tpu.memory_space<hbm>>) target_semaphore(%run_scoped3A_93 : memref<!tpu.dma_semaphore, #tpu.memory_space<semaphore_mem>>)
      %dma_wait3A = tpu.memref_slice %arg5[%mul3A_92] : memref<325632xi32, #tpu.memory_space<hbm>> -> memref<10176xi32, #tpu.memory_space<hbm>>
      %dma_wait3A_95 = tpu.memref_slice %arg5[%mul3A_92] : memref<325632xi32, #tpu.memory_space<hbm>> -> memref<10176xi32, #tpu.memory_space<hbm>>
      tpu.wait_dma2 semaphore(%run_scoped3A_93 : memref<!tpu.dma_semaphore, #tpu.memory_space<semaphore_mem>>) src(%arg7 : memref<10176xi32, #tpu.memory_space<vmem>>) dst(%dma_wait3A_95 : memref<10176xi32, #tpu.memory_space<hbm>>)
      tpu.yield
    }) : () -> ()
    return
  }
}

#map = affine_map<(d0, d1) -> (0, 0)>
#map1 = affine_map<(d0, d1) -> (0, 0, 0)>
module attributes {stable_mosaic.version = 14 : i64} {
  func.func @run(%arg0: i32, %arg1: i32, %arg2: memref<10240x128xf32, #tpu.memory_space<hbm>>, %arg3: memref<32x159x64xi32, #tpu.memory_space<hbm>>, %arg4: memref<32x159x64xi32, #tpu.memory_space<hbm>>, %arg5: memref<64x128xf32, #tpu.memory_space<hbm>>, %arg6: memref<10240x128xf32, #tpu.memory_space<hbm>>, %arg7: memref<10240x128xf32, #tpu.memory_space<hbm>>, %arg8: memref<159x64xi32, #tpu.memory_space<vmem>>, %arg9: memref<159x64xi32, #tpu.memory_space<vmem>>, %arg10: memref<64x128xf32, #tpu.memory_space<vmem>>, %arg11: memref<64x128xf32, #tpu.memory_space<vmem>>, %arg12: memref<64x128xf32, #tpu.memory_space<vmem>>, %arg13: memref<10240x128xf32, #tpu.memory_space<vmem_shared>>, %arg14: memref<!tpu.dma_semaphore, #tpu.memory_space<semaphore_mem>>, %arg15: memref<!tpu.dma_semaphore, #tpu.memory_space<semaphore_mem>>, %arg16: memref<!tpu.dma_semaphore, #tpu.memory_space<semaphore_mem>>, %arg17: memref<!tpu.dma_semaphore, #tpu.memory_space<semaphore_mem>>, %arg18: memref<!tpu.dma_semaphore, #tpu.memory_space<semaphore_mem>>, %arg19: memref<!tpu.dma_semaphore, #tpu.memory_space<semaphore_mem>>) attributes {dimension_semantics = [#tpu.dimension_semantics<core_parallel>, #tpu.dimension_semantics<subcore_parallel>], iteration_bounds = array<i64: 2, 16>, scalar_prefetch = 0 : i64, scratch_operands = 12 : i64, tpu.core_type = #tpu.core_type<sc_vector_subcore>, window_params = [{transform_indices = #map}, {transform_indices = #map1}, {transform_indices = #map1}, {transform_indices = #map}, {transform_indices = #map}, {transform_indices = #map}]} {
    %mul3A = arith.constant 16 : i32
    %mul3A_0 = arith.muli %arg0, %mul3A : i32
    %add3A = arith.addi %mul3A_0, %arg1 : i32
    "tpu.region"() ({
      %run_scoped3A = tpu.sem_alloc : memref<!tpu.dma_semaphore, #tpu.memory_space<semaphore_mem>>
      %dma_start3A_68 = arith.constant 0 : i32
      %dma_start3A_69 = arith.constant 0 : i32
      %dma_start3A_70 = tpu.memref_slice %arg3[%add3A, %dma_start3A_68, %dma_start3A_69] : memref<32x159x64xi32, #tpu.memory_space<hbm>> -> memref<1x159x64xi32, #tpu.memory_space<hbm>>
      %dma_start3A_71 = tpu.memref_squeeze %dma_start3A_70 : memref<1x159x64xi32, #tpu.memory_space<hbm>> -> memref<159x64xi32, #tpu.memory_space<hbm>>
      %dma_start3A_72 = arith.constant 0 : i32
      %dma_start3A_73 = arith.constant 0 : i32
      %dma_start3A_74 = tpu.memref_slice %arg3[%add3A, %dma_start3A_72, %dma_start3A_73] : memref<32x159x64xi32, #tpu.memory_space<hbm>> -> memref<1x159x64xi32, #tpu.memory_space<hbm>>
      %dma_start3A_75 = tpu.memref_squeeze %dma_start3A_74 : memref<1x159x64xi32, #tpu.memory_space<hbm>> -> memref<159x64xi32, #tpu.memory_space<hbm>>
      tpu.enqueue_dma source(%dma_start3A_75 : memref<159x64xi32, #tpu.memory_space<hbm>>) target(%arg8 : memref<159x64xi32, #tpu.memory_space<vmem>>) target_semaphore(%run_scoped3A : memref<!tpu.dma_semaphore, #tpu.memory_space<semaphore_mem>>)
      %dma_wait3A_76 = arith.constant 0 : i32
      %dma_wait3A_77 = arith.constant 0 : i32
      %dma_wait3A_78 = tpu.memref_slice %arg3[%add3A, %dma_wait3A_76, %dma_wait3A_77] : memref<32x159x64xi32, #tpu.memory_space<hbm>> -> memref<1x159x64xi32, #tpu.memory_space<hbm>>
      %dma_wait3A_79 = tpu.memref_squeeze %dma_wait3A_78 : memref<1x159x64xi32, #tpu.memory_space<hbm>> -> memref<159x64xi32, #tpu.memory_space<hbm>>
      %dma_wait3A_80 = arith.constant 0 : i32
      %dma_wait3A_81 = arith.constant 0 : i32
      %dma_wait3A_82 = tpu.memref_slice %arg3[%add3A, %dma_wait3A_80, %dma_wait3A_81] : memref<32x159x64xi32, #tpu.memory_space<hbm>> -> memref<1x159x64xi32, #tpu.memory_space<hbm>>
      %dma_wait3A_83 = tpu.memref_squeeze %dma_wait3A_82 : memref<1x159x64xi32, #tpu.memory_space<hbm>> -> memref<159x64xi32, #tpu.memory_space<hbm>>
      tpu.wait_dma2 semaphore(%run_scoped3A : memref<!tpu.dma_semaphore, #tpu.memory_space<semaphore_mem>>) src(%dma_wait3A_83 : memref<159x64xi32, #tpu.memory_space<hbm>>) dst(%arg8 : memref<159x64xi32, #tpu.memory_space<vmem>>)
      tpu.yield
    }) : () -> ()
    "tpu.region"() ({
      %run_scoped3A = tpu.sem_alloc : memref<!tpu.dma_semaphore, #tpu.memory_space<semaphore_mem>>
      %dma_start3A_68 = arith.constant 0 : i32
      %dma_start3A_69 = arith.constant 0 : i32
      %dma_start3A_70 = tpu.memref_slice %arg4[%add3A, %dma_start3A_68, %dma_start3A_69] : memref<32x159x64xi32, #tpu.memory_space<hbm>> -> memref<1x159x64xi32, #tpu.memory_space<hbm>>
      %dma_start3A_71 = tpu.memref_squeeze %dma_start3A_70 : memref<1x159x64xi32, #tpu.memory_space<hbm>> -> memref<159x64xi32, #tpu.memory_space<hbm>>
      %dma_start3A_72 = arith.constant 0 : i32
      %dma_start3A_73 = arith.constant 0 : i32
      %dma_start3A_74 = tpu.memref_slice %arg4[%add3A, %dma_start3A_72, %dma_start3A_73] : memref<32x159x64xi32, #tpu.memory_space<hbm>> -> memref<1x159x64xi32, #tpu.memory_space<hbm>>
      %dma_start3A_75 = tpu.memref_squeeze %dma_start3A_74 : memref<1x159x64xi32, #tpu.memory_space<hbm>> -> memref<159x64xi32, #tpu.memory_space<hbm>>
      tpu.enqueue_dma source(%dma_start3A_75 : memref<159x64xi32, #tpu.memory_space<hbm>>) target(%arg9 : memref<159x64xi32, #tpu.memory_space<vmem>>) target_semaphore(%run_scoped3A : memref<!tpu.dma_semaphore, #tpu.memory_space<semaphore_mem>>)
      %dma_wait3A_76 = arith.constant 0 : i32
      %dma_wait3A_77 = arith.constant 0 : i32
      %dma_wait3A_78 = tpu.memref_slice %arg4[%add3A, %dma_wait3A_76, %dma_wait3A_77] : memref<32x159x64xi32, #tpu.memory_space<hbm>> -> memref<1x159x64xi32, #tpu.memory_space<hbm>>
      %dma_wait3A_79 = tpu.memref_squeeze %dma_wait3A_78 : memref<1x159x64xi32, #tpu.memory_space<hbm>> -> memref<159x64xi32, #tpu.memory_space<hbm>>
      %dma_wait3A_80 = arith.constant 0 : i32
      %dma_wait3A_81 = arith.constant 0 : i32
      %dma_wait3A_82 = tpu.memref_slice %arg4[%add3A, %dma_wait3A_80, %dma_wait3A_81] : memref<32x159x64xi32, #tpu.memory_space<hbm>> -> memref<1x159x64xi32, #tpu.memory_space<hbm>>
      %dma_wait3A_83 = tpu.memref_squeeze %dma_wait3A_82 : memref<1x159x64xi32, #tpu.memory_space<hbm>> -> memref<159x64xi32, #tpu.memory_space<hbm>>
      tpu.wait_dma2 semaphore(%run_scoped3A : memref<!tpu.dma_semaphore, #tpu.memory_space<semaphore_mem>>) src(%dma_wait3A_83 : memref<159x64xi32, #tpu.memory_space<hbm>>) dst(%arg9 : memref<159x64xi32, #tpu.memory_space<vmem>>)
      tpu.yield
    }) : () -> ()
    "tpu.region"() ({
      %run_scoped3A = tpu.sem_alloc : memref<!tpu.dma_semaphore, #tpu.memory_space<semaphore_mem>>
      tpu.enqueue_dma source(%arg5 : memref<64x128xf32, #tpu.memory_space<hbm>>) target(%arg10 : memref<64x128xf32, #tpu.memory_space<vmem>>) target_semaphore(%run_scoped3A : memref<!tpu.dma_semaphore, #tpu.memory_space<semaphore_mem>>)
      tpu.wait_dma2 semaphore(%run_scoped3A : memref<!tpu.dma_semaphore, #tpu.memory_space<semaphore_mem>>) src(%arg5 : memref<64x128xf32, #tpu.memory_space<hbm>>) dst(%arg10 : memref<64x128xf32, #tpu.memory_space<vmem>>)
      tpu.yield
    }) : () -> ()
    %mul3A_1 = arith.constant 640 : i32
    %mul3A_2 = arith.muli %arg1, %mul3A_1 : i32
    %multiple_of3A = tpu.assume_multiple %mul3A_2, 8 : i32
    %add3A_3 = arith.constant 0 : i32
    %add3A_4 = arith.addi %multiple_of3A, %add3A_3 : i32
    "tpu.region"() ({
      %run_scoped3A = tpu.sem_alloc : memref<!tpu.dma_semaphore, #tpu.memory_space<semaphore_mem>>
      %dma_start3A_68 = arith.constant 0 : i32
      %dma_start3A_69 = arith.constant 0 : i32
      %dma_start3A_70 = tpu.memref_slice %arg10[%dma_start3A_68, %dma_start3A_69] : memref<64x128xf32, #tpu.memory_space<vmem>> -> memref<64x128xf32, #tpu.memory_space<vmem>>
      %dma_start3A_71 = arith.constant 0 : i32
      %dma_start3A_72 = tpu.memref_slice %arg13[%add3A_4, %dma_start3A_71] : memref<10240x128xf32, #tpu.memory_space<vmem_shared>> -> memref<64x128xf32, #tpu.memory_space<vmem_shared>>
      %dma_start3A_73 = arith.constant 0 : i32
      %dma_start3A_74 = tpu.memref_slice %arg13[%add3A_4, %dma_start3A_73] : memref<10240x128xf32, #tpu.memory_space<vmem_shared>> -> memref<64x128xf32, #tpu.memory_space<vmem_shared>>
      %dma_start3A_75 = arith.constant 0 : i32
      %dma_start3A_76 = arith.constant 0 : i32
      %dma_start3A_77 = tpu.memref_slice %arg10[%dma_start3A_75, %dma_start3A_76] : memref<64x128xf32, #tpu.memory_space<vmem>> -> memref<64x128xf32, #tpu.memory_space<vmem>>
      tpu.enqueue_dma source(%dma_start3A_77 : memref<64x128xf32, #tpu.memory_space<vmem>>) target(%dma_start3A_74 : memref<64x128xf32, #tpu.memory_space<vmem_shared>>) target_semaphore(%run_scoped3A : memref<!tpu.dma_semaphore, #tpu.memory_space<semaphore_mem>>)
      %dma_wait3A_78 = arith.constant 0 : i32
      %dma_wait3A_79 = arith.constant 0 : i32
      %dma_wait3A_80 = tpu.memref_slice %arg10[%dma_wait3A_78, %dma_wait3A_79] : memref<64x128xf32, #tpu.memory_space<vmem>> -> memref<64x128xf32, #tpu.memory_space<vmem>>
      %dma_wait3A_81 = arith.constant 0 : i32
      %dma_wait3A_82 = tpu.memref_slice %arg13[%add3A_4, %dma_wait3A_81] : memref<10240x128xf32, #tpu.memory_space<vmem_shared>> -> memref<64x128xf32, #tpu.memory_space<vmem_shared>>
      %dma_wait3A_83 = arith.constant 0 : i32
      %dma_wait3A_84 = tpu.memref_slice %arg13[%add3A_4, %dma_wait3A_83] : memref<10240x128xf32, #tpu.memory_space<vmem_shared>> -> memref<64x128xf32, #tpu.memory_space<vmem_shared>>
      %dma_wait3A_85 = arith.constant 0 : i32
      %dma_wait3A_86 = arith.constant 0 : i32
      %dma_wait3A_87 = tpu.memref_slice %arg10[%dma_wait3A_85, %dma_wait3A_86] : memref<64x128xf32, #tpu.memory_space<vmem>> -> memref<64x128xf32, #tpu.memory_space<vmem>>
      tpu.wait_dma2 semaphore(%run_scoped3A : memref<!tpu.dma_semaphore, #tpu.memory_space<semaphore_mem>>) src(%dma_wait3A_87 : memref<64x128xf32, #tpu.memory_space<vmem>>) dst(%dma_wait3A_84 : memref<64x128xf32, #tpu.memory_space<vmem_shared>>)
      tpu.yield
    }) : () -> ()
    %add3A_5 = arith.constant 64 : i32
    %add3A_6 = arith.addi %multiple_of3A, %add3A_5 : i32
    "tpu.region"() ({
      %run_scoped3A = tpu.sem_alloc : memref<!tpu.dma_semaphore, #tpu.memory_space<semaphore_mem>>
      %dma_start3A_68 = arith.constant 0 : i32
      %dma_start3A_69 = arith.constant 0 : i32
      %dma_start3A_70 = tpu.memref_slice %arg10[%dma_start3A_68, %dma_start3A_69] : memref<64x128xf32, #tpu.memory_space<vmem>> -> memref<64x128xf32, #tpu.memory_space<vmem>>
      %dma_start3A_71 = arith.constant 0 : i32
      %dma_start3A_72 = tpu.memref_slice %arg13[%add3A_6, %dma_start3A_71] : memref<10240x128xf32, #tpu.memory_space<vmem_shared>> -> memref<64x128xf32, #tpu.memory_space<vmem_shared>>
      %dma_start3A_73 = arith.constant 0 : i32
      %dma_start3A_74 = tpu.memref_slice %arg13[%add3A_6, %dma_start3A_73] : memref<10240x128xf32, #tpu.memory_space<vmem_shared>> -> memref<64x128xf32, #tpu.memory_space<vmem_shared>>
      %dma_start3A_75 = arith.constant 0 : i32
      %dma_start3A_76 = arith.constant 0 : i32
      %dma_start3A_77 = tpu.memref_slice %arg10[%dma_start3A_75, %dma_start3A_76] : memref<64x128xf32, #tpu.memory_space<vmem>> -> memref<64x128xf32, #tpu.memory_space<vmem>>
      tpu.enqueue_dma source(%dma_start3A_77 : memref<64x128xf32, #tpu.memory_space<vmem>>) target(%dma_start3A_74 : memref<64x128xf32, #tpu.memory_space<vmem_shared>>) target_semaphore(%run_scoped3A : memref<!tpu.dma_semaphore, #tpu.memory_space<semaphore_mem>>)
      %dma_wait3A_78 = arith.constant 0 : i32
      %dma_wait3A_79 = arith.constant 0 : i32
      %dma_wait3A_80 = tpu.memref_slice %arg10[%dma_wait3A_78, %dma_wait3A_79] : memref<64x128xf32, #tpu.memory_space<vmem>> -> memref<64x128xf32, #tpu.memory_space<vmem>>
      %dma_wait3A_81 = arith.constant 0 : i32
      %dma_wait3A_82 = tpu.memref_slice %arg13[%add3A_6, %dma_wait3A_81] : memref<10240x128xf32, #tpu.memory_space<vmem_shared>> -> memref<64x128xf32, #tpu.memory_space<vmem_shared>>
      %dma_wait3A_83 = arith.constant 0 : i32
      %dma_wait3A_84 = tpu.memref_slice %arg13[%add3A_6, %dma_wait3A_83] : memref<10240x128xf32, #tpu.memory_space<vmem_shared>> -> memref<64x128xf32, #tpu.memory_space<vmem_shared>>
      %dma_wait3A_85 = arith.constant 0 : i32
      %dma_wait3A_86 = arith.constant 0 : i32
      %dma_wait3A_87 = tpu.memref_slice %arg10[%dma_wait3A_85, %dma_wait3A_86] : memref<64x128xf32, #tpu.memory_space<vmem>> -> memref<64x128xf32, #tpu.memory_space<vmem>>
      tpu.wait_dma2 semaphore(%run_scoped3A : memref<!tpu.dma_semaphore, #tpu.memory_space<semaphore_mem>>) src(%dma_wait3A_87 : memref<64x128xf32, #tpu.memory_space<vmem>>) dst(%dma_wait3A_84 : memref<64x128xf32, #tpu.memory_space<vmem_shared>>)
      tpu.yield
    }) : () -> ()
    %add3A_7 = arith.constant 128 : i32
    %add3A_8 = arith.addi %multiple_of3A, %add3A_7 : i32
    "tpu.region"() ({
      %run_scoped3A = tpu.sem_alloc : memref<!tpu.dma_semaphore, #tpu.memory_space<semaphore_mem>>
      %dma_start3A_68 = arith.constant 0 : i32
      %dma_start3A_69 = arith.constant 0 : i32
      %dma_start3A_70 = tpu.memref_slice %arg10[%dma_start3A_68, %dma_start3A_69] : memref<64x128xf32, #tpu.memory_space<vmem>> -> memref<64x128xf32, #tpu.memory_space<vmem>>
      %dma_start3A_71 = arith.constant 0 : i32
      %dma_start3A_72 = tpu.memref_slice %arg13[%add3A_8, %dma_start3A_71] : memref<10240x128xf32, #tpu.memory_space<vmem_shared>> -> memref<64x128xf32, #tpu.memory_space<vmem_shared>>
      %dma_start3A_73 = arith.constant 0 : i32
      %dma_start3A_74 = tpu.memref_slice %arg13[%add3A_8, %dma_start3A_73] : memref<10240x128xf32, #tpu.memory_space<vmem_shared>> -> memref<64x128xf32, #tpu.memory_space<vmem_shared>>
      %dma_start3A_75 = arith.constant 0 : i32
      %dma_start3A_76 = arith.constant 0 : i32
      %dma_start3A_77 = tpu.memref_slice %arg10[%dma_start3A_75, %dma_start3A_76] : memref<64x128xf32, #tpu.memory_space<vmem>> -> memref<64x128xf32, #tpu.memory_space<vmem>>
      tpu.enqueue_dma source(%dma_start3A_77 : memref<64x128xf32, #tpu.memory_space<vmem>>) target(%dma_start3A_74 : memref<64x128xf32, #tpu.memory_space<vmem_shared>>) target_semaphore(%run_scoped3A : memref<!tpu.dma_semaphore, #tpu.memory_space<semaphore_mem>>)
      %dma_wait3A_78 = arith.constant 0 : i32
      %dma_wait3A_79 = arith.constant 0 : i32
      %dma_wait3A_80 = tpu.memref_slice %arg10[%dma_wait3A_78, %dma_wait3A_79] : memref<64x128xf32, #tpu.memory_space<vmem>> -> memref<64x128xf32, #tpu.memory_space<vmem>>
      %dma_wait3A_81 = arith.constant 0 : i32
      %dma_wait3A_82 = tpu.memref_slice %arg13[%add3A_8, %dma_wait3A_81] : memref<10240x128xf32, #tpu.memory_space<vmem_shared>> -> memref<64x128xf32, #tpu.memory_space<vmem_shared>>
      %dma_wait3A_83 = arith.constant 0 : i32
      %dma_wait3A_84 = tpu.memref_slice %arg13[%add3A_8, %dma_wait3A_83] : memref<10240x128xf32, #tpu.memory_space<vmem_shared>> -> memref<64x128xf32, #tpu.memory_space<vmem_shared>>
      %dma_wait3A_85 = arith.constant 0 : i32
      %dma_wait3A_86 = arith.constant 0 : i32
      %dma_wait3A_87 = tpu.memref_slice %arg10[%dma_wait3A_85, %dma_wait3A_86] : memref<64x128xf32, #tpu.memory_space<vmem>> -> memref<64x128xf32, #tpu.memory_space<vmem>>
      tpu.wait_dma2 semaphore(%run_scoped3A : memref<!tpu.dma_semaphore, #tpu.memory_space<semaphore_mem>>) src(%dma_wait3A_87 : memref<64x128xf32, #tpu.memory_space<vmem>>) dst(%dma_wait3A_84 : memref<64x128xf32, #tpu.memory_space<vmem_shared>>)
      tpu.yield
    }) : () -> ()
    %add3A_9 = arith.constant 192 : i32
    %add3A_10 = arith.addi %multiple_of3A, %add3A_9 : i32
    "tpu.region"() ({
      %run_scoped3A = tpu.sem_alloc : memref<!tpu.dma_semaphore, #tpu.memory_space<semaphore_mem>>
      %dma_start3A_68 = arith.constant 0 : i32
      %dma_start3A_69 = arith.constant 0 : i32
      %dma_start3A_70 = tpu.memref_slice %arg10[%dma_start3A_68, %dma_start3A_69] : memref<64x128xf32, #tpu.memory_space<vmem>> -> memref<64x128xf32, #tpu.memory_space<vmem>>
      %dma_start3A_71 = arith.constant 0 : i32
      %dma_start3A_72 = tpu.memref_slice %arg13[%add3A_10, %dma_start3A_71] : memref<10240x128xf32, #tpu.memory_space<vmem_shared>> -> memref<64x128xf32, #tpu.memory_space<vmem_shared>>
      %dma_start3A_73 = arith.constant 0 : i32
      %dma_start3A_74 = tpu.memref_slice %arg13[%add3A_10, %dma_start3A_73] : memref<10240x128xf32, #tpu.memory_space<vmem_shared>> -> memref<64x128xf32, #tpu.memory_space<vmem_shared>>
      %dma_start3A_75 = arith.constant 0 : i32
      %dma_start3A_76 = arith.constant 0 : i32
      %dma_start3A_77 = tpu.memref_slice %arg10[%dma_start3A_75, %dma_start3A_76] : memref<64x128xf32, #tpu.memory_space<vmem>> -> memref<64x128xf32, #tpu.memory_space<vmem>>
      tpu.enqueue_dma source(%dma_start3A_77 : memref<64x128xf32, #tpu.memory_space<vmem>>) target(%dma_start3A_74 : memref<64x128xf32, #tpu.memory_space<vmem_shared>>) target_semaphore(%run_scoped3A : memref<!tpu.dma_semaphore, #tpu.memory_space<semaphore_mem>>)
      %dma_wait3A_78 = arith.constant 0 : i32
      %dma_wait3A_79 = arith.constant 0 : i32
      %dma_wait3A_80 = tpu.memref_slice %arg10[%dma_wait3A_78, %dma_wait3A_79] : memref<64x128xf32, #tpu.memory_space<vmem>> -> memref<64x128xf32, #tpu.memory_space<vmem>>
      %dma_wait3A_81 = arith.constant 0 : i32
      %dma_wait3A_82 = tpu.memref_slice %arg13[%add3A_10, %dma_wait3A_81] : memref<10240x128xf32, #tpu.memory_space<vmem_shared>> -> memref<64x128xf32, #tpu.memory_space<vmem_shared>>
      %dma_wait3A_83 = arith.constant 0 : i32
      %dma_wait3A_84 = tpu.memref_slice %arg13[%add3A_10, %dma_wait3A_83] : memref<10240x128xf32, #tpu.memory_space<vmem_shared>> -> memref<64x128xf32, #tpu.memory_space<vmem_shared>>
      %dma_wait3A_85 = arith.constant 0 : i32
      %dma_wait3A_86 = arith.constant 0 : i32
      %dma_wait3A_87 = tpu.memref_slice %arg10[%dma_wait3A_85, %dma_wait3A_86] : memref<64x128xf32, #tpu.memory_space<vmem>> -> memref<64x128xf32, #tpu.memory_space<vmem>>
      tpu.wait_dma2 semaphore(%run_scoped3A : memref<!tpu.dma_semaphore, #tpu.memory_space<semaphore_mem>>) src(%dma_wait3A_87 : memref<64x128xf32, #tpu.memory_space<vmem>>) dst(%dma_wait3A_84 : memref<64x128xf32, #tpu.memory_space<vmem_shared>>)
      tpu.yield
    }) : () -> ()
    %add3A_11 = arith.constant 256 : i32
    %add3A_12 = arith.addi %multiple_of3A, %add3A_11 : i32
    "tpu.region"() ({
      %run_scoped3A = tpu.sem_alloc : memref<!tpu.dma_semaphore, #tpu.memory_space<semaphore_mem>>
      %dma_start3A_68 = arith.constant 0 : i32
      %dma_start3A_69 = arith.constant 0 : i32
      %dma_start3A_70 = tpu.memref_slice %arg10[%dma_start3A_68, %dma_start3A_69] : memref<64x128xf32, #tpu.memory_space<vmem>> -> memref<64x128xf32, #tpu.memory_space<vmem>>
      %dma_start3A_71 = arith.constant 0 : i32
      %dma_start3A_72 = tpu.memref_slice %arg13[%add3A_12, %dma_start3A_71] : memref<10240x128xf32, #tpu.memory_space<vmem_shared>> -> memref<64x128xf32, #tpu.memory_space<vmem_shared>>
      %dma_start3A_73 = arith.constant 0 : i32
      %dma_start3A_74 = tpu.memref_slice %arg13[%add3A_12, %dma_start3A_73] : memref<10240x128xf32, #tpu.memory_space<vmem_shared>> -> memref<64x128xf32, #tpu.memory_space<vmem_shared>>
      %dma_start3A_75 = arith.constant 0 : i32
      %dma_start3A_76 = arith.constant 0 : i32
      %dma_start3A_77 = tpu.memref_slice %arg10[%dma_start3A_75, %dma_start3A_76] : memref<64x128xf32, #tpu.memory_space<vmem>> -> memref<64x128xf32, #tpu.memory_space<vmem>>
      tpu.enqueue_dma source(%dma_start3A_77 : memref<64x128xf32, #tpu.memory_space<vmem>>) target(%dma_start3A_74 : memref<64x128xf32, #tpu.memory_space<vmem_shared>>) target_semaphore(%run_scoped3A : memref<!tpu.dma_semaphore, #tpu.memory_space<semaphore_mem>>)
      %dma_wait3A_78 = arith.constant 0 : i32
      %dma_wait3A_79 = arith.constant 0 : i32
      %dma_wait3A_80 = tpu.memref_slice %arg10[%dma_wait3A_78, %dma_wait3A_79] : memref<64x128xf32, #tpu.memory_space<vmem>> -> memref<64x128xf32, #tpu.memory_space<vmem>>
      %dma_wait3A_81 = arith.constant 0 : i32
      %dma_wait3A_82 = tpu.memref_slice %arg13[%add3A_12, %dma_wait3A_81] : memref<10240x128xf32, #tpu.memory_space<vmem_shared>> -> memref<64x128xf32, #tpu.memory_space<vmem_shared>>
      %dma_wait3A_83 = arith.constant 0 : i32
      %dma_wait3A_84 = tpu.memref_slice %arg13[%add3A_12, %dma_wait3A_83] : memref<10240x128xf32, #tpu.memory_space<vmem_shared>> -> memref<64x128xf32, #tpu.memory_space<vmem_shared>>
      %dma_wait3A_85 = arith.constant 0 : i32
      %dma_wait3A_86 = arith.constant 0 : i32
      %dma_wait3A_87 = tpu.memref_slice %arg10[%dma_wait3A_85, %dma_wait3A_86] : memref<64x128xf32, #tpu.memory_space<vmem>> -> memref<64x128xf32, #tpu.memory_space<vmem>>
      tpu.wait_dma2 semaphore(%run_scoped3A : memref<!tpu.dma_semaphore, #tpu.memory_space<semaphore_mem>>) src(%dma_wait3A_87 : memref<64x128xf32, #tpu.memory_space<vmem>>) dst(%dma_wait3A_84 : memref<64x128xf32, #tpu.memory_space<vmem_shared>>)
      tpu.yield
    }) : () -> ()
    %add3A_13 = arith.constant 320 : i32
    %add3A_14 = arith.addi %multiple_of3A, %add3A_13 : i32
    "tpu.region"() ({
      %run_scoped3A = tpu.sem_alloc : memref<!tpu.dma_semaphore, #tpu.memory_space<semaphore_mem>>
      %dma_start3A_68 = arith.constant 0 : i32
      %dma_start3A_69 = arith.constant 0 : i32
      %dma_start3A_70 = tpu.memref_slice %arg10[%dma_start3A_68, %dma_start3A_69] : memref<64x128xf32, #tpu.memory_space<vmem>> -> memref<64x128xf32, #tpu.memory_space<vmem>>
      %dma_start3A_71 = arith.constant 0 : i32
      %dma_start3A_72 = tpu.memref_slice %arg13[%add3A_14, %dma_start3A_71] : memref<10240x128xf32, #tpu.memory_space<vmem_shared>> -> memref<64x128xf32, #tpu.memory_space<vmem_shared>>
      %dma_start3A_73 = arith.constant 0 : i32
      %dma_start3A_74 = tpu.memref_slice %arg13[%add3A_14, %dma_start3A_73] : memref<10240x128xf32, #tpu.memory_space<vmem_shared>> -> memref<64x128xf32, #tpu.memory_space<vmem_shared>>
      %dma_start3A_75 = arith.constant 0 : i32
      %dma_start3A_76 = arith.constant 0 : i32
      %dma_start3A_77 = tpu.memref_slice %arg10[%dma_start3A_75, %dma_start3A_76] : memref<64x128xf32, #tpu.memory_space<vmem>> -> memref<64x128xf32, #tpu.memory_space<vmem>>
      tpu.enqueue_dma source(%dma_start3A_77 : memref<64x128xf32, #tpu.memory_space<vmem>>) target(%dma_start3A_74 : memref<64x128xf32, #tpu.memory_space<vmem_shared>>) target_semaphore(%run_scoped3A : memref<!tpu.dma_semaphore, #tpu.memory_space<semaphore_mem>>)
      %dma_wait3A_78 = arith.constant 0 : i32
      %dma_wait3A_79 = arith.constant 0 : i32
      %dma_wait3A_80 = tpu.memref_slice %arg10[%dma_wait3A_78, %dma_wait3A_79] : memref<64x128xf32, #tpu.memory_space<vmem>> -> memref<64x128xf32, #tpu.memory_space<vmem>>
      %dma_wait3A_81 = arith.constant 0 : i32
      %dma_wait3A_82 = tpu.memref_slice %arg13[%add3A_14, %dma_wait3A_81] : memref<10240x128xf32, #tpu.memory_space<vmem_shared>> -> memref<64x128xf32, #tpu.memory_space<vmem_shared>>
      %dma_wait3A_83 = arith.constant 0 : i32
      %dma_wait3A_84 = tpu.memref_slice %arg13[%add3A_14, %dma_wait3A_83] : memref<10240x128xf32, #tpu.memory_space<vmem_shared>> -> memref<64x128xf32, #tpu.memory_space<vmem_shared>>
      %dma_wait3A_85 = arith.constant 0 : i32
      %dma_wait3A_86 = arith.constant 0 : i32
      %dma_wait3A_87 = tpu.memref_slice %arg10[%dma_wait3A_85, %dma_wait3A_86] : memref<64x128xf32, #tpu.memory_space<vmem>> -> memref<64x128xf32, #tpu.memory_space<vmem>>
      tpu.wait_dma2 semaphore(%run_scoped3A : memref<!tpu.dma_semaphore, #tpu.memory_space<semaphore_mem>>) src(%dma_wait3A_87 : memref<64x128xf32, #tpu.memory_space<vmem>>) dst(%dma_wait3A_84 : memref<64x128xf32, #tpu.memory_space<vmem_shared>>)
      tpu.yield
    }) : () -> ()
    %add3A_15 = arith.constant 384 : i32
    %add3A_16 = arith.addi %multiple_of3A, %add3A_15 : i32
    "tpu.region"() ({
      %run_scoped3A = tpu.sem_alloc : memref<!tpu.dma_semaphore, #tpu.memory_space<semaphore_mem>>
      %dma_start3A_68 = arith.constant 0 : i32
      %dma_start3A_69 = arith.constant 0 : i32
      %dma_start3A_70 = tpu.memref_slice %arg10[%dma_start3A_68, %dma_start3A_69] : memref<64x128xf32, #tpu.memory_space<vmem>> -> memref<64x128xf32, #tpu.memory_space<vmem>>
      %dma_start3A_71 = arith.constant 0 : i32
      %dma_start3A_72 = tpu.memref_slice %arg13[%add3A_16, %dma_start3A_71] : memref<10240x128xf32, #tpu.memory_space<vmem_shared>> -> memref<64x128xf32, #tpu.memory_space<vmem_shared>>
      %dma_start3A_73 = arith.constant 0 : i32
      %dma_start3A_74 = tpu.memref_slice %arg13[%add3A_16, %dma_start3A_73] : memref<10240x128xf32, #tpu.memory_space<vmem_shared>> -> memref<64x128xf32, #tpu.memory_space<vmem_shared>>
      %dma_start3A_75 = arith.constant 0 : i32
      %dma_start3A_76 = arith.constant 0 : i32
      %dma_start3A_77 = tpu.memref_slice %arg10[%dma_start3A_75, %dma_start3A_76] : memref<64x128xf32, #tpu.memory_space<vmem>> -> memref<64x128xf32, #tpu.memory_space<vmem>>
      tpu.enqueue_dma source(%dma_start3A_77 : memref<64x128xf32, #tpu.memory_space<vmem>>) target(%dma_start3A_74 : memref<64x128xf32, #tpu.memory_space<vmem_shared>>) target_semaphore(%run_scoped3A : memref<!tpu.dma_semaphore, #tpu.memory_space<semaphore_mem>>)
      %dma_wait3A_78 = arith.constant 0 : i32
      %dma_wait3A_79 = arith.constant 0 : i32
      %dma_wait3A_80 = tpu.memref_slice %arg10[%dma_wait3A_78, %dma_wait3A_79] : memref<64x128xf32, #tpu.memory_space<vmem>> -> memref<64x128xf32, #tpu.memory_space<vmem>>
      %dma_wait3A_81 = arith.constant 0 : i32
      %dma_wait3A_82 = tpu.memref_slice %arg13[%add3A_16, %dma_wait3A_81] : memref<10240x128xf32, #tpu.memory_space<vmem_shared>> -> memref<64x128xf32, #tpu.memory_space<vmem_shared>>
      %dma_wait3A_83 = arith.constant 0 : i32
      %dma_wait3A_84 = tpu.memref_slice %arg13[%add3A_16, %dma_wait3A_83] : memref<10240x128xf32, #tpu.memory_space<vmem_shared>> -> memref<64x128xf32, #tpu.memory_space<vmem_shared>>
      %dma_wait3A_85 = arith.constant 0 : i32
      %dma_wait3A_86 = arith.constant 0 : i32
      %dma_wait3A_87 = tpu.memref_slice %arg10[%dma_wait3A_85, %dma_wait3A_86] : memref<64x128xf32, #tpu.memory_space<vmem>> -> memref<64x128xf32, #tpu.memory_space<vmem>>
      tpu.wait_dma2 semaphore(%run_scoped3A : memref<!tpu.dma_semaphore, #tpu.memory_space<semaphore_mem>>) src(%dma_wait3A_87 : memref<64x128xf32, #tpu.memory_space<vmem>>) dst(%dma_wait3A_84 : memref<64x128xf32, #tpu.memory_space<vmem_shared>>)
      tpu.yield
    }) : () -> ()
    %add3A_17 = arith.constant 448 : i32
    %add3A_18 = arith.addi %multiple_of3A, %add3A_17 : i32
    "tpu.region"() ({
      %run_scoped3A = tpu.sem_alloc : memref<!tpu.dma_semaphore, #tpu.memory_space<semaphore_mem>>
      %dma_start3A_68 = arith.constant 0 : i32
      %dma_start3A_69 = arith.constant 0 : i32
      %dma_start3A_70 = tpu.memref_slice %arg10[%dma_start3A_68, %dma_start3A_69] : memref<64x128xf32, #tpu.memory_space<vmem>> -> memref<64x128xf32, #tpu.memory_space<vmem>>
      %dma_start3A_71 = arith.constant 0 : i32
      %dma_start3A_72 = tpu.memref_slice %arg13[%add3A_18, %dma_start3A_71] : memref<10240x128xf32, #tpu.memory_space<vmem_shared>> -> memref<64x128xf32, #tpu.memory_space<vmem_shared>>
      %dma_start3A_73 = arith.constant 0 : i32
      %dma_start3A_74 = tpu.memref_slice %arg13[%add3A_18, %dma_start3A_73] : memref<10240x128xf32, #tpu.memory_space<vmem_shared>> -> memref<64x128xf32, #tpu.memory_space<vmem_shared>>
      %dma_start3A_75 = arith.constant 0 : i32
      %dma_start3A_76 = arith.constant 0 : i32
      %dma_start3A_77 = tpu.memref_slice %arg10[%dma_start3A_75, %dma_start3A_76] : memref<64x128xf32, #tpu.memory_space<vmem>> -> memref<64x128xf32, #tpu.memory_space<vmem>>
      tpu.enqueue_dma source(%dma_start3A_77 : memref<64x128xf32, #tpu.memory_space<vmem>>) target(%dma_start3A_74 : memref<64x128xf32, #tpu.memory_space<vmem_shared>>) target_semaphore(%run_scoped3A : memref<!tpu.dma_semaphore, #tpu.memory_space<semaphore_mem>>)
      %dma_wait3A_78 = arith.constant 0 : i32
      %dma_wait3A_79 = arith.constant 0 : i32
      %dma_wait3A_80 = tpu.memref_slice %arg10[%dma_wait3A_78, %dma_wait3A_79] : memref<64x128xf32, #tpu.memory_space<vmem>> -> memref<64x128xf32, #tpu.memory_space<vmem>>
      %dma_wait3A_81 = arith.constant 0 : i32
      %dma_wait3A_82 = tpu.memref_slice %arg13[%add3A_18, %dma_wait3A_81] : memref<10240x128xf32, #tpu.memory_space<vmem_shared>> -> memref<64x128xf32, #tpu.memory_space<vmem_shared>>
      %dma_wait3A_83 = arith.constant 0 : i32
      %dma_wait3A_84 = tpu.memref_slice %arg13[%add3A_18, %dma_wait3A_83] : memref<10240x128xf32, #tpu.memory_space<vmem_shared>> -> memref<64x128xf32, #tpu.memory_space<vmem_shared>>
      %dma_wait3A_85 = arith.constant 0 : i32
      %dma_wait3A_86 = arith.constant 0 : i32
      %dma_wait3A_87 = tpu.memref_slice %arg10[%dma_wait3A_85, %dma_wait3A_86] : memref<64x128xf32, #tpu.memory_space<vmem>> -> memref<64x128xf32, #tpu.memory_space<vmem>>
      tpu.wait_dma2 semaphore(%run_scoped3A : memref<!tpu.dma_semaphore, #tpu.memory_space<semaphore_mem>>) src(%dma_wait3A_87 : memref<64x128xf32, #tpu.memory_space<vmem>>) dst(%dma_wait3A_84 : memref<64x128xf32, #tpu.memory_space<vmem_shared>>)
      tpu.yield
    }) : () -> ()
    %add3A_19 = arith.constant 512 : i32
    %add3A_20 = arith.addi %multiple_of3A, %add3A_19 : i32
    "tpu.region"() ({
      %run_scoped3A = tpu.sem_alloc : memref<!tpu.dma_semaphore, #tpu.memory_space<semaphore_mem>>
      %dma_start3A_68 = arith.constant 0 : i32
      %dma_start3A_69 = arith.constant 0 : i32
      %dma_start3A_70 = tpu.memref_slice %arg10[%dma_start3A_68, %dma_start3A_69] : memref<64x128xf32, #tpu.memory_space<vmem>> -> memref<64x128xf32, #tpu.memory_space<vmem>>
      %dma_start3A_71 = arith.constant 0 : i32
      %dma_start3A_72 = tpu.memref_slice %arg13[%add3A_20, %dma_start3A_71] : memref<10240x128xf32, #tpu.memory_space<vmem_shared>> -> memref<64x128xf32, #tpu.memory_space<vmem_shared>>
      %dma_start3A_73 = arith.constant 0 : i32
      %dma_start3A_74 = tpu.memref_slice %arg13[%add3A_20, %dma_start3A_73] : memref<10240x128xf32, #tpu.memory_space<vmem_shared>> -> memref<64x128xf32, #tpu.memory_space<vmem_shared>>
      %dma_start3A_75 = arith.constant 0 : i32
      %dma_start3A_76 = arith.constant 0 : i32
      %dma_start3A_77 = tpu.memref_slice %arg10[%dma_start3A_75, %dma_start3A_76] : memref<64x128xf32, #tpu.memory_space<vmem>> -> memref<64x128xf32, #tpu.memory_space<vmem>>
      tpu.enqueue_dma source(%dma_start3A_77 : memref<64x128xf32, #tpu.memory_space<vmem>>) target(%dma_start3A_74 : memref<64x128xf32, #tpu.memory_space<vmem_shared>>) target_semaphore(%run_scoped3A : memref<!tpu.dma_semaphore, #tpu.memory_space<semaphore_mem>>)
      %dma_wait3A_78 = arith.constant 0 : i32
      %dma_wait3A_79 = arith.constant 0 : i32
      %dma_wait3A_80 = tpu.memref_slice %arg10[%dma_wait3A_78, %dma_wait3A_79] : memref<64x128xf32, #tpu.memory_space<vmem>> -> memref<64x128xf32, #tpu.memory_space<vmem>>
      %dma_wait3A_81 = arith.constant 0 : i32
      %dma_wait3A_82 = tpu.memref_slice %arg13[%add3A_20, %dma_wait3A_81] : memref<10240x128xf32, #tpu.memory_space<vmem_shared>> -> memref<64x128xf32, #tpu.memory_space<vmem_shared>>
      %dma_wait3A_83 = arith.constant 0 : i32
      %dma_wait3A_84 = tpu.memref_slice %arg13[%add3A_20, %dma_wait3A_83] : memref<10240x128xf32, #tpu.memory_space<vmem_shared>> -> memref<64x128xf32, #tpu.memory_space<vmem_shared>>
      %dma_wait3A_85 = arith.constant 0 : i32
      %dma_wait3A_86 = arith.constant 0 : i32
      %dma_wait3A_87 = tpu.memref_slice %arg10[%dma_wait3A_85, %dma_wait3A_86] : memref<64x128xf32, #tpu.memory_space<vmem>> -> memref<64x128xf32, #tpu.memory_space<vmem>>
      tpu.wait_dma2 semaphore(%run_scoped3A : memref<!tpu.dma_semaphore, #tpu.memory_space<semaphore_mem>>) src(%dma_wait3A_87 : memref<64x128xf32, #tpu.memory_space<vmem>>) dst(%dma_wait3A_84 : memref<64x128xf32, #tpu.memory_space<vmem_shared>>)
      tpu.yield
    }) : () -> ()
    %add3A_21 = arith.constant 576 : i32
    %add3A_22 = arith.addi %multiple_of3A, %add3A_21 : i32
    "tpu.region"() ({
      %run_scoped3A = tpu.sem_alloc : memref<!tpu.dma_semaphore, #tpu.memory_space<semaphore_mem>>
      %dma_start3A_68 = arith.constant 0 : i32
      %dma_start3A_69 = arith.constant 0 : i32
      %dma_start3A_70 = tpu.memref_slice %arg10[%dma_start3A_68, %dma_start3A_69] : memref<64x128xf32, #tpu.memory_space<vmem>> -> memref<64x128xf32, #tpu.memory_space<vmem>>
      %dma_start3A_71 = arith.constant 0 : i32
      %dma_start3A_72 = tpu.memref_slice %arg13[%add3A_22, %dma_start3A_71] : memref<10240x128xf32, #tpu.memory_space<vmem_shared>> -> memref<64x128xf32, #tpu.memory_space<vmem_shared>>
      %dma_start3A_73 = arith.constant 0 : i32
      %dma_start3A_74 = tpu.memref_slice %arg13[%add3A_22, %dma_start3A_73] : memref<10240x128xf32, #tpu.memory_space<vmem_shared>> -> memref<64x128xf32, #tpu.memory_space<vmem_shared>>
      %dma_start3A_75 = arith.constant 0 : i32
      %dma_start3A_76 = arith.constant 0 : i32
      %dma_start3A_77 = tpu.memref_slice %arg10[%dma_start3A_75, %dma_start3A_76] : memref<64x128xf32, #tpu.memory_space<vmem>> -> memref<64x128xf32, #tpu.memory_space<vmem>>
      tpu.enqueue_dma source(%dma_start3A_77 : memref<64x128xf32, #tpu.memory_space<vmem>>) target(%dma_start3A_74 : memref<64x128xf32, #tpu.memory_space<vmem_shared>>) target_semaphore(%run_scoped3A : memref<!tpu.dma_semaphore, #tpu.memory_space<semaphore_mem>>)
      %dma_wait3A_78 = arith.constant 0 : i32
      %dma_wait3A_79 = arith.constant 0 : i32
      %dma_wait3A_80 = tpu.memref_slice %arg10[%dma_wait3A_78, %dma_wait3A_79] : memref<64x128xf32, #tpu.memory_space<vmem>> -> memref<64x128xf32, #tpu.memory_space<vmem>>
      %dma_wait3A_81 = arith.constant 0 : i32
      %dma_wait3A_82 = tpu.memref_slice %arg13[%add3A_22, %dma_wait3A_81] : memref<10240x128xf32, #tpu.memory_space<vmem_shared>> -> memref<64x128xf32, #tpu.memory_space<vmem_shared>>
      %dma_wait3A_83 = arith.constant 0 : i32
      %dma_wait3A_84 = tpu.memref_slice %arg13[%add3A_22, %dma_wait3A_83] : memref<10240x128xf32, #tpu.memory_space<vmem_shared>> -> memref<64x128xf32, #tpu.memory_space<vmem_shared>>
      %dma_wait3A_85 = arith.constant 0 : i32
      %dma_wait3A_86 = arith.constant 0 : i32
      %dma_wait3A_87 = tpu.memref_slice %arg10[%dma_wait3A_85, %dma_wait3A_86] : memref<64x128xf32, #tpu.memory_space<vmem>> -> memref<64x128xf32, #tpu.memory_space<vmem>>
      tpu.wait_dma2 semaphore(%run_scoped3A : memref<!tpu.dma_semaphore, #tpu.memory_space<semaphore_mem>>) src(%dma_wait3A_87 : memref<64x128xf32, #tpu.memory_space<vmem>>) dst(%dma_wait3A_84 : memref<64x128xf32, #tpu.memory_space<vmem_shared>>)
      tpu.yield
    }) : () -> ()
    %barrier3A = arith.constant 0 : index
    tpu.barrier barrier_id(%barrier3A)
    %dma_start3A = arith.constant 0 : i32
    %dma_start3A_23 = arith.constant 0 : i32
    %dma_start3A_24 = tpu.memref_slice %arg8[%dma_start3A, %dma_start3A_23] : memref<159x64xi32, #tpu.memory_space<vmem>> -> memref<1x64xi32, #tpu.memory_space<vmem>>
    %dma_start3A_25 = tpu.memref_squeeze %dma_start3A_24 : memref<1x64xi32, #tpu.memory_space<vmem>> -> memref<64xi32, #tpu.memory_space<vmem>>
    %dma_start3A_26 = arith.constant 0 : i32
    %dma_start3A_27 = arith.constant 0 : i32
    %dma_start3A_28 = tpu.memref_slice %arg2[%dma_start3A_26, %dma_start3A_27] : memref<10240x128xf32, #tpu.memory_space<hbm>> -> memref<10240x128xf32, #tpu.memory_space<hbm>>
    tpu.enqueue_indirect_dma source(%dma_start3A_28 : memref<10240x128xf32, #tpu.memory_space<hbm>>) target(%arg10 : memref<64x128xf32, #tpu.memory_space<vmem>>) offsets(%dma_start3A_25 : memref<64xi32, #tpu.memory_space<vmem>>) semaphore(%arg14 : memref<!tpu.dma_semaphore, #tpu.memory_space<semaphore_mem>>)
    %dma_start3A_29 = arith.constant 1 : i32
    %dma_start3A_30 = arith.constant 0 : i32
    %dma_start3A_31 = tpu.memref_slice %arg8[%dma_start3A_29, %dma_start3A_30] : memref<159x64xi32, #tpu.memory_space<vmem>> -> memref<1x64xi32, #tpu.memory_space<vmem>>
    %dma_start3A_32 = tpu.memref_squeeze %dma_start3A_31 : memref<1x64xi32, #tpu.memory_space<vmem>> -> memref<64xi32, #tpu.memory_space<vmem>>
    %dma_start3A_33 = arith.constant 0 : i32
    %dma_start3A_34 = arith.constant 0 : i32
    %dma_start3A_35 = tpu.memref_slice %arg2[%dma_start3A_33, %dma_start3A_34] : memref<10240x128xf32, #tpu.memory_space<hbm>> -> memref<10240x128xf32, #tpu.memory_space<hbm>>
    tpu.enqueue_indirect_dma source(%dma_start3A_35 : memref<10240x128xf32, #tpu.memory_space<hbm>>) target(%arg11 : memref<64x128xf32, #tpu.memory_space<vmem>>) offsets(%dma_start3A_32 : memref<64xi32, #tpu.memory_space<vmem>>) semaphore(%arg15 : memref<!tpu.dma_semaphore, #tpu.memory_space<semaphore_mem>>)
    %scan3A = arith.constant 0 : i32
    %scan3A_36 = arith.constant 0 : i32
    %scan3A_37 = arith.constant 53 : i32
    %scan3A_38 = arith.addi %scan3A_36, %scan3A_37 : i32
    %scan3A_39 = arith.constant 1 : i32
    scf.for %scan3A_68 = %scan3A_36 to %scan3A_38 step %scan3A_39  : i32 {
      %mul3A_69 = arith.constant 3 : i32
      %mul3A_70 = arith.muli %mul3A_69, %scan3A_68 : i32
      %add3A_71 = arith.constant 0 : i32
      %add3A_72 = arith.addi %mul3A_70, %add3A_71 : i32
      %lt3A = arith.constant 159 : i32
      %lt3A_73 = arith.cmpi slt, %add3A_72, %lt3A : i32
      %convert_element_type3A_74 = arith.extui %lt3A_73 : i1 to i32
      %cond3A_75 = arith.constant 0 : i32
      %cond3A_76 = arith.cmpi ne, %convert_element_type3A_74, %cond3A_75 : i32
      scf.if %cond3A_76 {
        %dma_wait3A_95 = arith.constant 0 : i32
        %dma_wait3A_96 = tpu.memref_slice %arg8[%add3A_72, %dma_wait3A_95] : memref<159x64xi32, #tpu.memory_space<vmem>> -> memref<1x64xi32, #tpu.memory_space<vmem>>
        %dma_wait3A_97 = tpu.memref_squeeze %dma_wait3A_96 : memref<1x64xi32, #tpu.memory_space<vmem>> -> memref<64xi32, #tpu.memory_space<vmem>>
        %dma_wait3A_98 = arith.constant 0 : i32
        %dma_wait3A_99 = arith.constant 0 : i32
        %dma_wait3A_100 = tpu.memref_slice %arg2[%dma_wait3A_98, %dma_wait3A_99] : memref<10240x128xf32, #tpu.memory_space<hbm>> -> memref<10240x128xf32, #tpu.memory_space<hbm>>
        tpu.wait_indirect_dma semaphore(%arg14 : memref<!tpu.dma_semaphore, #tpu.memory_space<semaphore_mem>>) src(%dma_wait3A_100 : memref<10240x128xf32, #tpu.memory_space<hbm>>) dst(%arg10 : memref<64x128xf32, #tpu.memory_space<vmem>>)
        %dma_start3A_101 = arith.constant 0 : i32
        %dma_start3A_102 = tpu.memref_slice %arg9[%add3A_72, %dma_start3A_101] : memref<159x64xi32, #tpu.memory_space<vmem>> -> memref<1x64xi32, #tpu.memory_space<vmem>>
        %dma_start3A_103 = tpu.memref_squeeze %dma_start3A_102 : memref<1x64xi32, #tpu.memory_space<vmem>> -> memref<64xi32, #tpu.memory_space<vmem>>
        %dma_start3A_104 = arith.constant 0 : i32
        %dma_start3A_105 = arith.constant 0 : i32
        %dma_start3A_106 = tpu.memref_slice %arg13[%dma_start3A_104, %dma_start3A_105] : memref<10240x128xf32, #tpu.memory_space<vmem_shared>> -> memref<10240x128xf32, #tpu.memory_space<vmem_shared>>
        tpu.enqueue_indirect_dma source(%arg10 : memref<64x128xf32, #tpu.memory_space<vmem>>) target(%dma_start3A_106 : memref<10240x128xf32, #tpu.memory_space<vmem_shared>>) offsets(%dma_start3A_103 : memref<64xi32, #tpu.memory_space<vmem>>) semaphore(%arg17 : memref<!tpu.dma_semaphore, #tpu.memory_space<semaphore_mem>>) {add = true}
        %add3A_107 = arith.constant 2 : i32
        %add3A_108 = arith.addi %add3A_72, %add3A_107 : i32
        %lt3A_109 = arith.constant 159 : i32
        %lt3A_110 = arith.cmpi slt, %add3A_108, %lt3A_109 : i32
        %convert_element_type3A_111 = arith.extui %lt3A_110 : i1 to i32
        %cond3A_112 = arith.constant 0 : i32
        %cond3A_113 = arith.cmpi ne, %convert_element_type3A_111, %cond3A_112 : i32
        scf.if %cond3A_113 {
          %ge3A = arith.constant 1 : i32
          %ge3A_114 = arith.cmpi sge, %add3A_72, %ge3A : i32
          %convert_element_type3A_115 = arith.extui %ge3A_114 : i1 to i32
          %cond3A_116 = arith.constant 0 : i32
          %cond3A_117 = arith.cmpi ne, %convert_element_type3A_115, %cond3A_116 : i32
          scf.if %cond3A_117 {
            %sub3A = arith.constant 1 : i32
            %sub3A_126 = arith.subi %add3A_72, %sub3A : i32
            %dma_wait3A_127 = arith.constant 0 : i32
            %dma_wait3A_128 = tpu.memref_slice %arg9[%sub3A_126, %dma_wait3A_127] : memref<159x64xi32, #tpu.memory_space<vmem>> -> memref<1x64xi32, #tpu.memory_space<vmem>>
            %dma_wait3A_129 = tpu.memref_squeeze %dma_wait3A_128 : memref<1x64xi32, #tpu.memory_space<vmem>> -> memref<64xi32, #tpu.memory_space<vmem>>
            %dma_wait3A_130 = arith.constant 0 : i32
            %dma_wait3A_131 = arith.constant 0 : i32
            %dma_wait3A_132 = tpu.memref_slice %arg13[%dma_wait3A_130, %dma_wait3A_131] : memref<10240x128xf32, #tpu.memory_space<vmem_shared>> -> memref<10240x128xf32, #tpu.memory_space<vmem_shared>>
            tpu.wait_indirect_dma semaphore(%arg19 : memref<!tpu.dma_semaphore, #tpu.memory_space<semaphore_mem>>) src(%arg12 : memref<64x128xf32, #tpu.memory_space<vmem>>) dst(%dma_wait3A_132 : memref<10240x128xf32, #tpu.memory_space<vmem_shared>>)
          } else {
          }
          %add3A_118 = arith.constant 2 : i32
          %add3A_119 = arith.addi %add3A_72, %add3A_118 : i32
          %dma_start3A_120 = arith.constant 0 : i32
          %dma_start3A_121 = tpu.memref_slice %arg8[%add3A_119, %dma_start3A_120] : memref<159x64xi32, #tpu.memory_space<vmem>> -> memref<1x64xi32, #tpu.memory_space<vmem>>
          %dma_start3A_122 = tpu.memref_squeeze %dma_start3A_121 : memref<1x64xi32, #tpu.memory_space<vmem>> -> memref<64xi32, #tpu.memory_space<vmem>>
          %dma_start3A_123 = arith.constant 0 : i32
          %dma_start3A_124 = arith.constant 0 : i32
          %dma_start3A_125 = tpu.memref_slice %arg2[%dma_start3A_123, %dma_start3A_124] : memref<10240x128xf32, #tpu.memory_space<hbm>> -> memref<10240x128xf32, #tpu.memory_space<hbm>>
          tpu.enqueue_indirect_dma source(%dma_start3A_125 : memref<10240x128xf32, #tpu.memory_space<hbm>>) target(%arg12 : memref<64x128xf32, #tpu.memory_space<vmem>>) offsets(%dma_start3A_122 : memref<64xi32, #tpu.memory_space<vmem>>) semaphore(%arg16 : memref<!tpu.dma_semaphore, #tpu.memory_space<semaphore_mem>>)
        } else {
        }
      } else {
      }
      %mul3A_77 = arith.constant 3 : i32
      %mul3A_78 = arith.muli %mul3A_77, %scan3A_68 : i32
      %add3A_79 = arith.constant 1 : i32
      %add3A_80 = arith.addi %mul3A_78, %add3A_79 : i32
      %lt3A_81 = arith.constant 159 : i32
      %lt3A_82 = arith.cmpi slt, %add3A_80, %lt3A_81 : i32
      %convert_element_type3A_83 = arith.extui %lt3A_82 : i1 to i32
      %cond3A_84 = arith.constant 0 : i32
      %cond3A_85 = arith.cmpi ne, %convert_element_type3A_83, %cond3A_84 : i32
      scf.if %cond3A_85 {
        %dma_wait3A_95 = arith.constant 0 : i32
        %dma_wait3A_96 = tpu.memref_slice %arg8[%add3A_80, %dma_wait3A_95] : memref<159x64xi32, #tpu.memory_space<vmem>> -> memref<1x64xi32, #tpu.memory_space<vmem>>
        %dma_wait3A_97 = tpu.memref_squeeze %dma_wait3A_96 : memref<1x64xi32, #tpu.memory_space<vmem>> -> memref<64xi32, #tpu.memory_space<vmem>>
        %dma_wait3A_98 = arith.constant 0 : i32
        %dma_wait3A_99 = arith.constant 0 : i32
        %dma_wait3A_100 = tpu.memref_slice %arg2[%dma_wait3A_98, %dma_wait3A_99] : memref<10240x128xf32, #tpu.memory_space<hbm>> -> memref<10240x128xf32, #tpu.memory_space<hbm>>
        tpu.wait_indirect_dma semaphore(%arg15 : memref<!tpu.dma_semaphore, #tpu.memory_space<semaphore_mem>>) src(%dma_wait3A_100 : memref<10240x128xf32, #tpu.memory_space<hbm>>) dst(%arg11 : memref<64x128xf32, #tpu.memory_space<vmem>>)
        %dma_start3A_101 = arith.constant 0 : i32
        %dma_start3A_102 = tpu.memref_slice %arg9[%add3A_80, %dma_start3A_101] : memref<159x64xi32, #tpu.memory_space<vmem>> -> memref<1x64xi32, #tpu.memory_space<vmem>>
        %dma_start3A_103 = tpu.memref_squeeze %dma_start3A_102 : memref<1x64xi32, #tpu.memory_space<vmem>> -> memref<64xi32, #tpu.memory_space<vmem>>
        %dma_start3A_104 = arith.constant 0 : i32
        %dma_start3A_105 = arith.constant 0 : i32
        %dma_start3A_106 = tpu.memref_slice %arg13[%dma_start3A_104, %dma_start3A_105] : memref<10240x128xf32, #tpu.memory_space<vmem_shared>> -> memref<10240x128xf32, #tpu.memory_space<vmem_shared>>
        tpu.enqueue_indirect_dma source(%arg11 : memref<64x128xf32, #tpu.memory_space<vmem>>) target(%dma_start3A_106 : memref<10240x128xf32, #tpu.memory_space<vmem_shared>>) offsets(%dma_start3A_103 : memref<64xi32, #tpu.memory_space<vmem>>) semaphore(%arg18 : memref<!tpu.dma_semaphore, #tpu.memory_space<semaphore_mem>>) {add = true}
        %add3A_107 = arith.constant 2 : i32
        %add3A_108 = arith.addi %add3A_80, %add3A_107 : i32
        %lt3A_109 = arith.constant 159 : i32
        %lt3A_110 = arith.cmpi slt, %add3A_108, %lt3A_109 : i32
        %convert_element_type3A_111 = arith.extui %lt3A_110 : i1 to i32
        %cond3A_112 = arith.constant 0 : i32
        %cond3A_113 = arith.cmpi ne, %convert_element_type3A_111, %cond3A_112 : i32
        scf.if %cond3A_113 {
          %ge3A = arith.constant 1 : i32
          %ge3A_114 = arith.cmpi sge, %add3A_80, %ge3A : i32
          %convert_element_type3A_115 = arith.extui %ge3A_114 : i1 to i32
          %cond3A_116 = arith.constant 0 : i32
          %cond3A_117 = arith.cmpi ne, %convert_element_type3A_115, %cond3A_116 : i32
          scf.if %cond3A_117 {
            %sub3A = arith.constant 1 : i32
            %sub3A_126 = arith.subi %add3A_80, %sub3A : i32
            %dma_wait3A_127 = arith.constant 0 : i32
            %dma_wait3A_128 = tpu.memref_slice %arg9[%sub3A_126, %dma_wait3A_127] : memref<159x64xi32, #tpu.memory_space<vmem>> -> memref<1x64xi32, #tpu.memory_space<vmem>>
            %dma_wait3A_129 = tpu.memref_squeeze %dma_wait3A_128 : memref<1x64xi32, #tpu.memory_space<vmem>> -> memref<64xi32, #tpu.memory_space<vmem>>
            %dma_wait3A_130 = arith.constant 0 : i32
            %dma_wait3A_131 = arith.constant 0 : i32
            %dma_wait3A_132 = tpu.memref_slice %arg13[%dma_wait3A_130, %dma_wait3A_131] : memref<10240x128xf32, #tpu.memory_space<vmem_shared>> -> memref<10240x128xf32, #tpu.memory_space<vmem_shared>>
            tpu.wait_indirect_dma semaphore(%arg17 : memref<!tpu.dma_semaphore, #tpu.memory_space<semaphore_mem>>) src(%arg10 : memref<64x128xf32, #tpu.memory_space<vmem>>) dst(%dma_wait3A_132 : memref<10240x128xf32, #tpu.memory_space<vmem_shared>>)
          } else {
          }
          %add3A_118 = arith.constant 2 : i32
          %add3A_119 = arith.addi %add3A_80, %add3A_118 : i32
          %dma_start3A_120 = arith.constant 0 : i32
          %dma_start3A_121 = tpu.memref_slice %arg8[%add3A_119, %dma_start3A_120] : memref<159x64xi32, #tpu.memory_space<vmem>> -> memref<1x64xi32, #tpu.memory_space<vmem>>
          %dma_start3A_122 = tpu.memref_squeeze %dma_start3A_121 : memref<1x64xi32, #tpu.memory_space<vmem>> -> memref<64xi32, #tpu.memory_space<vmem>>
          %dma_start3A_123 = arith.constant 0 : i32
          %dma_start3A_124 = arith.constant 0 : i32
          %dma_start3A_125 = tpu.memref_slice %arg2[%dma_start3A_123, %dma_start3A_124] : memref<10240x128xf32, #tpu.memory_space<hbm>> -> memref<10240x128xf32, #tpu.memory_space<hbm>>
          tpu.enqueue_indirect_dma source(%dma_start3A_125 : memref<10240x128xf32, #tpu.memory_space<hbm>>) target(%arg10 : memref<64x128xf32, #tpu.memory_space<vmem>>) offsets(%dma_start3A_122 : memref<64xi32, #tpu.memory_space<vmem>>) semaphore(%arg14 : memref<!tpu.dma_semaphore, #tpu.memory_space<semaphore_mem>>)
        } else {
        }
      } else {
      }
      %mul3A_86 = arith.constant 3 : i32
      %mul3A_87 = arith.muli %mul3A_86, %scan3A_68 : i32
      %add3A_88 = arith.constant 2 : i32
      %add3A_89 = arith.addi %mul3A_87, %add3A_88 : i32
      %lt3A_90 = arith.constant 159 : i32
      %lt3A_91 = arith.cmpi slt, %add3A_89, %lt3A_90 : i32
      %convert_element_type3A_92 = arith.extui %lt3A_91 : i1 to i32
      %cond3A_93 = arith.constant 0 : i32
      %cond3A_94 = arith.cmpi ne, %convert_element_type3A_92, %cond3A_93 : i32
      scf.if %cond3A_94 {
        %dma_wait3A_95 = arith.constant 0 : i32
        %dma_wait3A_96 = tpu.memref_slice %arg8[%add3A_89, %dma_wait3A_95] : memref<159x64xi32, #tpu.memory_space<vmem>> -> memref<1x64xi32, #tpu.memory_space<vmem>>
        %dma_wait3A_97 = tpu.memref_squeeze %dma_wait3A_96 : memref<1x64xi32, #tpu.memory_space<vmem>> -> memref<64xi32, #tpu.memory_space<vmem>>
        %dma_wait3A_98 = arith.constant 0 : i32
        %dma_wait3A_99 = arith.constant 0 : i32
        %dma_wait3A_100 = tpu.memref_slice %arg2[%dma_wait3A_98, %dma_wait3A_99] : memref<10240x128xf32, #tpu.memory_space<hbm>> -> memref<10240x128xf32, #tpu.memory_space<hbm>>
        tpu.wait_indirect_dma semaphore(%arg16 : memref<!tpu.dma_semaphore, #tpu.memory_space<semaphore_mem>>) src(%dma_wait3A_100 : memref<10240x128xf32, #tpu.memory_space<hbm>>) dst(%arg12 : memref<64x128xf32, #tpu.memory_space<vmem>>)
        %dma_start3A_101 = arith.constant 0 : i32
        %dma_start3A_102 = tpu.memref_slice %arg9[%add3A_89, %dma_start3A_101] : memref<159x64xi32, #tpu.memory_space<vmem>> -> memref<1x64xi32, #tpu.memory_space<vmem>>
        %dma_start3A_103 = tpu.memref_squeeze %dma_start3A_102 : memref<1x64xi32, #tpu.memory_space<vmem>> -> memref<64xi32, #tpu.memory_space<vmem>>
        %dma_start3A_104 = arith.constant 0 : i32
        %dma_start3A_105 = arith.constant 0 : i32
        %dma_start3A_106 = tpu.memref_slice %arg13[%dma_start3A_104, %dma_start3A_105] : memref<10240x128xf32, #tpu.memory_space<vmem_shared>> -> memref<10240x128xf32, #tpu.memory_space<vmem_shared>>
        tpu.enqueue_indirect_dma source(%arg12 : memref<64x128xf32, #tpu.memory_space<vmem>>) target(%dma_start3A_106 : memref<10240x128xf32, #tpu.memory_space<vmem_shared>>) offsets(%dma_start3A_103 : memref<64xi32, #tpu.memory_space<vmem>>) semaphore(%arg19 : memref<!tpu.dma_semaphore, #tpu.memory_space<semaphore_mem>>) {add = true}
        %add3A_107 = arith.constant 2 : i32
        %add3A_108 = arith.addi %add3A_89, %add3A_107 : i32
        %lt3A_109 = arith.constant 159 : i32
        %lt3A_110 = arith.cmpi slt, %add3A_108, %lt3A_109 : i32
        %convert_element_type3A_111 = arith.extui %lt3A_110 : i1 to i32
        %cond3A_112 = arith.constant 0 : i32
        %cond3A_113 = arith.cmpi ne, %convert_element_type3A_111, %cond3A_112 : i32
        scf.if %cond3A_113 {
          %ge3A = arith.constant 1 : i32
          %ge3A_114 = arith.cmpi sge, %add3A_89, %ge3A : i32
          %convert_element_type3A_115 = arith.extui %ge3A_114 : i1 to i32
          %cond3A_116 = arith.constant 0 : i32
          %cond3A_117 = arith.cmpi ne, %convert_element_type3A_115, %cond3A_116 : i32
          scf.if %cond3A_117 {
            %sub3A = arith.constant 1 : i32
            %sub3A_126 = arith.subi %add3A_89, %sub3A : i32
            %dma_wait3A_127 = arith.constant 0 : i32
            %dma_wait3A_128 = tpu.memref_slice %arg9[%sub3A_126, %dma_wait3A_127] : memref<159x64xi32, #tpu.memory_space<vmem>> -> memref<1x64xi32, #tpu.memory_space<vmem>>
            %dma_wait3A_129 = tpu.memref_squeeze %dma_wait3A_128 : memref<1x64xi32, #tpu.memory_space<vmem>> -> memref<64xi32, #tpu.memory_space<vmem>>
            %dma_wait3A_130 = arith.constant 0 : i32
            %dma_wait3A_131 = arith.constant 0 : i32
            %dma_wait3A_132 = tpu.memref_slice %arg13[%dma_wait3A_130, %dma_wait3A_131] : memref<10240x128xf32, #tpu.memory_space<vmem_shared>> -> memref<10240x128xf32, #tpu.memory_space<vmem_shared>>
            tpu.wait_indirect_dma semaphore(%arg18 : memref<!tpu.dma_semaphore, #tpu.memory_space<semaphore_mem>>) src(%arg11 : memref<64x128xf32, #tpu.memory_space<vmem>>) dst(%dma_wait3A_132 : memref<10240x128xf32, #tpu.memory_space<vmem_shared>>)
          } else {
          }
          %add3A_118 = arith.constant 2 : i32
          %add3A_119 = arith.addi %add3A_89, %add3A_118 : i32
          %dma_start3A_120 = arith.constant 0 : i32
          %dma_start3A_121 = tpu.memref_slice %arg8[%add3A_119, %dma_start3A_120] : memref<159x64xi32, #tpu.memory_space<vmem>> -> memref<1x64xi32, #tpu.memory_space<vmem>>
          %dma_start3A_122 = tpu.memref_squeeze %dma_start3A_121 : memref<1x64xi32, #tpu.memory_space<vmem>> -> memref<64xi32, #tpu.memory_space<vmem>>
          %dma_start3A_123 = arith.constant 0 : i32
          %dma_start3A_124 = arith.constant 0 : i32
          %dma_start3A_125 = tpu.memref_slice %arg2[%dma_start3A_123, %dma_start3A_124] : memref<10240x128xf32, #tpu.memory_space<hbm>> -> memref<10240x128xf32, #tpu.memory_space<hbm>>
          tpu.enqueue_indirect_dma source(%dma_start3A_125 : memref<10240x128xf32, #tpu.memory_space<hbm>>) target(%arg11 : memref<64x128xf32, #tpu.memory_space<vmem>>) offsets(%dma_start3A_122 : memref<64xi32, #tpu.memory_space<vmem>>) semaphore(%arg15 : memref<!tpu.dma_semaphore, #tpu.memory_space<semaphore_mem>>)
        } else {
        }
      } else {
      }
    }
    %scan3A_40 = arith.constant 53 : i32
    %dma_wait3A = arith.constant 156 : i32
    %dma_wait3A_41 = arith.constant 0 : i32
    %dma_wait3A_42 = tpu.memref_slice %arg9[%dma_wait3A, %dma_wait3A_41] : memref<159x64xi32, #tpu.memory_space<vmem>> -> memref<1x64xi32, #tpu.memory_space<vmem>>
    %dma_wait3A_43 = tpu.memref_squeeze %dma_wait3A_42 : memref<1x64xi32, #tpu.memory_space<vmem>> -> memref<64xi32, #tpu.memory_space<vmem>>
    %dma_wait3A_44 = arith.constant 0 : i32
    %dma_wait3A_45 = arith.constant 0 : i32
    %dma_wait3A_46 = tpu.memref_slice %arg13[%dma_wait3A_44, %dma_wait3A_45] : memref<10240x128xf32, #tpu.memory_space<vmem_shared>> -> memref<10240x128xf32, #tpu.memory_space<vmem_shared>>
    tpu.wait_indirect_dma semaphore(%arg17 : memref<!tpu.dma_semaphore, #tpu.memory_space<semaphore_mem>>) src(%arg10 : memref<64x128xf32, #tpu.memory_space<vmem>>) dst(%dma_wait3A_46 : memref<10240x128xf32, #tpu.memory_space<vmem_shared>>)
    %dma_wait3A_47 = arith.constant 157 : i32
    %dma_wait3A_48 = arith.constant 0 : i32
    %dma_wait3A_49 = tpu.memref_slice %arg9[%dma_wait3A_47, %dma_wait3A_48] : memref<159x64xi32, #tpu.memory_space<vmem>> -> memref<1x64xi32, #tpu.memory_space<vmem>>
    %dma_wait3A_50 = tpu.memref_squeeze %dma_wait3A_49 : memref<1x64xi32, #tpu.memory_space<vmem>> -> memref<64xi32, #tpu.memory_space<vmem>>
    %dma_wait3A_51 = arith.constant 0 : i32
    %dma_wait3A_52 = arith.constant 0 : i32
    %dma_wait3A_53 = tpu.memref_slice %arg13[%dma_wait3A_51, %dma_wait3A_52] : memref<10240x128xf32, #tpu.memory_space<vmem_shared>> -> memref<10240x128xf32, #tpu.memory_space<vmem_shared>>
    tpu.wait_indirect_dma semaphore(%arg18 : memref<!tpu.dma_semaphore, #tpu.memory_space<semaphore_mem>>) src(%arg11 : memref<64x128xf32, #tpu.memory_space<vmem>>) dst(%dma_wait3A_53 : memref<10240x128xf32, #tpu.memory_space<vmem_shared>>)
    %dma_wait3A_54 = arith.constant 158 : i32
    %dma_wait3A_55 = arith.constant 0 : i32
    %dma_wait3A_56 = tpu.memref_slice %arg9[%dma_wait3A_54, %dma_wait3A_55] : memref<159x64xi32, #tpu.memory_space<vmem>> -> memref<1x64xi32, #tpu.memory_space<vmem>>
    %dma_wait3A_57 = tpu.memref_squeeze %dma_wait3A_56 : memref<1x64xi32, #tpu.memory_space<vmem>> -> memref<64xi32, #tpu.memory_space<vmem>>
    %dma_wait3A_58 = arith.constant 0 : i32
    %dma_wait3A_59 = arith.constant 0 : i32
    %dma_wait3A_60 = tpu.memref_slice %arg13[%dma_wait3A_58, %dma_wait3A_59] : memref<10240x128xf32, #tpu.memory_space<vmem_shared>> -> memref<10240x128xf32, #tpu.memory_space<vmem_shared>>
    tpu.wait_indirect_dma semaphore(%arg19 : memref<!tpu.dma_semaphore, #tpu.memory_space<semaphore_mem>>) src(%arg12 : memref<64x128xf32, #tpu.memory_space<vmem>>) dst(%dma_wait3A_60 : memref<10240x128xf32, #tpu.memory_space<vmem_shared>>)
    %barrier3A_61 = arith.constant 0 : index
    tpu.barrier barrier_id(%barrier3A_61)
    %eq3A = arith.constant 0 : i32
    %eq3A_62 = arith.cmpi eq, %arg0, %eq3A : i32
    %convert_element_type3A = arith.extui %eq3A_62 : i1 to i32
    %cond3A = arith.constant 0 : i32
    %cond3A_63 = arith.cmpi ne, %convert_element_type3A, %cond3A : i32
    scf.if %cond3A_63 {
      "tpu.region"() ({
        %run_scoped3A = tpu.sem_alloc : memref<!tpu.dma_semaphore, #tpu.memory_space<semaphore_mem>>
        %dma_start3A_68 = arith.constant 0 : i32
        %dma_start3A_69 = tpu.memref_slice %arg6[%multiple_of3A, %dma_start3A_68] : memref<10240x128xf32, #tpu.memory_space<hbm>> -> memref<640x128xf32, #tpu.memory_space<hbm>>
        %dma_start3A_70 = arith.constant 0 : i32
        %dma_start3A_71 = tpu.memref_slice %arg13[%multiple_of3A, %dma_start3A_70] : memref<10240x128xf32, #tpu.memory_space<vmem_shared>> -> memref<640x128xf32, #tpu.memory_space<vmem_shared>>
        tpu.enqueue_dma source(%dma_start3A_71 : memref<640x128xf32, #tpu.memory_space<vmem_shared>>) target(%dma_start3A_69 : memref<640x128xf32, #tpu.memory_space<hbm>>) target_semaphore(%run_scoped3A : memref<!tpu.dma_semaphore, #tpu.memory_space<semaphore_mem>>)
        %dma_wait3A_72 = arith.constant 0 : i32
        %dma_wait3A_73 = tpu.memref_slice %arg6[%multiple_of3A, %dma_wait3A_72] : memref<10240x128xf32, #tpu.memory_space<hbm>> -> memref<640x128xf32, #tpu.memory_space<hbm>>
        %dma_wait3A_74 = arith.constant 0 : i32
        %dma_wait3A_75 = tpu.memref_slice %arg13[%multiple_of3A, %dma_wait3A_74] : memref<10240x128xf32, #tpu.memory_space<vmem_shared>> -> memref<640x128xf32, #tpu.memory_space<vmem_shared>>
        tpu.wait_dma2 semaphore(%run_scoped3A : memref<!tpu.dma_semaphore, #tpu.memory_space<semaphore_mem>>) src(%dma_wait3A_75 : memref<640x128xf32, #tpu.memory_space<vmem_shared>>) dst(%dma_wait3A_73 : memref<640x128xf32, #tpu.memory_space<hbm>>)
        tpu.yield
      }) : () -> ()
    } else {
    }
    %ne3A = arith.constant 0 : i32
    %ne3A_64 = arith.cmpi ne, %arg0, %ne3A : i32
    %convert_element_type3A_65 = arith.extui %ne3A_64 : i1 to i32
    %cond3A_66 = arith.constant 0 : i32
    %cond3A_67 = arith.cmpi ne, %convert_element_type3A_65, %cond3A_66 : i32
    scf.if %cond3A_67 {
      "tpu.region"() ({
        %run_scoped3A = tpu.sem_alloc : memref<!tpu.dma_semaphore, #tpu.memory_space<semaphore_mem>>
        %dma_start3A_68 = arith.constant 0 : i32
        %dma_start3A_69 = tpu.memref_slice %arg7[%multiple_of3A, %dma_start3A_68] : memref<10240x128xf32, #tpu.memory_space<hbm>> -> memref<640x128xf32, #tpu.memory_space<hbm>>
        %dma_start3A_70 = arith.constant 0 : i32
        %dma_start3A_71 = tpu.memref_slice %arg13[%multiple_of3A, %dma_start3A_70] : memref<10240x128xf32, #tpu.memory_space<vmem_shared>> -> memref<640x128xf32, #tpu.memory_space<vmem_shared>>
        tpu.enqueue_dma source(%dma_start3A_71 : memref<640x128xf32, #tpu.memory_space<vmem_shared>>) target(%dma_start3A_69 : memref<640x128xf32, #tpu.memory_space<hbm>>) target_semaphore(%run_scoped3A : memref<!tpu.dma_semaphore, #tpu.memory_space<semaphore_mem>>)
        %dma_wait3A_72 = arith.constant 0 : i32
        %dma_wait3A_73 = tpu.memref_slice %arg7[%multiple_of3A, %dma_wait3A_72] : memref<10240x128xf32, #tpu.memory_space<hbm>> -> memref<640x128xf32, #tpu.memory_space<hbm>>
        %dma_wait3A_74 = arith.constant 0 : i32
        %dma_wait3A_75 = tpu.memref_slice %arg13[%multiple_of3A, %dma_wait3A_74] : memref<10240x128xf32, #tpu.memory_space<vmem_shared>> -> memref<640x128xf32, #tpu.memory_space<vmem_shared>>
        tpu.wait_dma2 semaphore(%run_scoped3A : memref<!tpu.dma_semaphore, #tpu.memory_space<semaphore_mem>>) src(%dma_wait3A_75 : memref<640x128xf32, #tpu.memory_space<vmem_shared>>) dst(%dma_wait3A_73 : memref<640x128xf32, #tpu.memory_space<hbm>>)
        tpu.yield
      }) : () -> ()
    } else {
    }
    return
  }
}

module attributes {stable_mosaic.version = 14 : i64} {
  func.func @body(%arg0: i32, %arg1: memref<165x1024xf32, #tpu.memory_space<vmem>>, %arg2: memref<165x128xf32, #tpu.memory_space<vmem>>, %arg3: memref<1024x128xf32, #tpu.memory_space<vmem>>) attributes {dimension_semantics = [#tpu.dimension_semantics<arbitrary>], iteration_bounds = array<i64: 10>, scalar_prefetch = 0 : i64, scratch_operands = 0 : i64, tpu.core_type = #tpu.core_type<tc>, window_params = [{transform_indices = @transform_0, window_bounds = array<i64: 165, 1024>}, {pipeline_mode = #tpu.pipeline_mode<synchronous>, transform_indices = @transform_1, window_bounds = array<i64: 165, 128>}, {transform_indices = @transform_2, window_bounds = array<i64: 1024, 128>}]} {
    %get3A = arith.constant 0 : index
    %get3A_0 = arith.constant 0 : index
    %get3A_1 = vector.load %arg1[%get3A, %get3A_0] : memref<165x1024xf32, #tpu.memory_space<vmem>>, vector<165x1024xf32>
    %get3A_2 = arith.constant 0 : index
    %get3A_3 = arith.constant 0 : index
    %get3A_4 = vector.load %arg2[%get3A_2, %get3A_3] : memref<165x128xf32, #tpu.memory_space<vmem>>, vector<165x128xf32>
    %dot_general3A = arith.constant dense<0.000000e+00> : vector<1024x128xf32>
    %dot_general3A_5 = tpu.matmul %get3A_1, %get3A_4, %dot_general3A {dimension_numbers = #tpu.dot_dimension_numbers<[0], [0], [1], [1], [0, 1, 1, 1], [], []>, transpose_lhs_hint = true} : vector<165x1024xf32>, vector<165x128xf32>, vector<1024x128xf32> -> vector<1024x128xf32>
    %swap3A = arith.constant 0 : index
    %swap3A_6 = arith.constant 0 : index
    %swap3A_7 = vector.load %arg3[%swap3A, %swap3A_6] : memref<1024x128xf32, #tpu.memory_space<vmem>>, vector<1024x128xf32>
    tpu.vector_store %arg3[%swap3A, %swap3A_6], %dot_general3A_5 {strides = array<i32>} : memref<1024x128xf32, #tpu.memory_space<vmem>>, vector<1024x128xf32>,
    return
  }
  func.func @transform_0(%arg0: i32) -> (i32, i32) {
    %c0_i32 = arith.constant 0 : i32
    %c0_i32_0 = arith.constant 0 : i32
    return %c0_i32, %arg0 : i32, i32
  }
  func.func @transform_1(%arg0: i32) -> (i32, i32) {
    %c0_i32 = arith.constant 0 : i32
    %c0_i32_0 = arith.constant 0 : i32
    %c0_i32_1 = arith.constant 0 : i32
    return %c0_i32, %c0_i32_0 : i32, i32
  }
  func.func @transform_2(%arg0: i32) -> (i32, i32) {
    %c0_i32 = arith.constant 0 : i32
    %c0_i32_0 = arith.constant 0 : i32
    return %arg0, %c0_i32 : i32, i32
  }
}

module attributes {stable_mosaic.version = 14 : i64} {
  func.func @body(%arg0: i32, %arg1: memref<1024x128xf32, #tpu.memory_space<vmem>>, %arg2: memref<1024x2xf32, #tpu.memory_space<vmem>>, %arg3: memref<1024x128xf32, #tpu.memory_space<vmem>>, %arg4: memref<1024x1xf32, #tpu.memory_space<vmem>>) attributes {dimension_semantics = [#tpu.dimension_semantics<arbitrary>], iteration_bounds = array<i64: 10>, scalar_prefetch = 0 : i64, scratch_operands = 0 : i64, tpu.core_type = #tpu.core_type<tc>, window_params = [{transform_indices = @transform_0, window_bounds = array<i64: 1024, 128>}, {transform_indices = @transform_1, window_bounds = array<i64: 1024, 2>}, {transform_indices = @transform_2, window_bounds = array<i64: 1024, 128>}, {transform_indices = @transform_3, window_bounds = array<i64: 1024, 1>}]} {
    %get3A = arith.constant 0 : index
    %get3A_0 = arith.constant 0 : index
    %get3A_1 = vector.load %arg2[%get3A, %get3A_0] : memref<1024x2xf32, #tpu.memory_space<vmem>>, vector<1024x2xf32>
    %reduce_sum3A = arith.constant dense<0.000000e+00> : vector<1024xf32>
    %reduce_sum3A_2 = vector.multi_reduction <add>, %get3A_1, %reduce_sum3A [1] : vector<1024x2xf32> to vector<1024xf32>
    %broadcast_in_dim3A = vector.shape_cast %reduce_sum3A_2 : vector<1024xf32> to vector<1024x1xf32>
    %add3A = arith.constant 1.000000e+00 : f32
    %add3A_3 = vector.broadcast %add3A : f32 to vector<1024x1xf32>
    %add3A_4 = arith.addf %broadcast_in_dim3A, %add3A_3 : vector<1024x1xf32>
    %rsqrt3A = math.rsqrt %add3A_4 : vector<1024x1xf32>
    %get3A_5 = arith.constant 0 : index
    %get3A_6 = arith.constant 0 : index
    %get3A_7 = vector.load %arg1[%get3A_5, %get3A_6] : memref<1024x128xf32, #tpu.memory_space<vmem>>, vector<1024x128xf32>
    %mul3A = vector.broadcast %rsqrt3A : vector<1024x1xf32> to vector<1024x128xf32>
    %mul3A_8 = arith.mulf %get3A_7, %mul3A : vector<1024x128xf32>
    %swap3A = arith.constant 0 : index
    %swap3A_9 = arith.constant 0 : index
    %swap3A_10 = vector.load %arg3[%swap3A, %swap3A_9] : memref<1024x128xf32, #tpu.memory_space<vmem>>, vector<1024x128xf32>
    tpu.vector_store %arg3[%swap3A, %swap3A_9], %mul3A_8 {strides = array<i32>} : memref<1024x128xf32, #tpu.memory_space<vmem>>, vector<1024x128xf32>,
    %swap3A_11 = arith.constant 0 : index
    %swap3A_12 = arith.constant 0 : index
    %swap3A_13 = vector.load %arg4[%swap3A_11, %swap3A_12] : memref<1024x1xf32, #tpu.memory_space<vmem>>, vector<1024x1xf32>
    tpu.vector_store %arg4[%swap3A_11, %swap3A_12], %rsqrt3A {strides = array<i32>} : memref<1024x1xf32, #tpu.memory_space<vmem>>, vector<1024x1xf32>,
    return
  }
  func.func @transform_0(%arg0: i32) -> (i32, i32) {
    %c0_i32 = arith.constant 0 : i32
    %c0_i32_0 = arith.constant 0 : i32
    return %arg0, %c0_i32 : i32, i32
  }
  func.func @transform_1(%arg0: i32) -> (i32, i32) {
    %c0_i32 = arith.constant 0 : i32
    %c0_i32_0 = arith.constant 0 : i32
    return %arg0, %c0_i32 : i32, i32
  }
  func.func @transform_2(%arg0: i32) -> (i32, i32) {
    %c0_i32 = arith.constant 0 : i32
    %c0_i32_0 = arith.constant 0 : i32
    return %arg0, %c0_i32 : i32, i32
  }
  func.func @transform_3(%arg0: i32) -> (i32, i32) {
    %c0_i32 = arith.constant 0 : i32
    %c0_i32_0 = arith.constant 0 : i32
    return %arg0, %c0_i32 : i32, i32
  }
}

module attributes {stable_mosaic.version = 14 : i64} {
  func.func @body(%arg0: i32, %arg1: memref<1024x128xf32, #tpu.memory_space<vmem>>, %arg2: memref<1024x128xf32, #tpu.memory_space<vmem>>, %arg3: memref<1024x128xf32, #tpu.memory_space<vmem>>, %arg4: memref<1024x1xf32, #tpu.memory_space<vmem>>, %arg5: memref<1x128xf32, #tpu.memory_space<vmem>>, %arg6: memref<128x2xf32, #tpu.memory_space<vmem>>, %arg7: memref<1024x2xf32, #tpu.memory_space<vmem>>) attributes {dimension_semantics = [#tpu.dimension_semantics<arbitrary>], iteration_bounds = array<i64: 10>, scalar_prefetch = 0 : i64, scratch_operands = 0 : i64, tpu.core_type = #tpu.core_type<tc>, window_params = [{transform_indices = @transform_0, window_bounds = array<i64: 1024, 128>}, {transform_indices = @transform_1, window_bounds = array<i64: 1024, 128>}, {transform_indices = @transform_2, window_bounds = array<i64: 1024, 128>}, {transform_indices = @transform_3, window_bounds = array<i64: 1024, 1>}, {pipeline_mode = #tpu.pipeline_mode<synchronous>, transform_indices = @transform_4, window_bounds = array<i64: 1, 128>}, {pipeline_mode = #tpu.pipeline_mode<synchronous>, transform_indices = @transform_5, window_bounds = array<i64: 128, 2>}, {transform_indices = @transform_6, window_bounds = array<i64: 1024, 2>}]} {
    %get3A = arith.constant 0 : index
    %get3A_0 = arith.constant 0 : index
    %get3A_1 = vector.load %arg4[%get3A, %get3A_0] : memref<1024x1xf32, #tpu.memory_space<vmem>>, vector<1024x1xf32>
    %get3A_2 = arith.constant 0 : index
    %get3A_3 = arith.constant 0 : index
    %get3A_4 = vector.load %arg1[%get3A_2, %get3A_3] : memref<1024x128xf32, #tpu.memory_space<vmem>>, vector<1024x128xf32>
    %get3A_5 = arith.constant 0 : index
    %get3A_6 = arith.constant 0 : index
    %get3A_7 = vector.load %arg2[%get3A_5, %get3A_6] : memref<1024x128xf32, #tpu.memory_space<vmem>>, vector<1024x128xf32>
    %add3A = arith.addf %get3A_4, %get3A_7 : vector<1024x128xf32>
    %get3A_8 = arith.constant 0 : index
    %get3A_9 = arith.constant 0 : index
    %get3A_10 = vector.load %arg3[%get3A_8, %get3A_9] : memref<1024x128xf32, #tpu.memory_space<vmem>>, vector<1024x128xf32>
    %add3A_11 = arith.addf %add3A, %get3A_10 : vector<1024x128xf32>
    %mul3A = vector.broadcast %get3A_1 : vector<1024x1xf32> to vector<1024x128xf32>
    %mul3A_12 = arith.mulf %mul3A, %add3A_11 : vector<1024x128xf32>
    %get3A_13 = arith.constant 0 : index
    %get3A_14 = arith.constant 0 : index
    %get3A_15 = vector.load %arg5[%get3A_13, %get3A_14] : memref<1x128xf32, #tpu.memory_space<vmem>>, vector<1x128xf32>
    %add3A_16 = vector.broadcast %get3A_15 : vector<1x128xf32> to vector<1024x128xf32>
    %add3A_17 = arith.addf %mul3A_12, %add3A_16 : vector<1024x128xf32>
    %max3A = arith.constant 0.000000e+00 : f32
    %max3A_18 = vector.broadcast %max3A : f32 to vector<1024x128xf32>
    %max3A_19 = arith.maximumf %add3A_17, %max3A_18 : vector<1024x128xf32>
    %get3A_20 = arith.constant 0 : index
    %get3A_21 = arith.constant 0 : index
    %get3A_22 = vector.load %arg6[%get3A_20, %get3A_21] : memref<128x2xf32, #tpu.memory_space<vmem>>, vector<128x2xf32>
    %dot_general3A = arith.constant dense<0.000000e+00> : vector<1024x2xf32>
    %dot_general3A_23 = tpu.matmul %max3A_19, %get3A_22, %dot_general3A {dimension_numbers = #tpu.dot_dimension_numbers<[1], [0], [0], [1], [0, 0, 1, 1], [], []>, transpose_lhs_hint = false} : vector<1024x128xf32>, vector<128x2xf32>, vector<1024x2xf32> -> vector<1024x2xf32>
    %mul3A_24 = vector.broadcast %get3A_1 : vector<1024x1xf32> to vector<1024x2xf32>
    %mul3A_25 = arith.mulf %dot_general3A_23, %mul3A_24 : vector<1024x2xf32>
    %mul3A_26 = arith.constant 1024 : i32
    %mul3A_27 = arith.muli %arg0, %mul3A_26 : i32
    %iota3A = tpu.iota {dimensions = array<i32: 0>} : vector<1024x1xi32>
    %add3A_28 = vector.broadcast %mul3A_27 : i32 to vector<1024x1xi32>
    %add3A_29 = arith.addi %add3A_28, %iota3A : vector<1024x1xi32>
    %lt3A = arith.constant 10000 : i32
    %lt3A_30 = vector.broadcast %lt3A : i32 to vector<1024x1xi32>
    %lt3A_31 = arith.cmpi slt, %add3A_29, %lt3A_30 : vector<1024x1xi32>
    %jit3A = arith.constant 0.000000e+00 : f32
    %broadcast_in_dim3A = vector.shape_cast %lt3A_31 : vector<1024x1xi1> to vector<1024x1xi1>
    %broadcast_in_dim3A_32 = vector.broadcast %broadcast_in_dim3A : vector<1024x1xi1> to vector<1024x2xi1>
    %broadcast_in_dim3A_33 = vector.broadcast %jit3A : f32 to vector<1024x2xf32>
    %select_n3A = arith.select %broadcast_in_dim3A_32, %mul3A_25, %broadcast_in_dim3A_33 : vector<1024x2xi1>, vector<1024x2xf32>
    %swap3A = arith.constant 0 : index
    %swap3A_34 = arith.constant 0 : index
    %swap3A_35 = vector.load %arg7[%swap3A, %swap3A_34] : memref<1024x2xf32, #tpu.memory_space<vmem>>, vector<1024x2xf32>
    tpu.vector_store %arg7[%swap3A, %swap3A_34], %select_n3A {strides = array<i32>} : memref<1024x2xf32, #tpu.memory_space<vmem>>, vector<1024x2xf32>,
    return
  }
  func.func @transform_0(%arg0: i32) -> (i32, i32) {
    %c0_i32 = arith.constant 0 : i32
    %c0_i32_0 = arith.constant 0 : i32
    return %arg0, %c0_i32 : i32, i32
  }
  func.func @transform_1(%arg0: i32) -> (i32, i32) {
    %c0_i32 = arith.constant 0 : i32
    %c0_i32_0 = arith.constant 0 : i32
    return %arg0, %c0_i32 : i32, i32
  }
  func.func @transform_2(%arg0: i32) -> (i32, i32) {
    %c0_i32 = arith.constant 0 : i32
    %c0_i32_0 = arith.constant 0 : i32
    return %arg0, %c0_i32 : i32, i32
  }
  func.func @transform_3(%arg0: i32) -> (i32, i32) {
    %c0_i32 = arith.constant 0 : i32
    %c0_i32_0 = arith.constant 0 : i32
    return %arg0, %c0_i32 : i32, i32
  }
  func.func @transform_4(%arg0: i32) -> (i32, i32) {
    %c0_i32 = arith.constant 0 : i32
    %c0_i32_0 = arith.constant 0 : i32
    %c0_i32_1 = arith.constant 0 : i32
    return %c0_i32, %c0_i32_0 : i32, i32
  }
  func.func @transform_5(%arg0: i32) -> (i32, i32) {
    %c0_i32 = arith.constant 0 : i32
    %c0_i32_0 = arith.constant 0 : i32
    %c0_i32_1 = arith.constant 0 : i32
    return %c0_i32, %c0_i32_0 : i32, i32
  }
  func.func @transform_6(%arg0: i32) -> (i32, i32) {
    %c0_i32 = arith.constant 0 : i32
    %c0_i32_0 = arith.constant 0 : i32
    return %arg0, %c0_i32 : i32, i32
  }
}

module attributes {stable_mosaic.version = 14 : i64} {
  func.func @body(%arg0: i32, %arg1: memref<1024x2xf32, #tpu.memory_space<vmem>>, %arg2: memref<1024x2xf32, #tpu.memory_space<vmem>>, %arg3: memref<1024x1xf32, #tpu.memory_space<vmem>>, %arg4: memref<1x2xf32, #tpu.memory_space<vmem>>, %arg5: memref<2x1xf32, #tpu.memory_space<vmem>>, %arg6: memref<1x1xf32, #tpu.memory_space<vmem>>, %arg7: memref<1024x1xf32, #tpu.memory_space<vmem>>) attributes {dimension_semantics = [#tpu.dimension_semantics<arbitrary>], iteration_bounds = array<i64: 10>, scalar_prefetch = 0 : i64, scratch_operands = 0 : i64, tpu.core_type = #tpu.core_type<tc>, window_params = [{transform_indices = @transform_0, window_bounds = array<i64: 1024, 2>}, {transform_indices = @transform_1, window_bounds = array<i64: 1024, 2>}, {transform_indices = @transform_2, window_bounds = array<i64: 1024, 1>}, {pipeline_mode = #tpu.pipeline_mode<synchronous>, transform_indices = @transform_3, window_bounds = array<i64: 1, 2>}, {pipeline_mode = #tpu.pipeline_mode<synchronous>, transform_indices = @transform_4, window_bounds = array<i64: 2, 1>}, {pipeline_mode = #tpu.pipeline_mode<synchronous>, transform_indices = @transform_5, window_bounds = array<i64: 1, 1>}, {transform_indices = @transform_6, window_bounds = array<i64: 1024, 1>}]} {
    %get3A = arith.constant 0 : index
    %get3A_0 = arith.constant 0 : index
    %get3A_1 = vector.load %arg3[%get3A, %get3A_0] : memref<1024x1xf32, #tpu.memory_space<vmem>>, vector<1024x1xf32>
    %get3A_2 = arith.constant 0 : index
    %get3A_3 = arith.constant 0 : index
    %get3A_4 = vector.load %arg1[%get3A_2, %get3A_3] : memref<1024x2xf32, #tpu.memory_space<vmem>>, vector<1024x2xf32>
    %get3A_5 = arith.constant 0 : index
    %get3A_6 = arith.constant 0 : index
    %get3A_7 = vector.load %arg2[%get3A_5, %get3A_6] : memref<1024x2xf32, #tpu.memory_space<vmem>>, vector<1024x2xf32>
    %add3A = arith.addf %get3A_4, %get3A_7 : vector<1024x2xf32>
    %mul3A = vector.broadcast %get3A_1 : vector<1024x1xf32> to vector<1024x2xf32>
    %mul3A_8 = arith.mulf %mul3A, %add3A : vector<1024x2xf32>
    %get3A_9 = arith.constant 0 : index
    %get3A_10 = arith.constant 0 : index
    %get3A_11 = vector.load %arg4[%get3A_9, %get3A_10] : memref<1x2xf32, #tpu.memory_space<vmem>>, vector<1x2xf32>
    %add3A_12 = vector.broadcast %get3A_11 : vector<1x2xf32> to vector<1024x2xf32>
    %add3A_13 = arith.addf %mul3A_8, %add3A_12 : vector<1024x2xf32>
    %max3A = arith.constant 0.000000e+00 : f32
    %max3A_14 = vector.broadcast %max3A : f32 to vector<1024x2xf32>
    %max3A_15 = arith.maximumf %add3A_13, %max3A_14 : vector<1024x2xf32>
    %get3A_16 = arith.constant 0 : index
    %get3A_17 = arith.constant 0 : index
    %get3A_18 = vector.load %arg5[%get3A_16, %get3A_17] : memref<2x1xf32, #tpu.memory_space<vmem>>, vector<2x1xf32>
    %dot_general3A = arith.constant dense<0.000000e+00> : vector<1024x1xf32>
    %dot_general3A_19 = tpu.matmul %max3A_15, %get3A_18, %dot_general3A {dimension_numbers = #tpu.dot_dimension_numbers<[1], [0], [0], [1], [0, 0, 1, 1], [], []>, transpose_lhs_hint = false} : vector<1024x2xf32>, vector<2x1xf32>, vector<1024x1xf32> -> vector<1024x1xf32>
    %get3A_20 = arith.constant 0 : index
    %get3A_21 = arith.constant 0 : index
    %get3A_22 = vector.load %arg6[%get3A_20, %get3A_21] : memref<1x1xf32, #tpu.memory_space<vmem>>, vector<1x1xf32>
    %add3A_23 = vector.broadcast %get3A_22 : vector<1x1xf32> to vector<1024x1xf32>
    %add3A_24 = arith.addf %dot_general3A_19, %add3A_23 : vector<1024x1xf32>
    %logistic3A = arith.negf %add3A_24 : vector<1024x1xf32>
    %logistic3A_25 = math.exp %logistic3A : vector<1024x1xf32>
    %logistic3A_26 = arith.constant 1.000000e+00 : f32
    %logistic3A_27 = vector.broadcast %logistic3A_26 : f32 to vector<1024x1xf32>
    %logistic3A_28 = arith.addf %logistic3A_27, %logistic3A_25 : vector<1024x1xf32>
    %logistic3A_29 = arith.divf %logistic3A_27, %logistic3A_28 : vector<1024x1xf32>
    %swap3A = arith.constant 0 : index
    %swap3A_30 = arith.constant 0 : index
    %swap3A_31 = vector.load %arg7[%swap3A, %swap3A_30] : memref<1024x1xf32, #tpu.memory_space<vmem>>, vector<1024x1xf32>
    tpu.vector_store %arg7[%swap3A, %swap3A_30], %logistic3A_29 {strides = array<i32>} : memref<1024x1xf32, #tpu.memory_space<vmem>>, vector<1024x1xf32>,
    return
  }
  func.func @transform_0(%arg0: i32) -> (i32, i32) {
    %c0_i32 = arith.constant 0 : i32
    %c0_i32_0 = arith.constant 0 : i32
    return %arg0, %c0_i32 : i32, i32
  }
  func.func @transform_1(%arg0: i32) -> (i32, i32) {
    %c0_i32 = arith.constant 0 : i32
    %c0_i32_0 = arith.constant 0 : i32
    return %arg0, %c0_i32 : i32, i32
  }
  func.func @transform_2(%arg0: i32) -> (i32, i32) {
    %c0_i32 = arith.constant 0 : i32
    %c0_i32_0 = arith.constant 0 : i32
    return %arg0, %c0_i32 : i32, i32
  }
  func.func @transform_3(%arg0: i32) -> (i32, i32) {
    %c0_i32 = arith.constant 0 : i32
    %c0_i32_0 = arith.constant 0 : i32
    %c0_i32_1 = arith.constant 0 : i32
    return %c0_i32, %c0_i32_0 : i32, i32
  }
  func.func @transform_4(%arg0: i32) -> (i32, i32) {
    %c0_i32 = arith.constant 0 : i32
    %c0_i32_0 = arith.constant 0 : i32
    %c0_i32_1 = arith.constant 0 : i32
    return %c0_i32, %c0_i32_0 : i32, i32
  }
  func.func @transform_5(%arg0: i32) -> (i32, i32) {
    %c0_i32 = arith.constant 0 : i32
    %c0_i32_0 = arith.constant 0 : i32
    %c0_i32_1 = arith.constant 0 : i32
    return %c0_i32, %c0_i32_0 : i32, i32
  }
  func.func @transform_6(%arg0: i32) -> (i32, i32) {
    %c0_i32 = arith.constant 0 : i32
    %c0_i32_0 = arith.constant 0 : i32
    return %arg0, %c0_i32 : i32, i32
  }
}

</mosaic_0001>

<sc_bundles>
// kernel: kernel.12.cloned.1.call-start
scs
__scs_entry_jumppad:
0x0: {  	(pc) =	sbr.rel $0x88, $3  }
0x1: {  	(tag) =	ssettag $0x0;
	lr =	simm.s32 $0x1  }
0x2: {  	[smem:$0x3F99] =	sst lr;
	_ =	strace $0xD0000000  }
0x3: {  	_ = 	snop  }
0x4: {  	_ = 	snop  }
0x5: {  	_ = 	snop  }
0x6: {  	_ = 	snop  }
0x7: {  	_ = 	snop  }
__scs_overlays_trampoline_lowered:
0x8: {  	[smem:$0x3FA8] =	sst s0  }
0x9: {  	[smem:$0x3FA9] =	sst s1  }
0xa: {  	[smem:$0x3FAA] =	sst s2  }
0xb: {  	[smem:$0x3FAB] =	sst s3  }
0xc: {  	[smem:$0x3FAC] =	sst s4  }
0xd: {  	[smem:$0x3FAD] =	sst s5  }
0xe: {  	[smem:$0x3FAE] =	sst s6  }
0xf: {  	[smem:$0x3FAF] =	sst s7  }
0x10: {  	[smem:$0x3FB0] =	sst s8  }
0x11: {  	[smem:$0x3FB1] =	sst s9;
	s0 =	simm.s32 @!p0 $0x0  }
0x12: {  	s1 =	sld [smem:$0x3F97];
	s0 =	simm.s32 @p0 $0x1  }
0x13: {  	[smem:$0x3FB2] =	sst s0;
	s0 =	simm.s32 @!p1 $0x0  }
0x14: {  	s2 =	sld [smem:$0x3F96];
	s0 =	simm.s32 @p1 $0x1  }
0x15: {  	[smem:$0x3FB3] =	sst s0;
	s0 =	simm.s32 @!p2 $0x0  }
0x16: {  	s3 =	sld [smem:$0x3FDB];
	s0 =	simm.s32 @p2 $0x1  }
0x17: {  	s4 =	simm.s32 $0x1BF5;
	[smem:$0x3FB5] =	sst s0  }
0x18: {  	s0 =	sld [smem:$0x3F98];
	_ =	swait.ge [sflag:s4], $0x0  }
0x19: {  	s7 =	sld [smem:$0x3F99]  }
0x1a: {  	s8 =	sadd.s32 $0xFFFFE003, lr  }
0x1b: {  	s9 =	sadd.s32 $0xFFFFFEF7, lr;
	s5 =	simm.s32 $0xFFFFFFFF;
	p2 =	slt.u32 s8, $0xFFFFF086  }
0x1c: {  	p1 =	slt.u32 s9, $0xF7A;
	s5 =	simm.s32 @!p2 $0x0  }
0x1d: {  	s5 =	simm.s32 @p1 $0x1;
	p0 =	seq.s32 s7, s2  }
0x1e: {  	s7 =	smul.u32 @!p0 $0xF7A, s2;
	p2 =	seq.s32 @!p0 s5, $0x0  }
0x1f: {  	s9 =	smul.u32 $0xF7A, s1;
	s8 =	simm.s32 @!p0 $0x1BF5;
	p2 =	por !p2, p0  }
0x20: {  	[sflag:s8] =	ssyncset.s32 @!p0 $0xFFFFF086;
	s6 =	sadd.s32 @!p0 s3, s7;
	s7 =	simm.s32 @!p0 $0x108  }
0x21: {  	s3 =	sadd.s32 s3, s9;
	s6 =	sadd.s32 @!p0 $0x88, s6;
	s7 =	simm.s32 @p2 $0x1082  }
0x22: {  	[simem:s7], [sflag:s8] =	dma.local @!p0 [hbm:s6], $0xF7A  }
0x23: {  	s9 =	sor.u32 $0xD0000000, s2;
	s6 =	simm.s32 $0x108;
	_ =	swait.ge @!p0 [sflag:s8], $0x0  }
0x24: {  	s3 =	sadd.s32 $0x88, s3;
	s6 =	simm.s32 @!p1 $0x1082;
	[sflag:s4] =	ssyncset.s32 $0xFFFFF086  }
0x25: {  	[simem:s6], [sflag:s4] =	dma.local [hbm:s3], $0xF7A  }
0x26: {  	[smem:$0x3F99] =	sst s1;
	(tag) =	ssettag s2;
	_ =	strace s9  }
0x27: {  	s1 =	sld [smem:$0x3FA9]  }
0x28: {  	s2 =	sld [smem:$0x3FAA]  }
0x29: {  	s4 =	sld [smem:$0x3FAC]  }
0x2a: {  	p0 =	seq.s32 s5, $0x0;
	s5 =	sld [smem:$0x3FAD]  }
0x2b: {  	s6 =	sld [smem:$0x3FAE]  }
0x2c: {  	s7 =	sld [smem:$0x3FAF]  }
0x2d: {  	s3 =	simm.s32 $0x108;
	s8 =	sld [smem:$0x3FB0]  }
0x2e: {  	s3 =	simm.s32 @!p0 $0x1082;
	s9 =	sld [smem:$0x3FB1]  }
0x2f: {  	lr =	sadd.s32 s0, s3;
	s0 =	sld [smem:$0x3FA8]  }
0x30: {  	s3 =	sld [smem:$0x3FAB]  }
0x31: {  	[smem:$0x3FB4] =	sst s10  }
0x32: {  	s10 =	sld [smem:$0x3FB2];
	_ =	sdelay $0x3  }
0x33: {  	p0 =	seq.s32 s10, $0x1;
	s10 =	sld [smem:$0x3FB4];
	_ =	sdelay $0x3  }
0x34: {  	[smem:$0x3FB4] =	sst s10  }
0x35: {  	s10 =	sld [smem:$0x3FB3];
	_ =	sdelay $0x3  }
0x36: {  	p1 =	seq.s32 s10, $0x1;
	s10 =	sld [smem:$0x3FB4];
	_ =	sdelay $0x3  }
0x37: {  	[smem:$0x3FB4] =	sst s10  }
0x38: {  	s10 =	sld [smem:$0x3FB5]  }
0x39: {  	_ = 	snop;
	(pc) =	sbr.ind lr, $3  }
0x3a: {  	_ = 	snop  }
0x3b: {  	_ = 	snop  }
0x3c: {  	p2 =	seq.s32 s10, $0x1;
	s10 =	sld [smem:$0x3FB4]  }
0x3d: {  	_ =	shalt  }
0x3e: {  	_ =	shalt  }
0x3f: {  	_ =	shalt  }
0x40: {  	_ =	shalt  }
0x41: {  	_ =	shalt  }
0x42: {  	_ =	shalt  }
0x43: {  	_ =	shalt  }
0x44: {  	_ =	shalt  }
0x45: {  	_ =	shalt  }
0x46: {  	_ =	shalt  }
0x47: {  	_ =	shalt  }
0x48: {  	_ =	shalt  }
0x49: {  	_ =	shalt  }
0x4a: {  	_ =	shalt  }
0x4b: {  	_ =	shalt  }
0x4c: {  	_ =	shalt  }
0x4d: {  	_ =	shalt  }
0x4e: {  	_ =	shalt  }
0x4f: {  	_ =	shalt  }
0x50: {  	_ =	shalt  }
0x51: {  	_ =	shalt  }
0x52: {  	_ =	shalt  }
0x53: {  	_ =	shalt  }
0x54: {  	_ =	shalt  }
0x55: {  	_ =	shalt  }
0x56: {  	_ =	shalt  }
0x57: {  	_ =	shalt  }
0x58: {  	_ =	shalt  }
0x59: {  	_ =	shalt  }
0x5a: {  	_ =	shalt  }
0x5b: {  	_ =	shalt  }
0x5c: {  	_ =	shalt  }
0x5d: {  	_ =	shalt  }
0x5e: {  	_ =	shalt  }
0x5f: {  	_ =	shalt  }
0x60: {  	_ =	shalt  }
0x61: {  	_ =	shalt  }
0x62: {  	_ =	shalt  }
0x63: {  	_ =	shalt  }
0x64: {  	_ =	shalt  }
0x65: {  	_ =	shalt  }
0x66: {  	_ =	shalt  }
0x67: {  	_ =	shalt  }
0x68: {  	_ =	shalt  }
0x69: {  	_ =	shalt  }
0x6a: {  	_ =	shalt  }
0x6b: {  	_ =	shalt  }
0x6c: {  	_ =	shalt  }
0x6d: {  	_ =	shalt  }
0x6e: {  	_ =	shalt  }
0x6f: {  	_ =	shalt  }
0x70: {  	_ =	shalt  }
0x71: {  	_ =	shalt  }
0x72: {  	_ =	shalt  }
0x73: {  	_ =	shalt  }
0x74: {  	_ =	shalt  }
0x75: {  	_ =	shalt  }
0x76: {  	_ =	shalt  }
0x77: {  	_ =	shalt  }
0x78: {  	_ =	shalt  }
0x79: {  	_ =	shalt  }
0x7a: {  	_ =	shalt  }
0x7b: {  	_ =	shalt  }
0x7c: {  	_ =	shalt  }
0x7d: {  	_ =	shalt  }
0x7e: {  	_ =	shalt  }
0x7f: {  	_ =	shalt  }
0x80: {  	_ =	shalt  }
0x81: {  	_ =	shalt  }
0x82: {  	_ =	shalt  }
0x83: {  	_ =	shalt  }
0x84: {  	_ =	shalt  }
0x85: {  	_ =	shalt  }
0x86: {  	_ =	shalt  }
0x87: {  	_ =	shalt  }
.Lfunc_end0:
.L_simem_size_0:
called_computation.1_lowered:
.L_overlay_start_0:
0x88: {  	s2 =	sld [smem:$0x3FD9]  }
0x89: {  	s3 =	sld [smem:$0x3FFE];
	_ =	sdelay $0x1  }
0x8a: {  	s1 =	srdreg.scid  }
0x8b: {  	s0 =	sand.u32 $0x1, s1  }
0x8c: {  	s17 =	sshll.u32 s0, $0xA;
	s2 =	sadd.s32 s3, s2  }
0x8d: {  	s2 =	sadd.s32 s2, s17  }
0x8e: {  	[smem:$0x3FC0] =	sst s2  }
0x8f: {  	_ = 	snop  }
0x90: {  	s2 =	sld [smem:$0x3FD0];
	(tm) =	ssettm $0x1  }
0x91: {  	s18 =	sld [smem:$0x3FFB];
	_ =	sdelay $0x3  }
0x92: {  	_ =	strace s18  }
0x93: {  	s3 =	sld [smem:$0x3FFC];
	_ =	sdelay $0x3  }
0x94: {  	_ =	strace s3  }
0x95: {  	s3 =	sld [smem:$0x3FFD];
	_ =	sdelay $0x3  }
0x96: {  	_ =	strace s3  }
0x97: {  	_ =	strace $0x8FFFFFFF  }
0x98: {  	s19 =	sld [smem:$0x3FDB];
	_ =	sdelay $0x1  }
0x99: {  	s4 =	simm.s32 $_scs_section_size  }
0x9a: {  	s5 =	simm.s32 $_size__tile_overlayer_lowered;
	s6 =	simm.s32 $_tile_overlayer_lowered  }
0x9b: {  	s22 =	simm.s32 $0x1BFF;
	s21 =	sshll.u32 s6, $0x1;
	s3 =	sadd.s32 s4, s19  }
0x9c: {  	s7 =	simm.s32 $0x0;
	s20 =	sshll.u32 s5, $0x1;
	s5 =	sadd.s32 s21, s3  }
0x9d: {  	[timem:s7], [sflag:s22] =	dma.local [hbm:s5], s20  }
0x9e: {  	_ =	swait.ge [sflag:s22], s20  }
0x9f: {  	s4 =	ssub.s32 $0x0, s20;
	[sflag:s22] =	ssyncset.done $0x0  }
0xa0: {  	[sflag:s22] =	ssyncadd.s32 s4;
	_ =	sdelay $0x1  }
0xa1: {  	s23 =	simm.s32 $0x1B8B  }
0xa2: {  	_ =	swait.ge [sflag:s23], $0x1  }
0xa3: {  	[sflag:s23] =	ssyncset.done $0x0  }
0xa4: {  	s25 =	simm.s32 $0x1B8E;
	s24 =	sld [smem:$0x3FFE];
	[sflag:s23] =	ssyncadd.s32 $0xFFFFFFFF  }
0xa5: {  	s26 =	simm.s32 $execute0_lowered;
	[smem:$0x3FD2] =	sst s25  }
0xa6: {  	s5 =	sshll.u32 s26, $0x1;
	_ =	strace $0x80000049;
	[dreg:$0x1] =	wrdreg $0xFFFFFFFF  }
0xa7: {  	s28 =	simm.s32 $_size_execute0_lowered;
	s3 =	sadd.s32 s3, s5;
	[dreg:$0x0] =	wrdreg $0x0  }
0xa8: {  	s5 =	sshll.u32 s28, $0x1;
	[dreg:$0x2] =	wrdreg s3  }
0xa9: {  	[dreg:$0x3] =	wrdreg s5  }
0xaa: {  	[dreg:$0x4] =	wrdreg $0xC0  }
0xab: {  	_ =	task [dreg:s7], $0x5FFFF  }
0xac: {  	[dreg:$0x1] =	wrdreg $0xFFFFFFFF  }
0xad: {  	[dreg:$0x0] =	wrdreg $0x60  }
0xae: {  	[dreg:$0x2] =	wrdreg s24  }
0xaf: {  	[dreg:$0x3] =	wrdreg s2  }
0xb0: {  	[dreg:$0x4] =	wrdreg $0xAF800  }
0xb1: {  	[dreg:$0x5] =	wrdreg $0x9  }
0xb2: {  	_ =	task.clear_ibuf [dreg:s7], $0x6FFFF;
	_ =	strace $0x90000049  }
0xb3: {  	s29 =	simm.s32 $0x9;
	_ =	strace $0x8000004B  }
0xb4: {  	_ =	swait.ge [sflag:s29], $0x1  }
0xb5: {  	[sflag:s29] =	ssyncadd.s32 $0xFFFFFFFF  }
0xb6: {  	_ =	strace $0x9000004B  }
0xb7: {  	_ =	sfence  }
0xb8: {  	s30 =	sld [smem:$0x0];
	_ =	sdelay $0x2  }
0xb9: {  	s31 =	sshll.u32 s1, $0xD;
	s1 =	sshrl.u32 s1, $0x2  }
0xba: {  	s3 =	sand.u32 $0x4000, s31;
	s1 =	sadd.s32 s1, s30  }
0xbb: {  	s0 =	sor.u32 s3, s0;
	s1 =	sshll.u32 s1, $0x11  }
0xbc: {  	s0 =	sor.u32 s1, s0  }
0xbd: {  	s0 =	sadd.s32 $0x8F2B, s0  }
0xbe: {  	[sflag:s0] =	ssyncadd.remote.s32 $0x1  }
0xbf: {  	_ =	sfence.sel $0xFFFF  }
0xc0: {  	[dreg:$0x0] =	wrdreg $0xFFFFFFFF;
	(pc) =	sbr.abs _section_cstart, $3  }
0xc1: {  	[dreg:$0x1] =	wrdreg $0xFFFFFFFF  }
0xc2: {  	_ =	task.clear_ibuf [dreg:s7], $0x2FFFF;
	_ =	strace $0x9FFFFFFF  }
0xc3: {  	(tm) =	ssettm $0x7FFFFFFF  }
tec
execute0_lowered:
.L_overlay_start_1:
0x0: {  	(tag) =	ssettag $0x1  }
0x1: {  	s0 =	rddreg [dreg:$0x0]  }
0x2: {  	s1 =	srdreg.scid;
	s3 =	rddreg [dreg:$0x2]  }
0x3: {  	s9 =	stileid.u32;
	s4 =	simm.s32 $0x0;
	s20 =	simm.s32 $0x7  }
0x4: {  	s21 =	simm.s32 $0x27C0;
	s22 =	simm.s32 $0x4F80;
	s23 =	simm.s32 $0x40  }
0x5: {  	s24 =	simm.s32 $0x6F80;
	s28 =	simm.s32 $0x8F80;
	s29 =	simm.s32 $0x2  }
0x6: {  	s31 =	simm.s32 $0x4;
	s30 =	simm.s32 $0x0;
	s1 =	sand.u32 $0x1, s1  }
0x7: {  	[smem:$0x7FF] =	sst s4;
	s6 =	smul.u32 $0x50000, s9;
	s5 =	sadd.s32 $0x2C000, s0  }
0x8: {  	s17 =	smul.u32 $0x14000, s9;
	s2 =	sshll.u32 s1, $0x4;
	_ =	strace $0x8000004A  }
0x9: {  	s7 =	ssub.s32 $0x2, s1;
	p0 =	seq.s32 s1, $0x0;
	s1 =	simm.s32 $0x7C000  }
0xa: {  	s2 =	sor.u32 s9, s2;
	s8 =	sshrl.u32 s7, $0x1;
	s6 =	sshrl.u32 s6, $0x2  }
0xb: {  	s1 =	simm.s32 @!p0 $0xA4000;
	s26 =	sshrl.u32 s17, $0x3;
	s2 =	smul.u32 $0x4F8, s2  }
0xc: {  	s18 =	ssub.s32 s7, s8;
	s6 =	sadd.s32 s6, s3;
	s8 =	sadd.s32 s17, s3  }
0xd: {  	s9 =	sadd.s32 $0x2000, s6;
	s10 =	sadd.s32 $0x4000, s6;
	s11 =	sadd.s32 $0x6000, s6  }
0xe: {  	s12 =	sadd.s32 $0x8000, s6;
	s13 =	sadd.s32 $0xA000, s6;
	s14 =	sadd.s32 $0xC000, s6  }
0xf: {  	s15 =	sadd.s32 $0xE000, s6;
	s16 =	sadd.s32 $0x10000, s6;
	s17 =	sadd.s32 $0x12000, s6  }
0x10: {  	s18 =	smax.u32 s18, $0x1;
	s2 =	sadd.s32 s2, s0;
	s0 =	sadd.s32 s1, s0  }
0x11: {  	s1 =	simm.s32 $0x6;
	s25 =	sadd.s32 $0x18000, s2;
	s2 =	sadd.s32 $0x22000, s2  }
0x12: {  	s19 =	sadd.s32 s0, s26;
	s26 =	simm.s32 $0x5;
	[dreg:$0x4] =	wrdreg s25  }
0x13: {  	[dreg:$0x5] =	wrdreg s2;
	s25 =	simm.s32 $0x1;
	s2 =	simm.s32 $0x3  }
.LBB2_1:
0x14: {  	s0 =	rddreg [dreg:$0x4]  }
0x15: {  	[tilespmem:s4], [sflag:$0x7] =	stream.linear.gather [hbm4b:s0+s4], $0x27C0, $0x38;
	[tilespmem:$0x1EF80] =	vst v63  }
0x16: {  	_ =	swait.ge [sflag:s20], $0x27C0  }
0x17: {  	[sflag:s20] =	ssyncset.done $0x0  }
0x18: {  	s7 =	rddreg [dreg:$0x5];
	[sflag:s20] =	ssyncadd.s32 $0xFFFFD840  }
0x19: {  	[tilespmem:s21], [sflag:$0x7] =	stream.linear.gather [hbm4b:s7+s4], $0x27C0, $0x38;
	[tilespmem:$0x1EF80] =	vst v63  }
0x1a: {  	_ =	swait.ge [sflag:s20], $0x27C0  }
0x1b: {  	[sflag:s20] =	ssyncset.done $0x0  }
0x1c: {  	[sflag:s20] =	ssyncadd.s32 $0xFFFFD840  }
0x1d: {  	s6 =	rddreg [dreg:$0x1]  }
0x1e: {  	[tilespmem:s22], [sflag:$0x7] =	stream.linear.gather [hbm4b:s6+s4], $0x2000, $0x38;
	[tilespmem:$0x1EF80] =	vst v63  }
0x1f: {  	_ =	swait.ge [sflag:s20], $0x2000  }
0x20: {  	[sflag:s20] =	ssyncset.done $0x0  }
0x21: {  	[sflag:s20] =	ssyncadd.s32 $0xFFFFE000  }
0x22: {  	[spmem:s8] =	stream.linear.scatter [tilespmem:s22], [sflag:$0x7], $0x2000, $0x38;
	[tilespmem:$0x1EF80] =	vst v63  }
0x23: {  	_ =	swait.ge [sflag:s20], $0x2000  }
0x24: {  	[sflag:s20] =	ssyncset.done $0x0  }
0x25: {  	[sflag:s20] =	ssyncadd.s32 $0xFFFFE000  }
0x26: {  	[spmem:s9] =	stream.linear.scatter [tilespmem:s22], [sflag:$0x7], $0x2000, $0x38;
	[tilespmem:$0x1EF80] =	vst v63  }
0x27: {  	_ =	swait.ge [sflag:s20], $0x2000  }
0x28: {  	[sflag:s20] =	ssyncset.done $0x0  }
0x29: {  	[sflag:s20] =	ssyncadd.s32 $0xFFFFE000  }
0x2a: {  	[spmem:s10] =	stream.linear.scatter [tilespmem:s22], [sflag:$0x7], $0x2000, $0x38;
	[tilespmem:$0x1EF80] =	vst v63  }
0x2b: {  	_ =	swait.ge [sflag:s20], $0x2000  }
0x2c: {  	[sflag:s20] =	ssyncset.done $0x0  }
0x2d: {  	[sflag:s20] =	ssyncadd.s32 $0xFFFFE000  }
0x2e: {  	[spmem:s11] =	stream.linear.scatter [tilespmem:s22], [sflag:$0x7], $0x2000, $0x38;
	[tilespmem:$0x1EF80] =	vst v63  }
0x2f: {  	_ =	swait.ge [sflag:s20], $0x2000  }
0x30: {  	[sflag:s20] =	ssyncset.done $0x0  }
0x31: {  	[sflag:s20] =	ssyncadd.s32 $0xFFFFE000  }
0x32: {  	[spmem:s12] =	stream.linear.scatter [tilespmem:s22], [sflag:$0x7], $0x2000, $0x38;
	[tilespmem:$0x1EF80] =	vst v63  }
0x33: {  	_ =	swait.ge [sflag:s20], $0x2000  }
0x34: {  	[sflag:s20] =	ssyncset.done $0x0  }
0x35: {  	[sflag:s20] =	ssyncadd.s32 $0xFFFFE000  }
0x36: {  	[spmem:s13] =	stream.linear.scatter [tilespmem:s22], [sflag:$0x7], $0x2000, $0x38;
	[tilespmem:$0x1EF80] =	vst v63  }
0x37: {  	_ =	swait.ge [sflag:s20], $0x2000  }
0x38: {  	[sflag:s20] =	ssyncset.done $0x0  }
0x39: {  	[sflag:s20] =	ssyncadd.s32 $0xFFFFE000  }
0x3a: {  	[spmem:s14] =	stream.linear.scatter [tilespmem:s22], [sflag:$0x7], $0x2000, $0x38;
	[tilespmem:$0x1EF80] =	vst v63  }
0x3b: {  	_ =	swait.ge [sflag:s20], $0x2000  }
0x3c: {  	[sflag:s20] =	ssyncset.done $0x0  }
0x3d: {  	[sflag:s20] =	ssyncadd.s32 $0xFFFFE000  }
0x3e: {  	[spmem:s15] =	stream.linear.scatter [tilespmem:s22], [sflag:$0x7], $0x2000, $0x38;
	[tilespmem:$0x1EF80] =	vst v63  }
0x3f: {  	_ =	swait.ge [sflag:s20], $0x2000  }
0x40: {  	[sflag:s20] =	ssyncset.done $0x0  }
0x41: {  	[sflag:s20] =	ssyncadd.s32 $0xFFFFE000  }
0x42: {  	[spmem:s16] =	stream.linear.scatter [tilespmem:s22], [sflag:$0x7], $0x2000, $0x38;
	[tilespmem:$0x1EF80] =	vst v63  }
0x43: {  	_ =	swait.ge [sflag:s20], $0x2000  }
0x44: {  	[sflag:s20] =	ssyncset.done $0x0  }
0x45: {  	[sflag:s20] =	ssyncadd.s32 $0xFFFFE000  }
0x46: {  	[spmem:s17] =	stream.linear.scatter [tilespmem:s22], [sflag:$0x7], $0x2000, $0x38;
	[tilespmem:$0x1EF80] =	vst v63  }
0x47: {  	_ =	swait.ge [sflag:s20], $0x2000  }
0x48: {  	[sflag:s20] =	ssyncset.done $0x0  }
0x49: {  	[sflag:s20] =	ssyncadd.s32 $0xFFFFE000  }
0x4a: {  	[bflag:$0x0] =	sbarrier.arrive $0xFFFF  }
0x4b: {  	[tilespmem:s22], [sflag:$0x1] =	stream.indirect.gather [hbm4b:s5+s23], $0x80, s4, s23, $0xb8;
	[tilespmem:$0x1EF80] =	vst v63  }
0x4c: {  	_ = 	snop  }
0x4d: {  	[tilespmem:s24], [sflag:$0x2] =	stream.indirect.gather [hbm4b:s5+s23], $0x80, s23, s23, $0xb8;
	[tilespmem:$0x1EF80] =	vst v63  }
0x4e: {  	_ =	swait.ge [sflag:s25], $0x2000  }
0x4f: {  	[sflag:s25] =	ssyncset.done $0x0  }
0x50: {  	[sflag:s25] =	ssyncadd.s32 $0xFFFFE000  }
0x51: {  	[spmem:s3] =	stream.indirect.scatter.add.f32 [tilespmem:s22], [sflag:$0x4], $0x80, s21, s23, $0xb8;
	[tilespmem:$0x1EF80] =	vst v63  }
0x52: {  	s7 =	simm.s32 $0x80  }
0x53: {  	[tilespmem:s28], [sflag:$0x3] =	stream.indirect.gather [hbm4b:s5+s23], $0x80, s7, s23, $0xb8;
	[tilespmem:$0x1EF80] =	vst v63  }
0x54: {  	_ =	swait.ge [sflag:s29], $0x2000  }
0x55: {  	[sflag:s29] =	ssyncset.done $0x0  }
0x56: {  	s6 =	simm.s32 $0x2800;
	[sflag:s29] =	ssyncadd.s32 $0xFFFFE000  }
0x57: {  	[spmem:s3] =	stream.indirect.scatter.add.f32 [tilespmem:s24], [sflag:$0x5], $0x80, s6, s23, $0xb8;
	[tilespmem:$0x1EF80] =	vst v63  }
0x58: {  	_ =	swait.ge [sflag:s31], $0x2000  }
0x59: {  	[sflag:s31] =	ssyncset.done $0x0  }
0x5a: {  	s7 =	simm.s32 $0xC0;
	[sflag:s31] =	ssyncadd.s32 $0xFFFFE000  }
0x5b: {  	[tilespmem:s22], [sflag:$0x1] =	stream.indirect.gather [hbm4b:s5+s23], $0x80, s7, s23, $0xb8;
	[tilespmem:$0x1EF80] =	vst v63  }
0x5c: {  	_ =	swait.ge [sflag:s2], $0x2000  }
0x5d: {  	[sflag:s2] =	ssyncset.done $0x0  }
0x5e: {  	s6 =	simm.s32 $0x2840;
	[sflag:s2] =	ssyncadd.s32 $0xFFFFE000  }
0x5f: {  	[spmem:s3] =	stream.indirect.scatter.add.f32 [tilespmem:s28], [sflag:$0x6], $0x80, s6, s23, $0xb8;
	[tilespmem:$0x1EF80] =	vst v63  }
0x60: {  	_ =	swait.ge [sflag:s26], $0x2000  }
0x61: {  	[sflag:s26] =	ssyncset.done $0x0  }
0x62: {  	s7 =	simm.s32 $0x100;
	[sflag:s26] =	ssyncadd.s32 $0xFFFFE000  }
0x63: {  	[tilespmem:s24], [sflag:$0x2] =	stream.indirect.gather [hbm4b:s5+s23], $0x80, s7, s23, $0xb8;
	[tilespmem:$0x1EF80] =	vst v63  }
0x64: {  	_ =	swait.ge [sflag:s25], $0x2000  }
0x65: {  	[sflag:s25] =	ssyncset.done $0x0  }
0x66: {  	s6 =	simm.s32 $0x2880;
	[sflag:s25] =	ssyncadd.s32 $0xFFFFE000  }
0x67: {  	[spmem:s3] =	stream.indirect.scatter.add.f32 [tilespmem:s22], [sflag:$0x4], $0x80, s6, s23, $0xb8;
	[tilespmem:$0x1EF80] =	vst v63  }
0x68: {  	_ =	swait.ge [sflag:s1], $0x2000  }
0x69: {  	[sflag:s1] =	ssyncset.done $0x0  }
0x6a: {  	s7 =	simm.s32 $0x140;
	[sflag:s1] =	ssyncadd.s32 $0xFFFFE000  }
0x6b: {  	[tilespmem:s28], [sflag:$0x3] =	stream.indirect.gather [hbm4b:s5+s23], $0x80, s7, s23, $0xb8;
	[tilespmem:$0x1EF80] =	vst v63  }
0x6c: {  	_ =	swait.ge [sflag:s29], $0x2000  }
0x6d: {  	[sflag:s29] =	ssyncset.done $0x0  }
0x6e: {  	s6 =	simm.s32 $0x28C0;
	[sflag:s29] =	ssyncadd.s32 $0xFFFFE000  }
0x6f: {  	[spmem:s3] =	stream.indirect.scatter.add.f32 [tilespmem:s24], [sflag:$0x5], $0x80, s6, s23, $0xb8;
	[tilespmem:$0x1EF80] =	vst v63  }
0x70: {  	_ =	swait.ge [sflag:s31], $0x2000  }
0x71: {  	[sflag:s31] =	ssyncset.done $0x0  }
0x72: {  	s7 =	simm.s32 $0x180;
	[sflag:s31] =	ssyncadd.s32 $0xFFFFE000  }
0x73: {  	[tilespmem:s22], [sflag:$0x1] =	stream.indirect.gather [hbm4b:s5+s23], $0x80, s7, s23, $0xb8;
	[tilespmem:$0x1EF80] =	vst v63  }
0x74: {  	_ =	swait.ge [sflag:s2], $0x2000  }
0x75: {  	[sflag:s2] =	ssyncset.done $0x0  }
0x76: {  	s6 =	simm.s32 $0x2900;
	[sflag:s2] =	ssyncadd.s32 $0xFFFFE000  }
0x77: {  	[spmem:s3] =	stream.indirect.scatter.add.f32 [tilespmem:s28], [sflag:$0x6], $0x80, s6, s23, $0xb8;
	[tilespmem:$0x1EF80] =	vst v63  }
0x78: {  	_ =	swait.ge [sflag:s26], $0x2000  }
0x79: {  	[sflag:s26] =	ssyncset.done $0x0  }
0x7a: {  	s7 =	simm.s32 $0x1C0;
	[sflag:s26] =	ssyncadd.s32 $0xFFFFE000  }
0x7b: {  	[tilespmem:s24], [sflag:$0x2] =	stream.indirect.gather [hbm4b:s5+s23], $0x80, s7, s23, $0xb8;
	[tilespmem:$0x1EF80] =	vst v63  }
0x7c: {  	_ =	swait.ge [sflag:s25], $0x2000  }
0x7d: {  	[sflag:s25] =	ssyncset.done $0x0  }
0x7e: {  	s6 =	simm.s32 $0x2940;
	[sflag:s25] =	ssyncadd.s32 $0xFFFFE000  }
0x7f: {  	[spmem:s3] =	stream.indirect.scatter.add.f32 [tilespmem:s22], [sflag:$0x4], $0x80, s6, s23, $0xb8;
	[tilespmem:$0x1EF80] =	vst v63  }
0x80: {  	_ =	swait.ge [sflag:s1], $0x2000  }
0x81: {  	[sflag:s1] =	ssyncset.done $0x0  }
0x82: {  	s7 =	simm.s32 $0x200;
	[sflag:s1] =	ssyncadd.s32 $0xFFFFE000  }
0x83: {  	[tilespmem:s28], [sflag:$0x3] =	stream.indirect.gather [hbm4b:s5+s23], $0x80, s7, s23, $0xb8;
	[tilespmem:$0x1EF80] =	vst v63  }
0x84: {  	_ =	swait.ge [sflag:s29], $0x2000  }
0x85: {  	[sflag:s29] =	ssyncset.done $0x0  }
0x86: {  	s0 =	simm.s32 $0x300;
	s6 =	simm.s32 $0x2980;
	[sflag:s29] =	ssyncadd.s32 $0xFFFFE000  }
.LBB2_2:
0x87: {  	[spmem:s3] =	stream.indirect.scatter.add.f32 [tilespmem:s24], [sflag:$0x5], $0x80, s6, s23, $0xb8;
	[tilespmem:$0x1EF80] =	vst v63  }
0x88: {  	s6 =	smov.u32 s0;
	s0 =	sadd.s32 $0x300, s0;
	_ =	swait.ge [sflag:s31], $0x2000  }
0x89: {  	s6 =	sshra.s32 s6, $0x2;
	p0 =	sne.s32 s0, $0x9900;
	[sflag:s31] =	ssyncset.done $0x0  }
0x8a: {  	s7 =	sadd.s32 $0x180, s6;
	[sflag:s31] =	ssyncadd.s32 $0xFFFFE000  }
0x8b: {  	[tilespmem:s22], [sflag:$0x1] =	stream.indirect.gather [hbm4b:s5+s23], $0x80, s7, s23, $0xb8;
	[tilespmem:$0x1EF80] =	vst v63  }
0x8c: {  	_ =	swait.ge [sflag:s2], $0x2000  }
0x8d: {  	[sflag:s2] =	ssyncset.done $0x0  }
0x8e: {  	s7 =	sadd.s32 $0x2900, s6;
	[sflag:s2] =	ssyncadd.s32 $0xFFFFE000  }
0x8f: {  	[spmem:s3] =	stream.indirect.scatter.add.f32 [tilespmem:s28], [sflag:$0x6], $0x80, s7, s23, $0xb8;
	[tilespmem:$0x1EF80] =	vst v63  }
0x90: {  	_ =	swait.ge [sflag:s26], $0x2000  }
0x91: {  	[sflag:s26] =	ssyncset.done $0x0  }
0x92: {  	s7 =	sadd.s32 $0x1C0, s6;
	[sflag:s26] =	ssyncadd.s32 $0xFFFFE000  }
0x93: {  	[tilespmem:s24], [sflag:$0x2] =	stream.indirect.gather [hbm4b:s5+s23], $0x80, s7, s23, $0xb8;
	[tilespmem:$0x1EF80] =	vst v63  }
0x94: {  	_ =	swait.ge [sflag:s25], $0x2000  }
0x95: {  	[sflag:s25] =	ssyncset.done $0x0  }
0x96: {  	s7 =	sadd.s32 $0x2940, s6;
	[sflag:s25] =	ssyncadd.s32 $0xFFFFE000  }
0x97: {  	[spmem:s3] =	stream.indirect.scatter.add.f32 [tilespmem:s22], [sflag:$0x4], $0x80, s7, s23, $0xb8;
	[tilespmem:$0x1EF80] =	vst v63  }
0x98: {  	_ =	swait.ge [sflag:s1], $0x2000  }
0x99: {  	[sflag:s1] =	ssyncset.done $0x0  }
.Ltmp0:
0x9a: {  	s7 =	sadd.s32 $0x200, s6;
	[sflag:s1] =	ssyncadd.s32 $0xFFFFE000;
	(pc) =	sbr.rel @p0 .LBB2_2-.Ltmp0, $4  }
0x9b: {  	[tilespmem:s28], [sflag:$0x3] =	stream.indirect.gather [hbm4b:s5+s23], $0x80, s7, s23, $0xb8;
	[tilespmem:$0x1EF80] =	vst v63  }
0x9c: {  	_ =	swait.ge [sflag:s29], $0x2000  }
0x9d: {  	[sflag:s29] =	ssyncset.done $0x0  }
0x9e: {  	s6 =	sadd.s32 $0x2980, s6;
	[sflag:s29] =	ssyncadd.s32 $0xFFFFE000  }
0x9f: {  	[spmem:s3] =	stream.indirect.scatter.add.f32 [tilespmem:s24], [sflag:$0x5], $0x80, s6, s23, $0xb8;
	[tilespmem:$0x1EF80] =	vst v63  }
0xa0: {  	_ =	swait.ge [sflag:s2], $0x2000  }
0xa1: {  	s0 =	sshra.s32 s0, $0x2;
	[sflag:s2] =	ssyncset.done $0x0  }
0xa2: {  	s0 =	sadd.s32 $0x2900, s0;
	[sflag:s2] =	ssyncadd.s32 $0xFFFFE000  }
0xa3: {  	[spmem:s3] =	stream.indirect.scatter.add.f32 [tilespmem:s28], [sflag:$0x6], $0x80, s0, s23, $0xb8;
	[tilespmem:$0x1EF80] =	vst v63  }
0xa4: {  	_ =	swait.ge [sflag:s31], $0x2000  }
0xa5: {  	[sflag:s31] =	ssyncset.done $0x0  }
0xa6: {  	[sflag:s31] =	ssyncadd.s32 $0xFFFFE000  }
0xa7: {  	_ =	swait.ge [sflag:s26], $0x2000  }
0xa8: {  	[sflag:s26] =	ssyncset.done $0x0  }
0xa9: {  	[sflag:s26] =	ssyncadd.s32 $0xFFFFE000  }
0xaa: {  	s6 =	stileid.u32;
	_ =	swait.ge [sflag:s1], $0x2000  }
0xab: {  	s7 =	sshrl.u32 s8, $0x3;
	s30 =	sadd.s32 $0x1, s30;
	[sflag:s1] =	ssyncset.done $0x0  }
0xac: {  	p0 =	sne.s32 s30, s18;
	s0 =	sshll.u32 s6, $0x6;
	[sflag:s1] =	ssyncadd.s32 $0xFFFFE000  }
.Ltmp1:
0xad: {  	s0 =	sor.u32 $0x1C07, s0;
	[bflag:$0x0] =	sbarrier.arrive $0xFFFF;
	(pc) =	sbr.rel @p0 .LBB2_1-.Ltmp1, $4  }
0xae: {  	[hbm:s19], [sflag:s0] =	dma.local [spmem:s7], $0x2800  }
0xaf: {  	_ =	swait.ge [sflag:s20], $0x2800  }
0xb0: {  	[sflag:s20] =	ssyncset.done $0x0  }
0xb1: {  	[sflag:s20] =	ssyncadd.s32 $0xFFFFD800  }
0xb2: {  	_ =	sfence.sel $0x180000  }
0xb3: {  	[bflag:$0x0] =	sbarrier.arrive $0xFFFF  }
0xb4: {  	_ =	strace $0x9000004A  }
0xb5: {  	s0 =	stileid.u32;
	[bflag:$0x2] =	sbarrier.arrive $0xFFFF  }
0xb6: {  	p0 =	sne.s32 s0, $0x0;
	s0 =	rddreg [dreg:$0x3]  }
0xb7: {  	s0 =	sadd.s32 @!p0 $0x100000, s0  }
0xb8: {  	[sflag:s0] =	ssyncadd.tile.s32 @!p0 $0x1;
	_ =	shalt  }
.Lfunc_end2:
_tile_overlayer_lowered:
.L_overlay_start_2:
0xb9: {  	(tag) =	ssettag $0x2  }
0xba: {  	s0 =	rddreg [dreg:$0x0];
	s2 =	stileid.u32  }
0xbb: {  	s1 =	rddreg [dreg:$0x1];
	p0 =	sne.s32 s2, $0x0  }
0xbc: {  	s3 =	rddreg [dreg:$0x2];
	[bflag:$0x3] =	sbarrier.arrive $0xFFFF;
	s2 =	simm.s32 @!p0 $0x1C07  }
0xbd: {  	[timem:s3], [sflag:s2] =	dma.local @!p0 [hbm:s0], s1  }
0xbe: {  	s0 =	simm.s32 @!p0 $0x7  }
0xbf: {  	_ =	swait.ge @!p0 [sflag:s0], s1  }
0xc0: {  	s1 =	ssub.s32 @!p0 $0x0, s1;
	[sflag:s0] =	ssyncset.done @!p0 $0x0  }
0xc1: {  	[sflag:s0] =	ssyncadd.s32 @!p0 s1  }
0xc2: {  	[bflag:$0x3] =	sbarrier.arrive $0xFFFF  }
0xc3: {  	_ =	shalt  }

// kernel: kernel.15.cloned.1.call-start
scs
__scs_entry_jumppad:
0x0: {  	(pc) =	sbr.rel $0x88, $3  }
0x1: {  	(tag) =	ssettag $0x0;
	lr =	simm.s32 $0x1  }
0x2: {  	[smem:$0x3F99] =	sst lr;
	_ =	strace $0xD0000000  }
0x3: {  	_ = 	snop  }
0x4: {  	_ = 	snop  }
0x5: {  	_ = 	snop  }
0x6: {  	_ = 	snop  }
0x7: {  	_ = 	snop  }
__scs_overlays_trampoline_lowered:
0x8: {  	[smem:$0x3FA8] =	sst s0  }
0x9: {  	[smem:$0x3FA9] =	sst s1  }
0xa: {  	[smem:$0x3FAA] =	sst s2  }
0xb: {  	[smem:$0x3FAB] =	sst s3  }
0xc: {  	[smem:$0x3FAC] =	sst s4  }
0xd: {  	[smem:$0x3FAD] =	sst s5  }
0xe: {  	[smem:$0x3FAE] =	sst s6  }
0xf: {  	[smem:$0x3FAF] =	sst s7  }
0x10: {  	[smem:$0x3FB0] =	sst s8  }
0x11: {  	[smem:$0x3FB1] =	sst s9;
	s0 =	simm.s32 @!p0 $0x0  }
0x12: {  	s1 =	sld [smem:$0x3F97];
	s0 =	simm.s32 @p0 $0x1  }
0x13: {  	[smem:$0x3FB2] =	sst s0;
	s0 =	simm.s32 @!p1 $0x0  }
0x14: {  	s2 =	sld [smem:$0x3F96];
	s0 =	simm.s32 @p1 $0x1  }
0x15: {  	[smem:$0x3FB3] =	sst s0;
	s0 =	simm.s32 @!p2 $0x0  }
0x16: {  	s3 =	sld [smem:$0x3FDB];
	s0 =	simm.s32 @p2 $0x1  }
0x17: {  	s4 =	simm.s32 $0x1BF5;
	[smem:$0x3FB5] =	sst s0  }
0x18: {  	s0 =	sld [smem:$0x3F98];
	_ =	swait.ge [sflag:s4], $0x0  }
0x19: {  	s7 =	sld [smem:$0x3F99]  }
0x1a: {  	s8 =	sadd.s32 $0xFFFFE003, lr  }
0x1b: {  	s9 =	sadd.s32 $0xFFFFFEF7, lr;
	s5 =	simm.s32 $0xFFFFFFFF;
	p2 =	slt.u32 s8, $0xFFFFF086  }
0x1c: {  	p1 =	slt.u32 s9, $0xF7A;
	s5 =	simm.s32 @!p2 $0x0  }
0x1d: {  	s5 =	simm.s32 @p1 $0x1;
	p0 =	seq.s32 s7, s2  }
0x1e: {  	s7 =	smul.u32 @!p0 $0xF7A, s2;
	p2 =	seq.s32 @!p0 s5, $0x0  }
0x1f: {  	s9 =	smul.u32 $0xF7A, s1;
	s8 =	simm.s32 @!p0 $0x1BF5;
	p2 =	por !p2, p0  }
0x20: {  	[sflag:s8] =	ssyncset.s32 @!p0 $0xFFFFF086;
	s6 =	sadd.s32 @!p0 s3, s7;
	s7 =	simm.s32 @!p0 $0x108  }
0x21: {  	s3 =	sadd.s32 s3, s9;
	s6 =	sadd.s32 @!p0 $0x88, s6;
	s7 =	simm.s32 @p2 $0x1082  }
0x22: {  	[simem:s7], [sflag:s8] =	dma.local @!p0 [hbm:s6], $0xF7A  }
0x23: {  	s9 =	sor.u32 $0xD0000000, s2;
	s6 =	simm.s32 $0x108;
	_ =	swait.ge @!p0 [sflag:s8], $0x0  }
0x24: {  	s3 =	sadd.s32 $0x88, s3;
	s6 =	simm.s32 @!p1 $0x1082;
	[sflag:s4] =	ssyncset.s32 $0xFFFFF086  }
0x25: {  	[simem:s6], [sflag:s4] =	dma.local [hbm:s3], $0xF7A  }
0x26: {  	[smem:$0x3F99] =	sst s1;
	(tag) =	ssettag s2;
	_ =	strace s9  }
0x27: {  	s1 =	sld [smem:$0x3FA9]  }
0x28: {  	s2 =	sld [smem:$0x3FAA]  }
0x29: {  	s4 =	sld [smem:$0x3FAC]  }
0x2a: {  	p0 =	seq.s32 s5, $0x0;
	s5 =	sld [smem:$0x3FAD]  }
0x2b: {  	s6 =	sld [smem:$0x3FAE]  }
0x2c: {  	s7 =	sld [smem:$0x3FAF]  }
0x2d: {  	s3 =	simm.s32 $0x108;
	s8 =	sld [smem:$0x3FB0]  }
0x2e: {  	s3 =	simm.s32 @!p0 $0x1082;
	s9 =	sld [smem:$0x3FB1]  }
0x2f: {  	lr =	sadd.s32 s0, s3;
	s0 =	sld [smem:$0x3FA8]  }
0x30: {  	s3 =	sld [smem:$0x3FAB]  }
0x31: {  	[smem:$0x3FB4] =	sst s10  }
0x32: {  	s10 =	sld [smem:$0x3FB2];
	_ =	sdelay $0x3  }
0x33: {  	p0 =	seq.s32 s10, $0x1;
	s10 =	sld [smem:$0x3FB4];
	_ =	sdelay $0x3  }
0x34: {  	[smem:$0x3FB4] =	sst s10  }
0x35: {  	s10 =	sld [smem:$0x3FB3];
	_ =	sdelay $0x3  }
0x36: {  	p1 =	seq.s32 s10, $0x1;
	s10 =	sld [smem:$0x3FB4];
	_ =	sdelay $0x3  }
0x37: {  	[smem:$0x3FB4] =	sst s10  }
0x38: {  	s10 =	sld [smem:$0x3FB5]  }
0x39: {  	_ = 	snop;
	(pc) =	sbr.ind lr, $3  }
0x3a: {  	_ = 	snop  }
0x3b: {  	_ = 	snop  }
0x3c: {  	p2 =	seq.s32 s10, $0x1;
	s10 =	sld [smem:$0x3FB4]  }
0x3d: {  	_ =	shalt  }
0x3e: {  	_ =	shalt  }
0x3f: {  	_ =	shalt  }
0x40: {  	_ =	shalt  }
0x41: {  	_ =	shalt  }
0x42: {  	_ =	shalt  }
0x43: {  	_ =	shalt  }
0x44: {  	_ =	shalt  }
0x45: {  	_ =	shalt  }
0x46: {  	_ =	shalt  }
0x47: {  	_ =	shalt  }
0x48: {  	_ =	shalt  }
0x49: {  	_ =	shalt  }
0x4a: {  	_ =	shalt  }
0x4b: {  	_ =	shalt  }
0x4c: {  	_ =	shalt  }
0x4d: {  	_ =	shalt  }
0x4e: {  	_ =	shalt  }
0x4f: {  	_ =	shalt  }
0x50: {  	_ =	shalt  }
0x51: {  	_ =	shalt  }
0x52: {  	_ =	shalt  }
0x53: {  	_ =	shalt  }
0x54: {  	_ =	shalt  }
0x55: {  	_ =	shalt  }
0x56: {  	_ =	shalt  }
0x57: {  	_ =	shalt  }
0x58: {  	_ =	shalt  }
0x59: {  	_ =	shalt  }
0x5a: {  	_ =	shalt  }
0x5b: {  	_ =	shalt  }
0x5c: {  	_ =	shalt  }
0x5d: {  	_ =	shalt  }
0x5e: {  	_ =	shalt  }
0x5f: {  	_ =	shalt  }
0x60: {  	_ =	shalt  }
0x61: {  	_ =	shalt  }
0x62: {  	_ =	shalt  }
0x63: {  	_ =	shalt  }
0x64: {  	_ =	shalt  }
0x65: {  	_ =	shalt  }
0x66: {  	_ =	shalt  }
0x67: {  	_ =	shalt  }
0x68: {  	_ =	shalt  }
0x69: {  	_ =	shalt  }
0x6a: {  	_ =	shalt  }
0x6b: {  	_ =	shalt  }
0x6c: {  	_ =	shalt  }
0x6d: {  	_ =	shalt  }
0x6e: {  	_ =	shalt  }
0x6f: {  	_ =	shalt  }
0x70: {  	_ =	shalt  }
0x71: {  	_ =	shalt  }
0x72: {  	_ =	shalt  }
0x73: {  	_ =	shalt  }
0x74: {  	_ =	shalt  }
0x75: {  	_ =	shalt  }
0x76: {  	_ =	shalt  }
0x77: {  	_ =	shalt  }
0x78: {  	_ =	shalt  }
0x79: {  	_ =	shalt  }
0x7a: {  	_ =	shalt  }
0x7b: {  	_ =	shalt  }
0x7c: {  	_ =	shalt  }
0x7d: {  	_ =	shalt  }
0x7e: {  	_ =	shalt  }
0x7f: {  	_ =	shalt  }
0x80: {  	_ =	shalt  }
0x81: {  	_ =	shalt  }
0x82: {  	_ =	shalt  }
0x83: {  	_ =	shalt  }
0x84: {  	_ =	shalt  }
0x85: {  	_ =	shalt  }
0x86: {  	_ =	shalt  }
0x87: {  	_ =	shalt  }
.Lfunc_end0:
.L_simem_size_0:
called_computation.2_lowered:
.L_overlay_start_0:
0x88: {  	s2 =	sld [smem:$0x3FD9]  }
0x89: {  	s3 =	sld [smem:$0x3FFE];
	_ =	sdelay $0x1  }
0x8a: {  	s1 =	srdreg.scid  }
0x8b: {  	s0 =	sand.u32 $0x1, s1  }
0x8c: {  	s16 =	sshll.u32 s0, $0xA;
	s2 =	sadd.s32 s3, s2  }
0x8d: {  	s2 =	sadd.s32 s2, s16  }
0x8e: {  	[smem:$0x3FC0] =	sst s2  }
0x8f: {  	_ = 	snop  }
0x90: {  	(tm) =	ssettm $0x1  }
0x91: {  	s17 =	sld [smem:$0x3FFB];
	_ =	sdelay $0x3  }
0x92: {  	_ =	strace s17  }
0x93: {  	s2 =	sld [smem:$0x3FFC];
	_ =	sdelay $0x3  }
0x94: {  	_ =	strace s2  }
0x95: {  	s2 =	sld [smem:$0x3FFD];
	_ =	sdelay $0x3  }
0x96: {  	_ =	strace s2  }
0x97: {  	_ =	strace $0x8FFFFFFF  }
0x98: {  	s18 =	sld [smem:$0x3FDB];
	_ =	sdelay $0x1  }
0x99: {  	s19 =	simm.s32 $_scs_section_size  }
0x9a: {  	s4 =	simm.s32 $_size__tile_overlayer_lowered;
	s5 =	simm.s32 $_tile_overlayer_lowered  }
0x9b: {  	s22 =	simm.s32 $0x1BFF;
	s21 =	sshll.u32 s5, $0x1;
	s2 =	sadd.s32 s19, s18  }
0x9c: {  	s6 =	simm.s32 $0x0;
	s20 =	sshll.u32 s4, $0x1;
	s4 =	sadd.s32 s21, s2  }
0x9d: {  	[timem:s6], [sflag:s22] =	dma.local [hbm:s4], s20  }
0x9e: {  	_ =	swait.ge [sflag:s22], s20  }
0x9f: {  	s3 =	ssub.s32 $0x0, s20;
	[sflag:s22] =	ssyncset.done $0x0  }
0xa0: {  	[sflag:s22] =	ssyncadd.s32 s3;
	_ =	sdelay $0x1  }
0xa1: {  	s23 =	simm.s32 $0x1B8B  }
0xa2: {  	_ =	swait.ge [sflag:s23], $0x1  }
0xa3: {  	[sflag:s23] =	ssyncset.done $0x0  }
0xa4: {  	s25 =	simm.s32 $0x1B8E;
	s24 =	sld [smem:$0x3FFE];
	[sflag:s23] =	ssyncadd.s32 $0xFFFFFFFF  }
0xa5: {  	s26 =	simm.s32 $execute0_lowered;
	[smem:$0x3FD2] =	sst s25  }
0xa6: {  	s4 =	sshll.u32 s26, $0x1;
	_ =	strace $0x8000004C;
	[dreg:$0x1] =	wrdreg $0xFFFFFFFF  }
0xa7: {  	s28 =	simm.s32 $_size_execute0_lowered;
	s2 =	sadd.s32 s2, s4;
	[dreg:$0x0] =	wrdreg $0x0  }
0xa8: {  	s4 =	sshll.u32 s28, $0x1;
	[dreg:$0x2] =	wrdreg s2  }
0xa9: {  	[dreg:$0x3] =	wrdreg s4  }
0xaa: {  	[dreg:$0x4] =	wrdreg $0xC0  }
0xab: {  	_ =	task [dreg:s6], $0x5FFFF  }
0xac: {  	[dreg:$0x1] =	wrdreg $0xFFFFFFFF  }
0xad: {  	[dreg:$0x0] =	wrdreg $0x60  }
0xae: {  	[dreg:$0x2] =	wrdreg s24  }
0xaf: {  	[dreg:$0x3] =	wrdreg $0x145000  }
0xb0: {  	[dreg:$0x4] =	wrdreg $0x9  }
0xb1: {  	_ =	task.clear_ibuf [dreg:s6], $0x5FFFF;
	_ =	strace $0x9000004C  }
0xb2: {  	s29 =	simm.s32 $0x9;
	_ =	strace $0x8000004E  }
0xb3: {  	_ =	swait.ge [sflag:s29], $0x1  }
0xb4: {  	[sflag:s29] =	ssyncadd.s32 $0xFFFFFFFF  }
0xb5: {  	_ =	strace $0x9000004E  }
0xb6: {  	_ =	sfence  }
0xb7: {  	s30 =	sld [smem:$0x0];
	_ =	sdelay $0x2  }
0xb8: {  	s31 =	sshll.u32 s1, $0xD;
	s1 =	sshrl.u32 s1, $0x2  }
0xb9: {  	s3 =	sand.u32 $0x4000, s31;
	s1 =	sadd.s32 s1, s30  }
0xba: {  	s0 =	sor.u32 s3, s0;
	s1 =	sshll.u32 s1, $0x11  }
0xbb: {  	s0 =	sor.u32 s1, s0  }
0xbc: {  	s0 =	sadd.s32 $0x8F2B, s0  }
0xbd: {  	[sflag:s0] =	ssyncadd.remote.s32 $0x1  }
0xbe: {  	_ =	sfence.sel $0xFFFF  }
0xbf: {  	[dreg:$0x0] =	wrdreg $0xFFFFFFFF;
	(pc) =	sbr.abs _section_cstart, $3  }
0xc0: {  	[dreg:$0x1] =	wrdreg $0xFFFFFFFF  }
0xc1: {  	_ =	task.clear_ibuf [dreg:s6], $0x2FFFF;
	_ =	strace $0x9FFFFFFF  }
0xc2: {  	(tm) =	ssettm $0x7FFFFFFF  }
0xc3: {  	_ =	shalt  }
tec
execute0_lowered:
.L_overlay_start_1:
0x0: {  	(tag) =	ssettag $0x1  }
0x1: {  	s0 =	srdreg.scid  }
0x2: {  	s10 =	stileid.u32;
	s3 =	rddreg [dreg:$0x0]  }
0x3: {  	s5 =	rddreg [dreg:$0x1];
	s28 =	simm.s32 $0x400;
	s29 =	simm.s32 $0x1  }
0x4: {  	s31 =	simm.s32 $0x5000;
	s30 =	simm.s32 $0x0;
	s0 =	sand.u32 $0x1, s0  }
0x5: {  	s6 =	sshll.u32 s10, $0x7;
	s7 =	smul.u32 $0xA00, s10;
	s26 =	sadd.s32 $0x17C00, s3  }
0x6: {  	s20 =	sshrl.u32 s10, $0x3;
	s1 =	sshll.u32 s0, $0x4;
	s9 =	sshll.u32 s0, $0x7  }
0x7: {  	s1 =	sor.u32 s10, s1;
	s7 =	sor.u32 s9, s7;
	s9 =	smul.u32 $0xA0000, s20  }
0x8: {  	s0 =	ssub.s32 $0x2, s0;
	s10 =	smul.u32 $0xA000, s10;
	s2 =	sshrl.u32 s1, $0x3  }
0x9: {  	s6 =	sand.u32 $0x380, s6;
	s21 =	sshrl.u32 s0, $0x1;
	s4 =	smul.u32 $0x14000, s2  }
0xa: {  	s7 =	sshrl.u32 s7, $0x3;
	s0 =	ssub.s32 s0, s21;
	p0 =	seq.s32 s1, $0x0  }
0xb: {  	s1 =	simm.s32 $0xA000;
	s2 =	simm.s32 $0x0;
	s4 =	sor.u32 s6, s4  }
0xc: {  	s23 =	sshrl.u32 s9, $0x2;
	[smem:$0x7FF] =	sst s2;
	s4 =	sshrl.u32 s4, $0x3  }
0xd: {  	s24 =	sshrl.u32 s10, $0x2;
	_ =	strace $0x8000004D;
	s8 =	sadd.s32 s4, s3  }
0xe: {  	s4 =	sadd.s32 $0x18600, s3;
	s3 =	sadd.s32 s7, s3;
	s22 =	sadd.s32 $0x3C00, s8  }
0xf: {  	s7 =	sadd.s32 s23, s5;
	s8 =	sadd.s32 $0xDC00, s8;
	[dreg:$0x3] =	wrdreg s22  }
0x10: {  	s25 =	sadd.s32 s6, s7;
	s7 =	smov.u32 s26;
	[dreg:$0x4] =	wrdreg s8  }
0x11: {  	s4 =	smov.u32 @p0 s26;
	s26 =	simm.s32 $0x80;
	[dreg:$0x5] =	wrdreg s25  }
0x12: {  	s8 =	sadd.s32 s24, s5;
	s24 =	sadd.s32 $0x19000, s3;
	s25 =	smax.u32 s0, $0x1  }
0x13: {  	s9 =	sadd.s32 $0x80, s8;
	s10 =	sadd.s32 $0x100, s8;
	s11 =	sadd.s32 $0x180, s8  }
0x14: {  	s12 =	sadd.s32 $0x200, s8;
	s13 =	sadd.s32 $0x280, s8;
	s14 =	sadd.s32 $0x300, s8  }
0x15: {  	s15 =	sadd.s32 $0x380, s8;
	s16 =	sadd.s32 $0x28000, s8;
	s17 =	sadd.s32 $0x28080, s8  }
0x16: {  	s18 =	sadd.s32 $0x28100, s8;
	s19 =	sadd.s32 $0x28180, s8;
	s20 =	sadd.s32 $0x28200, s8  }
0x17: {  	s21 =	sadd.s32 $0x28280, s8;
	s22 =	sadd.s32 $0x28300, s8;
	s23 =	sadd.s32 $0x28380, s8  }
.LBB2_1:
0x18: {  	s0 =	rddreg [dreg:$0x3]  }
0x19: {  	[tilespmem:s2], [sflag:$0x1] =	stream.strided.gather [hbm4b:s0+s26], $0x2800, s28, s26, $0x38;
	[tilespmem:$0x19500] =	vst v63  }
0x1a: {  	_ =	swait.ge [sflag:s29], $0x2800  }
0x1b: {  	[sflag:s29] =	ssyncset.done $0x0  }
0x1c: {  	s3 =	simm.s32 $0x2800;
	s6 =	rddreg [dreg:$0x4];
	[sflag:s29] =	ssyncadd.s32 $0xFFFFD800  }
0x1d: {  	[tilespmem:s3], [sflag:$0x1] =	stream.strided.gather [hbm4b:s6+s26], $0x2800, s28, s26, $0x38;
	[tilespmem:$0x19500] =	vst v63  }
0x1e: {  	_ =	swait.ge [sflag:s29], $0x2800  }
0x1f: {  	[sflag:s29] =	ssyncset.done $0x0  }
0x20: {  	[sflag:s29] =	ssyncadd.s32 $0xFFFFD800  }
0x21: {  	[tilespmem:s31], [sflag:$0x1] =	stream.linear.gather [hbm4b:s7+s2], $0x5000, $0x38;
	[tilespmem:$0x19500] =	vst v63  }
0x22: {  	_ =	swait.ge [sflag:s29], $0x5000  }
0x23: {  	[sflag:s29] =	ssyncset.done $0x0  }
0x24: {  	[sflag:s29] =	ssyncadd.s32 $0xFFFFB000  }
0x25: {  	[tilespmem:s1], [sflag:$0x1] =	stream.linear.gather [hbm4b:s4+s2], $0x5000, $0x38;
	[tilespmem:$0x19500] =	vst v63  }
0x26: {  	_ =	swait.ge [sflag:s29], $0x5000  }
0x27: {  	[sflag:s29] =	ssyncset.done $0x0  }
0x28: {  	s0 =	simm.s32 $0x40;
	s3 =	simm.s32 $0x0;
	[sflag:s29] =	ssyncadd.s32 $0xFFFFB000  }
.LBB2_2:
0x29: {  	p0 =	sne.s32 s0, $0x9EC0;
	v0 =	vld [tilespmem:s3+$0x0];
	_ =	sdelay $0x4  }
0x2a: {  	v0 =	vshll.u32 v0, $0x1  }
0x2b: {  	v1 =	vld [tilespmem:s3+$0x2800];
	v2 =	vor.u32 $0x1, v0;
	_ =	sdelay $0x3  }
0x2c: {  	v0 =	vld.idx.msk [tilespmem:v0+s31+$0x0], $0xffff  }
0x2d: {  	v1 =	vshll.u32 v1, $0x1;
	v2 =	vld.idx.msk [tilespmem:v2+s31+$0x0], $0xffff  }
0x2e: {  	v3 =	vor.u32 $0x1, v1  }
.Ltmp0:
0x2f: {  	(pc) =	sbr.rel @p0 .LBB2_2-.Ltmp0, $3  }
0x30: {  	_ =	sdelay $0x1  }
0x31: {  	[tilespmem:v1+s1+$0x0] =	vst.idx.add.f32.msk $0xffff, v0  }
0x32: {  	s3 =	sshra.s32 s0, $0x2;
	s0 =	sadd.s32 $0x40, s0;
	[tilespmem:v3+s1+$0x0] =	vst.idx.add.f32.msk $0xffff, v2  }
0x33: {  	v0 =	vld [tilespmem:s3+$0x0];
	_ =	sdelay $0x4  }
0x34: {  	v1 =	vld [tilespmem:s3+$0x2800];
	v0 =	vshll.u32 v0, $0x1  }
0x35: {  	v2 =	vor.u32 $0x1, v0;
	_ =	sdelay $0x3  }
0x36: {  	v1 =	vshll.u32 v1, $0x1;
	v0 =	vld.idx.msk [tilespmem:v0+s31+$0x0], $0xffff  }
0x37: {  	v3 =	vor.u32 $0x1, v1;
	v2 =	vld.idx.msk [tilespmem:v2+s31+$0x0], $0xffff;
	_ =	sdelay $0x3  }
0x38: {  	[tilespmem:v1+s1+$0x0] =	vst.idx.add.f32.msk $0xffff, v0  }
0x39: {  	s0 =	rddreg [dreg:$0x5];
	[tilespmem:v3+s1+$0x0] =	vst.idx.add.f32.msk $0xffff, v2  }
0x3a: {  	[spmem:s0] =	stream.strided.scatter [tilespmem:s1], [sflag:$0x1], $0x5000, s28, s26, $0x38;
	[tilespmem:$0x19500] =	vst v63  }
0x3b: {  	_ =	swait.ge [sflag:s29], $0x5000  }
0x3c: {  	[sflag:s29] =	ssyncset.done $0x0  }
0x3d: {  	[sflag:s29] =	ssyncadd.s32 $0xFFFFB000  }
0x3e: {  	s0 =	simm.s32 $0xF000;
	[bflag:$0x0] =	sbarrier.arrive $0xFFFF  }
0x3f: {  	[tilespmem:s0], [sflag:$0x1] =	stream.strided.gather [spmem:s8], $0x500, s28, s26, $0x38;
	[tilespmem:$0x19500] =	vst v63  }
0x40: {  	_ =	swait.ge [sflag:s29], $0x500  }
0x41: {  	[sflag:s29] =	ssyncset.done $0x0  }
0x42: {  	s6 =	simm.s32 $0xF500;
	[sflag:s29] =	ssyncadd.s32 $0xFFFFFB00  }
0x43: {  	[tilespmem:s6], [sflag:$0x1] =	stream.strided.gather [spmem:s9], $0x500, s28, s26, $0x38;
	[tilespmem:$0x19500] =	vst v63  }
0x44: {  	_ =	swait.ge [sflag:s29], $0x500  }
0x45: {  	[sflag:s29] =	ssyncset.done $0x0  }
0x46: {  	s5 =	simm.s32 $0xFA00;
	[sflag:s29] =	ssyncadd.s32 $0xFFFFFB00  }
0x47: {  	[tilespmem:s5], [sflag:$0x1] =	stream.strided.gather [spmem:s10], $0x500, s28, s26, $0x38;
	[tilespmem:$0x19500] =	vst v63  }
0x48: {  	_ =	swait.ge [sflag:s29], $0x500  }
0x49: {  	[sflag:s29] =	ssyncset.done $0x0  }
0x4a: {  	s6 =	simm.s32 $0xFF00;
	[sflag:s29] =	ssyncadd.s32 $0xFFFFFB00  }
0x4b: {  	[tilespmem:s6], [sflag:$0x1] =	stream.strided.gather [spmem:s11], $0x500, s28, s26, $0x38;
	[tilespmem:$0x19500] =	vst v63  }
0x4c: {  	_ =	swait.ge [sflag:s29], $0x500  }
0x4d: {  	[sflag:s29] =	ssyncset.done $0x0  }
0x4e: {  	s5 =	simm.s32 $0x10400;
	[sflag:s29] =	ssyncadd.s32 $0xFFFFFB00  }
0x4f: {  	[tilespmem:s5], [sflag:$0x1] =	stream.strided.gather [spmem:s12], $0x500, s28, s26, $0x38;
	[tilespmem:$0x19500] =	vst v63  }
0x50: {  	_ =	swait.ge [sflag:s29], $0x500  }
0x51: {  	[sflag:s29] =	ssyncset.done $0x0  }
0x52: {  	s6 =	simm.s32 $0x10900;
	[sflag:s29] =	ssyncadd.s32 $0xFFFFFB00  }
0x53: {  	[tilespmem:s6], [sflag:$0x1] =	stream.strided.gather [spmem:s13], $0x500, s28, s26, $0x38;
	[tilespmem:$0x19500] =	vst v63  }
0x54: {  	_ =	swait.ge [sflag:s29], $0x500  }
0x55: {  	[sflag:s29] =	ssyncset.done $0x0  }
0x56: {  	s5 =	simm.s32 $0x10E00;
	[sflag:s29] =	ssyncadd.s32 $0xFFFFFB00  }
0x57: {  	[tilespmem:s5], [sflag:$0x1] =	stream.strided.gather [spmem:s14], $0x500, s28, s26, $0x38;
	[tilespmem:$0x19500] =	vst v63  }
0x58: {  	_ =	swait.ge [sflag:s29], $0x500  }
0x59: {  	[sflag:s29] =	ssyncset.done $0x0  }
0x5a: {  	s6 =	simm.s32 $0x11300;
	[sflag:s29] =	ssyncadd.s32 $0xFFFFFB00  }
0x5b: {  	[tilespmem:s6], [sflag:$0x1] =	stream.strided.gather [spmem:s15], $0x500, s28, s26, $0x38;
	[tilespmem:$0x19500] =	vst v63  }
0x5c: {  	_ =	swait.ge [sflag:s29], $0x500  }
0x5d: {  	[sflag:s29] =	ssyncset.done $0x0  }
0x5e: {  	s5 =	simm.s32 $0x11800;
	[sflag:s29] =	ssyncadd.s32 $0xFFFFFB00  }
0x5f: {  	[tilespmem:s5], [sflag:$0x1] =	stream.strided.gather [spmem:s16], $0x500, s28, s26, $0x38;
	[tilespmem:$0x19500] =	vst v63  }
0x60: {  	_ =	swait.ge [sflag:s29], $0x500  }
0x61: {  	[sflag:s29] =	ssyncset.done $0x0  }
0x62: {  	s6 =	simm.s32 $0x11D00;
	[sflag:s29] =	ssyncadd.s32 $0xFFFFFB00  }
0x63: {  	[tilespmem:s6], [sflag:$0x1] =	stream.strided.gather [spmem:s17], $0x500, s28, s26, $0x38;
	[tilespmem:$0x19500] =	vst v63  }
0x64: {  	_ =	swait.ge [sflag:s29], $0x500  }
0x65: {  	[sflag:s29] =	ssyncset.done $0x0  }
0x66: {  	s5 =	simm.s32 $0x12200;
	[sflag:s29] =	ssyncadd.s32 $0xFFFFFB00  }
0x67: {  	[tilespmem:s5], [sflag:$0x1] =	stream.strided.gather [spmem:s18], $0x500, s28, s26, $0x38;
	[tilespmem:$0x19500] =	vst v63  }
0x68: {  	_ =	swait.ge [sflag:s29], $0x500  }
0x69: {  	[sflag:s29] =	ssyncset.done $0x0  }
0x6a: {  	s6 =	simm.s32 $0x12700;
	[sflag:s29] =	ssyncadd.s32 $0xFFFFFB00  }
0x6b: {  	[tilespmem:s6], [sflag:$0x1] =	stream.strided.gather [spmem:s19], $0x500, s28, s26, $0x38;
	[tilespmem:$0x19500] =	vst v63  }
0x6c: {  	_ =	swait.ge [sflag:s29], $0x500  }
0x6d: {  	[sflag:s29] =	ssyncset.done $0x0  }
0x6e: {  	s5 =	simm.s32 $0x12C00;
	[sflag:s29] =	ssyncadd.s32 $0xFFFFFB00  }
0x6f: {  	[tilespmem:s5], [sflag:$0x1] =	stream.strided.gather [spmem:s20], $0x500, s28, s26, $0x38;
	[tilespmem:$0x19500] =	vst v63  }
0x70: {  	_ =	swait.ge [sflag:s29], $0x500  }
0x71: {  	[sflag:s29] =	ssyncset.done $0x0  }
0x72: {  	s6 =	simm.s32 $0x13100;
	[sflag:s29] =	ssyncadd.s32 $0xFFFFFB00  }
0x73: {  	[tilespmem:s6], [sflag:$0x1] =	stream.strided.gather [spmem:s21], $0x500, s28, s26, $0x38;
	[tilespmem:$0x19500] =	vst v63  }
0x74: {  	_ =	swait.ge [sflag:s29], $0x500  }
0x75: {  	[sflag:s29] =	ssyncset.done $0x0  }
0x76: {  	s5 =	simm.s32 $0x13600;
	[sflag:s29] =	ssyncadd.s32 $0xFFFFFB00  }
0x77: {  	[tilespmem:s5], [sflag:$0x1] =	stream.strided.gather [spmem:s22], $0x500, s28, s26, $0x38;
	[tilespmem:$0x19500] =	vst v63  }
0x78: {  	_ =	swait.ge [sflag:s29], $0x500  }
0x79: {  	[sflag:s29] =	ssyncset.done $0x0  }
0x7a: {  	s6 =	simm.s32 $0x13B00;
	[sflag:s29] =	ssyncadd.s32 $0xFFFFFB00  }
0x7b: {  	[tilespmem:s6], [sflag:$0x1] =	stream.strided.gather [spmem:s23], $0x500, s28, s26, $0x38;
	[tilespmem:$0x19500] =	vst v63  }
0x7c: {  	_ =	swait.ge [sflag:s29], $0x500  }
0x7d: {  	s5 =	simm.s32 $0x0;
	[sflag:s29] =	ssyncset.done $0x0  }
0x7e: {  	s3 =	sand.u32 $0x7F0, s5;
	[sflag:s29] =	ssyncadd.s32 $0xFFFFFB00  }
0x7f: {  	v0 =	vld [tilespmem:s3+$0xF500]  }
0x80: {  	v1 =	vld [tilespmem:s0+$0x0];
	_ =	sdelay $0x1  }
0x81: {  	v2 =	vld [tilespmem:s3+$0xFA00];
	_ =	sdelay $0x1  }
0x82: {  	v3 =	vld [tilespmem:s3+$0xFF00]  }
0x83: {  	v0 =	vadd.f32 v0, v1  }
0x84: {  	v1 =	vld [tilespmem:s3+$0x10400]  }
0x85: {  	v0 =	vadd.f32 v2, v0  }
0x86: {  	v2 =	vld [tilespmem:s3+$0x10900]  }
0x87: {  	v0 =	vadd.f32 v3, v0  }
0x88: {  	v3 =	vld [tilespmem:s3+$0x10E00]  }
0x89: {  	v0 =	vadd.f32 v1, v0  }
0x8a: {  	v1 =	vld [tilespmem:s3+$0x11300]  }
0x8b: {  	v0 =	vadd.f32 v2, v0  }
0x8c: {  	v2 =	vld [tilespmem:s3+$0x11800]  }
0x8d: {  	v0 =	vadd.f32 v3, v0  }
0x8e: {  	v3 =	vld [tilespmem:s3+$0x11D00]  }
0x8f: {  	v0 =	vadd.f32 v1, v0  }
0x90: {  	v1 =	vld [tilespmem:s3+$0x12200]  }
0x91: {  	v0 =	vadd.f32 v2, v0  }
0x92: {  	v2 =	vld [tilespmem:s3+$0x12700]  }
0x93: {  	v0 =	vadd.f32 v3, v0  }
0x94: {  	v3 =	vld [tilespmem:s3+$0x12C00]  }
0x95: {  	v0 =	vadd.f32 v1, v0  }
0x96: {  	v1 =	vld [tilespmem:s3+$0x13100]  }
0x97: {  	v0 =	vadd.f32 v2, v0  }
0x98: {  	v2 =	vld [tilespmem:s3+$0x13600]  }
0x99: {  	v0 =	vadd.f32 v3, v0  }
0x9a: {  	v3 =	vld [tilespmem:s3+$0x13B00]  }
0x9b: {  	v0 =	vadd.f32 v1, v0;
	_ =	sdelay $0x1  }
0x9c: {  	v0 =	vadd.f32 v2, v0;
	_ =	sdelay $0x1  }
0x9d: {  	v0 =	vadd.f32 v3, v0  }
0x9e: {  	s6 =	simm.s32 $0x10;
	s0 =	simm.s32 $0x14000  }
0x9f: {  	s3 =	sand.u32 $0x7F0, s6;
	[tilespmem:s0+$0x0] =	vst v0  }
0xa0: {  	s5 =	simm.s32 $0xF010;
	s6 =	simm.s32 $0x20;
	v0 =	vld [tilespmem:s3+$0xF500]  }
.LBB2_4:
0xa1: {  	p0 =	sne.s32 s6, $0x4F0;
	v1 =	vld [tilespmem:s5+$0x0];
	_ =	sdelay $0x1  }
0xa2: {  	v2 =	vld [tilespmem:s3+$0xFA00];
	_ =	sdelay $0x1  }
0xa3: {  	v3 =	vld [tilespmem:s3+$0xFF00]  }
0xa4: {  	v0 =	vadd.f32 v0, v1  }
0xa5: {  	v1 =	vld [tilespmem:s3+$0x10400]  }
0xa6: {  	v0 =	vadd.f32 v2, v0  }
0xa7: {  	v2 =	vld [tilespmem:s3+$0x10900]  }
0xa8: {  	v0 =	vadd.f32 v3, v0  }
0xa9: {  	v3 =	vld [tilespmem:s3+$0x10E00]  }
0xaa: {  	v0 =	vadd.f32 v1, v0  }
0xab: {  	v1 =	vld [tilespmem:s3+$0x11300]  }
0xac: {  	v0 =	vadd.f32 v2, v0  }
0xad: {  	v2 =	vld [tilespmem:s3+$0x11800]  }
0xae: {  	v0 =	vadd.f32 v3, v0  }
0xaf: {  	v3 =	vld [tilespmem:s3+$0x11D00]  }
0xb0: {  	v0 =	vadd.f32 v1, v0  }
0xb1: {  	v1 =	vld [tilespmem:s3+$0x12200]  }
0xb2: {  	v0 =	vadd.f32 v2, v0  }
0xb3: {  	v2 =	vld [tilespmem:s3+$0x12700]  }
0xb4: {  	v0 =	vadd.f32 v3, v0  }
0xb5: {  	v3 =	vld [tilespmem:s3+$0x12C00]  }
0xb6: {  	v0 =	vadd.f32 v1, v0  }
0xb7: {  	v1 =	vld [tilespmem:s3+$0x13100]  }
0xb8: {  	v0 =	vadd.f32 v2, v0  }
0xb9: {  	v2 =	vld [tilespmem:s3+$0x13600]  }
0xba: {  	v0 =	vadd.f32 v3, v0  }
0xbb: {  	v3 =	vld [tilespmem:s3+$0x13B00]  }
0xbc: {  	v0 =	vadd.f32 v1, v0;
	_ =	sdelay $0x1  }
0xbd: {  	v0 =	vadd.f32 v2, v0  }
.Ltmp1:
0xbe: {  	(pc) =	sbr.rel @p0 .LBB2_4-.Ltmp1, $4  }
0xbf: {  	v0 =	vadd.f32 v3, v0  }
0xc0: {  	s0 =	sadd.s32 $0x10, s0  }
0xc1: {  	s3 =	sand.u32 $0x7F0, s6;
	[tilespmem:s0+$0x0] =	vst v0  }
0xc2: {  	s5 =	sadd.s32 $0x10, s5;
	s6 =	sadd.s32 $0x10, s6;
	v0 =	vld [tilespmem:s3+$0xF500]  }
0xc3: {  	v1 =	vld [tilespmem:s5+$0x0];
	_ =	sdelay $0x1  }
0xc4: {  	v2 =	vld [tilespmem:s3+$0xFA00];
	_ =	sdelay $0x1  }
0xc5: {  	v3 =	vld [tilespmem:s3+$0xFF00]  }
0xc6: {  	v0 =	vadd.f32 v0, v1  }
0xc7: {  	v52 =	vld [tilespmem:s3+$0x10400]  }
0xc8: {  	v0 =	vadd.f32 v2, v0  }
0xc9: {  	v53 =	vld [tilespmem:s3+$0x10900]  }
0xca: {  	v0 =	vadd.f32 v3, v0  }
0xcb: {  	v54 =	vld [tilespmem:s3+$0x10E00]  }
0xcc: {  	v0 =	vadd.f32 v52, v0  }
0xcd: {  	v55 =	vld [tilespmem:s3+$0x11300]  }
0xce: {  	v0 =	vadd.f32 v53, v0  }
0xcf: {  	v56 =	vld [tilespmem:s3+$0x11800]  }
0xd0: {  	v0 =	vadd.f32 v54, v0  }
0xd1: {  	v57 =	vld [tilespmem:s3+$0x11D00]  }
0xd2: {  	v0 =	vadd.f32 v55, v0  }
0xd3: {  	v58 =	vld [tilespmem:s3+$0x12200]  }
0xd4: {  	v0 =	vadd.f32 v56, v0  }
0xd5: {  	v59 =	vld [tilespmem:s3+$0x12700]  }
0xd6: {  	v0 =	vadd.f32 v57, v0  }
0xd7: {  	v60 =	vld [tilespmem:s3+$0x12C00]  }
0xd8: {  	v0 =	vadd.f32 v58, v0  }
0xd9: {  	v61 =	vld [tilespmem:s3+$0x13100]  }
0xda: {  	v0 =	vadd.f32 v59, v0  }
0xdb: {  	v62 =	vld [tilespmem:s3+$0x13600]  }
0xdc: {  	v0 =	vadd.f32 v60, v0  }
0xdd: {  	v63 =	vld [tilespmem:s3+$0x13B00]  }
0xde: {  	v0 =	vadd.f32 v61, v0;
	_ =	sdelay $0x1  }
0xdf: {  	v0 =	vadd.f32 v62, v0;
	_ =	sdelay $0x1  }
0xe0: {  	s30 =	sadd.s32 $0x1, s30;
	v0 =	vadd.f32 v63, v0  }
0xe1: {  	s0 =	sadd.s32 $0x10, s0;
	p0 =	sne.s32 s30, s25  }
.Ltmp2:
0xe2: {  	s5 =	simm.s32 $0x100;
	s6 =	simm.s32 $0x14000;
	[tilespmem:s0+$0x0] =	vst v0;
	(pc) =	sbr.rel @p0 .LBB2_1-.Ltmp2, $4  }
0xe3: {  	[hbm4b:s24+s26] =	stream.strided.scatter [tilespmem:s6], [sflag:$0x1], $0x500, s5, s26, $0x38;
	[tilespmem:$0x19500] =	vst v63  }
0xe4: {  	_ =	swait.ge [sflag:s29], $0x500  }
0xe5: {  	[sflag:s29] =	ssyncset.done $0x0  }
0xe6: {  	[sflag:s29] =	ssyncadd.s32 $0xFFFFFB00  }
0xe7: {  	_ =	sfence.sel $0x180000  }
0xe8: {  	[bflag:$0x0] =	sbarrier.arrive $0xFFFF  }
0xe9: {  	_ =	strace $0x9000004D  }
0xea: {  	s0 =	stileid.u32;
	[bflag:$0x2] =	sbarrier.arrive $0xFFFF  }
0xeb: {  	p0 =	sne.s32 s0, $0x0;
	s0 =	rddreg [dreg:$0x2]  }
0xec: {  	s0 =	sadd.s32 @!p0 $0x100000, s0  }
0xed: {  	[sflag:s0] =	ssyncadd.tile.s32 @!p0 $0x1;
	_ =	shalt  }
.Lfunc_end2:
_tile_overlayer_lowered:
.L_overlay_start_2:
0xee: {  	(tag) =	ssettag $0x2  }
0xef: {  	s0 =	rddreg [dreg:$0x0];
	s2 =	stileid.u32  }
0xf0: {  	s1 =	rddreg [dreg:$0x1];
	p0 =	sne.s32 s2, $0x0  }
0xf1: {  	s3 =	rddreg [dreg:$0x2];
	[bflag:$0x3] =	sbarrier.arrive $0xFFFF;
	s2 =	simm.s32 @!p0 $0x1C01  }
0xf2: {  	[timem:s3], [sflag:s2] =	dma.local @!p0 [hbm:s0], s1  }
0xf3: {  	s0 =	simm.s32 @!p0 $0x1  }
0xf4: {  	_ =	swait.ge @!p0 [sflag:s0], s1  }
0xf5: {  	s1 =	ssub.s32 @!p0 $0x0, s1;
	[sflag:s0] =	ssyncset.done @!p0 $0x0  }
0xf6: {  	[sflag:s0] =	ssyncadd.s32 @!p0 s1  }
0xf7: {  	[bflag:$0x3] =	sbarrier.arrive $0xFFFF  }
0xf8: {  	_ =	shalt  }

// kernel: kernel.9.cloned.1.call-start
scs
__scs_entry_jumppad:
0x0: {  	(pc) =	sbr.rel $0x88, $3  }
0x1: {  	(tag) =	ssettag $0x0;
	lr =	simm.s32 $0x1  }
0x2: {  	[smem:$0x3F99] =	sst lr;
	_ =	strace $0xD0000000  }
0x3: {  	_ = 	snop  }
0x4: {  	_ = 	snop  }
0x5: {  	_ = 	snop  }
0x6: {  	_ = 	snop  }
0x7: {  	_ = 	snop  }
__scs_overlays_trampoline_lowered:
0x8: {  	[smem:$0x3FA8] =	sst s0  }
0x9: {  	[smem:$0x3FA9] =	sst s1  }
0xa: {  	[smem:$0x3FAA] =	sst s2  }
0xb: {  	[smem:$0x3FAB] =	sst s3  }
0xc: {  	[smem:$0x3FAC] =	sst s4  }
0xd: {  	[smem:$0x3FAD] =	sst s5  }
0xe: {  	[smem:$0x3FAE] =	sst s6  }
0xf: {  	[smem:$0x3FAF] =	sst s7  }
0x10: {  	[smem:$0x3FB0] =	sst s8  }
0x11: {  	[smem:$0x3FB1] =	sst s9;
	s0 =	simm.s32 @!p0 $0x0  }
0x12: {  	s1 =	sld [smem:$0x3F97];
	s0 =	simm.s32 @p0 $0x1  }
0x13: {  	[smem:$0x3FB2] =	sst s0;
	s0 =	simm.s32 @!p1 $0x0  }
0x14: {  	s2 =	sld [smem:$0x3F96];
	s0 =	simm.s32 @p1 $0x1  }
0x15: {  	[smem:$0x3FB3] =	sst s0;
	s0 =	simm.s32 @!p2 $0x0  }
0x16: {  	s3 =	sld [smem:$0x3FDB];
	s0 =	simm.s32 @p2 $0x1  }
0x17: {  	s4 =	simm.s32 $0x1BF5;
	[smem:$0x3FB5] =	sst s0  }
0x18: {  	s0 =	sld [smem:$0x3F98];
	_ =	swait.ge [sflag:s4], $0x0  }
0x19: {  	s7 =	sld [smem:$0x3F99]  }
0x1a: {  	s8 =	sadd.s32 $0xFFFFE003, lr  }
0x1b: {  	s9 =	sadd.s32 $0xFFFFFEF7, lr;
	s5 =	simm.s32 $0xFFFFFFFF;
	p2 =	slt.u32 s8, $0xFFFFF086  }
0x1c: {  	p1 =	slt.u32 s9, $0xF7A;
	s5 =	simm.s32 @!p2 $0x0  }
0x1d: {  	s5 =	simm.s32 @p1 $0x1;
	p0 =	seq.s32 s7, s2  }
0x1e: {  	s7 =	smul.u32 @!p0 $0xF7A, s2;
	p2 =	seq.s32 @!p0 s5, $0x0  }
0x1f: {  	s9 =	smul.u32 $0xF7A, s1;
	s8 =	simm.s32 @!p0 $0x1BF5;
	p2 =	por !p2, p0  }
0x20: {  	[sflag:s8] =	ssyncset.s32 @!p0 $0xFFFFF086;
	s6 =	sadd.s32 @!p0 s3, s7;
	s7 =	simm.s32 @!p0 $0x108  }
0x21: {  	s3 =	sadd.s32 s3, s9;
	s6 =	sadd.s32 @!p0 $0x88, s6;
	s7 =	simm.s32 @p2 $0x1082  }
0x22: {  	[simem:s7], [sflag:s8] =	dma.local @!p0 [hbm:s6], $0xF7A  }
0x23: {  	s9 =	sor.u32 $0xD0000000, s2;
	s6 =	simm.s32 $0x108;
	_ =	swait.ge @!p0 [sflag:s8], $0x0  }
0x24: {  	s3 =	sadd.s32 $0x88, s3;
	s6 =	simm.s32 @!p1 $0x1082;
	[sflag:s4] =	ssyncset.s32 $0xFFFFF086  }
0x25: {  	[simem:s6], [sflag:s4] =	dma.local [hbm:s3], $0xF7A  }
0x26: {  	[smem:$0x3F99] =	sst s1;
	(tag) =	ssettag s2;
	_ =	strace s9  }
0x27: {  	s1 =	sld [smem:$0x3FA9]  }
0x28: {  	s2 =	sld [smem:$0x3FAA]  }
0x29: {  	s4 =	sld [smem:$0x3FAC]  }
0x2a: {  	p0 =	seq.s32 s5, $0x0;
	s5 =	sld [smem:$0x3FAD]  }
0x2b: {  	s6 =	sld [smem:$0x3FAE]  }
0x2c: {  	s7 =	sld [smem:$0x3FAF]  }
0x2d: {  	s3 =	simm.s32 $0x108;
	s8 =	sld [smem:$0x3FB0]  }
0x2e: {  	s3 =	simm.s32 @!p0 $0x1082;
	s9 =	sld [smem:$0x3FB1]  }
0x2f: {  	lr =	sadd.s32 s0, s3;
	s0 =	sld [smem:$0x3FA8]  }
0x30: {  	s3 =	sld [smem:$0x3FAB]  }
0x31: {  	[smem:$0x3FB4] =	sst s10  }
0x32: {  	s10 =	sld [smem:$0x3FB2];
	_ =	sdelay $0x3  }
0x33: {  	p0 =	seq.s32 s10, $0x1;
	s10 =	sld [smem:$0x3FB4];
	_ =	sdelay $0x3  }
0x34: {  	[smem:$0x3FB4] =	sst s10  }
0x35: {  	s10 =	sld [smem:$0x3FB3];
	_ =	sdelay $0x3  }
0x36: {  	p1 =	seq.s32 s10, $0x1;
	s10 =	sld [smem:$0x3FB4];
	_ =	sdelay $0x3  }
0x37: {  	[smem:$0x3FB4] =	sst s10  }
0x38: {  	s10 =	sld [smem:$0x3FB5]  }
0x39: {  	_ = 	snop;
	(pc) =	sbr.ind lr, $3  }
0x3a: {  	_ = 	snop  }
0x3b: {  	_ = 	snop  }
0x3c: {  	p2 =	seq.s32 s10, $0x1;
	s10 =	sld [smem:$0x3FB4]  }
0x3d: {  	_ =	shalt  }
0x3e: {  	_ =	shalt  }
0x3f: {  	_ =	shalt  }
0x40: {  	_ =	shalt  }
0x41: {  	_ =	shalt  }
0x42: {  	_ =	shalt  }
0x43: {  	_ =	shalt  }
0x44: {  	_ =	shalt  }
0x45: {  	_ =	shalt  }
0x46: {  	_ =	shalt  }
0x47: {  	_ =	shalt  }
0x48: {  	_ =	shalt  }
0x49: {  	_ =	shalt  }
0x4a: {  	_ =	shalt  }
0x4b: {  	_ =	shalt  }
0x4c: {  	_ =	shalt  }
0x4d: {  	_ =	shalt  }
0x4e: {  	_ =	shalt  }
0x4f: {  	_ =	shalt  }
0x50: {  	_ =	shalt  }
0x51: {  	_ =	shalt  }
0x52: {  	_ =	shalt  }
0x53: {  	_ =	shalt  }
0x54: {  	_ =	shalt  }
0x55: {  	_ =	shalt  }
0x56: {  	_ =	shalt  }
0x57: {  	_ =	shalt  }
0x58: {  	_ =	shalt  }
0x59: {  	_ =	shalt  }
0x5a: {  	_ =	shalt  }
0x5b: {  	_ =	shalt  }
0x5c: {  	_ =	shalt  }
0x5d: {  	_ =	shalt  }
0x5e: {  	_ =	shalt  }
0x5f: {  	_ =	shalt  }
0x60: {  	_ =	shalt  }
0x61: {  	_ =	shalt  }
0x62: {  	_ =	shalt  }
0x63: {  	_ =	shalt  }
0x64: {  	_ =	shalt  }
0x65: {  	_ =	shalt  }
0x66: {  	_ =	shalt  }
0x67: {  	_ =	shalt  }
0x68: {  	_ =	shalt  }
0x69: {  	_ =	shalt  }
0x6a: {  	_ =	shalt  }
0x6b: {  	_ =	shalt  }
0x6c: {  	_ =	shalt  }
0x6d: {  	_ =	shalt  }
0x6e: {  	_ =	shalt  }
0x6f: {  	_ =	shalt  }
0x70: {  	_ =	shalt  }
0x71: {  	_ =	shalt  }
0x72: {  	_ =	shalt  }
0x73: {  	_ =	shalt  }
0x74: {  	_ =	shalt  }
0x75: {  	_ =	shalt  }
0x76: {  	_ =	shalt  }
0x77: {  	_ =	shalt  }
0x78: {  	_ =	shalt  }
0x79: {  	_ =	shalt  }
0x7a: {  	_ =	shalt  }
0x7b: {  	_ =	shalt  }
0x7c: {  	_ =	shalt  }
0x7d: {  	_ =	shalt  }
0x7e: {  	_ =	shalt  }
0x7f: {  	_ =	shalt  }
0x80: {  	_ =	shalt  }
0x81: {  	_ =	shalt  }
0x82: {  	_ =	shalt  }
0x83: {  	_ =	shalt  }
0x84: {  	_ =	shalt  }
0x85: {  	_ =	shalt  }
0x86: {  	_ =	shalt  }
0x87: {  	_ =	shalt  }
.Lfunc_end0:
.L_simem_size_0:
called_computation_lowered:
.L_overlay_start_0:
0x88: {  	s2 =	sld [smem:$0x3FD9]  }
0x89: {  	s3 =	sld [smem:$0x3FFE];
	_ =	sdelay $0x1  }
0x8a: {  	s1 =	srdreg.scid  }
0x8b: {  	s0 =	sand.u32 $0x1, s1  }
0x8c: {  	s16 =	sshll.u32 s0, $0xA;
	s2 =	sadd.s32 s3, s2  }
0x8d: {  	s2 =	sadd.s32 s2, s16  }
0x8e: {  	[smem:$0x3FC0] =	sst s2  }
0x8f: {  	_ = 	snop  }
0x90: {  	(tm) =	ssettm $0x1  }
0x91: {  	s17 =	sld [smem:$0x3FFB];
	_ =	sdelay $0x3  }
0x92: {  	_ =	strace s17  }
0x93: {  	s2 =	sld [smem:$0x3FFC];
	_ =	sdelay $0x3  }
0x94: {  	_ =	strace s2  }
0x95: {  	s2 =	sld [smem:$0x3FFD];
	_ =	sdelay $0x3  }
0x96: {  	_ =	strace s2  }
0x97: {  	_ =	strace $0x8FFFFFFF  }
0x98: {  	s18 =	sld [smem:$0x3FDB];
	_ =	sdelay $0x1  }
0x99: {  	s19 =	simm.s32 $_scs_section_size  }
0x9a: {  	s4 =	simm.s32 $_size__tile_overlayer_lowered;
	s5 =	simm.s32 $_tile_overlayer_lowered  }
0x9b: {  	s22 =	simm.s32 $0x1BFF;
	s21 =	sshll.u32 s5, $0x1;
	s2 =	sadd.s32 s19, s18  }
0x9c: {  	s6 =	simm.s32 $0x0;
	s20 =	sshll.u32 s4, $0x1;
	s4 =	sadd.s32 s21, s2  }
0x9d: {  	[timem:s6], [sflag:s22] =	dma.local [hbm:s4], s20  }
0x9e: {  	_ =	swait.ge [sflag:s22], s20  }
0x9f: {  	s3 =	ssub.s32 $0x0, s20;
	[sflag:s22] =	ssyncset.done $0x0  }
0xa0: {  	[sflag:s22] =	ssyncadd.s32 s3;
	_ =	sdelay $0x1  }
0xa1: {  	s23 =	simm.s32 $0x1B8B  }
0xa2: {  	_ =	swait.ge [sflag:s23], $0x1  }
0xa3: {  	[sflag:s23] =	ssyncset.done $0x0  }
0xa4: {  	s25 =	simm.s32 $0x1B8E;
	s24 =	sld [smem:$0x3FFE];
	[sflag:s23] =	ssyncadd.s32 $0xFFFFFFFF  }
0xa5: {  	s26 =	simm.s32 $execute0_lowered;
	[smem:$0x3FD2] =	sst s25  }
0xa6: {  	s4 =	sshll.u32 s26, $0x1;
	_ =	strace $0x80000046;
	[dreg:$0x1] =	wrdreg $0xFFFFFFFF  }
0xa7: {  	s28 =	simm.s32 $_size_execute0_lowered;
	s2 =	sadd.s32 s2, s4;
	[dreg:$0x0] =	wrdreg $0x0  }
0xa8: {  	s4 =	sshll.u32 s28, $0x1;
	[dreg:$0x2] =	wrdreg s2  }
0xa9: {  	[dreg:$0x3] =	wrdreg s4  }
0xaa: {  	[dreg:$0x4] =	wrdreg $0xC0  }
0xab: {  	_ =	task [dreg:s6], $0x5FFFF  }
0xac: {  	[dreg:$0x1] =	wrdreg $0xFFFFFFFF  }
0xad: {  	[dreg:$0x0] =	wrdreg $0x60  }
0xae: {  	[dreg:$0x2] =	wrdreg s24  }
0xaf: {  	[dreg:$0x3] =	wrdreg $0xA2000  }
0xb0: {  	[dreg:$0x4] =	wrdreg $0x9  }
0xb1: {  	_ =	task.clear_ibuf [dreg:s6], $0x5FFFF;
	_ =	strace $0x90000046  }
0xb2: {  	s29 =	simm.s32 $0x9;
	_ =	strace $0x80000048  }
0xb3: {  	_ =	swait.ge [sflag:s29], $0x1  }
0xb4: {  	[sflag:s29] =	ssyncadd.s32 $0xFFFFFFFF  }
0xb5: {  	_ =	strace $0x90000048  }
0xb6: {  	_ =	sfence  }
0xb7: {  	s30 =	sld [smem:$0x0];
	_ =	sdelay $0x2  }
0xb8: {  	s31 =	sshll.u32 s1, $0xD;
	s1 =	sshrl.u32 s1, $0x2  }
0xb9: {  	s3 =	sand.u32 $0x4000, s31;
	s1 =	sadd.s32 s1, s30  }
0xba: {  	s0 =	sor.u32 s3, s0;
	s1 =	sshll.u32 s1, $0x11  }
0xbb: {  	s0 =	sor.u32 s1, s0  }
0xbc: {  	s0 =	sadd.s32 $0x8F2B, s0  }
0xbd: {  	[sflag:s0] =	ssyncadd.remote.s32 $0x1  }
0xbe: {  	_ =	sfence.sel $0xFFFF  }
0xbf: {  	[dreg:$0x0] =	wrdreg $0xFFFFFFFF;
	(pc) =	sbr.abs _section_cstart, $3  }
0xc0: {  	[dreg:$0x1] =	wrdreg $0xFFFFFFFF  }
0xc1: {  	_ =	task.clear_ibuf [dreg:s6], $0x2FFFF;
	_ =	strace $0x9FFFFFFF  }
0xc2: {  	(tm) =	ssettm $0x7FFFFFFF  }
0xc3: {  	_ =	shalt  }
tec
execute0_lowered:
.L_overlay_start_1:
0x0: {  	(tag) =	ssettag $0x1  }
0x1: {  	s0 =	srdreg.scid;
	s3 =	rddreg [dreg:$0x0]  }
0x2: {  	s9 =	stileid.u32;
	s6 =	rddreg [dreg:$0x1];
	s2 =	simm.s32 $0x0  }
0x3: {  	s28 =	simm.s32 $0x27C0;
	s0 =	sand.u32 $0x1, s0;
	s5 =	smul.u32 $0x280, s9  }
0x4: {  	s29 =	simm.s32 $0x4F80;
	s1 =	sshll.u32 s0, $0x4;
	s7 =	smul.u32 $0x2800, s0  }
0x5: {  	s31 =	simm.s32 $0x0;
	s1 =	sor.u32 s9, s1;
	s9 =	smul.u32 $0xA000, s9  }
0x6: {  	[smem:$0x7FF] =	sst s2;
	s0 =	ssub.s32 $0x2, s0;
	s4 =	smul.u32 $0x2710, s1  }
0x7: {  	_ =	strace $0x80000047;
	s25 =	sshrl.u32 s0, $0x1;
	s1 =	smul.u32 $0x4F8, s1  }
0x8: {  	s24 =	sadd.s32 s5, s7;
	s0 =	ssub.s32 s0, s25;
	s30 =	sshrl.u32 s9, $0x2  }
0x9: {  	s25 =	smax.u32 s0, $0x1;
	s4 =	sshrl.u32 s4, $0x3;
	s1 =	sadd.s32 s1, s3  }
0xa: {  	s8 =	sadd.s32 s4, s3;
	s4 =	sshrl.u32 s24, $0x3;
	s23 =	sadd.s32 $0x18000, s1  }
0xb: {  	s24 =	sadd.s32 $0x22000, s1;
	s22 =	sadd.s32 s4, s3;
	s26 =	sadd.s32 $0x3C00, s8  }
0xc: {  	s4 =	sadd.s32 s5, s6;
	s5 =	sadd.s32 $0xD840, s8;
	s6 =	sadd.s32 s30, s6  }
0xd: {  	[dreg:$0x3] =	wrdreg s26;
	s7 =	sadd.s32 $0x2800, s4;
	s8 =	sadd.s32 $0x5000, s4  }
0xe: {  	s9 =	sadd.s32 $0x7800, s4;
	s10 =	sadd.s32 $0xA000, s4;
	s11 =	sadd.s32 $0xC800, s4  }
0xf: {  	s12 =	sadd.s32 $0xF000, s4;
	s13 =	sadd.s32 $0x11800, s4;
	s14 =	sadd.s32 $0x14000, s4  }
0x10: {  	s15 =	sadd.s32 $0x16800, s4;
	s16 =	sadd.s32 $0x19000, s4;
	s17 =	sadd.s32 $0x1B800, s4  }
0x11: {  	s18 =	sadd.s32 $0x1E000, s4;
	s19 =	sadd.s32 $0x20800, s4;
	s20 =	sadd.s32 $0x23000, s4  }
0x12: {  	v0 =	vimm.s32 $0x27FF;
	v1 =	vimm.f32 $0.0e+00;
	v2 =	vimm.f32 $1.000000000e+00;
	s21 =	sadd.s32 $0x25800, s4;
	s22 =	sadd.s32 $0x17600, s22;
	s26 =	simm.s32 $0x1  }
.LBB2_1:
0x13: {  	s0 =	rddreg [dreg:$0x3]  }
0x14: {  	[tilespmem:s2], [sflag:$0x1] =	stream.linear.gather [hbm4b:s0+s2], $0x2710, $0x38;
	[tilespmem:$0xCA00] =	vst v63  }
0x15: {  	_ =	swait.ge [sflag:s26], $0x2710  }
0x16: {  	[sflag:s26] =	ssyncset.done $0x0  }
0x17: {  	[sflag:s26] =	ssyncadd.s32 $0xFFFFD8F0  }
0x18: {  	[tilespmem:s28], [sflag:$0x1] =	stream.linear.gather [hbm4b:s5+s2], $0x2710, $0x38;
	[tilespmem:$0xCA00] =	vst v63  }
0x19: {  	_ =	swait.ge [sflag:s26], $0x2710  }
0x1a: {  	[sflag:s26] =	ssyncset.done $0x0  }
0x1b: {  	[sflag:s26] =	ssyncadd.s32 $0xFFFFD8F0  }
0x1c: {  	[tilespmem:$0x2710] =	vst v0  }
0x1d: {  	[tilespmem:$0x4ED0] =	vst v0  }
0x1e: {  	[tilespmem:$0x2720] =	vst v0  }
0x1f: {  	[tilespmem:$0x4EE0] =	vst v0  }
0x20: {  	[tilespmem:$0x2730] =	vst v0  }
0x21: {  	[tilespmem:$0x4EF0] =	vst v0  }
0x22: {  	[tilespmem:$0x2740] =	vst v0  }
0x23: {  	[tilespmem:$0x4F00] =	vst v0  }
0x24: {  	[tilespmem:$0x2750] =	vst v0  }
0x25: {  	[tilespmem:$0x4F10] =	vst v0  }
0x26: {  	[tilespmem:$0x2760] =	vst v0  }
0x27: {  	[tilespmem:$0x4F20] =	vst v0  }
0x28: {  	[tilespmem:$0x2770] =	vst v0  }
0x29: {  	[tilespmem:$0x4F30] =	vst v0  }
0x2a: {  	[tilespmem:$0x2780] =	vst v0  }
0x2b: {  	[tilespmem:$0x4F40] =	vst v0  }
0x2c: {  	[tilespmem:$0x2790] =	vst v0  }
0x2d: {  	[tilespmem:$0x4F50] =	vst v0  }
0x2e: {  	[tilespmem:$0x27A0] =	vst v0  }
0x2f: {  	[tilespmem:$0x4F60] =	vst v0  }
0x30: {  	[tilespmem:$0x27B0] =	vst v0  }
0x31: {  	s0 =	simm.s32 $0x0;
	[tilespmem:$0x4F70] =	vst v0  }
.LBB2_2:
0x32: {  	p0 =	sne.s32 s0, $0x9FC0  }
.Ltmp0:
0x33: {  	_ = 	snop;
	(pc) =	sbr.rel @p0 .LBB2_2-.Ltmp0, $3  }
0x34: {  	_ =	sdelay $0x1  }
0x35: {  	s1 =	sshra.s32 s0, $0x2  }
0x36: {  	s0 =	sadd.s32 $0x40, s0;
	[tilespmem:s1+$0x4F80] =	vst v1  }
0x37: {  	s1 =	simm.s32 $0x0;
	s0 =	simm.s32 $0x40  }
.LBB2_4:
0x38: {  	p0 =	sne.s32 s0, $0x9EC0;
	v3 =	vld [tilespmem:s1+$0x27C0];
	_ =	sdelay $0x3  }
.Ltmp1:
0x39: {  	(pc) =	sbr.rel @p0 .LBB2_4-.Ltmp1, $2  }
0x3a: {  	_ =	sdelay $0x2  }
0x3b: {  	s1 =	sshra.s32 s0, $0x2;
	s0 =	sadd.s32 $0x40, s0;
	[tilespmem:v3+s29+$0x0] =	vst.idx.add.f32.msk $0xffff, v2  }
0x3c: {  	v3 =	vld [tilespmem:s1+$0x27C0];
	_ =	sdelay $0x7  }
0x3d: {  	[tilespmem:v3+s29+$0x0] =	vst.idx.add.f32.msk $0xffff, v2  }
0x3e: {  	[spmem:s6] =	stream.linear.scatter [tilespmem:s29], [sflag:$0x1], $0x2800, $0x38;
	[tilespmem:$0xCA00] =	vst v63  }
0x3f: {  	_ =	swait.ge [sflag:s26], $0x2800  }
0x40: {  	[sflag:s26] =	ssyncset.done $0x0  }
0x41: {  	[sflag:s26] =	ssyncadd.s32 $0xFFFFD800  }
0x42: {  	s0 =	simm.s32 $0x7780;
	[bflag:$0x0] =	sbarrier.arrive $0xFFFF  }
0x43: {  	[tilespmem:s0], [sflag:$0x1] =	stream.linear.gather [spmem:s4], $0x280, $0x38;
	[tilespmem:$0xCA00] =	vst v63  }
0x44: {  	_ =	swait.ge [sflag:s26], $0x280  }
0x45: {  	[sflag:s26] =	ssyncset.done $0x0  }
0x46: {  	s3 =	simm.s32 $0x7A00;
	[sflag:s26] =	ssyncadd.s32 $0xFFFFFD80  }
0x47: {  	[tilespmem:s3], [sflag:$0x1] =	stream.linear.gather [spmem:s7], $0x280, $0x38;
	[tilespmem:$0xCA00] =	vst v63  }
0x48: {  	_ =	swait.ge [sflag:s26], $0x280  }
0x49: {  	[sflag:s26] =	ssyncset.done $0x0  }
0x4a: {  	s1 =	simm.s32 $0x7C80;
	[sflag:s26] =	ssyncadd.s32 $0xFFFFFD80  }
0x4b: {  	[tilespmem:s1], [sflag:$0x1] =	stream.linear.gather [spmem:s8], $0x280, $0x38;
	[tilespmem:$0xCA00] =	vst v63  }
0x4c: {  	_ =	swait.ge [sflag:s26], $0x280  }
0x4d: {  	[sflag:s26] =	ssyncset.done $0x0  }
0x4e: {  	s3 =	simm.s32 $0x7F00;
	[sflag:s26] =	ssyncadd.s32 $0xFFFFFD80  }
0x4f: {  	[tilespmem:s3], [sflag:$0x1] =	stream.linear.gather [spmem:s9], $0x280, $0x38;
	[tilespmem:$0xCA00] =	vst v63  }
0x50: {  	_ =	swait.ge [sflag:s26], $0x280  }
0x51: {  	[sflag:s26] =	ssyncset.done $0x0  }
0x52: {  	s1 =	simm.s32 $0x8180;
	[sflag:s26] =	ssyncadd.s32 $0xFFFFFD80  }
0x53: {  	[tilespmem:s1], [sflag:$0x1] =	stream.linear.gather [spmem:s10], $0x280, $0x38;
	[tilespmem:$0xCA00] =	vst v63  }
0x54: {  	_ =	swait.ge [sflag:s26], $0x280  }
0x55: {  	[sflag:s26] =	ssyncset.done $0x0  }
0x56: {  	s3 =	simm.s32 $0x8400;
	[sflag:s26] =	ssyncadd.s32 $0xFFFFFD80  }
0x57: {  	[tilespmem:s3], [sflag:$0x1] =	stream.linear.gather [spmem:s11], $0x280, $0x38;
	[tilespmem:$0xCA00] =	vst v63  }
0x58: {  	_ =	swait.ge [sflag:s26], $0x280  }
0x59: {  	[sflag:s26] =	ssyncset.done $0x0  }
0x5a: {  	s1 =	simm.s32 $0x8680;
	[sflag:s26] =	ssyncadd.s32 $0xFFFFFD80  }
0x5b: {  	[tilespmem:s1], [sflag:$0x1] =	stream.linear.gather [spmem:s12], $0x280, $0x38;
	[tilespmem:$0xCA00] =	vst v63  }
0x5c: {  	_ =	swait.ge [sflag:s26], $0x280  }
0x5d: {  	[sflag:s26] =	ssyncset.done $0x0  }
0x5e: {  	s3 =	simm.s32 $0x8900;
	[sflag:s26] =	ssyncadd.s32 $0xFFFFFD80  }
0x5f: {  	[tilespmem:s3], [sflag:$0x1] =	stream.linear.gather [spmem:s13], $0x280, $0x38;
	[tilespmem:$0xCA00] =	vst v63  }
0x60: {  	_ =	swait.ge [sflag:s26], $0x280  }
0x61: {  	[sflag:s26] =	ssyncset.done $0x0  }
0x62: {  	s1 =	simm.s32 $0x8B80;
	[sflag:s26] =	ssyncadd.s32 $0xFFFFFD80  }
0x63: {  	[tilespmem:s1], [sflag:$0x1] =	stream.linear.gather [spmem:s14], $0x280, $0x38;
	[tilespmem:$0xCA00] =	vst v63  }
0x64: {  	_ =	swait.ge [sflag:s26], $0x280  }
0x65: {  	[sflag:s26] =	ssyncset.done $0x0  }
0x66: {  	s3 =	simm.s32 $0x8E00;
	[sflag:s26] =	ssyncadd.s32 $0xFFFFFD80  }
0x67: {  	[tilespmem:s3], [sflag:$0x1] =	stream.linear.gather [spmem:s15], $0x280, $0x38;
	[tilespmem:$0xCA00] =	vst v63  }
0x68: {  	_ =	swait.ge [sflag:s26], $0x280  }
0x69: {  	[sflag:s26] =	ssyncset.done $0x0  }
0x6a: {  	s1 =	simm.s32 $0x9080;
	[sflag:s26] =	ssyncadd.s32 $0xFFFFFD80  }
0x6b: {  	[tilespmem:s1], [sflag:$0x1] =	stream.linear.gather [spmem:s16], $0x280, $0x38;
	[tilespmem:$0xCA00] =	vst v63  }
0x6c: {  	_ =	swait.ge [sflag:s26], $0x280  }
0x6d: {  	[sflag:s26] =	ssyncset.done $0x0  }
0x6e: {  	s3 =	simm.s32 $0x9300;
	[sflag:s26] =	ssyncadd.s32 $0xFFFFFD80  }
0x6f: {  	[tilespmem:s3], [sflag:$0x1] =	stream.linear.gather [spmem:s17], $0x280, $0x38;
	[tilespmem:$0xCA00] =	vst v63  }
0x70: {  	_ =	swait.ge [sflag:s26], $0x280  }
0x71: {  	[sflag:s26] =	ssyncset.done $0x0  }
0x72: {  	s1 =	simm.s32 $0x9580;
	[sflag:s26] =	ssyncadd.s32 $0xFFFFFD80  }
0x73: {  	[tilespmem:s1], [sflag:$0x1] =	stream.linear.gather [spmem:s18], $0x280, $0x38;
	[tilespmem:$0xCA00] =	vst v63  }
0x74: {  	_ =	swait.ge [sflag:s26], $0x280  }
0x75: {  	[sflag:s26] =	ssyncset.done $0x0  }
0x76: {  	s3 =	simm.s32 $0x9800;
	[sflag:s26] =	ssyncadd.s32 $0xFFFFFD80  }
0x77: {  	[tilespmem:s3], [sflag:$0x1] =	stream.linear.gather [spmem:s19], $0x280, $0x38;
	[tilespmem:$0xCA00] =	vst v63  }
0x78: {  	_ =	swait.ge [sflag:s26], $0x280  }
0x79: {  	[sflag:s26] =	ssyncset.done $0x0  }
0x7a: {  	s1 =	simm.s32 $0x9A80;
	[sflag:s26] =	ssyncadd.s32 $0xFFFFFD80  }
0x7b: {  	[tilespmem:s1], [sflag:$0x1] =	stream.linear.gather [spmem:s20], $0x280, $0x38;
	[tilespmem:$0xCA00] =	vst v63  }
0x7c: {  	_ =	swait.ge [sflag:s26], $0x280  }
0x7d: {  	[sflag:s26] =	ssyncset.done $0x0  }
0x7e: {  	s3 =	simm.s32 $0x9D00;
	[sflag:s26] =	ssyncadd.s32 $0xFFFFFD80  }
0x7f: {  	[tilespmem:s3], [sflag:$0x1] =	stream.linear.gather [spmem:s21], $0x280, $0x38;
	[tilespmem:$0xCA00] =	vst v63  }
0x80: {  	_ =	swait.ge [sflag:s26], $0x280  }
0x81: {  	[sflag:s26] =	ssyncset.done $0x0  }
0x82: {  	s0 =	simm.s32 $0x0;
	[sflag:s26] =	ssyncadd.s32 $0xFFFFFD80  }
0x83: {  	v3 =	vld [tilespmem:s0+$0x7780]  }
0x84: {  	v4 =	vld [tilespmem:s0+$0x7A00];
	_ =	sdelay $0x1  }
0x85: {  	v5 =	vld [tilespmem:s0+$0x7C80];
	_ =	sdelay $0x1  }
0x86: {  	v6 =	vld [tilespmem:s0+$0x7F00]  }
0x87: {  	v3 =	vadd.f32 v4, v3  }
0x88: {  	v4 =	vld [tilespmem:s0+$0x8180]  }
0x89: {  	v3 =	vadd.f32 v5, v3  }
0x8a: {  	v5 =	vld [tilespmem:s0+$0x8400]  }
0x8b: {  	v3 =	vadd.f32 v6, v3  }
0x8c: {  	v6 =	vld [tilespmem:s0+$0x8680]  }
0x8d: {  	v3 =	vadd.f32 v4, v3  }
0x8e: {  	v4 =	vld [tilespmem:s0+$0x8900]  }
0x8f: {  	s1 =	simm.s32 $0x10;
	v7 =	vld [tilespmem:s0+$0x8B80];
	v3 =	vadd.f32 v5, v3  }
0x90: {  	v8 =	vld [tilespmem:s1+$0x7780]  }
0x91: {  	v5 =	vld [tilespmem:s0+$0x8E00];
	v3 =	vadd.f32 v6, v3  }
0x92: {  	v6 =	vld [tilespmem:s1+$0x7A00]  }
0x93: {  	v9 =	vld [tilespmem:s1+$0x7C80];
	v3 =	vadd.f32 v4, v3  }
0x94: {  	v4 =	vld [tilespmem:s0+$0x9080]  }
0x95: {  	v10 =	vld [tilespmem:s1+$0x7F00];
	v3 =	vadd.f32 v7, v3  }
0x96: {  	v7 =	vld [tilespmem:s0+$0x9300]  }
0x97: {  	v6 =	vadd.f32 v6, v8;
	v8 =	vld [tilespmem:s1+$0x8180];
	v3 =	vadd.f32 v5, v3  }
0x98: {  	v5 =	vld [tilespmem:s0+$0x9580]  }
0x99: {  	v6 =	vadd.f32 v9, v6;
	v9 =	vld [tilespmem:s1+$0x8400];
	v3 =	vadd.f32 v4, v3  }
0x9a: {  	v4 =	vld [tilespmem:s0+$0x9800]  }
0x9b: {  	v11 =	vld [tilespmem:s1+$0x8680];
	v6 =	vadd.f32 v10, v6;
	v3 =	vadd.f32 v7, v3  }
0x9c: {  	v10 =	vld [tilespmem:s0+$0x9A80]  }
0x9d: {  	v7 =	vadd.f32 v8, v6;
	v6 =	vld [tilespmem:s1+$0x8900];
	v8 =	vadd.f32 v5, v3  }
0x9e: {  	v5 =	vld [tilespmem:s0+$0x9D00]  }
0x9f: {  	v3 =	vld [tilespmem:s1+$0x8E00];
	v9 =	vadd.f32 v9, v7;
	v12 =	vadd.f32 v4, v8  }
0xa0: {  	s30 =	simm.s32 $0x20;
	v7 =	vld [tilespmem:s1+$0x8B80]  }
0xa1: {  	s3 =	simm.s32 $0xC0;
	v4 =	vld [tilespmem:s30+$0x7780];
	v8 =	vadd.f32 v11, v9;
	v9 =	vadd.f32 v10, v12  }
.LBB2_6:
0xa2: {  	p0 =	sne.s32 s3, $0x9C0;
	v10 =	vld [tilespmem:s30+$0x7A00]  }
0xa3: {  	v6 =	vadd.f32 v6, v8;
	v8 =	vld [tilespmem:s1+$0x9080];
	v5 =	vadd.f32 v5, v9  }
0xa4: {  	v9 =	vld [tilespmem:s30+$0x7C80]  }
0xa5: {  	v6 =	vadd.f32 v7, v6;
	v7 =	vld [tilespmem:s1+$0x9300];
	[tilespmem:s0+$0x9F80] =	vst v5;
	s0 =	smov.u32 s1;
	s1 =	smov.u32 s30  }
0xa6: {  	v5 =	vld [tilespmem:s1+$0x7F00]  }
0xa7: {  	v4 =	vadd.f32 v10, v4;
	v3 =	vadd.f32 v3, v6;
	v6 =	vld [tilespmem:s0+$0x9580]  }
0xa8: {  	v10 =	vld [tilespmem:s1+$0x8180]  }
0xa9: {  	v4 =	vadd.f32 v9, v4;
	v3 =	vadd.f32 v8, v3;
	v8 =	vld [tilespmem:s0+$0x9800]  }
0xaa: {  	v9 =	vld [tilespmem:s1+$0x8400]  }
0xab: {  	v4 =	vadd.f32 v5, v4;
	v3 =	vadd.f32 v7, v3;
	v11 =	vld [tilespmem:s0+$0x9A80]  }
0xac: {  	v12 =	vld [tilespmem:s1+$0x8680]  }
.Ltmp2:
0xad: {  	v4 =	vadd.f32 v10, v4;
	v7 =	vadd.f32 v6, v3;
	v5 =	vld [tilespmem:s0+$0x9D00];
	(pc) =	sbr.rel @p0 .LBB2_6-.Ltmp2, $4  }
0xae: {  	v6 =	vld [tilespmem:s1+$0x8900]  }
0xaf: {  	v9 =	vadd.f32 v9, v4;
	v3 =	vld [tilespmem:s1+$0x8E00];
	v10 =	vadd.f32 v8, v7  }
0xb0: {  	s30 =	sshra.s32 s3, $0x2;
	v7 =	vld [tilespmem:s1+$0x8B80]  }
0xb1: {  	s3 =	sadd.s32 $0x40, s3;
	v4 =	vld [tilespmem:s30+$0x7780];
	v8 =	vadd.f32 v12, v9;
	v9 =	vadd.f32 v11, v10  }
0xb2: {  	v10 =	vld [tilespmem:s30+$0x7A00]  }
0xb3: {  	v11 =	vld [tilespmem:s1+$0x9080];
	v5 =	vadd.f32 v5, v9  }
0xb4: {  	v47 =	vld [tilespmem:s30+$0x7C80]  }
0xb5: {  	v12 =	vld [tilespmem:s1+$0x9300];
	v6 =	vadd.f32 v6, v8;
	[tilespmem:s0+$0x9F80] =	vst v5  }
0xb6: {  	v5 =	vld [tilespmem:s30+$0x7F00]  }
0xb7: {  	v6 =	vadd.f32 v7, v6;
	v4 =	vadd.f32 v10, v4  }
0xb8: {  	v48 =	vld [tilespmem:s30+$0x8180]  }
0xb9: {  	v49 =	vld [tilespmem:s1+$0x9580];
	v3 =	vadd.f32 v3, v6;
	v4 =	vadd.f32 v47, v4  }
0xba: {  	v50 =	vld [tilespmem:s30+$0x8400]  }
0xbb: {  	v51 =	vld [tilespmem:s1+$0x9800];
	v3 =	vadd.f32 v11, v3;
	v4 =	vadd.f32 v5, v4  }
0xbc: {  	v52 =	vld [tilespmem:s30+$0x8680]  }
0xbd: {  	v53 =	vld [tilespmem:s1+$0x9A80];
	v3 =	vadd.f32 v12, v3;
	v4 =	vadd.f32 v48, v4  }
0xbe: {  	v54 =	vld [tilespmem:s30+$0x8900]  }
0xbf: {  	v55 =	vld [tilespmem:s1+$0x9D00];
	v3 =	vadd.f32 v49, v3;
	v4 =	vadd.f32 v50, v4  }
0xc0: {  	v56 =	vld [tilespmem:s30+$0x8B80]  }
0xc1: {  	v3 =	vadd.f32 v51, v3;
	v4 =	vadd.f32 v52, v4  }
0xc2: {  	v57 =	vld [tilespmem:s30+$0x8E00]  }
0xc3: {  	v3 =	vadd.f32 v53, v3;
	v4 =	vadd.f32 v54, v4  }
0xc4: {  	v58 =	vld [tilespmem:s30+$0x9080]  }
0xc5: {  	v3 =	vadd.f32 v55, v3;
	v4 =	vadd.f32 v56, v4  }
0xc6: {  	v59 =	vld [tilespmem:s30+$0x9300]  }
0xc7: {  	[tilespmem:s1+$0x9F80] =	vst v3;
	v3 =	vadd.f32 v57, v4  }
0xc8: {  	v60 =	vld [tilespmem:s30+$0x9580]  }
0xc9: {  	v3 =	vadd.f32 v58, v3  }
0xca: {  	v61 =	vld [tilespmem:s30+$0x9800]  }
0xcb: {  	v3 =	vadd.f32 v59, v3  }
0xcc: {  	v62 =	vld [tilespmem:s30+$0x9A80]  }
0xcd: {  	v3 =	vadd.f32 v60, v3  }
0xce: {  	v63 =	vld [tilespmem:s30+$0x9D00]  }
0xcf: {  	v3 =	vadd.f32 v61, v3;
	_ =	sdelay $0x1  }
0xd0: {  	v3 =	vadd.f32 v62, v3;
	_ =	sdelay $0x1  }
0xd1: {  	v3 =	vadd.f32 v63, v3;
	_ =	sdelay $0x1  }
0xd2: {  	[tilespmem:s30+$0x9F80] =	vst v3;
	s30 =	simm.s32 $0x9F80  }
0xd3: {  	[hbm4b:s22+s2] =	stream.linear.scatter [tilespmem:s30], [sflag:$0x1], $0x280, $0x38;
	[tilespmem:$0xCA00] =	vst v63  }
0xd4: {  	_ =	swait.ge [sflag:s26], $0x280  }
0xd5: {  	[sflag:s26] =	ssyncset.done $0x0  }
0xd6: {  	[sflag:s26] =	ssyncadd.s32 $0xFFFFFD80  }
0xd7: {  	[hbm4b:s23+s2] =	stream.linear.scatter [tilespmem:s2], [sflag:$0x1], $0x27C0, $0x38;
	[tilespmem:$0xCA00] =	vst v63  }
0xd8: {  	s31 =	sadd.s32 $0x1, s31;
	_ =	swait.ge [sflag:s26], $0x27C0  }
0xd9: {  	p0 =	sne.s32 s31, s25;
	[sflag:s26] =	ssyncset.done $0x0  }
.Ltmp3:
0xda: {  	[sflag:s26] =	ssyncadd.s32 $0xFFFFD840;
	(pc) =	sbr.rel @p0 .LBB2_1-.Ltmp3, $4  }
0xdb: {  	[hbm4b:s24+s2] =	stream.linear.scatter [tilespmem:s28], [sflag:$0x1], $0x27C0, $0x38;
	[tilespmem:$0xCA00] =	vst v63  }
0xdc: {  	_ =	swait.ge [sflag:s26], $0x27C0  }
0xdd: {  	[sflag:s26] =	ssyncset.done $0x0  }
0xde: {  	[sflag:s26] =	ssyncadd.s32 $0xFFFFD840  }
0xdf: {  	_ =	sfence.sel $0x180000  }
0xe0: {  	[bflag:$0x0] =	sbarrier.arrive $0xFFFF  }
0xe1: {  	_ =	strace $0x90000047  }
0xe2: {  	s0 =	stileid.u32;
	[bflag:$0x2] =	sbarrier.arrive $0xFFFF  }
0xe3: {  	p0 =	sne.s32 s0, $0x0;
	s0 =	rddreg [dreg:$0x2]  }
0xe4: {  	s0 =	sadd.s32 @!p0 $0x100000, s0  }
0xe5: {  	[sflag:s0] =	ssyncadd.tile.s32 @!p0 $0x1;
	_ =	shalt  }
.Lfunc_end2:
_tile_overlayer_lowered:
.L_overlay_start_2:
0xe6: {  	(tag) =	ssettag $0x2  }
0xe7: {  	s0 =	rddreg [dreg:$0x0];
	s2 =	stileid.u32  }
0xe8: {  	s1 =	rddreg [dreg:$0x1];
	p0 =	sne.s32 s2, $0x0  }
0xe9: {  	s3 =	rddreg [dreg:$0x2];
	[bflag:$0x3] =	sbarrier.arrive $0xFFFF;
	s2 =	simm.s32 @!p0 $0x1C01  }
0xea: {  	[timem:s3], [sflag:s2] =	dma.local @!p0 [hbm:s0], s1  }
0xeb: {  	s0 =	simm.s32 @!p0 $0x1  }
0xec: {  	_ =	swait.ge @!p0 [sflag:s0], s1  }
0xed: {  	s1 =	ssub.s32 @!p0 $0x0, s1;
	[sflag:s0] =	ssyncset.done @!p0 $0x0  }
0xee: {  	[sflag:s0] =	ssyncadd.s32 @!p0 s1  }
0xef: {  	[bflag:$0x3] =	sbarrier.arrive $0xFFFF  }
0xf0: {  	_ =	shalt  }

</sc_bundles>
